<compile_context>
chip_gen: v7x
topology: tpu7x:2x2x1
jax: 0.10.2.dev20260603
libtpu: 0.0.44.dev20260713+nightly
codegen_flags: <defaults>
</compile_context>

<pallas_src>
import functools

import jax
import jax.numpy as jnp
import numpy as np
from jax import lax
from jax.experimental import pallas as pl
from jax.experimental.pallas import tpu as pltpu
from jax.experimental.pallas import tpu_sc as plsc

D_MODEL = 128
BATCH = 1024
SEQ = 200

_NC = 2
_NS = 16
_NW = _NC * _NS
_N_ROWS = BATCH * SEQ
_ROWS_PER_W = _N_ROWS // _NW
_CHUNK = 100
_NCHUNK = _ROWS_PER_W // _CHUNK
_NBUF = 4
_L = 16


def _pos_encoding():
    pos = np.arange(SEQ, dtype=np.float32)[:, None]
    i_even = np.arange(0, D_MODEL, 2, dtype=np.float32)[None, :]
    angles = pos / np.power(np.float32(10000.0), i_even / np.float32(D_MODEL))
    enc = np.zeros((SEQ, D_MODEL), dtype=np.float32)
    enc[:, 0::2] = np.sin(angles)
    enc[:, 1::2] = np.cos(angles)
    return jnp.asarray(enc)


def _body(idx_hbm, table_hbm, pos_hbm, out_hbm, idx_v, pos_v, rows_v, *sems):
    gsems = sems[:_NBUF]
    ssems = sems[_NBUF : 2 * _NBUF]
    wid = lax.axis_index("s") * _NC + lax.axis_index("c")
    row0 = wid * _ROWS_PER_W

    pltpu.sync_copy(idx_hbm.at[pl.ds(wid * _NCHUNK, _NCHUNK)], idx_v)

    def start_gather(c, b):
        pltpu.make_async_copy(
            table_hbm.at[idx_v.at[c]], rows_v.at[b], gsems[b]
        ).start()

    def wait_gather(b):
        pltpu.make_async_copy(
            table_hbm.at[idx_v.at[0]], rows_v.at[b], gsems[b]
        ).wait()

    def start_store(c, b):
        pltpu.make_async_copy(
            rows_v.at[b], out_hbm.at[pl.ds(row0 + c * _CHUNK, _CHUNK)], ssems[b]
        ).start()

    def wait_store(b):
        pltpu.make_async_copy(
            rows_v.at[b], out_hbm.at[pl.ds(row0, _CHUNK)], ssems[b]
        ).wait()

    def add_pos(c, b):
        pbase = lax.rem(c, 2) * _CHUNK

        def add_row(r, carry2):
            for j in range(D_MODEL // _L):
                v = pos_v[pbase + r, pl.ds(j * _L, _L)]
                plsc.addupdate(rows_v.at[b, r, pl.ds(j * _L, _L)], v)
            return carry2

        lax.fori_loop(0, _CHUNK, add_row, 0, unroll=4)

    start_gather(0, 0)
    start_gather(1, 1)
    pltpu.sync_copy(pos_hbm, pos_v)

    for b in range(_NBUF):
        nxt = b + 2
        b2 = nxt % _NBUF
        if nxt < _NBUF:
            start_gather(nxt, b2)
        else:
            wait_store(b2)
            start_gather(nxt, b2)
        wait_gather(b)
        add_pos(b, b)
        start_store(b, b)

    def round_body(g, carry):
        for b in range(_NBUF):
            c = g * _NBUF + b
            nxt = c + 2
            b2 = (b + 2) % _NBUF

            @pl.when(nxt < _NCHUNK)
            def _():
                wait_store(b2)
                start_gather(nxt, b2)

            wait_gather(b)
            add_pos(c, b)
            start_store(c, b)

        return carry

    lax.fori_loop(1, _NCHUNK // _NBUF, round_body, 0)

    for b in range(_NBUF):
        wait_store(b)


@jax.jit
def _emb(x, table):
    pos = _pos_encoding()
    xi = x.reshape(_N_ROWS // _CHUNK, _CHUNK).astype(jnp.int32)
    run = pl.kernel(
        _body,
        mesh=plsc.VectorSubcoreMesh(core_axis_name="c", subcore_axis_name="s"),
        compiler_params=pltpu.CompilerParams(use_tc_tiling_on_sc=False),
        out_type=jax.ShapeDtypeStruct((_N_ROWS, D_MODEL), jnp.float32),
        scratch_types=[
            pltpu.VMEM((_NCHUNK, _CHUNK), jnp.int32),
            pltpu.VMEM((SEQ, D_MODEL), jnp.float32),
            pltpu.VMEM((_NBUF, _CHUNK, D_MODEL), jnp.float32),
        ] + [pltpu.SemaphoreType.DMA] * (2 * _NBUF),
    )
    out = run(xi, table, pos)
    return out.reshape(BATCH, SEQ, D_MODEL)


def kernel(x, table):
    return _emb(x, table)

# --- scband reference (transcript-rebuilt; emitter-appended) ---
"""Pipeline reference for scband-transformer-embedding-68959994905347 (READ-ONLY COPY).

The authoritative reference and input builder live on the scoring server;
editing this copy changes nothing except your own understanding.
"""

import jax, jax.numpy as jnp
import numpy as np

D_MODEL = 128
VOCAB = 1000000
MAX_LEN = 512
BATCH = 1024
SEQ = 200

def _positional_encoding(max_len, d_model):
    pos = jnp.arange(max_len, dtype=jnp.float32)[:, None]  # [max_len, 1]
    i_even = jnp.arange(0, d_model, 2, dtype=jnp.float32)[None, :]  # [1, d_model/2]
    # torch loop: location = pos / 10000 ** (i / d_model); sin at i, cos at i+1 (same angle)
    angles = pos / jnp.power(10000.0, i_even / d_model)
    enc = jnp.zeros((max_len, d_model), dtype=jnp.float32)
    enc = enc.at[:, 0::2].set(jnp.sin(angles))
    enc = enc.at[:, 1::2].set(jnp.cos(angles))
    return enc[None, :, :]  # [1, max_len, d_model]

def setup_inputs(seed: int = 0) -> dict:
    key = jax.random.key(seed)
    k1, k2 = jax.random.split(key)
    x = jax.random.randint(k1, (BATCH, SEQ), 0, VOCAB, dtype=jnp.int64)
    # embedding table ~ N(0,1) like nn.Embedding default init
    table = jax.random.normal(k2, (VOCAB, D_MODEL), dtype=jnp.float32)
    return {"x": x, "table": table}

def reference(x, table):
    enc = _positional_encoding(MAX_LEN, D_MODEL)
    seq_len = x.shape[1]
    pos = enc[:, :seq_len]  # [1, seq_len, d_model]
    emb = jnp.take(table, x, axis=0)  # [B, S, d_model]
    # dropout p=0.0 (eval / identity)
    return emb + pos

if __name__ == "__main__":
    import jax
    _d = setup_inputs()
    print(jax.jit(kernel)(*tuple(_d.values())))

</pallas_src>

<mosaic_0001>
#map = affine_map<(d0, d1) -> (0, 0)>
module attributes {stable_mosaic.version = 14 : i64} {
  func.func @_body(%arg0: i32, %arg1: i32, %arg2: memref<2048x100xi32, #tpu.memory_space<hbm>>, %arg3: memref<1000000x128xf32, #tpu.memory_space<hbm>>, %arg4: memref<200x128xf32, #tpu.memory_space<hbm>>, %arg5: memref<204800x128xf32, #tpu.memory_space<hbm>>, %arg6: memref<64x100xi32, #tpu.memory_space<vmem>>, %arg7: memref<200x128xf32, #tpu.memory_space<vmem>>, %arg8: memref<4x100x128xf32, #tpu.memory_space<vmem>>, %arg9: memref<!tpu.dma_semaphore, #tpu.memory_space<semaphore_mem>>, %arg10: memref<!tpu.dma_semaphore, #tpu.memory_space<semaphore_mem>>, %arg11: memref<!tpu.dma_semaphore, #tpu.memory_space<semaphore_mem>>, %arg12: memref<!tpu.dma_semaphore, #tpu.memory_space<semaphore_mem>>, %arg13: memref<!tpu.dma_semaphore, #tpu.memory_space<semaphore_mem>>, %arg14: memref<!tpu.dma_semaphore, #tpu.memory_space<semaphore_mem>>, %arg15: memref<!tpu.dma_semaphore, #tpu.memory_space<semaphore_mem>>, %arg16: memref<!tpu.dma_semaphore, #tpu.memory_space<semaphore_mem>>) attributes {dimension_semantics = [#tpu.dimension_semantics<core_parallel>, #tpu.dimension_semantics<subcore_parallel>], iteration_bounds = array<i64: 2, 16>, scalar_prefetch = 0 : i64, scratch_operands = 11 : i64, tpu.core_type = #tpu.core_type<sc_vector_subcore>, window_params = [{transform_indices = #map}, {transform_indices = #map}, {transform_indices = #map}, {transform_indices = #map}]} {
    %mul3A = arith.constant 2 : i32
    %mul3A_0 = arith.muli %arg1, %mul3A : i32
    %add3A = arith.addi %mul3A_0, %arg0 : i32
    %mul3A_1 = arith.constant 6400 : i32
    %mul3A_2 = arith.muli %add3A, %mul3A_1 : i32
    %mul3A_3 = arith.constant 64 : i32
    %mul3A_4 = arith.muli %add3A, %mul3A_3 : i32
    "tpu.region"() ({
      %run_scoped3A = tpu.sem_alloc : memref<!tpu.dma_semaphore, #tpu.memory_space<semaphore_mem>>
      %dma_start3A_309 = arith.constant 0 : i32
      %dma_start3A_310 = tpu.memref_slice %arg2[%mul3A_4, %dma_start3A_309] : memref<2048x100xi32, #tpu.memory_space<hbm>> -> memref<64x100xi32, #tpu.memory_space<hbm>>
      %dma_start3A_311 = arith.constant 0 : i32
      %dma_start3A_312 = tpu.memref_slice %arg2[%mul3A_4, %dma_start3A_311] : memref<2048x100xi32, #tpu.memory_space<hbm>> -> memref<64x100xi32, #tpu.memory_space<hbm>>
      tpu.enqueue_dma source(%dma_start3A_312 : memref<64x100xi32, #tpu.memory_space<hbm>>) target(%arg6 : memref<64x100xi32, #tpu.memory_space<vmem>>) target_semaphore(%run_scoped3A : memref<!tpu.dma_semaphore, #tpu.memory_space<semaphore_mem>>)
      %dma_wait3A_313 = arith.constant 0 : i32
      %dma_wait3A_314 = tpu.memref_slice %arg2[%mul3A_4, %dma_wait3A_313] : memref<2048x100xi32, #tpu.memory_space<hbm>> -> memref<64x100xi32, #tpu.memory_space<hbm>>
      %dma_wait3A_315 = arith.constant 0 : i32
      %dma_wait3A_316 = tpu.memref_slice %arg2[%mul3A_4, %dma_wait3A_315] : memref<2048x100xi32, #tpu.memory_space<hbm>> -> memref<64x100xi32, #tpu.memory_space<hbm>>
      tpu.wait_dma2 semaphore(%run_scoped3A : memref<!tpu.dma_semaphore, #tpu.memory_space<semaphore_mem>>) src(%dma_wait3A_316 : memref<64x100xi32, #tpu.memory_space<hbm>>) dst(%arg6 : memref<64x100xi32, #tpu.memory_space<vmem>>)
      tpu.yield
    }) : () -> ()
    %dma_start3A = arith.constant 0 : i32
    %dma_start3A_5 = arith.constant 0 : i32
    %dma_start3A_6 = arith.constant 0 : i32
    %dma_start3A_7 = arith.constant 0 : i32
    %dma_start3A_8 = tpu.memref_slice %arg8[%dma_start3A_5, %dma_start3A_6, %dma_start3A_7] : memref<4x100x128xf32, #tpu.memory_space<vmem>> -> memref<1x100x128xf32, #tpu.memory_space<vmem>>
    %dma_start3A_9 = tpu.memref_squeeze %dma_start3A_8 : memref<1x100x128xf32, #tpu.memory_space<vmem>> -> memref<100x128xf32, #tpu.memory_space<vmem>>
    %dma_start3A_10 = arith.constant 0 : i32
    %dma_start3A_11 = tpu.memref_slice %arg6[%dma_start3A, %dma_start3A_10] : memref<64x100xi32, #tpu.memory_space<vmem>> -> memref<1x100xi32, #tpu.memory_space<vmem>>
    %dma_start3A_12 = tpu.memref_squeeze %dma_start3A_11 : memref<1x100xi32, #tpu.memory_space<vmem>> -> memref<100xi32, #tpu.memory_space<vmem>>
    %dma_start3A_13 = arith.constant 0 : i32
    %dma_start3A_14 = arith.constant 0 : i32
    %dma_start3A_15 = tpu.memref_slice %arg3[%dma_start3A_13, %dma_start3A_14] : memref<1000000x128xf32, #tpu.memory_space<hbm>> -> memref<1000000x128xf32, #tpu.memory_space<hbm>>
    tpu.enqueue_indirect_dma source(%dma_start3A_15 : memref<1000000x128xf32, #tpu.memory_space<hbm>>) target(%dma_start3A_9 : memref<100x128xf32, #tpu.memory_space<vmem>>) offsets(%dma_start3A_12 : memref<100xi32, #tpu.memory_space<vmem>>) semaphore(%arg9 : memref<!tpu.dma_semaphore, #tpu.memory_space<semaphore_mem>>)
    %dma_start3A_16 = arith.constant 1 : i32
    %dma_start3A_17 = arith.constant 1 : i32
    %dma_start3A_18 = arith.constant 0 : i32
    %dma_start3A_19 = arith.constant 0 : i32
    %dma_start3A_20 = tpu.memref_slice %arg8[%dma_start3A_17, %dma_start3A_18, %dma_start3A_19] : memref<4x100x128xf32, #tpu.memory_space<vmem>> -> memref<1x100x128xf32, #tpu.memory_space<vmem>>
    %dma_start3A_21 = tpu.memref_squeeze %dma_start3A_20 : memref<1x100x128xf32, #tpu.memory_space<vmem>> -> memref<100x128xf32, #tpu.memory_space<vmem>>
    %dma_start3A_22 = arith.constant 0 : i32
    %dma_start3A_23 = tpu.memref_slice %arg6[%dma_start3A_16, %dma_start3A_22] : memref<64x100xi32, #tpu.memory_space<vmem>> -> memref<1x100xi32, #tpu.memory_space<vmem>>
    %dma_start3A_24 = tpu.memref_squeeze %dma_start3A_23 : memref<1x100xi32, #tpu.memory_space<vmem>> -> memref<100xi32, #tpu.memory_space<vmem>>
    %dma_start3A_25 = arith.constant 0 : i32
    %dma_start3A_26 = arith.constant 0 : i32
    %dma_start3A_27 = tpu.memref_slice %arg3[%dma_start3A_25, %dma_start3A_26] : memref<1000000x128xf32, #tpu.memory_space<hbm>> -> memref<1000000x128xf32, #tpu.memory_space<hbm>>
    tpu.enqueue_indirect_dma source(%dma_start3A_27 : memref<1000000x128xf32, #tpu.memory_space<hbm>>) target(%dma_start3A_21 : memref<100x128xf32, #tpu.memory_space<vmem>>) offsets(%dma_start3A_24 : memref<100xi32, #tpu.memory_space<vmem>>) semaphore(%arg10 : memref<!tpu.dma_semaphore, #tpu.memory_space<semaphore_mem>>)
    "tpu.region"() ({
      %run_scoped3A = tpu.sem_alloc : memref<!tpu.dma_semaphore, #tpu.memory_space<semaphore_mem>>
      tpu.enqueue_dma source(%arg4 : memref<200x128xf32, #tpu.memory_space<hbm>>) target(%arg7 : memref<200x128xf32, #tpu.memory_space<vmem>>) target_semaphore(%run_scoped3A : memref<!tpu.dma_semaphore, #tpu.memory_space<semaphore_mem>>)
      tpu.wait_dma2 semaphore(%run_scoped3A : memref<!tpu.dma_semaphore, #tpu.memory_space<semaphore_mem>>) src(%arg4 : memref<200x128xf32, #tpu.memory_space<hbm>>) dst(%arg7 : memref<200x128xf32, #tpu.memory_space<vmem>>)
      tpu.yield
    }) : () -> ()
    %dma_start3A_28 = arith.constant 2 : i32
    %dma_start3A_29 = arith.constant 2 : i32
    %dma_start3A_30 = arith.constant 0 : i32
    %dma_start3A_31 = arith.constant 0 : i32
    %dma_start3A_32 = tpu.memref_slice %arg8[%dma_start3A_29, %dma_start3A_30, %dma_start3A_31] : memref<4x100x128xf32, #tpu.memory_space<vmem>> -> memref<1x100x128xf32, #tpu.memory_space<vmem>>
    %dma_start3A_33 = tpu.memref_squeeze %dma_start3A_32 : memref<1x100x128xf32, #tpu.memory_space<vmem>> -> memref<100x128xf32, #tpu.memory_space<vmem>>
    %dma_start3A_34 = arith.constant 0 : i32
    %dma_start3A_35 = tpu.memref_slice %arg6[%dma_start3A_28, %dma_start3A_34] : memref<64x100xi32, #tpu.memory_space<vmem>> -> memref<1x100xi32, #tpu.memory_space<vmem>>
    %dma_start3A_36 = tpu.memref_squeeze %dma_start3A_35 : memref<1x100xi32, #tpu.memory_space<vmem>> -> memref<100xi32, #tpu.memory_space<vmem>>
    %dma_start3A_37 = arith.constant 0 : i32
    %dma_start3A_38 = arith.constant 0 : i32
    %dma_start3A_39 = tpu.memref_slice %arg3[%dma_start3A_37, %dma_start3A_38] : memref<1000000x128xf32, #tpu.memory_space<hbm>> -> memref<1000000x128xf32, #tpu.memory_space<hbm>>
    tpu.enqueue_indirect_dma source(%dma_start3A_39 : memref<1000000x128xf32, #tpu.memory_space<hbm>>) target(%dma_start3A_33 : memref<100x128xf32, #tpu.memory_space<vmem>>) offsets(%dma_start3A_36 : memref<100xi32, #tpu.memory_space<vmem>>) semaphore(%arg11 : memref<!tpu.dma_semaphore, #tpu.memory_space<semaphore_mem>>)
    %dma_wait3A = arith.constant 0 : i32
    %dma_wait3A_40 = arith.constant 0 : i32
    %dma_wait3A_41 = arith.constant 0 : i32
    %dma_wait3A_42 = arith.constant 0 : i32
    %dma_wait3A_43 = tpu.memref_slice %arg8[%dma_wait3A_40, %dma_wait3A_41, %dma_wait3A_42] : memref<4x100x128xf32, #tpu.memory_space<vmem>> -> memref<1x100x128xf32, #tpu.memory_space<vmem>>
    %dma_wait3A_44 = tpu.memref_squeeze %dma_wait3A_43 : memref<1x100x128xf32, #tpu.memory_space<vmem>> -> memref<100x128xf32, #tpu.memory_space<vmem>>
    %dma_wait3A_45 = arith.constant 0 : i32
    %dma_wait3A_46 = tpu.memref_slice %arg6[%dma_wait3A, %dma_wait3A_45] : memref<64x100xi32, #tpu.memory_space<vmem>> -> memref<1x100xi32, #tpu.memory_space<vmem>>
    %dma_wait3A_47 = tpu.memref_squeeze %dma_wait3A_46 : memref<1x100xi32, #tpu.memory_space<vmem>> -> memref<100xi32, #tpu.memory_space<vmem>>
    %dma_wait3A_48 = arith.constant 0 : i32
    %dma_wait3A_49 = arith.constant 0 : i32
    %dma_wait3A_50 = tpu.memref_slice %arg3[%dma_wait3A_48, %dma_wait3A_49] : memref<1000000x128xf32, #tpu.memory_space<hbm>> -> memref<1000000x128xf32, #tpu.memory_space<hbm>>
    tpu.wait_indirect_dma semaphore(%arg9 : memref<!tpu.dma_semaphore, #tpu.memory_space<semaphore_mem>>) src(%dma_wait3A_50 : memref<1000000x128xf32, #tpu.memory_space<hbm>>) dst(%dma_wait3A_44 : memref<100x128xf32, #tpu.memory_space<vmem>>)
    %rem3A = arith.constant 0 : i32
    %rem3A_51 = arith.constant 2 : i32
    %rem3A_52 = arith.remsi %rem3A, %rem3A_51 : i32
    %mul3A_53 = arith.constant 100 : i32
    %mul3A_54 = arith.muli %rem3A_52, %mul3A_53 : i32
    %scan3A = arith.constant 0 : i32
    %scan3A_55 = arith.constant 0 : i32
    %scan3A_56 = arith.constant 100 : i32
    %scan3A_57 = arith.addi %scan3A_55, %scan3A_56 : i32
    %scan3A_58 = arith.constant 4 : i32
    scf.for %scan3A_309 = %scan3A_55 to %scan3A_57 step %scan3A_58  : i32 {
      %add3A_310 = arith.addi %mul3A_54, %scan3A_309 : i32
      %get3A = arith.index_cast %add3A_310 : i32 to index
      %get3A_311 = arith.constant 0 : index
      %get3A_312 = tpu.vector_load %arg7[%get3A, %get3A_311] {strides = array<i32>} : memref<200x128xf32, #tpu.memory_space<vmem>>, vector<1x16xf32>,
      %get3A_313 = vector.shape_cast %get3A_312 : vector<1x16xf32> to vector<16xf32>
      %swap3A = arith.constant 0 : i32
      %swap3A_314 = arith.index_cast %swap3A : i32 to index
      %swap3A_315 = arith.index_cast %scan3A_309 : i32 to index
      %swap3A_316 = arith.constant 0 : index
      %swap3A_317 = tpu.vector_load %arg8[%swap3A_314, %swap3A_315, %swap3A_316] {strides = array<i32>} : memref<4x100x128xf32, #tpu.memory_space<vmem>>, vector<1x1x16xf32>,
      %swap3A_318 = vector.shape_cast %swap3A_317 : vector<1x1x16xf32> to vector<16xf32>
      %swap3A_319 = vector.shape_cast %get3A_313 : vector<16xf32> to vector<1x1x16xf32>
      tpu.vector_store %arg8[%swap3A_314, %swap3A_315, %swap3A_316], %swap3A_319 {add = true, strides = array<i32>} : memref<4x100x128xf32, #tpu.memory_space<vmem>>, vector<1x1x16xf32>,
      %add3A_320 = arith.addi %mul3A_54, %scan3A_309 : i32
      %get3A_321 = arith.index_cast %add3A_320 : i32 to index
      %get3A_322 = arith.constant 16 : index
      %get3A_323 = tpu.vector_load %arg7[%get3A_321, %get3A_322] {strides = array<i32>} : memref<200x128xf32, #tpu.memory_space<vmem>>, vector<1x16xf32>,
      %get3A_324 = vector.shape_cast %get3A_323 : vector<1x16xf32> to vector<16xf32>
      %swap3A_325 = arith.constant 0 : i32
      %swap3A_326 = arith.index_cast %swap3A_325 : i32 to index
      %swap3A_327 = arith.index_cast %scan3A_309 : i32 to index
      %swap3A_328 = arith.constant 16 : index
      %swap3A_329 = tpu.vector_load %arg8[%swap3A_326, %swap3A_327, %swap3A_328] {strides = array<i32>} : memref<4x100x128xf32, #tpu.memory_space<vmem>>, vector<1x1x16xf32>,
      %swap3A_330 = vector.shape_cast %swap3A_329 : vector<1x1x16xf32> to vector<16xf32>
      %swap3A_331 = vector.shape_cast %get3A_324 : vector<16xf32> to vector<1x1x16xf32>
      tpu.vector_store %arg8[%swap3A_326, %swap3A_327, %swap3A_328], %swap3A_331 {add = true, strides = array<i32>} : memref<4x100x128xf32, #tpu.memory_space<vmem>>, vector<1x1x16xf32>,
      %add3A_332 = arith.addi %mul3A_54, %scan3A_309 : i32
      %get3A_333 = arith.index_cast %add3A_332 : i32 to index
      %get3A_334 = arith.constant 32 : index
      %get3A_335 = tpu.vector_load %arg7[%get3A_333, %get3A_334] {strides = array<i32>} : memref<200x128xf32, #tpu.memory_space<vmem>>, vector<1x16xf32>,
      %get3A_336 = vector.shape_cast %get3A_335 : vector<1x16xf32> to vector<16xf32>
      %swap3A_337 = arith.constant 0 : i32
      %swap3A_338 = arith.index_cast %swap3A_337 : i32 to index
      %swap3A_339 = arith.index_cast %scan3A_309 : i32 to index
      %swap3A_340 = arith.constant 32 : index
      %swap3A_341 = tpu.vector_load %arg8[%swap3A_338, %swap3A_339, %swap3A_340] {strides = array<i32>} : memref<4x100x128xf32, #tpu.memory_space<vmem>>, vector<1x1x16xf32>,
      %swap3A_342 = vector.shape_cast %swap3A_341 : vector<1x1x16xf32> to vector<16xf32>
      %swap3A_343 = vector.shape_cast %get3A_336 : vector<16xf32> to vector<1x1x16xf32>
      tpu.vector_store %arg8[%swap3A_338, %swap3A_339, %swap3A_340], %swap3A_343 {add = true, strides = array<i32>} : memref<4x100x128xf32, #tpu.memory_space<vmem>>, vector<1x1x16xf32>,
      %add3A_344 = arith.addi %mul3A_54, %scan3A_309 : i32
      %get3A_345 = arith.index_cast %add3A_344 : i32 to index
      %get3A_346 = arith.constant 48 : index
      %get3A_347 = tpu.vector_load %arg7[%get3A_345, %get3A_346] {strides = array<i32>} : memref<200x128xf32, #tpu.memory_space<vmem>>, vector<1x16xf32>,
      %get3A_348 = vector.shape_cast %get3A_347 : vector<1x16xf32> to vector<16xf32>
      %swap3A_349 = arith.constant 0 : i32
      %swap3A_350 = arith.index_cast %swap3A_349 : i32 to index
      %swap3A_351 = arith.index_cast %scan3A_309 : i32 to index
      %swap3A_352 = arith.constant 48 : index
      %swap3A_353 = tpu.vector_load %arg8[%swap3A_350, %swap3A_351, %swap3A_352] {strides = array<i32>} : memref<4x100x128xf32, #tpu.memory_space<vmem>>, vector<1x1x16xf32>,
      %swap3A_354 = vector.shape_cast %swap3A_353 : vector<1x1x16xf32> to vector<16xf32>
      %swap3A_355 = vector.shape_cast %get3A_348 : vector<16xf32> to vector<1x1x16xf32>
      tpu.vector_store %arg8[%swap3A_350, %swap3A_351, %swap3A_352], %swap3A_355 {add = true, strides = array<i32>} : memref<4x100x128xf32, #tpu.memory_space<vmem>>, vector<1x1x16xf32>,
      %add3A_356 = arith.addi %mul3A_54, %scan3A_309 : i32
      %get3A_357 = arith.index_cast %add3A_356 : i32 to index
      %get3A_358 = arith.constant 64 : index
      %get3A_359 = tpu.vector_load %arg7[%get3A_357, %get3A_358] {strides = array<i32>} : memref<200x128xf32, #tpu.memory_space<vmem>>, vector<1x16xf32>,
      %get3A_360 = vector.shape_cast %get3A_359 : vector<1x16xf32> to vector<16xf32>
      %swap3A_361 = arith.constant 0 : i32
      %swap3A_362 = arith.index_cast %swap3A_361 : i32 to index
      %swap3A_363 = arith.index_cast %scan3A_309 : i32 to index
      %swap3A_364 = arith.constant 64 : index
      %swap3A_365 = tpu.vector_load %arg8[%swap3A_362, %swap3A_363, %swap3A_364] {strides = array<i32>} : memref<4x100x128xf32, #tpu.memory_space<vmem>>, vector<1x1x16xf32>,
      %swap3A_366 = vector.shape_cast %swap3A_365 : vector<1x1x16xf32> to vector<16xf32>
      %swap3A_367 = vector.shape_cast %get3A_360 : vector<16xf32> to vector<1x1x16xf32>
      tpu.vector_store %arg8[%swap3A_362, %swap3A_363, %swap3A_364], %swap3A_367 {add = true, strides = array<i32>} : memref<4x100x128xf32, #tpu.memory_space<vmem>>, vector<1x1x16xf32>,
      %add3A_368 = arith.addi %mul3A_54, %scan3A_309 : i32
      %get3A_369 = arith.index_cast %add3A_368 : i32 to index
      %get3A_370 = arith.constant 80 : index
      %get3A_371 = tpu.vector_load %arg7[%get3A_369, %get3A_370] {strides = array<i32>} : memref<200x128xf32, #tpu.memory_space<vmem>>, vector<1x16xf32>,
      %get3A_372 = vector.shape_cast %get3A_371 : vector<1x16xf32> to vector<16xf32>
      %swap3A_373 = arith.constant 0 : i32
      %swap3A_374 = arith.index_cast %swap3A_373 : i32 to index
      %swap3A_375 = arith.index_cast %scan3A_309 : i32 to index
      %swap3A_376 = arith.constant 80 : index
      %swap3A_377 = tpu.vector_load %arg8[%swap3A_374, %swap3A_375, %swap3A_376] {strides = array<i32>} : memref<4x100x128xf32, #tpu.memory_space<vmem>>, vector<1x1x16xf32>,
      %swap3A_378 = vector.shape_cast %swap3A_377 : vector<1x1x16xf32> to vector<16xf32>
      %swap3A_379 = vector.shape_cast %get3A_372 : vector<16xf32> to vector<1x1x16xf32>
      tpu.vector_store %arg8[%swap3A_374, %swap3A_375, %swap3A_376], %swap3A_379 {add = true, strides = array<i32>} : memref<4x100x128xf32, #tpu.memory_space<vmem>>, vector<1x1x16xf32>,
      %add3A_380 = arith.addi %mul3A_54, %scan3A_309 : i32
      %get3A_381 = arith.index_cast %add3A_380 : i32 to index
      %get3A_382 = arith.constant 96 : index
      %get3A_383 = tpu.vector_load %arg7[%get3A_381, %get3A_382] {strides = array<i32>} : memref<200x128xf32, #tpu.memory_space<vmem>>, vector<1x16xf32>,
      %get3A_384 = vector.shape_cast %get3A_383 : vector<1x16xf32> to vector<16xf32>
      %swap3A_385 = arith.constant 0 : i32
      %swap3A_386 = arith.index_cast %swap3A_385 : i32 to index
      %swap3A_387 = arith.index_cast %scan3A_309 : i32 to index
      %swap3A_388 = arith.constant 96 : index
      %swap3A_389 = tpu.vector_load %arg8[%swap3A_386, %swap3A_387, %swap3A_388] {strides = array<i32>} : memref<4x100x128xf32, #tpu.memory_space<vmem>>, vector<1x1x16xf32>,
      %swap3A_390 = vector.shape_cast %swap3A_389 : vector<1x1x16xf32> to vector<16xf32>
      %swap3A_391 = vector.shape_cast %get3A_384 : vector<16xf32> to vector<1x1x16xf32>
      tpu.vector_store %arg8[%swap3A_386, %swap3A_387, %swap3A_388], %swap3A_391 {add = true, strides = array<i32>} : memref<4x100x128xf32, #tpu.memory_space<vmem>>, vector<1x1x16xf32>,
      %add3A_392 = arith.addi %mul3A_54, %scan3A_309 : i32
      %get3A_393 = arith.index_cast %add3A_392 : i32 to index
      %get3A_394 = arith.constant 112 : index
      %get3A_395 = tpu.vector_load %arg7[%get3A_393, %get3A_394] {strides = array<i32>} : memref<200x128xf32, #tpu.memory_space<vmem>>, vector<1x16xf32>,
      %get3A_396 = vector.shape_cast %get3A_395 : vector<1x16xf32> to vector<16xf32>
      %swap3A_397 = arith.constant 0 : i32
      %swap3A_398 = arith.index_cast %swap3A_397 : i32 to index
      %swap3A_399 = arith.index_cast %scan3A_309 : i32 to index
      %swap3A_400 = arith.constant 112 : index
      %swap3A_401 = tpu.vector_load %arg8[%swap3A_398, %swap3A_399, %swap3A_400] {strides = array<i32>} : memref<4x100x128xf32, #tpu.memory_space<vmem>>, vector<1x1x16xf32>,
      %swap3A_402 = vector.shape_cast %swap3A_401 : vector<1x1x16xf32> to vector<16xf32>
      %swap3A_403 = vector.shape_cast %get3A_396 : vector<16xf32> to vector<1x1x16xf32>
      tpu.vector_store %arg8[%swap3A_398, %swap3A_399, %swap3A_400], %swap3A_403 {add = true, strides = array<i32>} : memref<4x100x128xf32, #tpu.memory_space<vmem>>, vector<1x1x16xf32>,
      %scan3A_404 = arith.constant 1 : i32
      %scan3A_405 = arith.addi %scan3A_309, %scan3A_404 : i32
      %add3A_406 = arith.addi %mul3A_54, %scan3A_405 : i32
      %get3A_407 = arith.index_cast %add3A_406 : i32 to index
      %get3A_408 = arith.constant 0 : index
      %get3A_409 = tpu.vector_load %arg7[%get3A_407, %get3A_408] {strides = array<i32>} : memref<200x128xf32, #tpu.memory_space<vmem>>, vector<1x16xf32>,
      %get3A_410 = vector.shape_cast %get3A_409 : vector<1x16xf32> to vector<16xf32>
      %swap3A_411 = arith.constant 0 : i32
      %swap3A_412 = arith.index_cast %swap3A_411 : i32 to index
      %swap3A_413 = arith.index_cast %scan3A_405 : i32 to index
      %swap3A_414 = arith.constant 0 : index
      %swap3A_415 = tpu.vector_load %arg8[%swap3A_412, %swap3A_413, %swap3A_414] {strides = array<i32>} : memref<4x100x128xf32, #tpu.memory_space<vmem>>, vector<1x1x16xf32>,
      %swap3A_416 = vector.shape_cast %swap3A_415 : vector<1x1x16xf32> to vector<16xf32>
      %swap3A_417 = vector.shape_cast %get3A_410 : vector<16xf32> to vector<1x1x16xf32>
      tpu.vector_store %arg8[%swap3A_412, %swap3A_413, %swap3A_414], %swap3A_417 {add = true, strides = array<i32>} : memref<4x100x128xf32, #tpu.memory_space<vmem>>, vector<1x1x16xf32>,
      %add3A_418 = arith.addi %mul3A_54, %scan3A_405 : i32
      %get3A_419 = arith.index_cast %add3A_418 : i32 to index
      %get3A_420 = arith.constant 16 : index
      %get3A_421 = tpu.vector_load %arg7[%get3A_419, %get3A_420] {strides = array<i32>} : memref<200x128xf32, #tpu.memory_space<vmem>>, vector<1x16xf32>,
      %get3A_422 = vector.shape_cast %get3A_421 : vector<1x16xf32> to vector<16xf32>
      %swap3A_423 = arith.constant 0 : i32
      %swap3A_424 = arith.index_cast %swap3A_423 : i32 to index
      %swap3A_425 = arith.index_cast %scan3A_405 : i32 to index
      %swap3A_426 = arith.constant 16 : index
      %swap3A_427 = tpu.vector_load %arg8[%swap3A_424, %swap3A_425, %swap3A_426] {strides = array<i32>} : memref<4x100x128xf32, #tpu.memory_space<vmem>>, vector<1x1x16xf32>,
      %swap3A_428 = vector.shape_cast %swap3A_427 : vector<1x1x16xf32> to vector<16xf32>
      %swap3A_429 = vector.shape_cast %get3A_422 : vector<16xf32> to vector<1x1x16xf32>
      tpu.vector_store %arg8[%swap3A_424, %swap3A_425, %swap3A_426], %swap3A_429 {add = true, strides = array<i32>} : memref<4x100x128xf32, #tpu.memory_space<vmem>>, vector<1x1x16xf32>,
      %add3A_430 = arith.addi %mul3A_54, %scan3A_405 : i32
      %get3A_431 = arith.index_cast %add3A_430 : i32 to index
      %get3A_432 = arith.constant 32 : index
      %get3A_433 = tpu.vector_load %arg7[%get3A_431, %get3A_432] {strides = array<i32>} : memref<200x128xf32, #tpu.memory_space<vmem>>, vector<1x16xf32>,
      %get3A_434 = vector.shape_cast %get3A_433 : vector<1x16xf32> to vector<16xf32>
      %swap3A_435 = arith.constant 0 : i32
      %swap3A_436 = arith.index_cast %swap3A_435 : i32 to index
      %swap3A_437 = arith.index_cast %scan3A_405 : i32 to index
      %swap3A_438 = arith.constant 32 : index
      %swap3A_439 = tpu.vector_load %arg8[%swap3A_436, %swap3A_437, %swap3A_438] {strides = array<i32>} : memref<4x100x128xf32, #tpu.memory_space<vmem>>, vector<1x1x16xf32>,
      %swap3A_440 = vector.shape_cast %swap3A_439 : vector<1x1x16xf32> to vector<16xf32>
      %swap3A_441 = vector.shape_cast %get3A_434 : vector<16xf32> to vector<1x1x16xf32>
      tpu.vector_store %arg8[%swap3A_436, %swap3A_437, %swap3A_438], %swap3A_441 {add = true, strides = array<i32>} : memref<4x100x128xf32, #tpu.memory_space<vmem>>, vector<1x1x16xf32>,
      %add3A_442 = arith.addi %mul3A_54, %scan3A_405 : i32
      %get3A_443 = arith.index_cast %add3A_442 : i32 to index
      %get3A_444 = arith.constant 48 : index
      %get3A_445 = tpu.vector_load %arg7[%get3A_443, %get3A_444] {strides = array<i32>} : memref<200x128xf32, #tpu.memory_space<vmem>>, vector<1x16xf32>,
      %get3A_446 = vector.shape_cast %get3A_445 : vector<1x16xf32> to vector<16xf32>
      %swap3A_447 = arith.constant 0 : i32
      %swap3A_448 = arith.index_cast %swap3A_447 : i32 to index
      %swap3A_449 = arith.index_cast %scan3A_405 : i32 to index
      %swap3A_450 = arith.constant 48 : index
      %swap3A_451 = tpu.vector_load %arg8[%swap3A_448, %swap3A_449, %swap3A_450] {strides = array<i32>} : memref<4x100x128xf32, #tpu.memory_space<vmem>>, vector<1x1x16xf32>,
      %swap3A_452 = vector.shape_cast %swap3A_451 : vector<1x1x16xf32> to vector<16xf32>
      %swap3A_453 = vector.shape_cast %get3A_446 : vector<16xf32> to vector<1x1x16xf32>
      tpu.vector_store %arg8[%swap3A_448, %swap3A_449, %swap3A_450], %swap3A_453 {add = true, strides = array<i32>} : memref<4x100x128xf32, #tpu.memory_space<vmem>>, vector<1x1x16xf32>,
      %add3A_454 = arith.addi %mul3A_54, %scan3A_405 : i32
      %get3A_455 = arith.index_cast %add3A_454 : i32 to index
      %get3A_456 = arith.constant 64 : index
      %get3A_457 = tpu.vector_load %arg7[%get3A_455, %get3A_456] {strides = array<i32>} : memref<200x128xf32, #tpu.memory_space<vmem>>, vector<1x16xf32>,
      %get3A_458 = vector.shape_cast %get3A_457 : vector<1x16xf32> to vector<16xf32>
      %swap3A_459 = arith.constant 0 : i32
      %swap3A_460 = arith.index_cast %swap3A_459 : i32 to index
      %swap3A_461 = arith.index_cast %scan3A_405 : i32 to index
      %swap3A_462 = arith.constant 64 : index
      %swap3A_463 = tpu.vector_load %arg8[%swap3A_460, %swap3A_461, %swap3A_462] {strides = array<i32>} : memref<4x100x128xf32, #tpu.memory_space<vmem>>, vector<1x1x16xf32>,
      %swap3A_464 = vector.shape_cast %swap3A_463 : vector<1x1x16xf32> to vector<16xf32>
      %swap3A_465 = vector.shape_cast %get3A_458 : vector<16xf32> to vector<1x1x16xf32>
      tpu.vector_store %arg8[%swap3A_460, %swap3A_461, %swap3A_462], %swap3A_465 {add = true, strides = array<i32>} : memref<4x100x128xf32, #tpu.memory_space<vmem>>, vector<1x1x16xf32>,
      %add3A_466 = arith.addi %mul3A_54, %scan3A_405 : i32
      %get3A_467 = arith.index_cast %add3A_466 : i32 to index
      %get3A_468 = arith.constant 80 : index
      %get3A_469 = tpu.vector_load %arg7[%get3A_467, %get3A_468] {strides = array<i32>} : memref<200x128xf32, #tpu.memory_space<vmem>>, vector<1x16xf32>,
      %get3A_470 = vector.shape_cast %get3A_469 : vector<1x16xf32> to vector<16xf32>
      %swap3A_471 = arith.constant 0 : i32
      %swap3A_472 = arith.index_cast %swap3A_471 : i32 to index
      %swap3A_473 = arith.index_cast %scan3A_405 : i32 to index
      %swap3A_474 = arith.constant 80 : index
      %swap3A_475 = tpu.vector_load %arg8[%swap3A_472, %swap3A_473, %swap3A_474] {strides = array<i32>} : memref<4x100x128xf32, #tpu.memory_space<vmem>>, vector<1x1x16xf32>,
      %swap3A_476 = vector.shape_cast %swap3A_475 : vector<1x1x16xf32> to vector<16xf32>
      %swap3A_477 = vector.shape_cast %get3A_470 : vector<16xf32> to vector<1x1x16xf32>
      tpu.vector_store %arg8[%swap3A_472, %swap3A_473, %swap3A_474], %swap3A_477 {add = true, strides = array<i32>} : memref<4x100x128xf32, #tpu.memory_space<vmem>>, vector<1x1x16xf32>,
      %add3A_478 = arith.addi %mul3A_54, %scan3A_405 : i32
      %get3A_479 = arith.index_cast %add3A_478 : i32 to index
      %get3A_480 = arith.constant 96 : index
      %get3A_481 = tpu.vector_load %arg7[%get3A_479, %get3A_480] {strides = array<i32>} : memref<200x128xf32, #tpu.memory_space<vmem>>, vector<1x16xf32>,
      %get3A_482 = vector.shape_cast %get3A_481 : vector<1x16xf32> to vector<16xf32>
      %swap3A_483 = arith.constant 0 : i32
      %swap3A_484 = arith.index_cast %swap3A_483 : i32 to index
      %swap3A_485 = arith.index_cast %scan3A_405 : i32 to index
      %swap3A_486 = arith.constant 96 : index
      %swap3A_487 = tpu.vector_load %arg8[%swap3A_484, %swap3A_485, %swap3A_486] {strides = array<i32>} : memref<4x100x128xf32, #tpu.memory_space<vmem>>, vector<1x1x16xf32>,
      %swap3A_488 = vector.shape_cast %swap3A_487 : vector<1x1x16xf32> to vector<16xf32>
      %swap3A_489 = vector.shape_cast %get3A_482 : vector<16xf32> to vector<1x1x16xf32>
      tpu.vector_store %arg8[%swap3A_484, %swap3A_485, %swap3A_486], %swap3A_489 {add = true, strides = array<i32>} : memref<4x100x128xf32, #tpu.memory_space<vmem>>, vector<1x1x16xf32>,
      %add3A_490 = arith.addi %mul3A_54, %scan3A_405 : i32
      %get3A_491 = arith.index_cast %add3A_490 : i32 to index
      %get3A_492 = arith.constant 112 : index
      %get3A_493 = tpu.vector_load %arg7[%get3A_491, %get3A_492] {strides = array<i32>} : memref<200x128xf32, #tpu.memory_space<vmem>>, vector<1x16xf32>,
      %get3A_494 = vector.shape_cast %get3A_493 : vector<1x16xf32> to vector<16xf32>
      %swap3A_495 = arith.constant 0 : i32
      %swap3A_496 = arith.index_cast %swap3A_495 : i32 to index
      %swap3A_497 = arith.index_cast %scan3A_405 : i32 to index
      %swap3A_498 = arith.constant 112 : index
      %swap3A_499 = tpu.vector_load %arg8[%swap3A_496, %swap3A_497, %swap3A_498] {strides = array<i32>} : memref<4x100x128xf32, #tpu.memory_space<vmem>>, vector<1x1x16xf32>,
      %swap3A_500 = vector.shape_cast %swap3A_499 : vector<1x1x16xf32> to vector<16xf32>
      %swap3A_501 = vector.shape_cast %get3A_494 : vector<16xf32> to vector<1x1x16xf32>
      tpu.vector_store %arg8[%swap3A_496, %swap3A_497, %swap3A_498], %swap3A_501 {add = true, strides = array<i32>} : memref<4x100x128xf32, #tpu.memory_space<vmem>>, vector<1x1x16xf32>,
      %scan3A_502 = arith.constant 2 : i32
      %scan3A_503 = arith.addi %scan3A_309, %scan3A_502 : i32
      %add3A_504 = arith.addi %mul3A_54, %scan3A_503 : i32
      %get3A_505 = arith.index_cast %add3A_504 : i32 to index
      %get3A_506 = arith.constant 0 : index
      %get3A_507 = tpu.vector_load %arg7[%get3A_505, %get3A_506] {strides = array<i32>} : memref<200x128xf32, #tpu.memory_space<vmem>>, vector<1x16xf32>,
      %get3A_508 = vector.shape_cast %get3A_507 : vector<1x16xf32> to vector<16xf32>
      %swap3A_509 = arith.constant 0 : i32
      %swap3A_510 = arith.index_cast %swap3A_509 : i32 to index
      %swap3A_511 = arith.index_cast %scan3A_503 : i32 to index
      %swap3A_512 = arith.constant 0 : index
      %swap3A_513 = tpu.vector_load %arg8[%swap3A_510, %swap3A_511, %swap3A_512] {strides = array<i32>} : memref<4x100x128xf32, #tpu.memory_space<vmem>>, vector<1x1x16xf32>,
      %swap3A_514 = vector.shape_cast %swap3A_513 : vector<1x1x16xf32> to vector<16xf32>
      %swap3A_515 = vector.shape_cast %get3A_508 : vector<16xf32> to vector<1x1x16xf32>
      tpu.vector_store %arg8[%swap3A_510, %swap3A_511, %swap3A_512], %swap3A_515 {add = true, strides = array<i32>} : memref<4x100x128xf32, #tpu.memory_space<vmem>>, vector<1x1x16xf32>,
      %add3A_516 = arith.addi %mul3A_54, %scan3A_503 : i32
      %get3A_517 = arith.index_cast %add3A_516 : i32 to index
      %get3A_518 = arith.constant 16 : index
      %get3A_519 = tpu.vector_load %arg7[%get3A_517, %get3A_518] {strides = array<i32>} : memref<200x128xf32, #tpu.memory_space<vmem>>, vector<1x16xf32>,
      %get3A_520 = vector.shape_cast %get3A_519 : vector<1x16xf32> to vector<16xf32>
      %swap3A_521 = arith.constant 0 : i32
      %swap3A_522 = arith.index_cast %swap3A_521 : i32 to index
      %swap3A_523 = arith.index_cast %scan3A_503 : i32 to index
      %swap3A_524 = arith.constant 16 : index
      %swap3A_525 = tpu.vector_load %arg8[%swap3A_522, %swap3A_523, %swap3A_524] {strides = array<i32>} : memref<4x100x128xf32, #tpu.memory_space<vmem>>, vector<1x1x16xf32>,
      %swap3A_526 = vector.shape_cast %swap3A_525 : vector<1x1x16xf32> to vector<16xf32>
      %swap3A_527 = vector.shape_cast %get3A_520 : vector<16xf32> to vector<1x1x16xf32>
      tpu.vector_store %arg8[%swap3A_522, %swap3A_523, %swap3A_524], %swap3A_527 {add = true, strides = array<i32>} : memref<4x100x128xf32, #tpu.memory_space<vmem>>, vector<1x1x16xf32>,
      %add3A_528 = arith.addi %mul3A_54, %scan3A_503 : i32
      %get3A_529 = arith.index_cast %add3A_528 : i32 to index
      %get3A_530 = arith.constant 32 : index
      %get3A_531 = tpu.vector_load %arg7[%get3A_529, %get3A_530] {strides = array<i32>} : memref<200x128xf32, #tpu.memory_space<vmem>>, vector<1x16xf32>,
      %get3A_532 = vector.shape_cast %get3A_531 : vector<1x16xf32> to vector<16xf32>
      %swap3A_533 = arith.constant 0 : i32
      %swap3A_534 = arith.index_cast %swap3A_533 : i32 to index
      %swap3A_535 = arith.index_cast %scan3A_503 : i32 to index
      %swap3A_536 = arith.constant 32 : index
      %swap3A_537 = tpu.vector_load %arg8[%swap3A_534, %swap3A_535, %swap3A_536] {strides = array<i32>} : memref<4x100x128xf32, #tpu.memory_space<vmem>>, vector<1x1x16xf32>,
      %swap3A_538 = vector.shape_cast %swap3A_537 : vector<1x1x16xf32> to vector<16xf32>
      %swap3A_539 = vector.shape_cast %get3A_532 : vector<16xf32> to vector<1x1x16xf32>
      tpu.vector_store %arg8[%swap3A_534, %swap3A_535, %swap3A_536], %swap3A_539 {add = true, strides = array<i32>} : memref<4x100x128xf32, #tpu.memory_space<vmem>>, vector<1x1x16xf32>,
      %add3A_540 = arith.addi %mul3A_54, %scan3A_503 : i32
      %get3A_541 = arith.index_cast %add3A_540 : i32 to index
      %get3A_542 = arith.constant 48 : index
      %get3A_543 = tpu.vector_load %arg7[%get3A_541, %get3A_542] {strides = array<i32>} : memref<200x128xf32, #tpu.memory_space<vmem>>, vector<1x16xf32>,
      %get3A_544 = vector.shape_cast %get3A_543 : vector<1x16xf32> to vector<16xf32>
      %swap3A_545 = arith.constant 0 : i32
      %swap3A_546 = arith.index_cast %swap3A_545 : i32 to index
      %swap3A_547 = arith.index_cast %scan3A_503 : i32 to index
      %swap3A_548 = arith.constant 48 : index
      %swap3A_549 = tpu.vector_load %arg8[%swap3A_546, %swap3A_547, %swap3A_548] {strides = array<i32>} : memref<4x100x128xf32, #tpu.memory_space<vmem>>, vector<1x1x16xf32>,
      %swap3A_550 = vector.shape_cast %swap3A_549 : vector<1x1x16xf32> to vector<16xf32>
      %swap3A_551 = vector.shape_cast %get3A_544 : vector<16xf32> to vector<1x1x16xf32>
      tpu.vector_store %arg8[%swap3A_546, %swap3A_547, %swap3A_548], %swap3A_551 {add = true, strides = array<i32>} : memref<4x100x128xf32, #tpu.memory_space<vmem>>, vector<1x1x16xf32>,
      %add3A_552 = arith.addi %mul3A_54, %scan3A_503 : i32
      %get3A_553 = arith.index_cast %add3A_552 : i32 to index
      %get3A_554 = arith.constant 64 : index
      %get3A_555 = tpu.vector_load %arg7[%get3A_553, %get3A_554] {strides = array<i32>} : memref<200x128xf32, #tpu.memory_space<vmem>>, vector<1x16xf32>,
      %get3A_556 = vector.shape_cast %get3A_555 : vector<1x16xf32> to vector<16xf32>
      %swap3A_557 = arith.constant 0 : i32
      %swap3A_558 = arith.index_cast %swap3A_557 : i32 to index
      %swap3A_559 = arith.index_cast %scan3A_503 : i32 to index
      %swap3A_560 = arith.constant 64 : index
      %swap3A_561 = tpu.vector_load %arg8[%swap3A_558, %swap3A_559, %swap3A_560] {strides = array<i32>} : memref<4x100x128xf32, #tpu.memory_space<vmem>>, vector<1x1x16xf32>,
      %swap3A_562 = vector.shape_cast %swap3A_561 : vector<1x1x16xf32> to vector<16xf32>
      %swap3A_563 = vector.shape_cast %get3A_556 : vector<16xf32> to vector<1x1x16xf32>
      tpu.vector_store %arg8[%swap3A_558, %swap3A_559, %swap3A_560], %swap3A_563 {add = true, strides = array<i32>} : memref<4x100x128xf32, #tpu.memory_space<vmem>>, vector<1x1x16xf32>,
      %add3A_564 = arith.addi %mul3A_54, %scan3A_503 : i32
      %get3A_565 = arith.index_cast %add3A_564 : i32 to index
      %get3A_566 = arith.constant 80 : index
      %get3A_567 = tpu.vector_load %arg7[%get3A_565, %get3A_566] {strides = array<i32>} : memref<200x128xf32, #tpu.memory_space<vmem>>, vector<1x16xf32>,
      %get3A_568 = vector.shape_cast %get3A_567 : vector<1x16xf32> to vector<16xf32>
      %swap3A_569 = arith.constant 0 : i32
      %swap3A_570 = arith.index_cast %swap3A_569 : i32 to index
      %swap3A_571 = arith.index_cast %scan3A_503 : i32 to index
      %swap3A_572 = arith.constant 80 : index
      %swap3A_573 = tpu.vector_load %arg8[%swap3A_570, %swap3A_571, %swap3A_572] {strides = array<i32>} : memref<4x100x128xf32, #tpu.memory_space<vmem>>, vector<1x1x16xf32>,
      %swap3A_574 = vector.shape_cast %swap3A_573 : vector<1x1x16xf32> to vector<16xf32>
      %swap3A_575 = vector.shape_cast %get3A_568 : vector<16xf32> to vector<1x1x16xf32>
      tpu.vector_store %arg8[%swap3A_570, %swap3A_571, %swap3A_572], %swap3A_575 {add = true, strides = array<i32>} : memref<4x100x128xf32, #tpu.memory_space<vmem>>, vector<1x1x16xf32>,
      %add3A_576 = arith.addi %mul3A_54, %scan3A_503 : i32
      %get3A_577 = arith.index_cast %add3A_576 : i32 to index
      %get3A_578 = arith.constant 96 : index
      %get3A_579 = tpu.vector_load %arg7[%get3A_577, %get3A_578] {strides = array<i32>} : memref<200x128xf32, #tpu.memory_space<vmem>>, vector<1x16xf32>,
      %get3A_580 = vector.shape_cast %get3A_579 : vector<1x16xf32> to vector<16xf32>
      %swap3A_581 = arith.constant 0 : i32
      %swap3A_582 = arith.index_cast %swap3A_581 : i32 to index
      %swap3A_583 = arith.index_cast %scan3A_503 : i32 to index
      %swap3A_584 = arith.constant 96 : index
      %swap3A_585 = tpu.vector_load %arg8[%swap3A_582, %swap3A_583, %swap3A_584] {strides = array<i32>} : memref<4x100x128xf32, #tpu.memory_space<vmem>>, vector<1x1x16xf32>,
      %swap3A_586 = vector.shape_cast %swap3A_585 : vector<1x1x16xf32> to vector<16xf32>
      %swap3A_587 = vector.shape_cast %get3A_580 : vector<16xf32> to vector<1x1x16xf32>
      tpu.vector_store %arg8[%swap3A_582, %swap3A_583, %swap3A_584], %swap3A_587 {add = true, strides = array<i32>} : memref<4x100x128xf32, #tpu.memory_space<vmem>>, vector<1x1x16xf32>,
      %add3A_588 = arith.addi %mul3A_54, %scan3A_503 : i32
      %get3A_589 = arith.index_cast %add3A_588 : i32 to index
      %get3A_590 = arith.constant 112 : index
      %get3A_591 = tpu.vector_load %arg7[%get3A_589, %get3A_590] {strides = array<i32>} : memref<200x128xf32, #tpu.memory_space<vmem>>, vector<1x16xf32>,
      %get3A_592 = vector.shape_cast %get3A_591 : vector<1x16xf32> to vector<16xf32>
      %swap3A_593 = arith.constant 0 : i32
      %swap3A_594 = arith.index_cast %swap3A_593 : i32 to index
      %swap3A_595 = arith.index_cast %scan3A_503 : i32 to index
      %swap3A_596 = arith.constant 112 : index
      %swap3A_597 = tpu.vector_load %arg8[%swap3A_594, %swap3A_595, %swap3A_596] {strides = array<i32>} : memref<4x100x128xf32, #tpu.memory_space<vmem>>, vector<1x1x16xf32>,
      %swap3A_598 = vector.shape_cast %swap3A_597 : vector<1x1x16xf32> to vector<16xf32>
      %swap3A_599 = vector.shape_cast %get3A_592 : vector<16xf32> to vector<1x1x16xf32>
      tpu.vector_store %arg8[%swap3A_594, %swap3A_595, %swap3A_596], %swap3A_599 {add = true, strides = array<i32>} : memref<4x100x128xf32, #tpu.memory_space<vmem>>, vector<1x1x16xf32>,
      %scan3A_600 = arith.constant 3 : i32
      %scan3A_601 = arith.addi %scan3A_309, %scan3A_600 : i32
      %add3A_602 = arith.addi %mul3A_54, %scan3A_601 : i32
      %get3A_603 = arith.index_cast %add3A_602 : i32 to index
      %get3A_604 = arith.constant 0 : index
      %get3A_605 = tpu.vector_load %arg7[%get3A_603, %get3A_604] {strides = array<i32>} : memref<200x128xf32, #tpu.memory_space<vmem>>, vector<1x16xf32>,
      %get3A_606 = vector.shape_cast %get3A_605 : vector<1x16xf32> to vector<16xf32>
      %swap3A_607 = arith.constant 0 : i32
      %swap3A_608 = arith.index_cast %swap3A_607 : i32 to index
      %swap3A_609 = arith.index_cast %scan3A_601 : i32 to index
      %swap3A_610 = arith.constant 0 : index
      %swap3A_611 = tpu.vector_load %arg8[%swap3A_608, %swap3A_609, %swap3A_610] {strides = array<i32>} : memref<4x100x128xf32, #tpu.memory_space<vmem>>, vector<1x1x16xf32>,
      %swap3A_612 = vector.shape_cast %swap3A_611 : vector<1x1x16xf32> to vector<16xf32>
      %swap3A_613 = vector.shape_cast %get3A_606 : vector<16xf32> to vector<1x1x16xf32>
      tpu.vector_store %arg8[%swap3A_608, %swap3A_609, %swap3A_610], %swap3A_613 {add = true, strides = array<i32>} : memref<4x100x128xf32, #tpu.memory_space<vmem>>, vector<1x1x16xf32>,
      %add3A_614 = arith.addi %mul3A_54, %scan3A_601 : i32
      %get3A_615 = arith.index_cast %add3A_614 : i32 to index
      %get3A_616 = arith.constant 16 : index
      %get3A_617 = tpu.vector_load %arg7[%get3A_615, %get3A_616] {strides = array<i32>} : memref<200x128xf32, #tpu.memory_space<vmem>>, vector<1x16xf32>,
      %get3A_618 = vector.shape_cast %get3A_617 : vector<1x16xf32> to vector<16xf32>
      %swap3A_619 = arith.constant 0 : i32
      %swap3A_620 = arith.index_cast %swap3A_619 : i32 to index
      %swap3A_621 = arith.index_cast %scan3A_601 : i32 to index
      %swap3A_622 = arith.constant 16 : index
      %swap3A_623 = tpu.vector_load %arg8[%swap3A_620, %swap3A_621, %swap3A_622] {strides = array<i32>} : memref<4x100x128xf32, #tpu.memory_space<vmem>>, vector<1x1x16xf32>,
      %swap3A_624 = vector.shape_cast %swap3A_623 : vector<1x1x16xf32> to vector<16xf32>
      %swap3A_625 = vector.shape_cast %get3A_618 : vector<16xf32> to vector<1x1x16xf32>
      tpu.vector_store %arg8[%swap3A_620, %swap3A_621, %swap3A_622], %swap3A_625 {add = true, strides = array<i32>} : memref<4x100x128xf32, #tpu.memory_space<vmem>>, vector<1x1x16xf32>,
      %add3A_626 = arith.addi %mul3A_54, %scan3A_601 : i32
      %get3A_627 = arith.index_cast %add3A_626 : i32 to index
      %get3A_628 = arith.constant 32 : index
      %get3A_629 = tpu.vector_load %arg7[%get3A_627, %get3A_628] {strides = array<i32>} : memref<200x128xf32, #tpu.memory_space<vmem>>, vector<1x16xf32>,
      %get3A_630 = vector.shape_cast %get3A_629 : vector<1x16xf32> to vector<16xf32>
      %swap3A_631 = arith.constant 0 : i32
      %swap3A_632 = arith.index_cast %swap3A_631 : i32 to index
      %swap3A_633 = arith.index_cast %scan3A_601 : i32 to index
      %swap3A_634 = arith.constant 32 : index
      %swap3A_635 = tpu.vector_load %arg8[%swap3A_632, %swap3A_633, %swap3A_634] {strides = array<i32>} : memref<4x100x128xf32, #tpu.memory_space<vmem>>, vector<1x1x16xf32>,
      %swap3A_636 = vector.shape_cast %swap3A_635 : vector<1x1x16xf32> to vector<16xf32>
      %swap3A_637 = vector.shape_cast %get3A_630 : vector<16xf32> to vector<1x1x16xf32>
      tpu.vector_store %arg8[%swap3A_632, %swap3A_633, %swap3A_634], %swap3A_637 {add = true, strides = array<i32>} : memref<4x100x128xf32, #tpu.memory_space<vmem>>, vector<1x1x16xf32>,
      %add3A_638 = arith.addi %mul3A_54, %scan3A_601 : i32
      %get3A_639 = arith.index_cast %add3A_638 : i32 to index
      %get3A_640 = arith.constant 48 : index
      %get3A_641 = tpu.vector_load %arg7[%get3A_639, %get3A_640] {strides = array<i32>} : memref<200x128xf32, #tpu.memory_space<vmem>>, vector<1x16xf32>,
      %get3A_642 = vector.shape_cast %get3A_641 : vector<1x16xf32> to vector<16xf32>
      %swap3A_643 = arith.constant 0 : i32
      %swap3A_644 = arith.index_cast %swap3A_643 : i32 to index
      %swap3A_645 = arith.index_cast %scan3A_601 : i32 to index
      %swap3A_646 = arith.constant 48 : index
      %swap3A_647 = tpu.vector_load %arg8[%swap3A_644, %swap3A_645, %swap3A_646] {strides = array<i32>} : memref<4x100x128xf32, #tpu.memory_space<vmem>>, vector<1x1x16xf32>,
      %swap3A_648 = vector.shape_cast %swap3A_647 : vector<1x1x16xf32> to vector<16xf32>
      %swap3A_649 = vector.shape_cast %get3A_642 : vector<16xf32> to vector<1x1x16xf32>
      tpu.vector_store %arg8[%swap3A_644, %swap3A_645, %swap3A_646], %swap3A_649 {add = true, strides = array<i32>} : memref<4x100x128xf32, #tpu.memory_space<vmem>>, vector<1x1x16xf32>,
      %add3A_650 = arith.addi %mul3A_54, %scan3A_601 : i32
      %get3A_651 = arith.index_cast %add3A_650 : i32 to index
      %get3A_652 = arith.constant 64 : index
      %get3A_653 = tpu.vector_load %arg7[%get3A_651, %get3A_652] {strides = array<i32>} : memref<200x128xf32, #tpu.memory_space<vmem>>, vector<1x16xf32>,
      %get3A_654 = vector.shape_cast %get3A_653 : vector<1x16xf32> to vector<16xf32>
      %swap3A_655 = arith.constant 0 : i32
      %swap3A_656 = arith.index_cast %swap3A_655 : i32 to index
      %swap3A_657 = arith.index_cast %scan3A_601 : i32 to index
      %swap3A_658 = arith.constant 64 : index
      %swap3A_659 = tpu.vector_load %arg8[%swap3A_656, %swap3A_657, %swap3A_658] {strides = array<i32>} : memref<4x100x128xf32, #tpu.memory_space<vmem>>, vector<1x1x16xf32>,
      %swap3A_660 = vector.shape_cast %swap3A_659 : vector<1x1x16xf32> to vector<16xf32>
      %swap3A_661 = vector.shape_cast %get3A_654 : vector<16xf32> to vector<1x1x16xf32>
      tpu.vector_store %arg8[%swap3A_656, %swap3A_657, %swap3A_658], %swap3A_661 {add = true, strides = array<i32>} : memref<4x100x128xf32, #tpu.memory_space<vmem>>, vector<1x1x16xf32>,
      %add3A_662 = arith.addi %mul3A_54, %scan3A_601 : i32
      %get3A_663 = arith.index_cast %add3A_662 : i32 to index
      %get3A_664 = arith.constant 80 : index
      %get3A_665 = tpu.vector_load %arg7[%get3A_663, %get3A_664] {strides = array<i32>} : memref<200x128xf32, #tpu.memory_space<vmem>>, vector<1x16xf32>,
      %get3A_666 = vector.shape_cast %get3A_665 : vector<1x16xf32> to vector<16xf32>
      %swap3A_667 = arith.constant 0 : i32
      %swap3A_668 = arith.index_cast %swap3A_667 : i32 to index
      %swap3A_669 = arith.index_cast %scan3A_601 : i32 to index
      %swap3A_670 = arith.constant 80 : index
      %swap3A_671 = tpu.vector_load %arg8[%swap3A_668, %swap3A_669, %swap3A_670] {strides = array<i32>} : memref<4x100x128xf32, #tpu.memory_space<vmem>>, vector<1x1x16xf32>,
      %swap3A_672 = vector.shape_cast %swap3A_671 : vector<1x1x16xf32> to vector<16xf32>
      %swap3A_673 = vector.shape_cast %get3A_666 : vector<16xf32> to vector<1x1x16xf32>
      tpu.vector_store %arg8[%swap3A_668, %swap3A_669, %swap3A_670], %swap3A_673 {add = true, strides = array<i32>} : memref<4x100x128xf32, #tpu.memory_space<vmem>>, vector<1x1x16xf32>,
      %add3A_674 = arith.addi %mul3A_54, %scan3A_601 : i32
      %get3A_675 = arith.index_cast %add3A_674 : i32 to index
      %get3A_676 = arith.constant 96 : index
      %get3A_677 = tpu.vector_load %arg7[%get3A_675, %get3A_676] {strides = array<i32>} : memref<200x128xf32, #tpu.memory_space<vmem>>, vector<1x16xf32>,
      %get3A_678 = vector.shape_cast %get3A_677 : vector<1x16xf32> to vector<16xf32>
      %swap3A_679 = arith.constant 0 : i32
      %swap3A_680 = arith.index_cast %swap3A_679 : i32 to index
      %swap3A_681 = arith.index_cast %scan3A_601 : i32 to index
      %swap3A_682 = arith.constant 96 : index
      %swap3A_683 = tpu.vector_load %arg8[%swap3A_680, %swap3A_681, %swap3A_682] {strides = array<i32>} : memref<4x100x128xf32, #tpu.memory_space<vmem>>, vector<1x1x16xf32>,
      %swap3A_684 = vector.shape_cast %swap3A_683 : vector<1x1x16xf32> to vector<16xf32>
      %swap3A_685 = vector.shape_cast %get3A_678 : vector<16xf32> to vector<1x1x16xf32>
      tpu.vector_store %arg8[%swap3A_680, %swap3A_681, %swap3A_682], %swap3A_685 {add = true, strides = array<i32>} : memref<4x100x128xf32, #tpu.memory_space<vmem>>, vector<1x1x16xf32>,
      %add3A_686 = arith.addi %mul3A_54, %scan3A_601 : i32
      %get3A_687 = arith.index_cast %add3A_686 : i32 to index
      %get3A_688 = arith.constant 112 : index
      %get3A_689 = tpu.vector_load %arg7[%get3A_687, %get3A_688] {strides = array<i32>} : memref<200x128xf32, #tpu.memory_space<vmem>>, vector<1x16xf32>,
      %get3A_690 = vector.shape_cast %get3A_689 : vector<1x16xf32> to vector<16xf32>
      %swap3A_691 = arith.constant 0 : i32
      %swap3A_692 = arith.index_cast %swap3A_691 : i32 to index
      %swap3A_693 = arith.index_cast %scan3A_601 : i32 to index
      %swap3A_694 = arith.constant 112 : index
      %swap3A_695 = tpu.vector_load %arg8[%swap3A_692, %swap3A_693, %swap3A_694] {strides = array<i32>} : memref<4x100x128xf32, #tpu.memory_space<vmem>>, vector<1x1x16xf32>,
      %swap3A_696 = vector.shape_cast %swap3A_695 : vector<1x1x16xf32> to vector<16xf32>
      %swap3A_697 = vector.shape_cast %get3A_690 : vector<16xf32> to vector<1x1x16xf32>
      tpu.vector_store %arg8[%swap3A_692, %swap3A_693, %swap3A_694], %swap3A_697 {add = true, strides = array<i32>} : memref<4x100x128xf32, #tpu.memory_space<vmem>>, vector<1x1x16xf32>,
    }
    %scan3A_59 = arith.constant 100 : i32
    %add3A_60 = arith.constant 0 : i32
    %add3A_61 = arith.addi %mul3A_2, %add3A_60 : i32
    %dma_start3A_62 = arith.constant 0 : i32
    %dma_start3A_63 = arith.constant 0 : i32
    %dma_start3A_64 = arith.constant 0 : i32
    %dma_start3A_65 = tpu.memref_slice %arg8[%dma_start3A_62, %dma_start3A_63, %dma_start3A_64] : memref<4x100x128xf32, #tpu.memory_space<vmem>> -> memref<1x100x128xf32, #tpu.memory_space<vmem>>
    %dma_start3A_66 = tpu.memref_squeeze %dma_start3A_65 : memref<1x100x128xf32, #tpu.memory_space<vmem>> -> memref<100x128xf32, #tpu.memory_space<vmem>>
    %dma_start3A_67 = arith.constant 0 : i32
    %dma_start3A_68 = tpu.memref_slice %arg5[%add3A_61, %dma_start3A_67] : memref<204800x128xf32, #tpu.memory_space<hbm>> -> memref<100x128xf32, #tpu.memory_space<hbm>>
    %dma_start3A_69 = arith.constant 0 : i32
    %dma_start3A_70 = tpu.memref_slice %arg5[%add3A_61, %dma_start3A_69] : memref<204800x128xf32, #tpu.memory_space<hbm>> -> memref<100x128xf32, #tpu.memory_space<hbm>>
    %dma_start3A_71 = arith.constant 0 : i32
    %dma_start3A_72 = arith.constant 0 : i32
    %dma_start3A_73 = tpu.memref_slice %arg8[%dma_start3A_62, %dma_start3A_71, %dma_start3A_72] : memref<4x100x128xf32, #tpu.memory_space<vmem>> -> memref<1x100x128xf32, #tpu.memory_space<vmem>>
    %dma_start3A_74 = tpu.memref_squeeze %dma_start3A_73 : memref<1x100x128xf32, #tpu.memory_space<vmem>> -> memref<100x128xf32, #tpu.memory_space<vmem>>
    tpu.enqueue_dma source(%dma_start3A_74 : memref<100x128xf32, #tpu.memory_space<vmem>>) target(%dma_start3A_70 : memref<100x128xf32, #tpu.memory_space<hbm>>) target_semaphore(%arg13 : memref<!tpu.dma_semaphore, #tpu.memory_space<semaphore_mem>>)
    %dma_start3A_75 = arith.constant 3 : i32
    %dma_start3A_76 = arith.constant 3 : i32
    %dma_start3A_77 = arith.constant 0 : i32
    %dma_start3A_78 = arith.constant 0 : i32
    %dma_start3A_79 = tpu.memref_slice %arg8[%dma_start3A_76, %dma_start3A_77, %dma_start3A_78] : memref<4x100x128xf32, #tpu.memory_space<vmem>> -> memref<1x100x128xf32, #tpu.memory_space<vmem>>
    %dma_start3A_80 = tpu.memref_squeeze %dma_start3A_79 : memref<1x100x128xf32, #tpu.memory_space<vmem>> -> memref<100x128xf32, #tpu.memory_space<vmem>>
    %dma_start3A_81 = arith.constant 0 : i32
    %dma_start3A_82 = tpu.memref_slice %arg6[%dma_start3A_75, %dma_start3A_81] : memref<64x100xi32, #tpu.memory_space<vmem>> -> memref<1x100xi32, #tpu.memory_space<vmem>>
    %dma_start3A_83 = tpu.memref_squeeze %dma_start3A_82 : memref<1x100xi32, #tpu.memory_space<vmem>> -> memref<100xi32, #tpu.memory_space<vmem>>
    %dma_start3A_84 = arith.constant 0 : i32
    %dma_start3A_85 = arith.constant 0 : i32
    %dma_start3A_86 = tpu.memref_slice %arg3[%dma_start3A_84, %dma_start3A_85] : memref<1000000x128xf32, #tpu.memory_space<hbm>> -> memref<1000000x128xf32, #tpu.memory_space<hbm>>
    tpu.enqueue_indirect_dma source(%dma_start3A_86 : memref<1000000x128xf32, #tpu.memory_space<hbm>>) target(%dma_start3A_80 : memref<100x128xf32, #tpu.memory_space<vmem>>) offsets(%dma_start3A_83 : memref<100xi32, #tpu.memory_space<vmem>>) semaphore(%arg12 : memref<!tpu.dma_semaphore, #tpu.memory_space<semaphore_mem>>)
    %dma_wait3A_87 = arith.constant 0 : i32
    %dma_wait3A_88 = arith.constant 1 : i32
    %dma_wait3A_89 = arith.constant 0 : i32
    %dma_wait3A_90 = arith.constant 0 : i32
    %dma_wait3A_91 = tpu.memref_slice %arg8[%dma_wait3A_88, %dma_wait3A_89, %dma_wait3A_90] : memref<4x100x128xf32, #tpu.memory_space<vmem>> -> memref<1x100x128xf32, #tpu.memory_space<vmem>>
    %dma_wait3A_92 = tpu.memref_squeeze %dma_wait3A_91 : memref<1x100x128xf32, #tpu.memory_space<vmem>> -> memref<100x128xf32, #tpu.memory_space<vmem>>
    %dma_wait3A_93 = arith.constant 0 : i32
    %dma_wait3A_94 = tpu.memref_slice %arg6[%dma_wait3A_87, %dma_wait3A_93] : memref<64x100xi32, #tpu.memory_space<vmem>> -> memref<1x100xi32, #tpu.memory_space<vmem>>
    %dma_wait3A_95 = tpu.memref_squeeze %dma_wait3A_94 : memref<1x100xi32, #tpu.memory_space<vmem>> -> memref<100xi32, #tpu.memory_space<vmem>>
    %dma_wait3A_96 = arith.constant 0 : i32
    %dma_wait3A_97 = arith.constant 0 : i32
    %dma_wait3A_98 = tpu.memref_slice %arg3[%dma_wait3A_96, %dma_wait3A_97] : memref<1000000x128xf32, #tpu.memory_space<hbm>> -> memref<1000000x128xf32, #tpu.memory_space<hbm>>
    tpu.wait_indirect_dma semaphore(%arg10 : memref<!tpu.dma_semaphore, #tpu.memory_space<semaphore_mem>>) src(%dma_wait3A_98 : memref<1000000x128xf32, #tpu.memory_space<hbm>>) dst(%dma_wait3A_92 : memref<100x128xf32, #tpu.memory_space<vmem>>)
    %rem3A_99 = arith.constant 1 : i32
    %rem3A_100 = arith.constant 2 : i32
    %rem3A_101 = arith.remsi %rem3A_99, %rem3A_100 : i32
    %mul3A_102 = arith.constant 100 : i32
    %mul3A_103 = arith.muli %rem3A_101, %mul3A_102 : i32
    %scan3A_104 = arith.constant 0 : i32
    %scan3A_105 = arith.constant 0 : i32
    %scan3A_106 = arith.constant 100 : i32
    %scan3A_107 = arith.addi %scan3A_105, %scan3A_106 : i32
    %scan3A_108 = arith.constant 4 : i32
    scf.for %scan3A_309 = %scan3A_105 to %scan3A_107 step %scan3A_108  : i32 {
      %add3A_310 = arith.addi %mul3A_103, %scan3A_309 : i32
      %get3A = arith.index_cast %add3A_310 : i32 to index
      %get3A_311 = arith.constant 0 : index
      %get3A_312 = tpu.vector_load %arg7[%get3A, %get3A_311] {strides = array<i32>} : memref<200x128xf32, #tpu.memory_space<vmem>>, vector<1x16xf32>,
      %get3A_313 = vector.shape_cast %get3A_312 : vector<1x16xf32> to vector<16xf32>
      %swap3A = arith.constant 1 : i32
      %swap3A_314 = arith.index_cast %swap3A : i32 to index
      %swap3A_315 = arith.index_cast %scan3A_309 : i32 to index
      %swap3A_316 = arith.constant 0 : index
      %swap3A_317 = tpu.vector_load %arg8[%swap3A_314, %swap3A_315, %swap3A_316] {strides = array<i32>} : memref<4x100x128xf32, #tpu.memory_space<vmem>>, vector<1x1x16xf32>,
      %swap3A_318 = vector.shape_cast %swap3A_317 : vector<1x1x16xf32> to vector<16xf32>
      %swap3A_319 = vector.shape_cast %get3A_313 : vector<16xf32> to vector<1x1x16xf32>
      tpu.vector_store %arg8[%swap3A_314, %swap3A_315, %swap3A_316], %swap3A_319 {add = true, strides = array<i32>} : memref<4x100x128xf32, #tpu.memory_space<vmem>>, vector<1x1x16xf32>,
      %add3A_320 = arith.addi %mul3A_103, %scan3A_309 : i32
      %get3A_321 = arith.index_cast %add3A_320 : i32 to index
      %get3A_322 = arith.constant 16 : index
      %get3A_323 = tpu.vector_load %arg7[%get3A_321, %get3A_322] {strides = array<i32>} : memref<200x128xf32, #tpu.memory_space<vmem>>, vector<1x16xf32>,
      %get3A_324 = vector.shape_cast %get3A_323 : vector<1x16xf32> to vector<16xf32>
      %swap3A_325 = arith.constant 1 : i32
      %swap3A_326 = arith.index_cast %swap3A_325 : i32 to index
      %swap3A_327 = arith.index_cast %scan3A_309 : i32 to index
      %swap3A_328 = arith.constant 16 : index
      %swap3A_329 = tpu.vector_load %arg8[%swap3A_326, %swap3A_327, %swap3A_328] {strides = array<i32>} : memref<4x100x128xf32, #tpu.memory_space<vmem>>, vector<1x1x16xf32>,
      %swap3A_330 = vector.shape_cast %swap3A_329 : vector<1x1x16xf32> to vector<16xf32>
      %swap3A_331 = vector.shape_cast %get3A_324 : vector<16xf32> to vector<1x1x16xf32>
      tpu.vector_store %arg8[%swap3A_326, %swap3A_327, %swap3A_328], %swap3A_331 {add = true, strides = array<i32>} : memref<4x100x128xf32, #tpu.memory_space<vmem>>, vector<1x1x16xf32>,
      %add3A_332 = arith.addi %mul3A_103, %scan3A_309 : i32
      %get3A_333 = arith.index_cast %add3A_332 : i32 to index
      %get3A_334 = arith.constant 32 : index
      %get3A_335 = tpu.vector_load %arg7[%get3A_333, %get3A_334] {strides = array<i32>} : memref<200x128xf32, #tpu.memory_space<vmem>>, vector<1x16xf32>,
      %get3A_336 = vector.shape_cast %get3A_335 : vector<1x16xf32> to vector<16xf32>
      %swap3A_337 = arith.constant 1 : i32
      %swap3A_338 = arith.index_cast %swap3A_337 : i32 to index
      %swap3A_339 = arith.index_cast %scan3A_309 : i32 to index
      %swap3A_340 = arith.constant 32 : index
      %swap3A_341 = tpu.vector_load %arg8[%swap3A_338, %swap3A_339, %swap3A_340] {strides = array<i32>} : memref<4x100x128xf32, #tpu.memory_space<vmem>>, vector<1x1x16xf32>,
      %swap3A_342 = vector.shape_cast %swap3A_341 : vector<1x1x16xf32> to vector<16xf32>
      %swap3A_343 = vector.shape_cast %get3A_336 : vector<16xf32> to vector<1x1x16xf32>
      tpu.vector_store %arg8[%swap3A_338, %swap3A_339, %swap3A_340], %swap3A_343 {add = true, strides = array<i32>} : memref<4x100x128xf32, #tpu.memory_space<vmem>>, vector<1x1x16xf32>,
      %add3A_344 = arith.addi %mul3A_103, %scan3A_309 : i32
      %get3A_345 = arith.index_cast %add3A_344 : i32 to index
      %get3A_346 = arith.constant 48 : index
      %get3A_347 = tpu.vector_load %arg7[%get3A_345, %get3A_346] {strides = array<i32>} : memref<200x128xf32, #tpu.memory_space<vmem>>, vector<1x16xf32>,
      %get3A_348 = vector.shape_cast %get3A_347 : vector<1x16xf32> to vector<16xf32>
      %swap3A_349 = arith.constant 1 : i32
      %swap3A_350 = arith.index_cast %swap3A_349 : i32 to index
      %swap3A_351 = arith.index_cast %scan3A_309 : i32 to index
      %swap3A_352 = arith.constant 48 : index
      %swap3A_353 = tpu.vector_load %arg8[%swap3A_350, %swap3A_351, %swap3A_352] {strides = array<i32>} : memref<4x100x128xf32, #tpu.memory_space<vmem>>, vector<1x1x16xf32>,
      %swap3A_354 = vector.shape_cast %swap3A_353 : vector<1x1x16xf32> to vector<16xf32>
      %swap3A_355 = vector.shape_cast %get3A_348 : vector<16xf32> to vector<1x1x16xf32>
      tpu.vector_store %arg8[%swap3A_350, %swap3A_351, %swap3A_352], %swap3A_355 {add = true, strides = array<i32>} : memref<4x100x128xf32, #tpu.memory_space<vmem>>, vector<1x1x16xf32>,
      %add3A_356 = arith.addi %mul3A_103, %scan3A_309 : i32
      %get3A_357 = arith.index_cast %add3A_356 : i32 to index
      %get3A_358 = arith.constant 64 : index
      %get3A_359 = tpu.vector_load %arg7[%get3A_357, %get3A_358] {strides = array<i32>} : memref<200x128xf32, #tpu.memory_space<vmem>>, vector<1x16xf32>,
      %get3A_360 = vector.shape_cast %get3A_359 : vector<1x16xf32> to vector<16xf32>
      %swap3A_361 = arith.constant 1 : i32
      %swap3A_362 = arith.index_cast %swap3A_361 : i32 to index
      %swap3A_363 = arith.index_cast %scan3A_309 : i32 to index
      %swap3A_364 = arith.constant 64 : index
      %swap3A_365 = tpu.vector_load %arg8[%swap3A_362, %swap3A_363, %swap3A_364] {strides = array<i32>} : memref<4x100x128xf32, #tpu.memory_space<vmem>>, vector<1x1x16xf32>,
      %swap3A_366 = vector.shape_cast %swap3A_365 : vector<1x1x16xf32> to vector<16xf32>
      %swap3A_367 = vector.shape_cast %get3A_360 : vector<16xf32> to vector<1x1x16xf32>
      tpu.vector_store %arg8[%swap3A_362, %swap3A_363, %swap3A_364], %swap3A_367 {add = true, strides = array<i32>} : memref<4x100x128xf32, #tpu.memory_space<vmem>>, vector<1x1x16xf32>,
      %add3A_368 = arith.addi %mul3A_103, %scan3A_309 : i32
      %get3A_369 = arith.index_cast %add3A_368 : i32 to index
      %get3A_370 = arith.constant 80 : index
      %get3A_371 = tpu.vector_load %arg7[%get3A_369, %get3A_370] {strides = array<i32>} : memref<200x128xf32, #tpu.memory_space<vmem>>, vector<1x16xf32>,
      %get3A_372 = vector.shape_cast %get3A_371 : vector<1x16xf32> to vector<16xf32>
      %swap3A_373 = arith.constant 1 : i32
      %swap3A_374 = arith.index_cast %swap3A_373 : i32 to index
      %swap3A_375 = arith.index_cast %scan3A_309 : i32 to index
      %swap3A_376 = arith.constant 80 : index
      %swap3A_377 = tpu.vector_load %arg8[%swap3A_374, %swap3A_375, %swap3A_376] {strides = array<i32>} : memref<4x100x128xf32, #tpu.memory_space<vmem>>, vector<1x1x16xf32>,
      %swap3A_378 = vector.shape_cast %swap3A_377 : vector<1x1x16xf32> to vector<16xf32>
      %swap3A_379 = vector.shape_cast %get3A_372 : vector<16xf32> to vector<1x1x16xf32>
      tpu.vector_store %arg8[%swap3A_374, %swap3A_375, %swap3A_376], %swap3A_379 {add = true, strides = array<i32>} : memref<4x100x128xf32, #tpu.memory_space<vmem>>, vector<1x1x16xf32>,
      %add3A_380 = arith.addi %mul3A_103, %scan3A_309 : i32
      %get3A_381 = arith.index_cast %add3A_380 : i32 to index
      %get3A_382 = arith.constant 96 : index
      %get3A_383 = tpu.vector_load %arg7[%get3A_381, %get3A_382] {strides = array<i32>} : memref<200x128xf32, #tpu.memory_space<vmem>>, vector<1x16xf32>,
      %get3A_384 = vector.shape_cast %get3A_383 : vector<1x16xf32> to vector<16xf32>
      %swap3A_385 = arith.constant 1 : i32
      %swap3A_386 = arith.index_cast %swap3A_385 : i32 to index
      %swap3A_387 = arith.index_cast %scan3A_309 : i32 to index
      %swap3A_388 = arith.constant 96 : index
      %swap3A_389 = tpu.vector_load %arg8[%swap3A_386, %swap3A_387, %swap3A_388] {strides = array<i32>} : memref<4x100x128xf32, #tpu.memory_space<vmem>>, vector<1x1x16xf32>,
      %swap3A_390 = vector.shape_cast %swap3A_389 : vector<1x1x16xf32> to vector<16xf32>
      %swap3A_391 = vector.shape_cast %get3A_384 : vector<16xf32> to vector<1x1x16xf32>
      tpu.vector_store %arg8[%swap3A_386, %swap3A_387, %swap3A_388], %swap3A_391 {add = true, strides = array<i32>} : memref<4x100x128xf32, #tpu.memory_space<vmem>>, vector<1x1x16xf32>,
      %add3A_392 = arith.addi %mul3A_103, %scan3A_309 : i32
      %get3A_393 = arith.index_cast %add3A_392 : i32 to index
      %get3A_394 = arith.constant 112 : index
      %get3A_395 = tpu.vector_load %arg7[%get3A_393, %get3A_394] {strides = array<i32>} : memref<200x128xf32, #tpu.memory_space<vmem>>, vector<1x16xf32>,
      %get3A_396 = vector.shape_cast %get3A_395 : vector<1x16xf32> to vector<16xf32>
      %swap3A_397 = arith.constant 1 : i32
      %swap3A_398 = arith.index_cast %swap3A_397 : i32 to index
      %swap3A_399 = arith.index_cast %scan3A_309 : i32 to index
      %swap3A_400 = arith.constant 112 : index
      %swap3A_401 = tpu.vector_load %arg8[%swap3A_398, %swap3A_399, %swap3A_400] {strides = array<i32>} : memref<4x100x128xf32, #tpu.memory_space<vmem>>, vector<1x1x16xf32>,
      %swap3A_402 = vector.shape_cast %swap3A_401 : vector<1x1x16xf32> to vector<16xf32>
      %swap3A_403 = vector.shape_cast %get3A_396 : vector<16xf32> to vector<1x1x16xf32>
      tpu.vector_store %arg8[%swap3A_398, %swap3A_399, %swap3A_400], %swap3A_403 {add = true, strides = array<i32>} : memref<4x100x128xf32, #tpu.memory_space<vmem>>, vector<1x1x16xf32>,
      %scan3A_404 = arith.constant 1 : i32
      %scan3A_405 = arith.addi %scan3A_309, %scan3A_404 : i32
      %add3A_406 = arith.addi %mul3A_103, %scan3A_405 : i32
      %get3A_407 = arith.index_cast %add3A_406 : i32 to index
      %get3A_408 = arith.constant 0 : index
      %get3A_409 = tpu.vector_load %arg7[%get3A_407, %get3A_408] {strides = array<i32>} : memref<200x128xf32, #tpu.memory_space<vmem>>, vector<1x16xf32>,
      %get3A_410 = vector.shape_cast %get3A_409 : vector<1x16xf32> to vector<16xf32>
      %swap3A_411 = arith.constant 1 : i32
      %swap3A_412 = arith.index_cast %swap3A_411 : i32 to index
      %swap3A_413 = arith.index_cast %scan3A_405 : i32 to index
      %swap3A_414 = arith.constant 0 : index
      %swap3A_415 = tpu.vector_load %arg8[%swap3A_412, %swap3A_413, %swap3A_414] {strides = array<i32>} : memref<4x100x128xf32, #tpu.memory_space<vmem>>, vector<1x1x16xf32>,
      %swap3A_416 = vector.shape_cast %swap3A_415 : vector<1x1x16xf32> to vector<16xf32>
      %swap3A_417 = vector.shape_cast %get3A_410 : vector<16xf32> to vector<1x1x16xf32>
      tpu.vector_store %arg8[%swap3A_412, %swap3A_413, %swap3A_414], %swap3A_417 {add = true, strides = array<i32>} : memref<4x100x128xf32, #tpu.memory_space<vmem>>, vector<1x1x16xf32>,
      %add3A_418 = arith.addi %mul3A_103, %scan3A_405 : i32
      %get3A_419 = arith.index_cast %add3A_418 : i32 to index
      %get3A_420 = arith.constant 16 : index
      %get3A_421 = tpu.vector_load %arg7[%get3A_419, %get3A_420] {strides = array<i32>} : memref<200x128xf32, #tpu.memory_space<vmem>>, vector<1x16xf32>,
      %get3A_422 = vector.shape_cast %get3A_421 : vector<1x16xf32> to vector<16xf32>
      %swap3A_423 = arith.constant 1 : i32
      %swap3A_424 = arith.index_cast %swap3A_423 : i32 to index
      %swap3A_425 = arith.index_cast %scan3A_405 : i32 to index
      %swap3A_426 = arith.constant 16 : index
      %swap3A_427 = tpu.vector_load %arg8[%swap3A_424, %swap3A_425, %swap3A_426] {strides = array<i32>} : memref<4x100x128xf32, #tpu.memory_space<vmem>>, vector<1x1x16xf32>,
      %swap3A_428 = vector.shape_cast %swap3A_427 : vector<1x1x16xf32> to vector<16xf32>
      %swap3A_429 = vector.shape_cast %get3A_422 : vector<16xf32> to vector<1x1x16xf32>
      tpu.vector_store %arg8[%swap3A_424, %swap3A_425, %swap3A_426], %swap3A_429 {add = true, strides = array<i32>} : memref<4x100x128xf32, #tpu.memory_space<vmem>>, vector<1x1x16xf32>,
      %add3A_430 = arith.addi %mul3A_103, %scan3A_405 : i32
      %get3A_431 = arith.index_cast %add3A_430 : i32 to index
      %get3A_432 = arith.constant 32 : index
      %get3A_433 = tpu.vector_load %arg7[%get3A_431, %get3A_432] {strides = array<i32>} : memref<200x128xf32, #tpu.memory_space<vmem>>, vector<1x16xf32>,
      %get3A_434 = vector.shape_cast %get3A_433 : vector<1x16xf32> to vector<16xf32>
      %swap3A_435 = arith.constant 1 : i32
      %swap3A_436 = arith.index_cast %swap3A_435 : i32 to index
      %swap3A_437 = arith.index_cast %scan3A_405 : i32 to index
      %swap3A_438 = arith.constant 32 : index
      %swap3A_439 = tpu.vector_load %arg8[%swap3A_436, %swap3A_437, %swap3A_438] {strides = array<i32>} : memref<4x100x128xf32, #tpu.memory_space<vmem>>, vector<1x1x16xf32>,
      %swap3A_440 = vector.shape_cast %swap3A_439 : vector<1x1x16xf32> to vector<16xf32>
      %swap3A_441 = vector.shape_cast %get3A_434 : vector<16xf32> to vector<1x1x16xf32>
      tpu.vector_store %arg8[%swap3A_436, %swap3A_437, %swap3A_438], %swap3A_441 {add = true, strides = array<i32>} : memref<4x100x128xf32, #tpu.memory_space<vmem>>, vector<1x1x16xf32>,
      %add3A_442 = arith.addi %mul3A_103, %scan3A_405 : i32
      %get3A_443 = arith.index_cast %add3A_442 : i32 to index
      %get3A_444 = arith.constant 48 : index
      %get3A_445 = tpu.vector_load %arg7[%get3A_443, %get3A_444] {strides = array<i32>} : memref<200x128xf32, #tpu.memory_space<vmem>>, vector<1x16xf32>,
      %get3A_446 = vector.shape_cast %get3A_445 : vector<1x16xf32> to vector<16xf32>
      %swap3A_447 = arith.constant 1 : i32
      %swap3A_448 = arith.index_cast %swap3A_447 : i32 to index
      %swap3A_449 = arith.index_cast %scan3A_405 : i32 to index
      %swap3A_450 = arith.constant 48 : index
      %swap3A_451 = tpu.vector_load %arg8[%swap3A_448, %swap3A_449, %swap3A_450] {strides = array<i32>} : memref<4x100x128xf32, #tpu.memory_space<vmem>>, vector<1x1x16xf32>,
      %swap3A_452 = vector.shape_cast %swap3A_451 : vector<1x1x16xf32> to vector<16xf32>
      %swap3A_453 = vector.shape_cast %get3A_446 : vector<16xf32> to vector<1x1x16xf32>
      tpu.vector_store %arg8[%swap3A_448, %swap3A_449, %swap3A_450], %swap3A_453 {add = true, strides = array<i32>} : memref<4x100x128xf32, #tpu.memory_space<vmem>>, vector<1x1x16xf32>,
      %add3A_454 = arith.addi %mul3A_103, %scan3A_405 : i32
      %get3A_455 = arith.index_cast %add3A_454 : i32 to index
      %get3A_456 = arith.constant 64 : index
      %get3A_457 = tpu.vector_load %arg7[%get3A_455, %get3A_456] {strides = array<i32>} : memref<200x128xf32, #tpu.memory_space<vmem>>, vector<1x16xf32>,
      %get3A_458 = vector.shape_cast %get3A_457 : vector<1x16xf32> to vector<16xf32>
      %swap3A_459 = arith.constant 1 : i32
      %swap3A_460 = arith.index_cast %swap3A_459 : i32 to index
      %swap3A_461 = arith.index_cast %scan3A_405 : i32 to index
      %swap3A_462 = arith.constant 64 : index
      %swap3A_463 = tpu.vector_load %arg8[%swap3A_460, %swap3A_461, %swap3A_462] {strides = array<i32>} : memref<4x100x128xf32, #tpu.memory_space<vmem>>, vector<1x1x16xf32>,
      %swap3A_464 = vector.shape_cast %swap3A_463 : vector<1x1x16xf32> to vector<16xf32>
      %swap3A_465 = vector.shape_cast %get3A_458 : vector<16xf32> to vector<1x1x16xf32>
      tpu.vector_store %arg8[%swap3A_460, %swap3A_461, %swap3A_462], %swap3A_465 {add = true, strides = array<i32>} : memref<4x100x128xf32, #tpu.memory_space<vmem>>, vector<1x1x16xf32>,
      %add3A_466 = arith.addi %mul3A_103, %scan3A_405 : i32
      %get3A_467 = arith.index_cast %add3A_466 : i32 to index
      %get3A_468 = arith.constant 80 : index
      %get3A_469 = tpu.vector_load %arg7[%get3A_467, %get3A_468] {strides = array<i32>} : memref<200x128xf32, #tpu.memory_space<vmem>>, vector<1x16xf32>,
      %get3A_470 = vector.shape_cast %get3A_469 : vector<1x16xf32> to vector<16xf32>
      %swap3A_471 = arith.constant 1 : i32
      %swap3A_472 = arith.index_cast %swap3A_471 : i32 to index
      %swap3A_473 = arith.index_cast %scan3A_405 : i32 to index
      %swap3A_474 = arith.constant 80 : index
      %swap3A_475 = tpu.vector_load %arg8[%swap3A_472, %swap3A_473, %swap3A_474] {strides = array<i32>} : memref<4x100x128xf32, #tpu.memory_space<vmem>>, vector<1x1x16xf32>,
      %swap3A_476 = vector.shape_cast %swap3A_475 : vector<1x1x16xf32> to vector<16xf32>
      %swap3A_477 = vector.shape_cast %get3A_470 : vector<16xf32> to vector<1x1x16xf32>
      tpu.vector_store %arg8[%swap3A_472, %swap3A_473, %swap3A_474], %swap3A_477 {add = true, strides = array<i32>} : memref<4x100x128xf32, #tpu.memory_space<vmem>>, vector<1x1x16xf32>,
      %add3A_478 = arith.addi %mul3A_103, %scan3A_405 : i32
      %get3A_479 = arith.index_cast %add3A_478 : i32 to index
      %get3A_480 = arith.constant 96 : index
      %get3A_481 = tpu.vector_load %arg7[%get3A_479, %get3A_480] {strides = array<i32>} : memref<200x128xf32, #tpu.memory_space<vmem>>, vector<1x16xf32>,
      %get3A_482 = vector.shape_cast %get3A_481 : vector<1x16xf32> to vector<16xf32>
      %swap3A_483 = arith.constant 1 : i32
      %swap3A_484 = arith.index_cast %swap3A_483 : i32 to index
      %swap3A_485 = arith.index_cast %scan3A_405 : i32 to index
      %swap3A_486 = arith.constant 96 : index
      %swap3A_487 = tpu.vector_load %arg8[%swap3A_484, %swap3A_485, %swap3A_486] {strides = array<i32>} : memref<4x100x128xf32, #tpu.memory_space<vmem>>, vector<1x1x16xf32>,
      %swap3A_488 = vector.shape_cast %swap3A_487 : vector<1x1x16xf32> to vector<16xf32>
      %swap3A_489 = vector.shape_cast %get3A_482 : vector<16xf32> to vector<1x1x16xf32>
      tpu.vector_store %arg8[%swap3A_484, %swap3A_485, %swap3A_486], %swap3A_489 {add = true, strides = array<i32>} : memref<4x100x128xf32, #tpu.memory_space<vmem>>, vector<1x1x16xf32>,
      %add3A_490 = arith.addi %mul3A_103, %scan3A_405 : i32
      %get3A_491 = arith.index_cast %add3A_490 : i32 to index
      %get3A_492 = arith.constant 112 : index
      %get3A_493 = tpu.vector_load %arg7[%get3A_491, %get3A_492] {strides = array<i32>} : memref<200x128xf32, #tpu.memory_space<vmem>>, vector<1x16xf32>,
      %get3A_494 = vector.shape_cast %get3A_493 : vector<1x16xf32> to vector<16xf32>
      %swap3A_495 = arith.constant 1 : i32
      %swap3A_496 = arith.index_cast %swap3A_495 : i32 to index
      %swap3A_497 = arith.index_cast %scan3A_405 : i32 to index
      %swap3A_498 = arith.constant 112 : index
      %swap3A_499 = tpu.vector_load %arg8[%swap3A_496, %swap3A_497, %swap3A_498] {strides = array<i32>} : memref<4x100x128xf32, #tpu.memory_space<vmem>>, vector<1x1x16xf32>,
      %swap3A_500 = vector.shape_cast %swap3A_499 : vector<1x1x16xf32> to vector<16xf32>
      %swap3A_501 = vector.shape_cast %get3A_494 : vector<16xf32> to vector<1x1x16xf32>
      tpu.vector_store %arg8[%swap3A_496, %swap3A_497, %swap3A_498], %swap3A_501 {add = true, strides = array<i32>} : memref<4x100x128xf32, #tpu.memory_space<vmem>>, vector<1x1x16xf32>,
      %scan3A_502 = arith.constant 2 : i32
      %scan3A_503 = arith.addi %scan3A_309, %scan3A_502 : i32
      %add3A_504 = arith.addi %mul3A_103, %scan3A_503 : i32
      %get3A_505 = arith.index_cast %add3A_504 : i32 to index
      %get3A_506 = arith.constant 0 : index
      %get3A_507 = tpu.vector_load %arg7[%get3A_505, %get3A_506] {strides = array<i32>} : memref<200x128xf32, #tpu.memory_space<vmem>>, vector<1x16xf32>,
      %get3A_508 = vector.shape_cast %get3A_507 : vector<1x16xf32> to vector<16xf32>
      %swap3A_509 = arith.constant 1 : i32
      %swap3A_510 = arith.index_cast %swap3A_509 : i32 to index
      %swap3A_511 = arith.index_cast %scan3A_503 : i32 to index
      %swap3A_512 = arith.constant 0 : index
      %swap3A_513 = tpu.vector_load %arg8[%swap3A_510, %swap3A_511, %swap3A_512] {strides = array<i32>} : memref<4x100x128xf32, #tpu.memory_space<vmem>>, vector<1x1x16xf32>,
      %swap3A_514 = vector.shape_cast %swap3A_513 : vector<1x1x16xf32> to vector<16xf32>
      %swap3A_515 = vector.shape_cast %get3A_508 : vector<16xf32> to vector<1x1x16xf32>
      tpu.vector_store %arg8[%swap3A_510, %swap3A_511, %swap3A_512], %swap3A_515 {add = true, strides = array<i32>} : memref<4x100x128xf32, #tpu.memory_space<vmem>>, vector<1x1x16xf32>,
      %add3A_516 = arith.addi %mul3A_103, %scan3A_503 : i32
      %get3A_517 = arith.index_cast %add3A_516 : i32 to index
      %get3A_518 = arith.constant 16 : index
      %get3A_519 = tpu.vector_load %arg7[%get3A_517, %get3A_518] {strides = array<i32>} : memref<200x128xf32, #tpu.memory_space<vmem>>, vector<1x16xf32>,
      %get3A_520 = vector.shape_cast %get3A_519 : vector<1x16xf32> to vector<16xf32>
      %swap3A_521 = arith.constant 1 : i32
      %swap3A_522 = arith.index_cast %swap3A_521 : i32 to index
      %swap3A_523 = arith.index_cast %scan3A_503 : i32 to index
      %swap3A_524 = arith.constant 16 : index
      %swap3A_525 = tpu.vector_load %arg8[%swap3A_522, %swap3A_523, %swap3A_524] {strides = array<i32>} : memref<4x100x128xf32, #tpu.memory_space<vmem>>, vector<1x1x16xf32>,
      %swap3A_526 = vector.shape_cast %swap3A_525 : vector<1x1x16xf32> to vector<16xf32>
      %swap3A_527 = vector.shape_cast %get3A_520 : vector<16xf32> to vector<1x1x16xf32>
      tpu.vector_store %arg8[%swap3A_522, %swap3A_523, %swap3A_524], %swap3A_527 {add = true, strides = array<i32>} : memref<4x100x128xf32, #tpu.memory_space<vmem>>, vector<1x1x16xf32>,
      %add3A_528 = arith.addi %mul3A_103, %scan3A_503 : i32
      %get3A_529 = arith.index_cast %add3A_528 : i32 to index
      %get3A_530 = arith.constant 32 : index
      %get3A_531 = tpu.vector_load %arg7[%get3A_529, %get3A_530] {strides = array<i32>} : memref<200x128xf32, #tpu.memory_space<vmem>>, vector<1x16xf32>,
      %get3A_532 = vector.shape_cast %get3A_531 : vector<1x16xf32> to vector<16xf32>
      %swap3A_533 = arith.constant 1 : i32
      %swap3A_534 = arith.index_cast %swap3A_533 : i32 to index
      %swap3A_535 = arith.index_cast %scan3A_503 : i32 to index
      %swap3A_536 = arith.constant 32 : index
      %swap3A_537 = tpu.vector_load %arg8[%swap3A_534, %swap3A_535, %swap3A_536] {strides = array<i32>} : memref<4x100x128xf32, #tpu.memory_space<vmem>>, vector<1x1x16xf32>,
      %swap3A_538 = vector.shape_cast %swap3A_537 : vector<1x1x16xf32> to vector<16xf32>
      %swap3A_539 = vector.shape_cast %get3A_532 : vector<16xf32> to vector<1x1x16xf32>
      tpu.vector_store %arg8[%swap3A_534, %swap3A_535, %swap3A_536], %swap3A_539 {add = true, strides = array<i32>} : memref<4x100x128xf32, #tpu.memory_space<vmem>>, vector<1x1x16xf32>,
      %add3A_540 = arith.addi %mul3A_103, %scan3A_503 : i32
      %get3A_541 = arith.index_cast %add3A_540 : i32 to index
      %get3A_542 = arith.constant 48 : index
      %get3A_543 = tpu.vector_load %arg7[%get3A_541, %get3A_542] {strides = array<i32>} : memref<200x128xf32, #tpu.memory_space<vmem>>, vector<1x16xf32>,
      %get3A_544 = vector.shape_cast %get3A_543 : vector<1x16xf32> to vector<16xf32>
      %swap3A_545 = arith.constant 1 : i32
      %swap3A_546 = arith.index_cast %swap3A_545 : i32 to index
      %swap3A_547 = arith.index_cast %scan3A_503 : i32 to index
      %swap3A_548 = arith.constant 48 : index
      %swap3A_549 = tpu.vector_load %arg8[%swap3A_546, %swap3A_547, %swap3A_548] {strides = array<i32>} : memref<4x100x128xf32, #tpu.memory_space<vmem>>, vector<1x1x16xf32>,
      %swap3A_550 = vector.shape_cast %swap3A_549 : vector<1x1x16xf32> to vector<16xf32>
      %swap3A_551 = vector.shape_cast %get3A_544 : vector<16xf32> to vector<1x1x16xf32>
      tpu.vector_store %arg8[%swap3A_546, %swap3A_547, %swap3A_548], %swap3A_551 {add = true, strides = array<i32>} : memref<4x100x128xf32, #tpu.memory_space<vmem>>, vector<1x1x16xf32>,
      %add3A_552 = arith.addi %mul3A_103, %scan3A_503 : i32
      %get3A_553 = arith.index_cast %add3A_552 : i32 to index
      %get3A_554 = arith.constant 64 : index
      %get3A_555 = tpu.vector_load %arg7[%get3A_553, %get3A_554] {strides = array<i32>} : memref<200x128xf32, #tpu.memory_space<vmem>>, vector<1x16xf32>,
      %get3A_556 = vector.shape_cast %get3A_555 : vector<1x16xf32> to vector<16xf32>
      %swap3A_557 = arith.constant 1 : i32
      %swap3A_558 = arith.index_cast %swap3A_557 : i32 to index
      %swap3A_559 = arith.index_cast %scan3A_503 : i32 to index
      %swap3A_560 = arith.constant 64 : index
      %swap3A_561 = tpu.vector_load %arg8[%swap3A_558, %swap3A_559, %swap3A_560] {strides = array<i32>} : memref<4x100x128xf32, #tpu.memory_space<vmem>>, vector<1x1x16xf32>,
      %swap3A_562 = vector.shape_cast %swap3A_561 : vector<1x1x16xf32> to vector<16xf32>
      %swap3A_563 = vector.shape_cast %get3A_556 : vector<16xf32> to vector<1x1x16xf32>
      tpu.vector_store %arg8[%swap3A_558, %swap3A_559, %swap3A_560], %swap3A_563 {add = true, strides = array<i32>} : memref<4x100x128xf32, #tpu.memory_space<vmem>>, vector<1x1x16xf32>,
      %add3A_564 = arith.addi %mul3A_103, %scan3A_503 : i32
      %get3A_565 = arith.index_cast %add3A_564 : i32 to index
      %get3A_566 = arith.constant 80 : index
      %get3A_567 = tpu.vector_load %arg7[%get3A_565, %get3A_566] {strides = array<i32>} : memref<200x128xf32, #tpu.memory_space<vmem>>, vector<1x16xf32>,
      %get3A_568 = vector.shape_cast %get3A_567 : vector<1x16xf32> to vector<16xf32>
      %swap3A_569 = arith.constant 1 : i32
      %swap3A_570 = arith.index_cast %swap3A_569 : i32 to index
      %swap3A_571 = arith.index_cast %scan3A_503 : i32 to index
      %swap3A_572 = arith.constant 80 : index
      %swap3A_573 = tpu.vector_load %arg8[%swap3A_570, %swap3A_571, %swap3A_572] {strides = array<i32>} : memref<4x100x128xf32, #tpu.memory_space<vmem>>, vector<1x1x16xf32>,
      %swap3A_574 = vector.shape_cast %swap3A_573 : vector<1x1x16xf32> to vector<16xf32>
      %swap3A_575 = vector.shape_cast %get3A_568 : vector<16xf32> to vector<1x1x16xf32>
      tpu.vector_store %arg8[%swap3A_570, %swap3A_571, %swap3A_572], %swap3A_575 {add = true, strides = array<i32>} : memref<4x100x128xf32, #tpu.memory_space<vmem>>, vector<1x1x16xf32>,
      %add3A_576 = arith.addi %mul3A_103, %scan3A_503 : i32
      %get3A_577 = arith.index_cast %add3A_576 : i32 to index
      %get3A_578 = arith.constant 96 : index
      %get3A_579 = tpu.vector_load %arg7[%get3A_577, %get3A_578] {strides = array<i32>} : memref<200x128xf32, #tpu.memory_space<vmem>>, vector<1x16xf32>,
      %get3A_580 = vector.shape_cast %get3A_579 : vector<1x16xf32> to vector<16xf32>
      %swap3A_581 = arith.constant 1 : i32
      %swap3A_582 = arith.index_cast %swap3A_581 : i32 to index
      %swap3A_583 = arith.index_cast %scan3A_503 : i32 to index
      %swap3A_584 = arith.constant 96 : index
      %swap3A_585 = tpu.vector_load %arg8[%swap3A_582, %swap3A_583, %swap3A_584] {strides = array<i32>} : memref<4x100x128xf32, #tpu.memory_space<vmem>>, vector<1x1x16xf32>,
      %swap3A_586 = vector.shape_cast %swap3A_585 : vector<1x1x16xf32> to vector<16xf32>
      %swap3A_587 = vector.shape_cast %get3A_580 : vector<16xf32> to vector<1x1x16xf32>
      tpu.vector_store %arg8[%swap3A_582, %swap3A_583, %swap3A_584], %swap3A_587 {add = true, strides = array<i32>} : memref<4x100x128xf32, #tpu.memory_space<vmem>>, vector<1x1x16xf32>,
      %add3A_588 = arith.addi %mul3A_103, %scan3A_503 : i32
      %get3A_589 = arith.index_cast %add3A_588 : i32 to index
      %get3A_590 = arith.constant 112 : index
      %get3A_591 = tpu.vector_load %arg7[%get3A_589, %get3A_590] {strides = array<i32>} : memref<200x128xf32, #tpu.memory_space<vmem>>, vector<1x16xf32>,
      %get3A_592 = vector.shape_cast %get3A_591 : vector<1x16xf32> to vector<16xf32>
      %swap3A_593 = arith.constant 1 : i32
      %swap3A_594 = arith.index_cast %swap3A_593 : i32 to index
      %swap3A_595 = arith.index_cast %scan3A_503 : i32 to index
      %swap3A_596 = arith.constant 112 : index
      %swap3A_597 = tpu.vector_load %arg8[%swap3A_594, %swap3A_595, %swap3A_596] {strides = array<i32>} : memref<4x100x128xf32, #tpu.memory_space<vmem>>, vector<1x1x16xf32>,
      %swap3A_598 = vector.shape_cast %swap3A_597 : vector<1x1x16xf32> to vector<16xf32>
      %swap3A_599 = vector.shape_cast %get3A_592 : vector<16xf32> to vector<1x1x16xf32>
      tpu.vector_store %arg8[%swap3A_594, %swap3A_595, %swap3A_596], %swap3A_599 {add = true, strides = array<i32>} : memref<4x100x128xf32, #tpu.memory_space<vmem>>, vector<1x1x16xf32>,
      %scan3A_600 = arith.constant 3 : i32
      %scan3A_601 = arith.addi %scan3A_309, %scan3A_600 : i32
      %add3A_602 = arith.addi %mul3A_103, %scan3A_601 : i32
      %get3A_603 = arith.index_cast %add3A_602 : i32 to index
      %get3A_604 = arith.constant 0 : index
      %get3A_605 = tpu.vector_load %arg7[%get3A_603, %get3A_604] {strides = array<i32>} : memref<200x128xf32, #tpu.memory_space<vmem>>, vector<1x16xf32>,
      %get3A_606 = vector.shape_cast %get3A_605 : vector<1x16xf32> to vector<16xf32>
      %swap3A_607 = arith.constant 1 : i32
      %swap3A_608 = arith.index_cast %swap3A_607 : i32 to index
      %swap3A_609 = arith.index_cast %scan3A_601 : i32 to index
      %swap3A_610 = arith.constant 0 : index
      %swap3A_611 = tpu.vector_load %arg8[%swap3A_608, %swap3A_609, %swap3A_610] {strides = array<i32>} : memref<4x100x128xf32, #tpu.memory_space<vmem>>, vector<1x1x16xf32>,
      %swap3A_612 = vector.shape_cast %swap3A_611 : vector<1x1x16xf32> to vector<16xf32>
      %swap3A_613 = vector.shape_cast %get3A_606 : vector<16xf32> to vector<1x1x16xf32>
      tpu.vector_store %arg8[%swap3A_608, %swap3A_609, %swap3A_610], %swap3A_613 {add = true, strides = array<i32>} : memref<4x100x128xf32, #tpu.memory_space<vmem>>, vector<1x1x16xf32>,
      %add3A_614 = arith.addi %mul3A_103, %scan3A_601 : i32
      %get3A_615 = arith.index_cast %add3A_614 : i32 to index
      %get3A_616 = arith.constant 16 : index
      %get3A_617 = tpu.vector_load %arg7[%get3A_615, %get3A_616] {strides = array<i32>} : memref<200x128xf32, #tpu.memory_space<vmem>>, vector<1x16xf32>,
      %get3A_618 = vector.shape_cast %get3A_617 : vector<1x16xf32> to vector<16xf32>
      %swap3A_619 = arith.constant 1 : i32
      %swap3A_620 = arith.index_cast %swap3A_619 : i32 to index
      %swap3A_621 = arith.index_cast %scan3A_601 : i32 to index
      %swap3A_622 = arith.constant 16 : index
      %swap3A_623 = tpu.vector_load %arg8[%swap3A_620, %swap3A_621, %swap3A_622] {strides = array<i32>} : memref<4x100x128xf32, #tpu.memory_space<vmem>>, vector<1x1x16xf32>,
      %swap3A_624 = vector.shape_cast %swap3A_623 : vector<1x1x16xf32> to vector<16xf32>
      %swap3A_625 = vector.shape_cast %get3A_618 : vector<16xf32> to vector<1x1x16xf32>
      tpu.vector_store %arg8[%swap3A_620, %swap3A_621, %swap3A_622], %swap3A_625 {add = true, strides = array<i32>} : memref<4x100x128xf32, #tpu.memory_space<vmem>>, vector<1x1x16xf32>,
      %add3A_626 = arith.addi %mul3A_103, %scan3A_601 : i32
      %get3A_627 = arith.index_cast %add3A_626 : i32 to index
      %get3A_628 = arith.constant 32 : index
      %get3A_629 = tpu.vector_load %arg7[%get3A_627, %get3A_628] {strides = array<i32>} : memref<200x128xf32, #tpu.memory_space<vmem>>, vector<1x16xf32>,
      %get3A_630 = vector.shape_cast %get3A_629 : vector<1x16xf32> to vector<16xf32>
      %swap3A_631 = arith.constant 1 : i32
      %swap3A_632 = arith.index_cast %swap3A_631 : i32 to index
      %swap3A_633 = arith.index_cast %scan3A_601 : i32 to index
      %swap3A_634 = arith.constant 32 : index
      %swap3A_635 = tpu.vector_load %arg8[%swap3A_632, %swap3A_633, %swap3A_634] {strides = array<i32>} : memref<4x100x128xf32, #tpu.memory_space<vmem>>, vector<1x1x16xf32>,
      %swap3A_636 = vector.shape_cast %swap3A_635 : vector<1x1x16xf32> to vector<16xf32>
      %swap3A_637 = vector.shape_cast %get3A_630 : vector<16xf32> to vector<1x1x16xf32>
      tpu.vector_store %arg8[%swap3A_632, %swap3A_633, %swap3A_634], %swap3A_637 {add = true, strides = array<i32>} : memref<4x100x128xf32, #tpu.memory_space<vmem>>, vector<1x1x16xf32>,
      %add3A_638 = arith.addi %mul3A_103, %scan3A_601 : i32
      %get3A_639 = arith.index_cast %add3A_638 : i32 to index
      %get3A_640 = arith.constant 48 : index
      %get3A_641 = tpu.vector_load %arg7[%get3A_639, %get3A_640] {strides = array<i32>} : memref<200x128xf32, #tpu.memory_space<vmem>>, vector<1x16xf32>,
      %get3A_642 = vector.shape_cast %get3A_641 : vector<1x16xf32> to vector<16xf32>
      %swap3A_643 = arith.constant 1 : i32
      %swap3A_644 = arith.index_cast %swap3A_643 : i32 to index
      %swap3A_645 = arith.index_cast %scan3A_601 : i32 to index
      %swap3A_646 = arith.constant 48 : index
      %swap3A_647 = tpu.vector_load %arg8[%swap3A_644, %swap3A_645, %swap3A_646] {strides = array<i32>} : memref<4x100x128xf32, #tpu.memory_space<vmem>>, vector<1x1x16xf32>,
      %swap3A_648 = vector.shape_cast %swap3A_647 : vector<1x1x16xf32> to vector<16xf32>
      %swap3A_649 = vector.shape_cast %get3A_642 : vector<16xf32> to vector<1x1x16xf32>
      tpu.vector_store %arg8[%swap3A_644, %swap3A_645, %swap3A_646], %swap3A_649 {add = true, strides = array<i32>} : memref<4x100x128xf32, #tpu.memory_space<vmem>>, vector<1x1x16xf32>,
      %add3A_650 = arith.addi %mul3A_103, %scan3A_601 : i32
      %get3A_651 = arith.index_cast %add3A_650 : i32 to index
      %get3A_652 = arith.constant 64 : index
      %get3A_653 = tpu.vector_load %arg7[%get3A_651, %get3A_652] {strides = array<i32>} : memref<200x128xf32, #tpu.memory_space<vmem>>, vector<1x16xf32>,
      %get3A_654 = vector.shape_cast %get3A_653 : vector<1x16xf32> to vector<16xf32>
      %swap3A_655 = arith.constant 1 : i32
      %swap3A_656 = arith.index_cast %swap3A_655 : i32 to index
      %swap3A_657 = arith.index_cast %scan3A_601 : i32 to index
      %swap3A_658 = arith.constant 64 : index
      %swap3A_659 = tpu.vector_load %arg8[%swap3A_656, %swap3A_657, %swap3A_658] {strides = array<i32>} : memref<4x100x128xf32, #tpu.memory_space<vmem>>, vector<1x1x16xf32>,
      %swap3A_660 = vector.shape_cast %swap3A_659 : vector<1x1x16xf32> to vector<16xf32>
      %swap3A_661 = vector.shape_cast %get3A_654 : vector<16xf32> to vector<1x1x16xf32>
      tpu.vector_store %arg8[%swap3A_656, %swap3A_657, %swap3A_658], %swap3A_661 {add = true, strides = array<i32>} : memref<4x100x128xf32, #tpu.memory_space<vmem>>, vector<1x1x16xf32>,
      %add3A_662 = arith.addi %mul3A_103, %scan3A_601 : i32
      %get3A_663 = arith.index_cast %add3A_662 : i32 to index
      %get3A_664 = arith.constant 80 : index
      %get3A_665 = tpu.vector_load %arg7[%get3A_663, %get3A_664] {strides = array<i32>} : memref<200x128xf32, #tpu.memory_space<vmem>>, vector<1x16xf32>,
      %get3A_666 = vector.shape_cast %get3A_665 : vector<1x16xf32> to vector<16xf32>
      %swap3A_667 = arith.constant 1 : i32
      %swap3A_668 = arith.index_cast %swap3A_667 : i32 to index
      %swap3A_669 = arith.index_cast %scan3A_601 : i32 to index
      %swap3A_670 = arith.constant 80 : index
      %swap3A_671 = tpu.vector_load %arg8[%swap3A_668, %swap3A_669, %swap3A_670] {strides = array<i32>} : memref<4x100x128xf32, #tpu.memory_space<vmem>>, vector<1x1x16xf32>,
      %swap3A_672 = vector.shape_cast %swap3A_671 : vector<1x1x16xf32> to vector<16xf32>
      %swap3A_673 = vector.shape_cast %get3A_666 : vector<16xf32> to vector<1x1x16xf32>
      tpu.vector_store %arg8[%swap3A_668, %swap3A_669, %swap3A_670], %swap3A_673 {add = true, strides = array<i32>} : memref<4x100x128xf32, #tpu.memory_space<vmem>>, vector<1x1x16xf32>,
      %add3A_674 = arith.addi %mul3A_103, %scan3A_601 : i32
      %get3A_675 = arith.index_cast %add3A_674 : i32 to index
      %get3A_676 = arith.constant 96 : index
      %get3A_677 = tpu.vector_load %arg7[%get3A_675, %get3A_676] {strides = array<i32>} : memref<200x128xf32, #tpu.memory_space<vmem>>, vector<1x16xf32>,
      %get3A_678 = vector.shape_cast %get3A_677 : vector<1x16xf32> to vector<16xf32>
      %swap3A_679 = arith.constant 1 : i32
      %swap3A_680 = arith.index_cast %swap3A_679 : i32 to index
      %swap3A_681 = arith.index_cast %scan3A_601 : i32 to index
      %swap3A_682 = arith.constant 96 : index
      %swap3A_683 = tpu.vector_load %arg8[%swap3A_680, %swap3A_681, %swap3A_682] {strides = array<i32>} : memref<4x100x128xf32, #tpu.memory_space<vmem>>, vector<1x1x16xf32>,
      %swap3A_684 = vector.shape_cast %swap3A_683 : vector<1x1x16xf32> to vector<16xf32>
      %swap3A_685 = vector.shape_cast %get3A_678 : vector<16xf32> to vector<1x1x16xf32>
      tpu.vector_store %arg8[%swap3A_680, %swap3A_681, %swap3A_682], %swap3A_685 {add = true, strides = array<i32>} : memref<4x100x128xf32, #tpu.memory_space<vmem>>, vector<1x1x16xf32>,
      %add3A_686 = arith.addi %mul3A_103, %scan3A_601 : i32
      %get3A_687 = arith.index_cast %add3A_686 : i32 to index
      %get3A_688 = arith.constant 112 : index
      %get3A_689 = tpu.vector_load %arg7[%get3A_687, %get3A_688] {strides = array<i32>} : memref<200x128xf32, #tpu.memory_space<vmem>>, vector<1x16xf32>,
      %get3A_690 = vector.shape_cast %get3A_689 : vector<1x16xf32> to vector<16xf32>
      %swap3A_691 = arith.constant 1 : i32
      %swap3A_692 = arith.index_cast %swap3A_691 : i32 to index
      %swap3A_693 = arith.index_cast %scan3A_601 : i32 to index
      %swap3A_694 = arith.constant 112 : index
      %swap3A_695 = tpu.vector_load %arg8[%swap3A_692, %swap3A_693, %swap3A_694] {strides = array<i32>} : memref<4x100x128xf32, #tpu.memory_space<vmem>>, vector<1x1x16xf32>,
      %swap3A_696 = vector.shape_cast %swap3A_695 : vector<1x1x16xf32> to vector<16xf32>
      %swap3A_697 = vector.shape_cast %get3A_690 : vector<16xf32> to vector<1x1x16xf32>
      tpu.vector_store %arg8[%swap3A_692, %swap3A_693, %swap3A_694], %swap3A_697 {add = true, strides = array<i32>} : memref<4x100x128xf32, #tpu.memory_space<vmem>>, vector<1x1x16xf32>,
    }
    %scan3A_109 = arith.constant 100 : i32
    %add3A_110 = arith.constant 100 : i32
    %add3A_111 = arith.addi %mul3A_2, %add3A_110 : i32
    %dma_start3A_112 = arith.constant 1 : i32
    %dma_start3A_113 = arith.constant 0 : i32
    %dma_start3A_114 = arith.constant 0 : i32
    %dma_start3A_115 = tpu.memref_slice %arg8[%dma_start3A_112, %dma_start3A_113, %dma_start3A_114] : memref<4x100x128xf32, #tpu.memory_space<vmem>> -> memref<1x100x128xf32, #tpu.memory_space<vmem>>
    %dma_start3A_116 = tpu.memref_squeeze %dma_start3A_115 : memref<1x100x128xf32, #tpu.memory_space<vmem>> -> memref<100x128xf32, #tpu.memory_space<vmem>>
    %dma_start3A_117 = arith.constant 0 : i32
    %dma_start3A_118 = tpu.memref_slice %arg5[%add3A_111, %dma_start3A_117] : memref<204800x128xf32, #tpu.memory_space<hbm>> -> memref<100x128xf32, #tpu.memory_space<hbm>>
    %dma_start3A_119 = arith.constant 0 : i32
    %dma_start3A_120 = tpu.memref_slice %arg5[%add3A_111, %dma_start3A_119] : memref<204800x128xf32, #tpu.memory_space<hbm>> -> memref<100x128xf32, #tpu.memory_space<hbm>>
    %dma_start3A_121 = arith.constant 0 : i32
    %dma_start3A_122 = arith.constant 0 : i32
    %dma_start3A_123 = tpu.memref_slice %arg8[%dma_start3A_112, %dma_start3A_121, %dma_start3A_122] : memref<4x100x128xf32, #tpu.memory_space<vmem>> -> memref<1x100x128xf32, #tpu.memory_space<vmem>>
    %dma_start3A_124 = tpu.memref_squeeze %dma_start3A_123 : memref<1x100x128xf32, #tpu.memory_space<vmem>> -> memref<100x128xf32, #tpu.memory_space<vmem>>
    tpu.enqueue_dma source(%dma_start3A_124 : memref<100x128xf32, #tpu.memory_space<vmem>>) target(%dma_start3A_120 : memref<100x128xf32, #tpu.memory_space<hbm>>) target_semaphore(%arg14 : memref<!tpu.dma_semaphore, #tpu.memory_space<semaphore_mem>>)
    %dma_wait3A_125 = arith.constant 0 : i32
    %dma_wait3A_126 = arith.constant 0 : i32
    %dma_wait3A_127 = arith.constant 0 : i32
    %dma_wait3A_128 = tpu.memref_slice %arg8[%dma_wait3A_125, %dma_wait3A_126, %dma_wait3A_127] : memref<4x100x128xf32, #tpu.memory_space<vmem>> -> memref<1x100x128xf32, #tpu.memory_space<vmem>>
    %dma_wait3A_129 = tpu.memref_squeeze %dma_wait3A_128 : memref<1x100x128xf32, #tpu.memory_space<vmem>> -> memref<100x128xf32, #tpu.memory_space<vmem>>
    %dma_wait3A_130 = arith.constant 0 : i32
    %dma_wait3A_131 = tpu.memref_slice %arg5[%mul3A_2, %dma_wait3A_130] : memref<204800x128xf32, #tpu.memory_space<hbm>> -> memref<100x128xf32, #tpu.memory_space<hbm>>
    %dma_wait3A_132 = arith.constant 0 : i32
    %dma_wait3A_133 = tpu.memref_slice %arg5[%mul3A_2, %dma_wait3A_132] : memref<204800x128xf32, #tpu.memory_space<hbm>> -> memref<100x128xf32, #tpu.memory_space<hbm>>
    %dma_wait3A_134 = arith.constant 0 : i32
    %dma_wait3A_135 = arith.constant 0 : i32
    %dma_wait3A_136 = tpu.memref_slice %arg8[%dma_wait3A_125, %dma_wait3A_134, %dma_wait3A_135] : memref<4x100x128xf32, #tpu.memory_space<vmem>> -> memref<1x100x128xf32, #tpu.memory_space<vmem>>
    %dma_wait3A_137 = tpu.memref_squeeze %dma_wait3A_136 : memref<1x100x128xf32, #tpu.memory_space<vmem>> -> memref<100x128xf32, #tpu.memory_space<vmem>>
    tpu.wait_dma2 semaphore(%arg13 : memref<!tpu.dma_semaphore, #tpu.memory_space<semaphore_mem>>) src(%dma_wait3A_137 : memref<100x128xf32, #tpu.memory_space<vmem>>) dst(%dma_wait3A_133 : memref<100x128xf32, #tpu.memory_space<hbm>>)
    %dma_start3A_138 = arith.constant 4 : i32
    %dma_start3A_139 = arith.constant 0 : i32
    %dma_start3A_140 = arith.constant 0 : i32
    %dma_start3A_141 = arith.constant 0 : i32
    %dma_start3A_142 = tpu.memref_slice %arg8[%dma_start3A_139, %dma_start3A_140, %dma_start3A_141] : memref<4x100x128xf32, #tpu.memory_space<vmem>> -> memref<1x100x128xf32, #tpu.memory_space<vmem>>
    %dma_start3A_143 = tpu.memref_squeeze %dma_start3A_142 : memref<1x100x128xf32, #tpu.memory_space<vmem>> -> memref<100x128xf32, #tpu.memory_space<vmem>>
    %dma_start3A_144 = arith.constant 0 : i32
    %dma_start3A_145 = tpu.memref_slice %arg6[%dma_start3A_138, %dma_start3A_144] : memref<64x100xi32, #tpu.memory_space<vmem>> -> memref<1x100xi32, #tpu.memory_space<vmem>>
    %dma_start3A_146 = tpu.memref_squeeze %dma_start3A_145 : memref<1x100xi32, #tpu.memory_space<vmem>> -> memref<100xi32, #tpu.memory_space<vmem>>
    %dma_start3A_147 = arith.constant 0 : i32
    %dma_start3A_148 = arith.constant 0 : i32
    %dma_start3A_149 = tpu.memref_slice %arg3[%dma_start3A_147, %dma_start3A_148] : memref<1000000x128xf32, #tpu.memory_space<hbm>> -> memref<1000000x128xf32, #tpu.memory_space<hbm>>
    tpu.enqueue_indirect_dma source(%dma_start3A_149 : memref<1000000x128xf32, #tpu.memory_space<hbm>>) target(%dma_start3A_143 : memref<100x128xf32, #tpu.memory_space<vmem>>) offsets(%dma_start3A_146 : memref<100xi32, #tpu.memory_space<vmem>>) semaphore(%arg9 : memref<!tpu.dma_semaphore, #tpu.memory_space<semaphore_mem>>)
    %dma_wait3A_150 = arith.constant 0 : i32
    %dma_wait3A_151 = arith.constant 2 : i32
    %dma_wait3A_152 = arith.constant 0 : i32
    %dma_wait3A_153 = arith.constant 0 : i32
    %dma_wait3A_154 = tpu.memref_slice %arg8[%dma_wait3A_151, %dma_wait3A_152, %dma_wait3A_153] : memref<4x100x128xf32, #tpu.memory_space<vmem>> -> memref<1x100x128xf32, #tpu.memory_space<vmem>>
    %dma_wait3A_155 = tpu.memref_squeeze %dma_wait3A_154 : memref<1x100x128xf32, #tpu.memory_space<vmem>> -> memref<100x128xf32, #tpu.memory_space<vmem>>
    %dma_wait3A_156 = arith.constant 0 : i32
    %dma_wait3A_157 = tpu.memref_slice %arg6[%dma_wait3A_150, %dma_wait3A_156] : memref<64x100xi32, #tpu.memory_space<vmem>> -> memref<1x100xi32, #tpu.memory_space<vmem>>
    %dma_wait3A_158 = tpu.memref_squeeze %dma_wait3A_157 : memref<1x100xi32, #tpu.memory_space<vmem>> -> memref<100xi32, #tpu.memory_space<vmem>>
    %dma_wait3A_159 = arith.constant 0 : i32
    %dma_wait3A_160 = arith.constant 0 : i32
    %dma_wait3A_161 = tpu.memref_slice %arg3[%dma_wait3A_159, %dma_wait3A_160] : memref<1000000x128xf32, #tpu.memory_space<hbm>> -> memref<1000000x128xf32, #tpu.memory_space<hbm>>
    tpu.wait_indirect_dma semaphore(%arg11 : memref<!tpu.dma_semaphore, #tpu.memory_space<semaphore_mem>>) src(%dma_wait3A_161 : memref<1000000x128xf32, #tpu.memory_space<hbm>>) dst(%dma_wait3A_155 : memref<100x128xf32, #tpu.memory_space<vmem>>)
    %rem3A_162 = arith.constant 2 : i32
    %rem3A_163 = arith.constant 2 : i32
    %rem3A_164 = arith.remsi %rem3A_162, %rem3A_163 : i32
    %mul3A_165 = arith.constant 100 : i32
    %mul3A_166 = arith.muli %rem3A_164, %mul3A_165 : i32
    %scan3A_167 = arith.constant 0 : i32
    %scan3A_168 = arith.constant 0 : i32
    %scan3A_169 = arith.constant 100 : i32
    %scan3A_170 = arith.addi %scan3A_168, %scan3A_169 : i32
    %scan3A_171 = arith.constant 4 : i32
    scf.for %scan3A_309 = %scan3A_168 to %scan3A_170 step %scan3A_171  : i32 {
      %add3A_310 = arith.addi %mul3A_166, %scan3A_309 : i32
      %get3A = arith.index_cast %add3A_310 : i32 to index
      %get3A_311 = arith.constant 0 : index
      %get3A_312 = tpu.vector_load %arg7[%get3A, %get3A_311] {strides = array<i32>} : memref<200x128xf32, #tpu.memory_space<vmem>>, vector<1x16xf32>,
      %get3A_313 = vector.shape_cast %get3A_312 : vector<1x16xf32> to vector<16xf32>
      %swap3A = arith.constant 2 : i32
      %swap3A_314 = arith.index_cast %swap3A : i32 to index
      %swap3A_315 = arith.index_cast %scan3A_309 : i32 to index
      %swap3A_316 = arith.constant 0 : index
      %swap3A_317 = tpu.vector_load %arg8[%swap3A_314, %swap3A_315, %swap3A_316] {strides = array<i32>} : memref<4x100x128xf32, #tpu.memory_space<vmem>>, vector<1x1x16xf32>,
      %swap3A_318 = vector.shape_cast %swap3A_317 : vector<1x1x16xf32> to vector<16xf32>
      %swap3A_319 = vector.shape_cast %get3A_313 : vector<16xf32> to vector<1x1x16xf32>
      tpu.vector_store %arg8[%swap3A_314, %swap3A_315, %swap3A_316], %swap3A_319 {add = true, strides = array<i32>} : memref<4x100x128xf32, #tpu.memory_space<vmem>>, vector<1x1x16xf32>,
      %add3A_320 = arith.addi %mul3A_166, %scan3A_309 : i32
      %get3A_321 = arith.index_cast %add3A_320 : i32 to index
      %get3A_322 = arith.constant 16 : index
      %get3A_323 = tpu.vector_load %arg7[%get3A_321, %get3A_322] {strides = array<i32>} : memref<200x128xf32, #tpu.memory_space<vmem>>, vector<1x16xf32>,
      %get3A_324 = vector.shape_cast %get3A_323 : vector<1x16xf32> to vector<16xf32>
      %swap3A_325 = arith.constant 2 : i32
      %swap3A_326 = arith.index_cast %swap3A_325 : i32 to index
      %swap3A_327 = arith.index_cast %scan3A_309 : i32 to index
      %swap3A_328 = arith.constant 16 : index
      %swap3A_329 = tpu.vector_load %arg8[%swap3A_326, %swap3A_327, %swap3A_328] {strides = array<i32>} : memref<4x100x128xf32, #tpu.memory_space<vmem>>, vector<1x1x16xf32>,
      %swap3A_330 = vector.shape_cast %swap3A_329 : vector<1x1x16xf32> to vector<16xf32>
      %swap3A_331 = vector.shape_cast %get3A_324 : vector<16xf32> to vector<1x1x16xf32>
      tpu.vector_store %arg8[%swap3A_326, %swap3A_327, %swap3A_328], %swap3A_331 {add = true, strides = array<i32>} : memref<4x100x128xf32, #tpu.memory_space<vmem>>, vector<1x1x16xf32>,
      %add3A_332 = arith.addi %mul3A_166, %scan3A_309 : i32
      %get3A_333 = arith.index_cast %add3A_332 : i32 to index
      %get3A_334 = arith.constant 32 : index
      %get3A_335 = tpu.vector_load %arg7[%get3A_333, %get3A_334] {strides = array<i32>} : memref<200x128xf32, #tpu.memory_space<vmem>>, vector<1x16xf32>,
      %get3A_336 = vector.shape_cast %get3A_335 : vector<1x16xf32> to vector<16xf32>
      %swap3A_337 = arith.constant 2 : i32
      %swap3A_338 = arith.index_cast %swap3A_337 : i32 to index
      %swap3A_339 = arith.index_cast %scan3A_309 : i32 to index
      %swap3A_340 = arith.constant 32 : index
      %swap3A_341 = tpu.vector_load %arg8[%swap3A_338, %swap3A_339, %swap3A_340] {strides = array<i32>} : memref<4x100x128xf32, #tpu.memory_space<vmem>>, vector<1x1x16xf32>,
      %swap3A_342 = vector.shape_cast %swap3A_341 : vector<1x1x16xf32> to vector<16xf32>
      %swap3A_343 = vector.shape_cast %get3A_336 : vector<16xf32> to vector<1x1x16xf32>
      tpu.vector_store %arg8[%swap3A_338, %swap3A_339, %swap3A_340], %swap3A_343 {add = true, strides = array<i32>} : memref<4x100x128xf32, #tpu.memory_space<vmem>>, vector<1x1x16xf32>,
      %add3A_344 = arith.addi %mul3A_166, %scan3A_309 : i32
      %get3A_345 = arith.index_cast %add3A_344 : i32 to index
      %get3A_346 = arith.constant 48 : index
      %get3A_347 = tpu.vector_load %arg7[%get3A_345, %get3A_346] {strides = array<i32>} : memref<200x128xf32, #tpu.memory_space<vmem>>, vector<1x16xf32>,
      %get3A_348 = vector.shape_cast %get3A_347 : vector<1x16xf32> to vector<16xf32>
      %swap3A_349 = arith.constant 2 : i32
      %swap3A_350 = arith.index_cast %swap3A_349 : i32 to index
      %swap3A_351 = arith.index_cast %scan3A_309 : i32 to index
      %swap3A_352 = arith.constant 48 : index
      %swap3A_353 = tpu.vector_load %arg8[%swap3A_350, %swap3A_351, %swap3A_352] {strides = array<i32>} : memref<4x100x128xf32, #tpu.memory_space<vmem>>, vector<1x1x16xf32>,
      %swap3A_354 = vector.shape_cast %swap3A_353 : vector<1x1x16xf32> to vector<16xf32>
      %swap3A_355 = vector.shape_cast %get3A_348 : vector<16xf32> to vector<1x1x16xf32>
      tpu.vector_store %arg8[%swap3A_350, %swap3A_351, %swap3A_352], %swap3A_355 {add = true, strides = array<i32>} : memref<4x100x128xf32, #tpu.memory_space<vmem>>, vector<1x1x16xf32>,
      %add3A_356 = arith.addi %mul3A_166, %scan3A_309 : i32
      %get3A_357 = arith.index_cast %add3A_356 : i32 to index
      %get3A_358 = arith.constant 64 : index
      %get3A_359 = tpu.vector_load %arg7[%get3A_357, %get3A_358] {strides = array<i32>} : memref<200x128xf32, #tpu.memory_space<vmem>>, vector<1x16xf32>,
      %get3A_360 = vector.shape_cast %get3A_359 : vector<1x16xf32> to vector<16xf32>
      %swap3A_361 = arith.constant 2 : i32
      %swap3A_362 = arith.index_cast %swap3A_361 : i32 to index
      %swap3A_363 = arith.index_cast %scan3A_309 : i32 to index
      %swap3A_364 = arith.constant 64 : index
      %swap3A_365 = tpu.vector_load %arg8[%swap3A_362, %swap3A_363, %swap3A_364] {strides = array<i32>} : memref<4x100x128xf32, #tpu.memory_space<vmem>>, vector<1x1x16xf32>,
      %swap3A_366 = vector.shape_cast %swap3A_365 : vector<1x1x16xf32> to vector<16xf32>
      %swap3A_367 = vector.shape_cast %get3A_360 : vector<16xf32> to vector<1x1x16xf32>
      tpu.vector_store %arg8[%swap3A_362, %swap3A_363, %swap3A_364], %swap3A_367 {add = true, strides = array<i32>} : memref<4x100x128xf32, #tpu.memory_space<vmem>>, vector<1x1x16xf32>,
      %add3A_368 = arith.addi %mul3A_166, %scan3A_309 : i32
      %get3A_369 = arith.index_cast %add3A_368 : i32 to index
      %get3A_370 = arith.constant 80 : index
      %get3A_371 = tpu.vector_load %arg7[%get3A_369, %get3A_370] {strides = array<i32>} : memref<200x128xf32, #tpu.memory_space<vmem>>, vector<1x16xf32>,
      %get3A_372 = vector.shape_cast %get3A_371 : vector<1x16xf32> to vector<16xf32>
      %swap3A_373 = arith.constant 2 : i32
      %swap3A_374 = arith.index_cast %swap3A_373 : i32 to index
      %swap3A_375 = arith.index_cast %scan3A_309 : i32 to index
      %swap3A_376 = arith.constant 80 : index
      %swap3A_377 = tpu.vector_load %arg8[%swap3A_374, %swap3A_375, %swap3A_376] {strides = array<i32>} : memref<4x100x128xf32, #tpu.memory_space<vmem>>, vector<1x1x16xf32>,
      %swap3A_378 = vector.shape_cast %swap3A_377 : vector<1x1x16xf32> to vector<16xf32>
      %swap3A_379 = vector.shape_cast %get3A_372 : vector<16xf32> to vector<1x1x16xf32>
      tpu.vector_store %arg8[%swap3A_374, %swap3A_375, %swap3A_376], %swap3A_379 {add = true, strides = array<i32>} : memref<4x100x128xf32, #tpu.memory_space<vmem>>, vector<1x1x16xf32>,
      %add3A_380 = arith.addi %mul3A_166, %scan3A_309 : i32
      %get3A_381 = arith.index_cast %add3A_380 : i32 to index
      %get3A_382 = arith.constant 96 : index
      %get3A_383 = tpu.vector_load %arg7[%get3A_381, %get3A_382] {strides = array<i32>} : memref<200x128xf32, #tpu.memory_space<vmem>>, vector<1x16xf32>,
      %get3A_384 = vector.shape_cast %get3A_383 : vector<1x16xf32> to vector<16xf32>
      %swap3A_385 = arith.constant 2 : i32
      %swap3A_386 = arith.index_cast %swap3A_385 : i32 to index
      %swap3A_387 = arith.index_cast %scan3A_309 : i32 to index
      %swap3A_388 = arith.constant 96 : index
      %swap3A_389 = tpu.vector_load %arg8[%swap3A_386, %swap3A_387, %swap3A_388] {strides = array<i32>} : memref<4x100x128xf32, #tpu.memory_space<vmem>>, vector<1x1x16xf32>,
      %swap3A_390 = vector.shape_cast %swap3A_389 : vector<1x1x16xf32> to vector<16xf32>
      %swap3A_391 = vector.shape_cast %get3A_384 : vector<16xf32> to vector<1x1x16xf32>
      tpu.vector_store %arg8[%swap3A_386, %swap3A_387, %swap3A_388], %swap3A_391 {add = true, strides = array<i32>} : memref<4x100x128xf32, #tpu.memory_space<vmem>>, vector<1x1x16xf32>,
      %add3A_392 = arith.addi %mul3A_166, %scan3A_309 : i32
      %get3A_393 = arith.index_cast %add3A_392 : i32 to index
      %get3A_394 = arith.constant 112 : index
      %get3A_395 = tpu.vector_load %arg7[%get3A_393, %get3A_394] {strides = array<i32>} : memref<200x128xf32, #tpu.memory_space<vmem>>, vector<1x16xf32>,
      %get3A_396 = vector.shape_cast %get3A_395 : vector<1x16xf32> to vector<16xf32>
      %swap3A_397 = arith.constant 2 : i32
      %swap3A_398 = arith.index_cast %swap3A_397 : i32 to index
      %swap3A_399 = arith.index_cast %scan3A_309 : i32 to index
      %swap3A_400 = arith.constant 112 : index
      %swap3A_401 = tpu.vector_load %arg8[%swap3A_398, %swap3A_399, %swap3A_400] {strides = array<i32>} : memref<4x100x128xf32, #tpu.memory_space<vmem>>, vector<1x1x16xf32>,
      %swap3A_402 = vector.shape_cast %swap3A_401 : vector<1x1x16xf32> to vector<16xf32>
      %swap3A_403 = vector.shape_cast %get3A_396 : vector<16xf32> to vector<1x1x16xf32>
      tpu.vector_store %arg8[%swap3A_398, %swap3A_399, %swap3A_400], %swap3A_403 {add = true, strides = array<i32>} : memref<4x100x128xf32, #tpu.memory_space<vmem>>, vector<1x1x16xf32>,
      %scan3A_404 = arith.constant 1 : i32
      %scan3A_405 = arith.addi %scan3A_309, %scan3A_404 : i32
      %add3A_406 = arith.addi %mul3A_166, %scan3A_405 : i32
      %get3A_407 = arith.index_cast %add3A_406 : i32 to index
      %get3A_408 = arith.constant 0 : index
      %get3A_409 = tpu.vector_load %arg7[%get3A_407, %get3A_408] {strides = array<i32>} : memref<200x128xf32, #tpu.memory_space<vmem>>, vector<1x16xf32>,
      %get3A_410 = vector.shape_cast %get3A_409 : vector<1x16xf32> to vector<16xf32>
      %swap3A_411 = arith.constant 2 : i32
      %swap3A_412 = arith.index_cast %swap3A_411 : i32 to index
      %swap3A_413 = arith.index_cast %scan3A_405 : i32 to index
      %swap3A_414 = arith.constant 0 : index
      %swap3A_415 = tpu.vector_load %arg8[%swap3A_412, %swap3A_413, %swap3A_414] {strides = array<i32>} : memref<4x100x128xf32, #tpu.memory_space<vmem>>, vector<1x1x16xf32>,
      %swap3A_416 = vector.shape_cast %swap3A_415 : vector<1x1x16xf32> to vector<16xf32>
      %swap3A_417 = vector.shape_cast %get3A_410 : vector<16xf32> to vector<1x1x16xf32>
      tpu.vector_store %arg8[%swap3A_412, %swap3A_413, %swap3A_414], %swap3A_417 {add = true, strides = array<i32>} : memref<4x100x128xf32, #tpu.memory_space<vmem>>, vector<1x1x16xf32>,
      %add3A_418 = arith.addi %mul3A_166, %scan3A_405 : i32
      %get3A_419 = arith.index_cast %add3A_418 : i32 to index
      %get3A_420 = arith.constant 16 : index
      %get3A_421 = tpu.vector_load %arg7[%get3A_419, %get3A_420] {strides = array<i32>} : memref<200x128xf32, #tpu.memory_space<vmem>>, vector<1x16xf32>,
      %get3A_422 = vector.shape_cast %get3A_421 : vector<1x16xf32> to vector<16xf32>
      %swap3A_423 = arith.constant 2 : i32
      %swap3A_424 = arith.index_cast %swap3A_423 : i32 to index
      %swap3A_425 = arith.index_cast %scan3A_405 : i32 to index
      %swap3A_426 = arith.constant 16 : index
      %swap3A_427 = tpu.vector_load %arg8[%swap3A_424, %swap3A_425, %swap3A_426] {strides = array<i32>} : memref<4x100x128xf32, #tpu.memory_space<vmem>>, vector<1x1x16xf32>,
      %swap3A_428 = vector.shape_cast %swap3A_427 : vector<1x1x16xf32> to vector<16xf32>
      %swap3A_429 = vector.shape_cast %get3A_422 : vector<16xf32> to vector<1x1x16xf32>
      tpu.vector_store %arg8[%swap3A_424, %swap3A_425, %swap3A_426], %swap3A_429 {add = true, strides = array<i32>} : memref<4x100x128xf32, #tpu.memory_space<vmem>>, vector<1x1x16xf32>,
      %add3A_430 = arith.addi %mul3A_166, %scan3A_405 : i32
      %get3A_431 = arith.index_cast %add3A_430 : i32 to index
      %get3A_432 = arith.constant 32 : index
      %get3A_433 = tpu.vector_load %arg7[%get3A_431, %get3A_432] {strides = array<i32>} : memref<200x128xf32, #tpu.memory_space<vmem>>, vector<1x16xf32>,
      %get3A_434 = vector.shape_cast %get3A_433 : vector<1x16xf32> to vector<16xf32>
      %swap3A_435 = arith.constant 2 : i32
      %swap3A_436 = arith.index_cast %swap3A_435 : i32 to index
      %swap3A_437 = arith.index_cast %scan3A_405 : i32 to index
      %swap3A_438 = arith.constant 32 : index
      %swap3A_439 = tpu.vector_load %arg8[%swap3A_436, %swap3A_437, %swap3A_438] {strides = array<i32>} : memref<4x100x128xf32, #tpu.memory_space<vmem>>, vector<1x1x16xf32>,
      %swap3A_440 = vector.shape_cast %swap3A_439 : vector<1x1x16xf32> to vector<16xf32>
      %swap3A_441 = vector.shape_cast %get3A_434 : vector<16xf32> to vector<1x1x16xf32>
      tpu.vector_store %arg8[%swap3A_436, %swap3A_437, %swap3A_438], %swap3A_441 {add = true, strides = array<i32>} : memref<4x100x128xf32, #tpu.memory_space<vmem>>, vector<1x1x16xf32>,
      %add3A_442 = arith.addi %mul3A_166, %scan3A_405 : i32
      %get3A_443 = arith.index_cast %add3A_442 : i32 to index
      %get3A_444 = arith.constant 48 : index
      %get3A_445 = tpu.vector_load %arg7[%get3A_443, %get3A_444] {strides = array<i32>} : memref<200x128xf32, #tpu.memory_space<vmem>>, vector<1x16xf32>,
      %get3A_446 = vector.shape_cast %get3A_445 : vector<1x16xf32> to vector<16xf32>
      %swap3A_447 = arith.constant 2 : i32
      %swap3A_448 = arith.index_cast %swap3A_447 : i32 to index
      %swap3A_449 = arith.index_cast %scan3A_405 : i32 to index
      %swap3A_450 = arith.constant 48 : index
      %swap3A_451 = tpu.vector_load %arg8[%swap3A_448, %swap3A_449, %swap3A_450] {strides = array<i32>} : memref<4x100x128xf32, #tpu.memory_space<vmem>>, vector<1x1x16xf32>,
      %swap3A_452 = vector.shape_cast %swap3A_451 : vector<1x1x16xf32> to vector<16xf32>
      %swap3A_453 = vector.shape_cast %get3A_446 : vector<16xf32> to vector<1x1x16xf32>
      tpu.vector_store %arg8[%swap3A_448, %swap3A_449, %swap3A_450], %swap3A_453 {add = true, strides = array<i32>} : memref<4x100x128xf32, #tpu.memory_space<vmem>>, vector<1x1x16xf32>,
      %add3A_454 = arith.addi %mul3A_166, %scan3A_405 : i32
      %get3A_455 = arith.index_cast %add3A_454 : i32 to index
      %get3A_456 = arith.constant 64 : index
      %get3A_457 = tpu.vector_load %arg7[%get3A_455, %get3A_456] {strides = array<i32>} : memref<200x128xf32, #tpu.memory_space<vmem>>, vector<1x16xf32>,
      %get3A_458 = vector.shape_cast %get3A_457 : vector<1x16xf32> to vector<16xf32>
      %swap3A_459 = arith.constant 2 : i32
      %swap3A_460 = arith.index_cast %swap3A_459 : i32 to index
      %swap3A_461 = arith.index_cast %scan3A_405 : i32 to index
      %swap3A_462 = arith.constant 64 : index
      %swap3A_463 = tpu.vector_load %arg8[%swap3A_460, %swap3A_461, %swap3A_462] {strides = array<i32>} : memref<4x100x128xf32, #tpu.memory_space<vmem>>, vector<1x1x16xf32>,
      %swap3A_464 = vector.shape_cast %swap3A_463 : vector<1x1x16xf32> to vector<16xf32>
      %swap3A_465 = vector.shape_cast %get3A_458 : vector<16xf32> to vector<1x1x16xf32>
      tpu.vector_store %arg8[%swap3A_460, %swap3A_461, %swap3A_462], %swap3A_465 {add = true, strides = array<i32>} : memref<4x100x128xf32, #tpu.memory_space<vmem>>, vector<1x1x16xf32>,
      %add3A_466 = arith.addi %mul3A_166, %scan3A_405 : i32
      %get3A_467 = arith.index_cast %add3A_466 : i32 to index
      %get3A_468 = arith.constant 80 : index
      %get3A_469 = tpu.vector_load %arg7[%get3A_467, %get3A_468] {strides = array<i32>} : memref<200x128xf32, #tpu.memory_space<vmem>>, vector<1x16xf32>,
      %get3A_470 = vector.shape_cast %get3A_469 : vector<1x16xf32> to vector<16xf32>
      %swap3A_471 = arith.constant 2 : i32
      %swap3A_472 = arith.index_cast %swap3A_471 : i32 to index
      %swap3A_473 = arith.index_cast %scan3A_405 : i32 to index
      %swap3A_474 = arith.constant 80 : index
      %swap3A_475 = tpu.vector_load %arg8[%swap3A_472, %swap3A_473, %swap3A_474] {strides = array<i32>} : memref<4x100x128xf32, #tpu.memory_space<vmem>>, vector<1x1x16xf32>,
      %swap3A_476 = vector.shape_cast %swap3A_475 : vector<1x1x16xf32> to vector<16xf32>
      %swap3A_477 = vector.shape_cast %get3A_470 : vector<16xf32> to vector<1x1x16xf32>
      tpu.vector_store %arg8[%swap3A_472, %swap3A_473, %swap3A_474], %swap3A_477 {add = true, strides = array<i32>} : memref<4x100x128xf32, #tpu.memory_space<vmem>>, vector<1x1x16xf32>,
      %add3A_478 = arith.addi %mul3A_166, %scan3A_405 : i32
      %get3A_479 = arith.index_cast %add3A_478 : i32 to index
      %get3A_480 = arith.constant 96 : index
      %get3A_481 = tpu.vector_load %arg7[%get3A_479, %get3A_480] {strides = array<i32>} : memref<200x128xf32, #tpu.memory_space<vmem>>, vector<1x16xf32>,
      %get3A_482 = vector.shape_cast %get3A_481 : vector<1x16xf32> to vector<16xf32>
      %swap3A_483 = arith.constant 2 : i32
      %swap3A_484 = arith.index_cast %swap3A_483 : i32 to index
      %swap3A_485 = arith.index_cast %scan3A_405 : i32 to index
      %swap3A_486 = arith.constant 96 : index
      %swap3A_487 = tpu.vector_load %arg8[%swap3A_484, %swap3A_485, %swap3A_486] {strides = array<i32>} : memref<4x100x128xf32, #tpu.memory_space<vmem>>, vector<1x1x16xf32>,
      %swap3A_488 = vector.shape_cast %swap3A_487 : vector<1x1x16xf32> to vector<16xf32>
      %swap3A_489 = vector.shape_cast %get3A_482 : vector<16xf32> to vector<1x1x16xf32>
      tpu.vector_store %arg8[%swap3A_484, %swap3A_485, %swap3A_486], %swap3A_489 {add = true, strides = array<i32>} : memref<4x100x128xf32, #tpu.memory_space<vmem>>, vector<1x1x16xf32>,
      %add3A_490 = arith.addi %mul3A_166, %scan3A_405 : i32
      %get3A_491 = arith.index_cast %add3A_490 : i32 to index
      %get3A_492 = arith.constant 112 : index
      %get3A_493 = tpu.vector_load %arg7[%get3A_491, %get3A_492] {strides = array<i32>} : memref<200x128xf32, #tpu.memory_space<vmem>>, vector<1x16xf32>,
      %get3A_494 = vector.shape_cast %get3A_493 : vector<1x16xf32> to vector<16xf32>
      %swap3A_495 = arith.constant 2 : i32
      %swap3A_496 = arith.index_cast %swap3A_495 : i32 to index
      %swap3A_497 = arith.index_cast %scan3A_405 : i32 to index
      %swap3A_498 = arith.constant 112 : index
      %swap3A_499 = tpu.vector_load %arg8[%swap3A_496, %swap3A_497, %swap3A_498] {strides = array<i32>} : memref<4x100x128xf32, #tpu.memory_space<vmem>>, vector<1x1x16xf32>,
      %swap3A_500 = vector.shape_cast %swap3A_499 : vector<1x1x16xf32> to vector<16xf32>
      %swap3A_501 = vector.shape_cast %get3A_494 : vector<16xf32> to vector<1x1x16xf32>
      tpu.vector_store %arg8[%swap3A_496, %swap3A_497, %swap3A_498], %swap3A_501 {add = true, strides = array<i32>} : memref<4x100x128xf32, #tpu.memory_space<vmem>>, vector<1x1x16xf32>,
      %scan3A_502 = arith.constant 2 : i32
      %scan3A_503 = arith.addi %scan3A_309, %scan3A_502 : i32
      %add3A_504 = arith.addi %mul3A_166, %scan3A_503 : i32
      %get3A_505 = arith.index_cast %add3A_504 : i32 to index
      %get3A_506 = arith.constant 0 : index
      %get3A_507 = tpu.vector_load %arg7[%get3A_505, %get3A_506] {strides = array<i32>} : memref<200x128xf32, #tpu.memory_space<vmem>>, vector<1x16xf32>,
      %get3A_508 = vector.shape_cast %get3A_507 : vector<1x16xf32> to vector<16xf32>
      %swap3A_509 = arith.constant 2 : i32
      %swap3A_510 = arith.index_cast %swap3A_509 : i32 to index
      %swap3A_511 = arith.index_cast %scan3A_503 : i32 to index
      %swap3A_512 = arith.constant 0 : index
      %swap3A_513 = tpu.vector_load %arg8[%swap3A_510, %swap3A_511, %swap3A_512] {strides = array<i32>} : memref<4x100x128xf32, #tpu.memory_space<vmem>>, vector<1x1x16xf32>,
      %swap3A_514 = vector.shape_cast %swap3A_513 : vector<1x1x16xf32> to vector<16xf32>
      %swap3A_515 = vector.shape_cast %get3A_508 : vector<16xf32> to vector<1x1x16xf32>
      tpu.vector_store %arg8[%swap3A_510, %swap3A_511, %swap3A_512], %swap3A_515 {add = true, strides = array<i32>} : memref<4x100x128xf32, #tpu.memory_space<vmem>>, vector<1x1x16xf32>,
      %add3A_516 = arith.addi %mul3A_166, %scan3A_503 : i32
      %get3A_517 = arith.index_cast %add3A_516 : i32 to index
      %get3A_518 = arith.constant 16 : index
      %get3A_519 = tpu.vector_load %arg7[%get3A_517, %get3A_518] {strides = array<i32>} : memref<200x128xf32, #tpu.memory_space<vmem>>, vector<1x16xf32>,
      %get3A_520 = vector.shape_cast %get3A_519 : vector<1x16xf32> to vector<16xf32>
      %swap3A_521 = arith.constant 2 : i32
      %swap3A_522 = arith.index_cast %swap3A_521 : i32 to index
      %swap3A_523 = arith.index_cast %scan3A_503 : i32 to index
      %swap3A_524 = arith.constant 16 : index
      %swap3A_525 = tpu.vector_load %arg8[%swap3A_522, %swap3A_523, %swap3A_524] {strides = array<i32>} : memref<4x100x128xf32, #tpu.memory_space<vmem>>, vector<1x1x16xf32>,
      %swap3A_526 = vector.shape_cast %swap3A_525 : vector<1x1x16xf32> to vector<16xf32>
      %swap3A_527 = vector.shape_cast %get3A_520 : vector<16xf32> to vector<1x1x16xf32>
      tpu.vector_store %arg8[%swap3A_522, %swap3A_523, %swap3A_524], %swap3A_527 {add = true, strides = array<i32>} : memref<4x100x128xf32, #tpu.memory_space<vmem>>, vector<1x1x16xf32>,
      %add3A_528 = arith.addi %mul3A_166, %scan3A_503 : i32
      %get3A_529 = arith.index_cast %add3A_528 : i32 to index
      %get3A_530 = arith.constant 32 : index
      %get3A_531 = tpu.vector_load %arg7[%get3A_529, %get3A_530] {strides = array<i32>} : memref<200x128xf32, #tpu.memory_space<vmem>>, vector<1x16xf32>,
      %get3A_532 = vector.shape_cast %get3A_531 : vector<1x16xf32> to vector<16xf32>
      %swap3A_533 = arith.constant 2 : i32
      %swap3A_534 = arith.index_cast %swap3A_533 : i32 to index
      %swap3A_535 = arith.index_cast %scan3A_503 : i32 to index
      %swap3A_536 = arith.constant 32 : index
      %swap3A_537 = tpu.vector_load %arg8[%swap3A_534, %swap3A_535, %swap3A_536] {strides = array<i32>} : memref<4x100x128xf32, #tpu.memory_space<vmem>>, vector<1x1x16xf32>,
      %swap3A_538 = vector.shape_cast %swap3A_537 : vector<1x1x16xf32> to vector<16xf32>
      %swap3A_539 = vector.shape_cast %get3A_532 : vector<16xf32> to vector<1x1x16xf32>
      tpu.vector_store %arg8[%swap3A_534, %swap3A_535, %swap3A_536], %swap3A_539 {add = true, strides = array<i32>} : memref<4x100x128xf32, #tpu.memory_space<vmem>>, vector<1x1x16xf32>,
      %add3A_540 = arith.addi %mul3A_166, %scan3A_503 : i32
      %get3A_541 = arith.index_cast %add3A_540 : i32 to index
      %get3A_542 = arith.constant 48 : index
      %get3A_543 = tpu.vector_load %arg7[%get3A_541, %get3A_542] {strides = array<i32>} : memref<200x128xf32, #tpu.memory_space<vmem>>, vector<1x16xf32>,
      %get3A_544 = vector.shape_cast %get3A_543 : vector<1x16xf32> to vector<16xf32>
      %swap3A_545 = arith.constant 2 : i32
      %swap3A_546 = arith.index_cast %swap3A_545 : i32 to index
      %swap3A_547 = arith.index_cast %scan3A_503 : i32 to index
      %swap3A_548 = arith.constant 48 : index
      %swap3A_549 = tpu.vector_load %arg8[%swap3A_546, %swap3A_547, %swap3A_548] {strides = array<i32>} : memref<4x100x128xf32, #tpu.memory_space<vmem>>, vector<1x1x16xf32>,
      %swap3A_550 = vector.shape_cast %swap3A_549 : vector<1x1x16xf32> to vector<16xf32>
      %swap3A_551 = vector.shape_cast %get3A_544 : vector<16xf32> to vector<1x1x16xf32>
      tpu.vector_store %arg8[%swap3A_546, %swap3A_547, %swap3A_548], %swap3A_551 {add = true, strides = array<i32>} : memref<4x100x128xf32, #tpu.memory_space<vmem>>, vector<1x1x16xf32>,
      %add3A_552 = arith.addi %mul3A_166, %scan3A_503 : i32
      %get3A_553 = arith.index_cast %add3A_552 : i32 to index
      %get3A_554 = arith.constant 64 : index
      %get3A_555 = tpu.vector_load %arg7[%get3A_553, %get3A_554] {strides = array<i32>} : memref<200x128xf32, #tpu.memory_space<vmem>>, vector<1x16xf32>,
      %get3A_556 = vector.shape_cast %get3A_555 : vector<1x16xf32> to vector<16xf32>
      %swap3A_557 = arith.constant 2 : i32
      %swap3A_558 = arith.index_cast %swap3A_557 : i32 to index
      %swap3A_559 = arith.index_cast %scan3A_503 : i32 to index
      %swap3A_560 = arith.constant 64 : index
      %swap3A_561 = tpu.vector_load %arg8[%swap3A_558, %swap3A_559, %swap3A_560] {strides = array<i32>} : memref<4x100x128xf32, #tpu.memory_space<vmem>>, vector<1x1x16xf32>,
      %swap3A_562 = vector.shape_cast %swap3A_561 : vector<1x1x16xf32> to vector<16xf32>
      %swap3A_563 = vector.shape_cast %get3A_556 : vector<16xf32> to vector<1x1x16xf32>
      tpu.vector_store %arg8[%swap3A_558, %swap3A_559, %swap3A_560], %swap3A_563 {add = true, strides = array<i32>} : memref<4x100x128xf32, #tpu.memory_space<vmem>>, vector<1x1x16xf32>,
      %add3A_564 = arith.addi %mul3A_166, %scan3A_503 : i32
      %get3A_565 = arith.index_cast %add3A_564 : i32 to index
      %get3A_566 = arith.constant 80 : index
      %get3A_567 = tpu.vector_load %arg7[%get3A_565, %get3A_566] {strides = array<i32>} : memref<200x128xf32, #tpu.memory_space<vmem>>, vector<1x16xf32>,
      %get3A_568 = vector.shape_cast %get3A_567 : vector<1x16xf32> to vector<16xf32>
      %swap3A_569 = arith.constant 2 : i32
      %swap3A_570 = arith.index_cast %swap3A_569 : i32 to index
      %swap3A_571 = arith.index_cast %scan3A_503 : i32 to index
      %swap3A_572 = arith.constant 80 : index
      %swap3A_573 = tpu.vector_load %arg8[%swap3A_570, %swap3A_571, %swap3A_572] {strides = array<i32>} : memref<4x100x128xf32, #tpu.memory_space<vmem>>, vector<1x1x16xf32>,
      %swap3A_574 = vector.shape_cast %swap3A_573 : vector<1x1x16xf32> to vector<16xf32>
      %swap3A_575 = vector.shape_cast %get3A_568 : vector<16xf32> to vector<1x1x16xf32>
      tpu.vector_store %arg8[%swap3A_570, %swap3A_571, %swap3A_572], %swap3A_575 {add = true, strides = array<i32>} : memref<4x100x128xf32, #tpu.memory_space<vmem>>, vector<1x1x16xf32>,
      %add3A_576 = arith.addi %mul3A_166, %scan3A_503 : i32
      %get3A_577 = arith.index_cast %add3A_576 : i32 to index
      %get3A_578 = arith.constant 96 : index
      %get3A_579 = tpu.vector_load %arg7[%get3A_577, %get3A_578] {strides = array<i32>} : memref<200x128xf32, #tpu.memory_space<vmem>>, vector<1x16xf32>,
      %get3A_580 = vector.shape_cast %get3A_579 : vector<1x16xf32> to vector<16xf32>
      %swap3A_581 = arith.constant 2 : i32
      %swap3A_582 = arith.index_cast %swap3A_581 : i32 to index
      %swap3A_583 = arith.index_cast %scan3A_503 : i32 to index
      %swap3A_584 = arith.constant 96 : index
      %swap3A_585 = tpu.vector_load %arg8[%swap3A_582, %swap3A_583, %swap3A_584] {strides = array<i32>} : memref<4x100x128xf32, #tpu.memory_space<vmem>>, vector<1x1x16xf32>,
      %swap3A_586 = vector.shape_cast %swap3A_585 : vector<1x1x16xf32> to vector<16xf32>
      %swap3A_587 = vector.shape_cast %get3A_580 : vector<16xf32> to vector<1x1x16xf32>
      tpu.vector_store %arg8[%swap3A_582, %swap3A_583, %swap3A_584], %swap3A_587 {add = true, strides = array<i32>} : memref<4x100x128xf32, #tpu.memory_space<vmem>>, vector<1x1x16xf32>,
      %add3A_588 = arith.addi %mul3A_166, %scan3A_503 : i32
      %get3A_589 = arith.index_cast %add3A_588 : i32 to index
      %get3A_590 = arith.constant 112 : index
      %get3A_591 = tpu.vector_load %arg7[%get3A_589, %get3A_590] {strides = array<i32>} : memref<200x128xf32, #tpu.memory_space<vmem>>, vector<1x16xf32>,
      %get3A_592 = vector.shape_cast %get3A_591 : vector<1x16xf32> to vector<16xf32>
      %swap3A_593 = arith.constant 2 : i32
      %swap3A_594 = arith.index_cast %swap3A_593 : i32 to index
      %swap3A_595 = arith.index_cast %scan3A_503 : i32 to index
      %swap3A_596 = arith.constant 112 : index
      %swap3A_597 = tpu.vector_load %arg8[%swap3A_594, %swap3A_595, %swap3A_596] {strides = array<i32>} : memref<4x100x128xf32, #tpu.memory_space<vmem>>, vector<1x1x16xf32>,
      %swap3A_598 = vector.shape_cast %swap3A_597 : vector<1x1x16xf32> to vector<16xf32>
      %swap3A_599 = vector.shape_cast %get3A_592 : vector<16xf32> to vector<1x1x16xf32>
      tpu.vector_store %arg8[%swap3A_594, %swap3A_595, %swap3A_596], %swap3A_599 {add = true, strides = array<i32>} : memref<4x100x128xf32, #tpu.memory_space<vmem>>, vector<1x1x16xf32>,
      %scan3A_600 = arith.constant 3 : i32
      %scan3A_601 = arith.addi %scan3A_309, %scan3A_600 : i32
      %add3A_602 = arith.addi %mul3A_166, %scan3A_601 : i32
      %get3A_603 = arith.index_cast %add3A_602 : i32 to index
      %get3A_604 = arith.constant 0 : index
      %get3A_605 = tpu.vector_load %arg7[%get3A_603, %get3A_604] {strides = array<i32>} : memref<200x128xf32, #tpu.memory_space<vmem>>, vector<1x16xf32>,
      %get3A_606 = vector.shape_cast %get3A_605 : vector<1x16xf32> to vector<16xf32>
      %swap3A_607 = arith.constant 2 : i32
      %swap3A_608 = arith.index_cast %swap3A_607 : i32 to index
      %swap3A_609 = arith.index_cast %scan3A_601 : i32 to index
      %swap3A_610 = arith.constant 0 : index
      %swap3A_611 = tpu.vector_load %arg8[%swap3A_608, %swap3A_609, %swap3A_610] {strides = array<i32>} : memref<4x100x128xf32, #tpu.memory_space<vmem>>, vector<1x1x16xf32>,
      %swap3A_612 = vector.shape_cast %swap3A_611 : vector<1x1x16xf32> to vector<16xf32>
      %swap3A_613 = vector.shape_cast %get3A_606 : vector<16xf32> to vector<1x1x16xf32>
      tpu.vector_store %arg8[%swap3A_608, %swap3A_609, %swap3A_610], %swap3A_613 {add = true, strides = array<i32>} : memref<4x100x128xf32, #tpu.memory_space<vmem>>, vector<1x1x16xf32>,
      %add3A_614 = arith.addi %mul3A_166, %scan3A_601 : i32
      %get3A_615 = arith.index_cast %add3A_614 : i32 to index
      %get3A_616 = arith.constant 16 : index
      %get3A_617 = tpu.vector_load %arg7[%get3A_615, %get3A_616] {strides = array<i32>} : memref<200x128xf32, #tpu.memory_space<vmem>>, vector<1x16xf32>,
      %get3A_618 = vector.shape_cast %get3A_617 : vector<1x16xf32> to vector<16xf32>
      %swap3A_619 = arith.constant 2 : i32
      %swap3A_620 = arith.index_cast %swap3A_619 : i32 to index
      %swap3A_621 = arith.index_cast %scan3A_601 : i32 to index
      %swap3A_622 = arith.constant 16 : index
      %swap3A_623 = tpu.vector_load %arg8[%swap3A_620, %swap3A_621, %swap3A_622] {strides = array<i32>} : memref<4x100x128xf32, #tpu.memory_space<vmem>>, vector<1x1x16xf32>,
      %swap3A_624 = vector.shape_cast %swap3A_623 : vector<1x1x16xf32> to vector<16xf32>
      %swap3A_625 = vector.shape_cast %get3A_618 : vector<16xf32> to vector<1x1x16xf32>
      tpu.vector_store %arg8[%swap3A_620, %swap3A_621, %swap3A_622], %swap3A_625 {add = true, strides = array<i32>} : memref<4x100x128xf32, #tpu.memory_space<vmem>>, vector<1x1x16xf32>,
      %add3A_626 = arith.addi %mul3A_166, %scan3A_601 : i32
      %get3A_627 = arith.index_cast %add3A_626 : i32 to index
      %get3A_628 = arith.constant 32 : index
      %get3A_629 = tpu.vector_load %arg7[%get3A_627, %get3A_628] {strides = array<i32>} : memref<200x128xf32, #tpu.memory_space<vmem>>, vector<1x16xf32>,
      %get3A_630 = vector.shape_cast %get3A_629 : vector<1x16xf32> to vector<16xf32>
      %swap3A_631 = arith.constant 2 : i32
      %swap3A_632 = arith.index_cast %swap3A_631 : i32 to index
      %swap3A_633 = arith.index_cast %scan3A_601 : i32 to index
      %swap3A_634 = arith.constant 32 : index
      %swap3A_635 = tpu.vector_load %arg8[%swap3A_632, %swap3A_633, %swap3A_634] {strides = array<i32>} : memref<4x100x128xf32, #tpu.memory_space<vmem>>, vector<1x1x16xf32>,
      %swap3A_636 = vector.shape_cast %swap3A_635 : vector<1x1x16xf32> to vector<16xf32>
      %swap3A_637 = vector.shape_cast %get3A_630 : vector<16xf32> to vector<1x1x16xf32>
      tpu.vector_store %arg8[%swap3A_632, %swap3A_633, %swap3A_634], %swap3A_637 {add = true, strides = array<i32>} : memref<4x100x128xf32, #tpu.memory_space<vmem>>, vector<1x1x16xf32>,
      %add3A_638 = arith.addi %mul3A_166, %scan3A_601 : i32
      %get3A_639 = arith.index_cast %add3A_638 : i32 to index
      %get3A_640 = arith.constant 48 : index
      %get3A_641 = tpu.vector_load %arg7[%get3A_639, %get3A_640] {strides = array<i32>} : memref<200x128xf32, #tpu.memory_space<vmem>>, vector<1x16xf32>,
      %get3A_642 = vector.shape_cast %get3A_641 : vector<1x16xf32> to vector<16xf32>
      %swap3A_643 = arith.constant 2 : i32
      %swap3A_644 = arith.index_cast %swap3A_643 : i32 to index
      %swap3A_645 = arith.index_cast %scan3A_601 : i32 to index
      %swap3A_646 = arith.constant 48 : index
      %swap3A_647 = tpu.vector_load %arg8[%swap3A_644, %swap3A_645, %swap3A_646] {strides = array<i32>} : memref<4x100x128xf32, #tpu.memory_space<vmem>>, vector<1x1x16xf32>,
      %swap3A_648 = vector.shape_cast %swap3A_647 : vector<1x1x16xf32> to vector<16xf32>
      %swap3A_649 = vector.shape_cast %get3A_642 : vector<16xf32> to vector<1x1x16xf32>
      tpu.vector_store %arg8[%swap3A_644, %swap3A_645, %swap3A_646], %swap3A_649 {add = true, strides = array<i32>} : memref<4x100x128xf32, #tpu.memory_space<vmem>>, vector<1x1x16xf32>,
      %add3A_650 = arith.addi %mul3A_166, %scan3A_601 : i32
      %get3A_651 = arith.index_cast %add3A_650 : i32 to index
      %get3A_652 = arith.constant 64 : index
      %get3A_653 = tpu.vector_load %arg7[%get3A_651, %get3A_652] {strides = array<i32>} : memref<200x128xf32, #tpu.memory_space<vmem>>, vector<1x16xf32>,
      %get3A_654 = vector.shape_cast %get3A_653 : vector<1x16xf32> to vector<16xf32>
      %swap3A_655 = arith.constant 2 : i32
      %swap3A_656 = arith.index_cast %swap3A_655 : i32 to index
      %swap3A_657 = arith.index_cast %scan3A_601 : i32 to index
      %swap3A_658 = arith.constant 64 : index
      %swap3A_659 = tpu.vector_load %arg8[%swap3A_656, %swap3A_657, %swap3A_658] {strides = array<i32>} : memref<4x100x128xf32, #tpu.memory_space<vmem>>, vector<1x1x16xf32>,
      %swap3A_660 = vector.shape_cast %swap3A_659 : vector<1x1x16xf32> to vector<16xf32>
      %swap3A_661 = vector.shape_cast %get3A_654 : vector<16xf32> to vector<1x1x16xf32>
      tpu.vector_store %arg8[%swap3A_656, %swap3A_657, %swap3A_658], %swap3A_661 {add = true, strides = array<i32>} : memref<4x100x128xf32, #tpu.memory_space<vmem>>, vector<1x1x16xf32>,
      %add3A_662 = arith.addi %mul3A_166, %scan3A_601 : i32
      %get3A_663 = arith.index_cast %add3A_662 : i32 to index
      %get3A_664 = arith.constant 80 : index
      %get3A_665 = tpu.vector_load %arg7[%get3A_663, %get3A_664] {strides = array<i32>} : memref<200x128xf32, #tpu.memory_space<vmem>>, vector<1x16xf32>,
      %get3A_666 = vector.shape_cast %get3A_665 : vector<1x16xf32> to vector<16xf32>
      %swap3A_667 = arith.constant 2 : i32
      %swap3A_668 = arith.index_cast %swap3A_667 : i32 to index
      %swap3A_669 = arith.index_cast %scan3A_601 : i32 to index
      %swap3A_670 = arith.constant 80 : index
      %swap3A_671 = tpu.vector_load %arg8[%swap3A_668, %swap3A_669, %swap3A_670] {strides = array<i32>} : memref<4x100x128xf32, #tpu.memory_space<vmem>>, vector<1x1x16xf32>,
      %swap3A_672 = vector.shape_cast %swap3A_671 : vector<1x1x16xf32> to vector<16xf32>
      %swap3A_673 = vector.shape_cast %get3A_666 : vector<16xf32> to vector<1x1x16xf32>
      tpu.vector_store %arg8[%swap3A_668, %swap3A_669, %swap3A_670], %swap3A_673 {add = true, strides = array<i32>} : memref<4x100x128xf32, #tpu.memory_space<vmem>>, vector<1x1x16xf32>,
      %add3A_674 = arith.addi %mul3A_166, %scan3A_601 : i32
      %get3A_675 = arith.index_cast %add3A_674 : i32 to index
      %get3A_676 = arith.constant 96 : index
      %get3A_677 = tpu.vector_load %arg7[%get3A_675, %get3A_676] {strides = array<i32>} : memref<200x128xf32, #tpu.memory_space<vmem>>, vector<1x16xf32>,
      %get3A_678 = vector.shape_cast %get3A_677 : vector<1x16xf32> to vector<16xf32>
      %swap3A_679 = arith.constant 2 : i32
      %swap3A_680 = arith.index_cast %swap3A_679 : i32 to index
      %swap3A_681 = arith.index_cast %scan3A_601 : i32 to index
      %swap3A_682 = arith.constant 96 : index
      %swap3A_683 = tpu.vector_load %arg8[%swap3A_680, %swap3A_681, %swap3A_682] {strides = array<i32>} : memref<4x100x128xf32, #tpu.memory_space<vmem>>, vector<1x1x16xf32>,
      %swap3A_684 = vector.shape_cast %swap3A_683 : vector<1x1x16xf32> to vector<16xf32>
      %swap3A_685 = vector.shape_cast %get3A_678 : vector<16xf32> to vector<1x1x16xf32>
      tpu.vector_store %arg8[%swap3A_680, %swap3A_681, %swap3A_682], %swap3A_685 {add = true, strides = array<i32>} : memref<4x100x128xf32, #tpu.memory_space<vmem>>, vector<1x1x16xf32>,
      %add3A_686 = arith.addi %mul3A_166, %scan3A_601 : i32
      %get3A_687 = arith.index_cast %add3A_686 : i32 to index
      %get3A_688 = arith.constant 112 : index
      %get3A_689 = tpu.vector_load %arg7[%get3A_687, %get3A_688] {strides = array<i32>} : memref<200x128xf32, #tpu.memory_space<vmem>>, vector<1x16xf32>,
      %get3A_690 = vector.shape_cast %get3A_689 : vector<1x16xf32> to vector<16xf32>
      %swap3A_691 = arith.constant 2 : i32
      %swap3A_692 = arith.index_cast %swap3A_691 : i32 to index
      %swap3A_693 = arith.index_cast %scan3A_601 : i32 to index
      %swap3A_694 = arith.constant 112 : index
      %swap3A_695 = tpu.vector_load %arg8[%swap3A_692, %swap3A_693, %swap3A_694] {strides = array<i32>} : memref<4x100x128xf32, #tpu.memory_space<vmem>>, vector<1x1x16xf32>,
      %swap3A_696 = vector.shape_cast %swap3A_695 : vector<1x1x16xf32> to vector<16xf32>
      %swap3A_697 = vector.shape_cast %get3A_690 : vector<16xf32> to vector<1x1x16xf32>
      tpu.vector_store %arg8[%swap3A_692, %swap3A_693, %swap3A_694], %swap3A_697 {add = true, strides = array<i32>} : memref<4x100x128xf32, #tpu.memory_space<vmem>>, vector<1x1x16xf32>,
    }
    %scan3A_172 = arith.constant 100 : i32
    %add3A_173 = arith.constant 200 : i32
    %add3A_174 = arith.addi %mul3A_2, %add3A_173 : i32
    %dma_start3A_175 = arith.constant 2 : i32
    %dma_start3A_176 = arith.constant 0 : i32
    %dma_start3A_177 = arith.constant 0 : i32
    %dma_start3A_178 = tpu.memref_slice %arg8[%dma_start3A_175, %dma_start3A_176, %dma_start3A_177] : memref<4x100x128xf32, #tpu.memory_space<vmem>> -> memref<1x100x128xf32, #tpu.memory_space<vmem>>
    %dma_start3A_179 = tpu.memref_squeeze %dma_start3A_178 : memref<1x100x128xf32, #tpu.memory_space<vmem>> -> memref<100x128xf32, #tpu.memory_space<vmem>>
    %dma_start3A_180 = arith.constant 0 : i32
    %dma_start3A_181 = tpu.memref_slice %arg5[%add3A_174, %dma_start3A_180] : memref<204800x128xf32, #tpu.memory_space<hbm>> -> memref<100x128xf32, #tpu.memory_space<hbm>>
    %dma_start3A_182 = arith.constant 0 : i32
    %dma_start3A_183 = tpu.memref_slice %arg5[%add3A_174, %dma_start3A_182] : memref<204800x128xf32, #tpu.memory_space<hbm>> -> memref<100x128xf32, #tpu.memory_space<hbm>>
    %dma_start3A_184 = arith.constant 0 : i32
    %dma_start3A_185 = arith.constant 0 : i32
    %dma_start3A_186 = tpu.memref_slice %arg8[%dma_start3A_175, %dma_start3A_184, %dma_start3A_185] : memref<4x100x128xf32, #tpu.memory_space<vmem>> -> memref<1x100x128xf32, #tpu.memory_space<vmem>>
    %dma_start3A_187 = tpu.memref_squeeze %dma_start3A_186 : memref<1x100x128xf32, #tpu.memory_space<vmem>> -> memref<100x128xf32, #tpu.memory_space<vmem>>
    tpu.enqueue_dma source(%dma_start3A_187 : memref<100x128xf32, #tpu.memory_space<vmem>>) target(%dma_start3A_183 : memref<100x128xf32, #tpu.memory_space<hbm>>) target_semaphore(%arg15 : memref<!tpu.dma_semaphore, #tpu.memory_space<semaphore_mem>>)
    %dma_wait3A_188 = arith.constant 1 : i32
    %dma_wait3A_189 = arith.constant 0 : i32
    %dma_wait3A_190 = arith.constant 0 : i32
    %dma_wait3A_191 = tpu.memref_slice %arg8[%dma_wait3A_188, %dma_wait3A_189, %dma_wait3A_190] : memref<4x100x128xf32, #tpu.memory_space<vmem>> -> memref<1x100x128xf32, #tpu.memory_space<vmem>>
    %dma_wait3A_192 = tpu.memref_squeeze %dma_wait3A_191 : memref<1x100x128xf32, #tpu.memory_space<vmem>> -> memref<100x128xf32, #tpu.memory_space<vmem>>
    %dma_wait3A_193 = arith.constant 0 : i32
    %dma_wait3A_194 = tpu.memref_slice %arg5[%mul3A_2, %dma_wait3A_193] : memref<204800x128xf32, #tpu.memory_space<hbm>> -> memref<100x128xf32, #tpu.memory_space<hbm>>
    %dma_wait3A_195 = arith.constant 0 : i32
    %dma_wait3A_196 = tpu.memref_slice %arg5[%mul3A_2, %dma_wait3A_195] : memref<204800x128xf32, #tpu.memory_space<hbm>> -> memref<100x128xf32, #tpu.memory_space<hbm>>
    %dma_wait3A_197 = arith.constant 0 : i32
    %dma_wait3A_198 = arith.constant 0 : i32
    %dma_wait3A_199 = tpu.memref_slice %arg8[%dma_wait3A_188, %dma_wait3A_197, %dma_wait3A_198] : memref<4x100x128xf32, #tpu.memory_space<vmem>> -> memref<1x100x128xf32, #tpu.memory_space<vmem>>
    %dma_wait3A_200 = tpu.memref_squeeze %dma_wait3A_199 : memref<1x100x128xf32, #tpu.memory_space<vmem>> -> memref<100x128xf32, #tpu.memory_space<vmem>>
    tpu.wait_dma2 semaphore(%arg14 : memref<!tpu.dma_semaphore, #tpu.memory_space<semaphore_mem>>) src(%dma_wait3A_200 : memref<100x128xf32, #tpu.memory_space<vmem>>) dst(%dma_wait3A_196 : memref<100x128xf32, #tpu.memory_space<hbm>>)
    %dma_start3A_201 = arith.constant 5 : i32
    %dma_start3A_202 = arith.constant 1 : i32
    %dma_start3A_203 = arith.constant 0 : i32
    %dma_start3A_204 = arith.constant 0 : i32
    %dma_start3A_205 = tpu.memref_slice %arg8[%dma_start3A_202, %dma_start3A_203, %dma_start3A_204] : memref<4x100x128xf32, #tpu.memory_space<vmem>> -> memref<1x100x128xf32, #tpu.memory_space<vmem>>
    %dma_start3A_206 = tpu.memref_squeeze %dma_start3A_205 : memref<1x100x128xf32, #tpu.memory_space<vmem>> -> memref<100x128xf32, #tpu.memory_space<vmem>>
    %dma_start3A_207 = arith.constant 0 : i32
    %dma_start3A_208 = tpu.memref_slice %arg6[%dma_start3A_201, %dma_start3A_207] : memref<64x100xi32, #tpu.memory_space<vmem>> -> memref<1x100xi32, #tpu.memory_space<vmem>>
    %dma_start3A_209 = tpu.memref_squeeze %dma_start3A_208 : memref<1x100xi32, #tpu.memory_space<vmem>> -> memref<100xi32, #tpu.memory_space<vmem>>
    %dma_start3A_210 = arith.constant 0 : i32
    %dma_start3A_211 = arith.constant 0 : i32
    %dma_start3A_212 = tpu.memref_slice %arg3[%dma_start3A_210, %dma_start3A_211] : memref<1000000x128xf32, #tpu.memory_space<hbm>> -> memref<1000000x128xf32, #tpu.memory_space<hbm>>
    tpu.enqueue_indirect_dma source(%dma_start3A_212 : memref<1000000x128xf32, #tpu.memory_space<hbm>>) target(%dma_start3A_206 : memref<100x128xf32, #tpu.memory_space<vmem>>) offsets(%dma_start3A_209 : memref<100xi32, #tpu.memory_space<vmem>>) semaphore(%arg10 : memref<!tpu.dma_semaphore, #tpu.memory_space<semaphore_mem>>)
    %dma_wait3A_213 = arith.constant 0 : i32
    %dma_wait3A_214 = arith.constant 3 : i32
    %dma_wait3A_215 = arith.constant 0 : i32
    %dma_wait3A_216 = arith.constant 0 : i32
    %dma_wait3A_217 = tpu.memref_slice %arg8[%dma_wait3A_214, %dma_wait3A_215, %dma_wait3A_216] : memref<4x100x128xf32, #tpu.memory_space<vmem>> -> memref<1x100x128xf32, #tpu.memory_space<vmem>>
    %dma_wait3A_218 = tpu.memref_squeeze %dma_wait3A_217 : memref<1x100x128xf32, #tpu.memory_space<vmem>> -> memref<100x128xf32, #tpu.memory_space<vmem>>
    %dma_wait3A_219 = arith.constant 0 : i32
    %dma_wait3A_220 = tpu.memref_slice %arg6[%dma_wait3A_213, %dma_wait3A_219] : memref<64x100xi32, #tpu.memory_space<vmem>> -> memref<1x100xi32, #tpu.memory_space<vmem>>
    %dma_wait3A_221 = tpu.memref_squeeze %dma_wait3A_220 : memref<1x100xi32, #tpu.memory_space<vmem>> -> memref<100xi32, #tpu.memory_space<vmem>>
    %dma_wait3A_222 = arith.constant 0 : i32
    %dma_wait3A_223 = arith.constant 0 : i32
    %dma_wait3A_224 = tpu.memref_slice %arg3[%dma_wait3A_222, %dma_wait3A_223] : memref<1000000x128xf32, #tpu.memory_space<hbm>> -> memref<1000000x128xf32, #tpu.memory_space<hbm>>
    tpu.wait_indirect_dma semaphore(%arg12 : memref<!tpu.dma_semaphore, #tpu.memory_space<semaphore_mem>>) src(%dma_wait3A_224 : memref<1000000x128xf32, #tpu.memory_space<hbm>>) dst(%dma_wait3A_218 : memref<100x128xf32, #tpu.memory_space<vmem>>)
    %rem3A_225 = arith.constant 3 : i32
    %rem3A_226 = arith.constant 2 : i32
    %rem3A_227 = arith.remsi %rem3A_225, %rem3A_226 : i32
    %mul3A_228 = arith.constant 100 : i32
    %mul3A_229 = arith.muli %rem3A_227, %mul3A_228 : i32
    %scan3A_230 = arith.constant 0 : i32
    %scan3A_231 = arith.constant 0 : i32
    %scan3A_232 = arith.constant 100 : i32
    %scan3A_233 = arith.addi %scan3A_231, %scan3A_232 : i32
    %scan3A_234 = arith.constant 4 : i32
    scf.for %scan3A_309 = %scan3A_231 to %scan3A_233 step %scan3A_234  : i32 {
      %add3A_310 = arith.addi %mul3A_229, %scan3A_309 : i32
      %get3A = arith.index_cast %add3A_310 : i32 to index
      %get3A_311 = arith.constant 0 : index
      %get3A_312 = tpu.vector_load %arg7[%get3A, %get3A_311] {strides = array<i32>} : memref<200x128xf32, #tpu.memory_space<vmem>>, vector<1x16xf32>,
      %get3A_313 = vector.shape_cast %get3A_312 : vector<1x16xf32> to vector<16xf32>
      %swap3A = arith.constant 3 : i32
      %swap3A_314 = arith.index_cast %swap3A : i32 to index
      %swap3A_315 = arith.index_cast %scan3A_309 : i32 to index
      %swap3A_316 = arith.constant 0 : index
      %swap3A_317 = tpu.vector_load %arg8[%swap3A_314, %swap3A_315, %swap3A_316] {strides = array<i32>} : memref<4x100x128xf32, #tpu.memory_space<vmem>>, vector<1x1x16xf32>,
      %swap3A_318 = vector.shape_cast %swap3A_317 : vector<1x1x16xf32> to vector<16xf32>
      %swap3A_319 = vector.shape_cast %get3A_313 : vector<16xf32> to vector<1x1x16xf32>
      tpu.vector_store %arg8[%swap3A_314, %swap3A_315, %swap3A_316], %swap3A_319 {add = true, strides = array<i32>} : memref<4x100x128xf32, #tpu.memory_space<vmem>>, vector<1x1x16xf32>,
      %add3A_320 = arith.addi %mul3A_229, %scan3A_309 : i32
      %get3A_321 = arith.index_cast %add3A_320 : i32 to index
      %get3A_322 = arith.constant 16 : index
      %get3A_323 = tpu.vector_load %arg7[%get3A_321, %get3A_322] {strides = array<i32>} : memref<200x128xf32, #tpu.memory_space<vmem>>, vector<1x16xf32>,
      %get3A_324 = vector.shape_cast %get3A_323 : vector<1x16xf32> to vector<16xf32>
      %swap3A_325 = arith.constant 3 : i32
      %swap3A_326 = arith.index_cast %swap3A_325 : i32 to index
      %swap3A_327 = arith.index_cast %scan3A_309 : i32 to index
      %swap3A_328 = arith.constant 16 : index
      %swap3A_329 = tpu.vector_load %arg8[%swap3A_326, %swap3A_327, %swap3A_328] {strides = array<i32>} : memref<4x100x128xf32, #tpu.memory_space<vmem>>, vector<1x1x16xf32>,
      %swap3A_330 = vector.shape_cast %swap3A_329 : vector<1x1x16xf32> to vector<16xf32>
      %swap3A_331 = vector.shape_cast %get3A_324 : vector<16xf32> to vector<1x1x16xf32>
      tpu.vector_store %arg8[%swap3A_326, %swap3A_327, %swap3A_328], %swap3A_331 {add = true, strides = array<i32>} : memref<4x100x128xf32, #tpu.memory_space<vmem>>, vector<1x1x16xf32>,
      %add3A_332 = arith.addi %mul3A_229, %scan3A_309 : i32
      %get3A_333 = arith.index_cast %add3A_332 : i32 to index
      %get3A_334 = arith.constant 32 : index
      %get3A_335 = tpu.vector_load %arg7[%get3A_333, %get3A_334] {strides = array<i32>} : memref<200x128xf32, #tpu.memory_space<vmem>>, vector<1x16xf32>,
      %get3A_336 = vector.shape_cast %get3A_335 : vector<1x16xf32> to vector<16xf32>
      %swap3A_337 = arith.constant 3 : i32
      %swap3A_338 = arith.index_cast %swap3A_337 : i32 to index
      %swap3A_339 = arith.index_cast %scan3A_309 : i32 to index
      %swap3A_340 = arith.constant 32 : index
      %swap3A_341 = tpu.vector_load %arg8[%swap3A_338, %swap3A_339, %swap3A_340] {strides = array<i32>} : memref<4x100x128xf32, #tpu.memory_space<vmem>>, vector<1x1x16xf32>,
      %swap3A_342 = vector.shape_cast %swap3A_341 : vector<1x1x16xf32> to vector<16xf32>
      %swap3A_343 = vector.shape_cast %get3A_336 : vector<16xf32> to vector<1x1x16xf32>
      tpu.vector_store %arg8[%swap3A_338, %swap3A_339, %swap3A_340], %swap3A_343 {add = true, strides = array<i32>} : memref<4x100x128xf32, #tpu.memory_space<vmem>>, vector<1x1x16xf32>,
      %add3A_344 = arith.addi %mul3A_229, %scan3A_309 : i32
      %get3A_345 = arith.index_cast %add3A_344 : i32 to index
      %get3A_346 = arith.constant 48 : index
      %get3A_347 = tpu.vector_load %arg7[%get3A_345, %get3A_346] {strides = array<i32>} : memref<200x128xf32, #tpu.memory_space<vmem>>, vector<1x16xf32>,
      %get3A_348 = vector.shape_cast %get3A_347 : vector<1x16xf32> to vector<16xf32>
      %swap3A_349 = arith.constant 3 : i32
      %swap3A_350 = arith.index_cast %swap3A_349 : i32 to index
      %swap3A_351 = arith.index_cast %scan3A_309 : i32 to index
      %swap3A_352 = arith.constant 48 : index
      %swap3A_353 = tpu.vector_load %arg8[%swap3A_350, %swap3A_351, %swap3A_352] {strides = array<i32>} : memref<4x100x128xf32, #tpu.memory_space<vmem>>, vector<1x1x16xf32>,
      %swap3A_354 = vector.shape_cast %swap3A_353 : vector<1x1x16xf32> to vector<16xf32>
      %swap3A_355 = vector.shape_cast %get3A_348 : vector<16xf32> to vector<1x1x16xf32>
      tpu.vector_store %arg8[%swap3A_350, %swap3A_351, %swap3A_352], %swap3A_355 {add = true, strides = array<i32>} : memref<4x100x128xf32, #tpu.memory_space<vmem>>, vector<1x1x16xf32>,
      %add3A_356 = arith.addi %mul3A_229, %scan3A_309 : i32
      %get3A_357 = arith.index_cast %add3A_356 : i32 to index
      %get3A_358 = arith.constant 64 : index
      %get3A_359 = tpu.vector_load %arg7[%get3A_357, %get3A_358] {strides = array<i32>} : memref<200x128xf32, #tpu.memory_space<vmem>>, vector<1x16xf32>,
      %get3A_360 = vector.shape_cast %get3A_359 : vector<1x16xf32> to vector<16xf32>
      %swap3A_361 = arith.constant 3 : i32
      %swap3A_362 = arith.index_cast %swap3A_361 : i32 to index
      %swap3A_363 = arith.index_cast %scan3A_309 : i32 to index
      %swap3A_364 = arith.constant 64 : index
      %swap3A_365 = tpu.vector_load %arg8[%swap3A_362, %swap3A_363, %swap3A_364] {strides = array<i32>} : memref<4x100x128xf32, #tpu.memory_space<vmem>>, vector<1x1x16xf32>,
      %swap3A_366 = vector.shape_cast %swap3A_365 : vector<1x1x16xf32> to vector<16xf32>
      %swap3A_367 = vector.shape_cast %get3A_360 : vector<16xf32> to vector<1x1x16xf32>
      tpu.vector_store %arg8[%swap3A_362, %swap3A_363, %swap3A_364], %swap3A_367 {add = true, strides = array<i32>} : memref<4x100x128xf32, #tpu.memory_space<vmem>>, vector<1x1x16xf32>,
      %add3A_368 = arith.addi %mul3A_229, %scan3A_309 : i32
      %get3A_369 = arith.index_cast %add3A_368 : i32 to index
      %get3A_370 = arith.constant 80 : index
      %get3A_371 = tpu.vector_load %arg7[%get3A_369, %get3A_370] {strides = array<i32>} : memref<200x128xf32, #tpu.memory_space<vmem>>, vector<1x16xf32>,
      %get3A_372 = vector.shape_cast %get3A_371 : vector<1x16xf32> to vector<16xf32>
      %swap3A_373 = arith.constant 3 : i32
      %swap3A_374 = arith.index_cast %swap3A_373 : i32 to index
      %swap3A_375 = arith.index_cast %scan3A_309 : i32 to index
      %swap3A_376 = arith.constant 80 : index
      %swap3A_377 = tpu.vector_load %arg8[%swap3A_374, %swap3A_375, %swap3A_376] {strides = array<i32>} : memref<4x100x128xf32, #tpu.memory_space<vmem>>, vector<1x1x16xf32>,
      %swap3A_378 = vector.shape_cast %swap3A_377 : vector<1x1x16xf32> to vector<16xf32>
      %swap3A_379 = vector.shape_cast %get3A_372 : vector<16xf32> to vector<1x1x16xf32>
      tpu.vector_store %arg8[%swap3A_374, %swap3A_375, %swap3A_376], %swap3A_379 {add = true, strides = array<i32>} : memref<4x100x128xf32, #tpu.memory_space<vmem>>, vector<1x1x16xf32>,
      %add3A_380 = arith.addi %mul3A_229, %scan3A_309 : i32
      %get3A_381 = arith.index_cast %add3A_380 : i32 to index
      %get3A_382 = arith.constant 96 : index
      %get3A_383 = tpu.vector_load %arg7[%get3A_381, %get3A_382] {strides = array<i32>} : memref<200x128xf32, #tpu.memory_space<vmem>>, vector<1x16xf32>,
      %get3A_384 = vector.shape_cast %get3A_383 : vector<1x16xf32> to vector<16xf32>
      %swap3A_385 = arith.constant 3 : i32
      %swap3A_386 = arith.index_cast %swap3A_385 : i32 to index
      %swap3A_387 = arith.index_cast %scan3A_309 : i32 to index
      %swap3A_388 = arith.constant 96 : index
      %swap3A_389 = tpu.vector_load %arg8[%swap3A_386, %swap3A_387, %swap3A_388] {strides = array<i32>} : memref<4x100x128xf32, #tpu.memory_space<vmem>>, vector<1x1x16xf32>,
      %swap3A_390 = vector.shape_cast %swap3A_389 : vector<1x1x16xf32> to vector<16xf32>
      %swap3A_391 = vector.shape_cast %get3A_384 : vector<16xf32> to vector<1x1x16xf32>
      tpu.vector_store %arg8[%swap3A_386, %swap3A_387, %swap3A_388], %swap3A_391 {add = true, strides = array<i32>} : memref<4x100x128xf32, #tpu.memory_space<vmem>>, vector<1x1x16xf32>,
      %add3A_392 = arith.addi %mul3A_229, %scan3A_309 : i32
      %get3A_393 = arith.index_cast %add3A_392 : i32 to index
      %get3A_394 = arith.constant 112 : index
      %get3A_395 = tpu.vector_load %arg7[%get3A_393, %get3A_394] {strides = array<i32>} : memref<200x128xf32, #tpu.memory_space<vmem>>, vector<1x16xf32>,
      %get3A_396 = vector.shape_cast %get3A_395 : vector<1x16xf32> to vector<16xf32>
      %swap3A_397 = arith.constant 3 : i32
      %swap3A_398 = arith.index_cast %swap3A_397 : i32 to index
      %swap3A_399 = arith.index_cast %scan3A_309 : i32 to index
      %swap3A_400 = arith.constant 112 : index
      %swap3A_401 = tpu.vector_load %arg8[%swap3A_398, %swap3A_399, %swap3A_400] {strides = array<i32>} : memref<4x100x128xf32, #tpu.memory_space<vmem>>, vector<1x1x16xf32>,
      %swap3A_402 = vector.shape_cast %swap3A_401 : vector<1x1x16xf32> to vector<16xf32>
      %swap3A_403 = vector.shape_cast %get3A_396 : vector<16xf32> to vector<1x1x16xf32>
      tpu.vector_store %arg8[%swap3A_398, %swap3A_399, %swap3A_400], %swap3A_403 {add = true, strides = array<i32>} : memref<4x100x128xf32, #tpu.memory_space<vmem>>, vector<1x1x16xf32>,
      %scan3A_404 = arith.constant 1 : i32
      %scan3A_405 = arith.addi %scan3A_309, %scan3A_404 : i32
      %add3A_406 = arith.addi %mul3A_229, %scan3A_405 : i32
      %get3A_407 = arith.index_cast %add3A_406 : i32 to index
      %get3A_408 = arith.constant 0 : index
      %get3A_409 = tpu.vector_load %arg7[%get3A_407, %get3A_408] {strides = array<i32>} : memref<200x128xf32, #tpu.memory_space<vmem>>, vector<1x16xf32>,
      %get3A_410 = vector.shape_cast %get3A_409 : vector<1x16xf32> to vector<16xf32>
      %swap3A_411 = arith.constant 3 : i32
      %swap3A_412 = arith.index_cast %swap3A_411 : i32 to index
      %swap3A_413 = arith.index_cast %scan3A_405 : i32 to index
      %swap3A_414 = arith.constant 0 : index
      %swap3A_415 = tpu.vector_load %arg8[%swap3A_412, %swap3A_413, %swap3A_414] {strides = array<i32>} : memref<4x100x128xf32, #tpu.memory_space<vmem>>, vector<1x1x16xf32>,
      %swap3A_416 = vector.shape_cast %swap3A_415 : vector<1x1x16xf32> to vector<16xf32>
      %swap3A_417 = vector.shape_cast %get3A_410 : vector<16xf32> to vector<1x1x16xf32>
      tpu.vector_store %arg8[%swap3A_412, %swap3A_413, %swap3A_414], %swap3A_417 {add = true, strides = array<i32>} : memref<4x100x128xf32, #tpu.memory_space<vmem>>, vector<1x1x16xf32>,
      %add3A_418 = arith.addi %mul3A_229, %scan3A_405 : i32
      %get3A_419 = arith.index_cast %add3A_418 : i32 to index
      %get3A_420 = arith.constant 16 : index
      %get3A_421 = tpu.vector_load %arg7[%get3A_419, %get3A_420] {strides = array<i32>} : memref<200x128xf32, #tpu.memory_space<vmem>>, vector<1x16xf32>,
      %get3A_422 = vector.shape_cast %get3A_421 : vector<1x16xf32> to vector<16xf32>
      %swap3A_423 = arith.constant 3 : i32
      %swap3A_424 = arith.index_cast %swap3A_423 : i32 to index
      %swap3A_425 = arith.index_cast %scan3A_405 : i32 to index
      %swap3A_426 = arith.constant 16 : index
      %swap3A_427 = tpu.vector_load %arg8[%swap3A_424, %swap3A_425, %swap3A_426] {strides = array<i32>} : memref<4x100x128xf32, #tpu.memory_space<vmem>>, vector<1x1x16xf32>,
      %swap3A_428 = vector.shape_cast %swap3A_427 : vector<1x1x16xf32> to vector<16xf32>
      %swap3A_429 = vector.shape_cast %get3A_422 : vector<16xf32> to vector<1x1x16xf32>
      tpu.vector_store %arg8[%swap3A_424, %swap3A_425, %swap3A_426], %swap3A_429 {add = true, strides = array<i32>} : memref<4x100x128xf32, #tpu.memory_space<vmem>>, vector<1x1x16xf32>,
      %add3A_430 = arith.addi %mul3A_229, %scan3A_405 : i32
      %get3A_431 = arith.index_cast %add3A_430 : i32 to index
      %get3A_432 = arith.constant 32 : index
      %get3A_433 = tpu.vector_load %arg7[%get3A_431, %get3A_432] {strides = array<i32>} : memref<200x128xf32, #tpu.memory_space<vmem>>, vector<1x16xf32>,
      %get3A_434 = vector.shape_cast %get3A_433 : vector<1x16xf32> to vector<16xf32>
      %swap3A_435 = arith.constant 3 : i32
      %swap3A_436 = arith.index_cast %swap3A_435 : i32 to index
      %swap3A_437 = arith.index_cast %scan3A_405 : i32 to index
      %swap3A_438 = arith.constant 32 : index
      %swap3A_439 = tpu.vector_load %arg8[%swap3A_436, %swap3A_437, %swap3A_438] {strides = array<i32>} : memref<4x100x128xf32, #tpu.memory_space<vmem>>, vector<1x1x16xf32>,
      %swap3A_440 = vector.shape_cast %swap3A_439 : vector<1x1x16xf32> to vector<16xf32>
      %swap3A_441 = vector.shape_cast %get3A_434 : vector<16xf32> to vector<1x1x16xf32>
      tpu.vector_store %arg8[%swap3A_436, %swap3A_437, %swap3A_438], %swap3A_441 {add = true, strides = array<i32>} : memref<4x100x128xf32, #tpu.memory_space<vmem>>, vector<1x1x16xf32>,
      %add3A_442 = arith.addi %mul3A_229, %scan3A_405 : i32
      %get3A_443 = arith.index_cast %add3A_442 : i32 to index
      %get3A_444 = arith.constant 48 : index
      %get3A_445 = tpu.vector_load %arg7[%get3A_443, %get3A_444] {strides = array<i32>} : memref<200x128xf32, #tpu.memory_space<vmem>>, vector<1x16xf32>,
      %get3A_446 = vector.shape_cast %get3A_445 : vector<1x16xf32> to vector<16xf32>
      %swap3A_447 = arith.constant 3 : i32
      %swap3A_448 = arith.index_cast %swap3A_447 : i32 to index
      %swap3A_449 = arith.index_cast %scan3A_405 : i32 to index
      %swap3A_450 = arith.constant 48 : index
      %swap3A_451 = tpu.vector_load %arg8[%swap3A_448, %swap3A_449, %swap3A_450] {strides = array<i32>} : memref<4x100x128xf32, #tpu.memory_space<vmem>>, vector<1x1x16xf32>,
      %swap3A_452 = vector.shape_cast %swap3A_451 : vector<1x1x16xf32> to vector<16xf32>
      %swap3A_453 = vector.shape_cast %get3A_446 : vector<16xf32> to vector<1x1x16xf32>
      tpu.vector_store %arg8[%swap3A_448, %swap3A_449, %swap3A_450], %swap3A_453 {add = true, strides = array<i32>} : memref<4x100x128xf32, #tpu.memory_space<vmem>>, vector<1x1x16xf32>,
      %add3A_454 = arith.addi %mul3A_229, %scan3A_405 : i32
      %get3A_455 = arith.index_cast %add3A_454 : i32 to index
      %get3A_456 = arith.constant 64 : index
      %get3A_457 = tpu.vector_load %arg7[%get3A_455, %get3A_456] {strides = array<i32>} : memref<200x128xf32, #tpu.memory_space<vmem>>, vector<1x16xf32>,
      %get3A_458 = vector.shape_cast %get3A_457 : vector<1x16xf32> to vector<16xf32>
      %swap3A_459 = arith.constant 3 : i32
      %swap3A_460 = arith.index_cast %swap3A_459 : i32 to index
      %swap3A_461 = arith.index_cast %scan3A_405 : i32 to index
      %swap3A_462 = arith.constant 64 : index
      %swap3A_463 = tpu.vector_load %arg8[%swap3A_460, %swap3A_461, %swap3A_462] {strides = array<i32>} : memref<4x100x128xf32, #tpu.memory_space<vmem>>, vector<1x1x16xf32>,
      %swap3A_464 = vector.shape_cast %swap3A_463 : vector<1x1x16xf32> to vector<16xf32>
      %swap3A_465 = vector.shape_cast %get3A_458 : vector<16xf32> to vector<1x1x16xf32>
      tpu.vector_store %arg8[%swap3A_460, %swap3A_461, %swap3A_462], %swap3A_465 {add = true, strides = array<i32>} : memref<4x100x128xf32, #tpu.memory_space<vmem>>, vector<1x1x16xf32>,
      %add3A_466 = arith.addi %mul3A_229, %scan3A_405 : i32
      %get3A_467 = arith.index_cast %add3A_466 : i32 to index
      %get3A_468 = arith.constant 80 : index
      %get3A_469 = tpu.vector_load %arg7[%get3A_467, %get3A_468] {strides = array<i32>} : memref<200x128xf32, #tpu.memory_space<vmem>>, vector<1x16xf32>,
      %get3A_470 = vector.shape_cast %get3A_469 : vector<1x16xf32> to vector<16xf32>
      %swap3A_471 = arith.constant 3 : i32
      %swap3A_472 = arith.index_cast %swap3A_471 : i32 to index
      %swap3A_473 = arith.index_cast %scan3A_405 : i32 to index
      %swap3A_474 = arith.constant 80 : index
      %swap3A_475 = tpu.vector_load %arg8[%swap3A_472, %swap3A_473, %swap3A_474] {strides = array<i32>} : memref<4x100x128xf32, #tpu.memory_space<vmem>>, vector<1x1x16xf32>,
      %swap3A_476 = vector.shape_cast %swap3A_475 : vector<1x1x16xf32> to vector<16xf32>
      %swap3A_477 = vector.shape_cast %get3A_470 : vector<16xf32> to vector<1x1x16xf32>
      tpu.vector_store %arg8[%swap3A_472, %swap3A_473, %swap3A_474], %swap3A_477 {add = true, strides = array<i32>} : memref<4x100x128xf32, #tpu.memory_space<vmem>>, vector<1x1x16xf32>,
      %add3A_478 = arith.addi %mul3A_229, %scan3A_405 : i32
      %get3A_479 = arith.index_cast %add3A_478 : i32 to index
      %get3A_480 = arith.constant 96 : index
      %get3A_481 = tpu.vector_load %arg7[%get3A_479, %get3A_480] {strides = array<i32>} : memref<200x128xf32, #tpu.memory_space<vmem>>, vector<1x16xf32>,
      %get3A_482 = vector.shape_cast %get3A_481 : vector<1x16xf32> to vector<16xf32>
      %swap3A_483 = arith.constant 3 : i32
      %swap3A_484 = arith.index_cast %swap3A_483 : i32 to index
      %swap3A_485 = arith.index_cast %scan3A_405 : i32 to index
      %swap3A_486 = arith.constant 96 : index
      %swap3A_487 = tpu.vector_load %arg8[%swap3A_484, %swap3A_485, %swap3A_486] {strides = array<i32>} : memref<4x100x128xf32, #tpu.memory_space<vmem>>, vector<1x1x16xf32>,
      %swap3A_488 = vector.shape_cast %swap3A_487 : vector<1x1x16xf32> to vector<16xf32>
      %swap3A_489 = vector.shape_cast %get3A_482 : vector<16xf32> to vector<1x1x16xf32>
      tpu.vector_store %arg8[%swap3A_484, %swap3A_485, %swap3A_486], %swap3A_489 {add = true, strides = array<i32>} : memref<4x100x128xf32, #tpu.memory_space<vmem>>, vector<1x1x16xf32>,
      %add3A_490 = arith.addi %mul3A_229, %scan3A_405 : i32
      %get3A_491 = arith.index_cast %add3A_490 : i32 to index
      %get3A_492 = arith.constant 112 : index
      %get3A_493 = tpu.vector_load %arg7[%get3A_491, %get3A_492] {strides = array<i32>} : memref<200x128xf32, #tpu.memory_space<vmem>>, vector<1x16xf32>,
      %get3A_494 = vector.shape_cast %get3A_493 : vector<1x16xf32> to vector<16xf32>
      %swap3A_495 = arith.constant 3 : i32
      %swap3A_496 = arith.index_cast %swap3A_495 : i32 to index
      %swap3A_497 = arith.index_cast %scan3A_405 : i32 to index
      %swap3A_498 = arith.constant 112 : index
      %swap3A_499 = tpu.vector_load %arg8[%swap3A_496, %swap3A_497, %swap3A_498] {strides = array<i32>} : memref<4x100x128xf32, #tpu.memory_space<vmem>>, vector<1x1x16xf32>,
      %swap3A_500 = vector.shape_cast %swap3A_499 : vector<1x1x16xf32> to vector<16xf32>
      %swap3A_501 = vector.shape_cast %get3A_494 : vector<16xf32> to vector<1x1x16xf32>
      tpu.vector_store %arg8[%swap3A_496, %swap3A_497, %swap3A_498], %swap3A_501 {add = true, strides = array<i32>} : memref<4x100x128xf32, #tpu.memory_space<vmem>>, vector<1x1x16xf32>,
      %scan3A_502 = arith.constant 2 : i32
      %scan3A_503 = arith.addi %scan3A_309, %scan3A_502 : i32
      %add3A_504 = arith.addi %mul3A_229, %scan3A_503 : i32
      %get3A_505 = arith.index_cast %add3A_504 : i32 to index
      %get3A_506 = arith.constant 0 : index
      %get3A_507 = tpu.vector_load %arg7[%get3A_505, %get3A_506] {strides = array<i32>} : memref<200x128xf32, #tpu.memory_space<vmem>>, vector<1x16xf32>,
      %get3A_508 = vector.shape_cast %get3A_507 : vector<1x16xf32> to vector<16xf32>
      %swap3A_509 = arith.constant 3 : i32
      %swap3A_510 = arith.index_cast %swap3A_509 : i32 to index
      %swap3A_511 = arith.index_cast %scan3A_503 : i32 to index
      %swap3A_512 = arith.constant 0 : index
      %swap3A_513 = tpu.vector_load %arg8[%swap3A_510, %swap3A_511, %swap3A_512] {strides = array<i32>} : memref<4x100x128xf32, #tpu.memory_space<vmem>>, vector<1x1x16xf32>,
      %swap3A_514 = vector.shape_cast %swap3A_513 : vector<1x1x16xf32> to vector<16xf32>
      %swap3A_515 = vector.shape_cast %get3A_508 : vector<16xf32> to vector<1x1x16xf32>
      tpu.vector_store %arg8[%swap3A_510, %swap3A_511, %swap3A_512], %swap3A_515 {add = true, strides = array<i32>} : memref<4x100x128xf32, #tpu.memory_space<vmem>>, vector<1x1x16xf32>,
      %add3A_516 = arith.addi %mul3A_229, %scan3A_503 : i32
      %get3A_517 = arith.index_cast %add3A_516 : i32 to index
      %get3A_518 = arith.constant 16 : index
      %get3A_519 = tpu.vector_load %arg7[%get3A_517, %get3A_518] {strides = array<i32>} : memref<200x128xf32, #tpu.memory_space<vmem>>, vector<1x16xf32>,
      %get3A_520 = vector.shape_cast %get3A_519 : vector<1x16xf32> to vector<16xf32>
      %swap3A_521 = arith.constant 3 : i32
      %swap3A_522 = arith.index_cast %swap3A_521 : i32 to index
      %swap3A_523 = arith.index_cast %scan3A_503 : i32 to index
      %swap3A_524 = arith.constant 16 : index
      %swap3A_525 = tpu.vector_load %arg8[%swap3A_522, %swap3A_523, %swap3A_524] {strides = array<i32>} : memref<4x100x128xf32, #tpu.memory_space<vmem>>, vector<1x1x16xf32>,
      %swap3A_526 = vector.shape_cast %swap3A_525 : vector<1x1x16xf32> to vector<16xf32>
      %swap3A_527 = vector.shape_cast %get3A_520 : vector<16xf32> to vector<1x1x16xf32>
      tpu.vector_store %arg8[%swap3A_522, %swap3A_523, %swap3A_524], %swap3A_527 {add = true, strides = array<i32>} : memref<4x100x128xf32, #tpu.memory_space<vmem>>, vector<1x1x16xf32>,
      %add3A_528 = arith.addi %mul3A_229, %scan3A_503 : i32
      %get3A_529 = arith.index_cast %add3A_528 : i32 to index
      %get3A_530 = arith.constant 32 : index
      %get3A_531 = tpu.vector_load %arg7[%get3A_529, %get3A_530] {strides = array<i32>} : memref<200x128xf32, #tpu.memory_space<vmem>>, vector<1x16xf32>,
      %get3A_532 = vector.shape_cast %get3A_531 : vector<1x16xf32> to vector<16xf32>
      %swap3A_533 = arith.constant 3 : i32
      %swap3A_534 = arith.index_cast %swap3A_533 : i32 to index
      %swap3A_535 = arith.index_cast %scan3A_503 : i32 to index
      %swap3A_536 = arith.constant 32 : index
      %swap3A_537 = tpu.vector_load %arg8[%swap3A_534, %swap3A_535, %swap3A_536] {strides = array<i32>} : memref<4x100x128xf32, #tpu.memory_space<vmem>>, vector<1x1x16xf32>,
      %swap3A_538 = vector.shape_cast %swap3A_537 : vector<1x1x16xf32> to vector<16xf32>
      %swap3A_539 = vector.shape_cast %get3A_532 : vector<16xf32> to vector<1x1x16xf32>
      tpu.vector_store %arg8[%swap3A_534, %swap3A_535, %swap3A_536], %swap3A_539 {add = true, strides = array<i32>} : memref<4x100x128xf32, #tpu.memory_space<vmem>>, vector<1x1x16xf32>,
      %add3A_540 = arith.addi %mul3A_229, %scan3A_503 : i32
      %get3A_541 = arith.index_cast %add3A_540 : i32 to index
      %get3A_542 = arith.constant 48 : index
      %get3A_543 = tpu.vector_load %arg7[%get3A_541, %get3A_542] {strides = array<i32>} : memref<200x128xf32, #tpu.memory_space<vmem>>, vector<1x16xf32>,
      %get3A_544 = vector.shape_cast %get3A_543 : vector<1x16xf32> to vector<16xf32>
      %swap3A_545 = arith.constant 3 : i32
      %swap3A_546 = arith.index_cast %swap3A_545 : i32 to index
      %swap3A_547 = arith.index_cast %scan3A_503 : i32 to index
      %swap3A_548 = arith.constant 48 : index
      %swap3A_549 = tpu.vector_load %arg8[%swap3A_546, %swap3A_547, %swap3A_548] {strides = array<i32>} : memref<4x100x128xf32, #tpu.memory_space<vmem>>, vector<1x1x16xf32>,
      %swap3A_550 = vector.shape_cast %swap3A_549 : vector<1x1x16xf32> to vector<16xf32>
      %swap3A_551 = vector.shape_cast %get3A_544 : vector<16xf32> to vector<1x1x16xf32>
      tpu.vector_store %arg8[%swap3A_546, %swap3A_547, %swap3A_548], %swap3A_551 {add = true, strides = array<i32>} : memref<4x100x128xf32, #tpu.memory_space<vmem>>, vector<1x1x16xf32>,
      %add3A_552 = arith.addi %mul3A_229, %scan3A_503 : i32
      %get3A_553 = arith.index_cast %add3A_552 : i32 to index
      %get3A_554 = arith.constant 64 : index
      %get3A_555 = tpu.vector_load %arg7[%get3A_553, %get3A_554] {strides = array<i32>} : memref<200x128xf32, #tpu.memory_space<vmem>>, vector<1x16xf32>,
      %get3A_556 = vector.shape_cast %get3A_555 : vector<1x16xf32> to vector<16xf32>
      %swap3A_557 = arith.constant 3 : i32
      %swap3A_558 = arith.index_cast %swap3A_557 : i32 to index
      %swap3A_559 = arith.index_cast %scan3A_503 : i32 to index
      %swap3A_560 = arith.constant 64 : index
      %swap3A_561 = tpu.vector_load %arg8[%swap3A_558, %swap3A_559, %swap3A_560] {strides = array<i32>} : memref<4x100x128xf32, #tpu.memory_space<vmem>>, vector<1x1x16xf32>,
      %swap3A_562 = vector.shape_cast %swap3A_561 : vector<1x1x16xf32> to vector<16xf32>
      %swap3A_563 = vector.shape_cast %get3A_556 : vector<16xf32> to vector<1x1x16xf32>
      tpu.vector_store %arg8[%swap3A_558, %swap3A_559, %swap3A_560], %swap3A_563 {add = true, strides = array<i32>} : memref<4x100x128xf32, #tpu.memory_space<vmem>>, vector<1x1x16xf32>,
      %add3A_564 = arith.addi %mul3A_229, %scan3A_503 : i32
      %get3A_565 = arith.index_cast %add3A_564 : i32 to index
      %get3A_566 = arith.constant 80 : index
      %get3A_567 = tpu.vector_load %arg7[%get3A_565, %get3A_566] {strides = array<i32>} : memref<200x128xf32, #tpu.memory_space<vmem>>, vector<1x16xf32>,
      %get3A_568 = vector.shape_cast %get3A_567 : vector<1x16xf32> to vector<16xf32>
      %swap3A_569 = arith.constant 3 : i32
      %swap3A_570 = arith.index_cast %swap3A_569 : i32 to index
      %swap3A_571 = arith.index_cast %scan3A_503 : i32 to index
      %swap3A_572 = arith.constant 80 : index
      %swap3A_573 = tpu.vector_load %arg8[%swap3A_570, %swap3A_571, %swap3A_572] {strides = array<i32>} : memref<4x100x128xf32, #tpu.memory_space<vmem>>, vector<1x1x16xf32>,
      %swap3A_574 = vector.shape_cast %swap3A_573 : vector<1x1x16xf32> to vector<16xf32>
      %swap3A_575 = vector.shape_cast %get3A_568 : vector<16xf32> to vector<1x1x16xf32>
      tpu.vector_store %arg8[%swap3A_570, %swap3A_571, %swap3A_572], %swap3A_575 {add = true, strides = array<i32>} : memref<4x100x128xf32, #tpu.memory_space<vmem>>, vector<1x1x16xf32>,
      %add3A_576 = arith.addi %mul3A_229, %scan3A_503 : i32
      %get3A_577 = arith.index_cast %add3A_576 : i32 to index
      %get3A_578 = arith.constant 96 : index
      %get3A_579 = tpu.vector_load %arg7[%get3A_577, %get3A_578] {strides = array<i32>} : memref<200x128xf32, #tpu.memory_space<vmem>>, vector<1x16xf32>,
      %get3A_580 = vector.shape_cast %get3A_579 : vector<1x16xf32> to vector<16xf32>
      %swap3A_581 = arith.constant 3 : i32
      %swap3A_582 = arith.index_cast %swap3A_581 : i32 to index
      %swap3A_583 = arith.index_cast %scan3A_503 : i32 to index
      %swap3A_584 = arith.constant 96 : index
      %swap3A_585 = tpu.vector_load %arg8[%swap3A_582, %swap3A_583, %swap3A_584] {strides = array<i32>} : memref<4x100x128xf32, #tpu.memory_space<vmem>>, vector<1x1x16xf32>,
      %swap3A_586 = vector.shape_cast %swap3A_585 : vector<1x1x16xf32> to vector<16xf32>
      %swap3A_587 = vector.shape_cast %get3A_580 : vector<16xf32> to vector<1x1x16xf32>
      tpu.vector_store %arg8[%swap3A_582, %swap3A_583, %swap3A_584], %swap3A_587 {add = true, strides = array<i32>} : memref<4x100x128xf32, #tpu.memory_space<vmem>>, vector<1x1x16xf32>,
      %add3A_588 = arith.addi %mul3A_229, %scan3A_503 : i32
      %get3A_589 = arith.index_cast %add3A_588 : i32 to index
      %get3A_590 = arith.constant 112 : index
      %get3A_591 = tpu.vector_load %arg7[%get3A_589, %get3A_590] {strides = array<i32>} : memref<200x128xf32, #tpu.memory_space<vmem>>, vector<1x16xf32>,
      %get3A_592 = vector.shape_cast %get3A_591 : vector<1x16xf32> to vector<16xf32>
      %swap3A_593 = arith.constant 3 : i32
      %swap3A_594 = arith.index_cast %swap3A_593 : i32 to index
      %swap3A_595 = arith.index_cast %scan3A_503 : i32 to index
      %swap3A_596 = arith.constant 112 : index
      %swap3A_597 = tpu.vector_load %arg8[%swap3A_594, %swap3A_595, %swap3A_596] {strides = array<i32>} : memref<4x100x128xf32, #tpu.memory_space<vmem>>, vector<1x1x16xf32>,
      %swap3A_598 = vector.shape_cast %swap3A_597 : vector<1x1x16xf32> to vector<16xf32>
      %swap3A_599 = vector.shape_cast %get3A_592 : vector<16xf32> to vector<1x1x16xf32>
      tpu.vector_store %arg8[%swap3A_594, %swap3A_595, %swap3A_596], %swap3A_599 {add = true, strides = array<i32>} : memref<4x100x128xf32, #tpu.memory_space<vmem>>, vector<1x1x16xf32>,
      %scan3A_600 = arith.constant 3 : i32
      %scan3A_601 = arith.addi %scan3A_309, %scan3A_600 : i32
      %add3A_602 = arith.addi %mul3A_229, %scan3A_601 : i32
      %get3A_603 = arith.index_cast %add3A_602 : i32 to index
      %get3A_604 = arith.constant 0 : index
      %get3A_605 = tpu.vector_load %arg7[%get3A_603, %get3A_604] {strides = array<i32>} : memref<200x128xf32, #tpu.memory_space<vmem>>, vector<1x16xf32>,
      %get3A_606 = vector.shape_cast %get3A_605 : vector<1x16xf32> to vector<16xf32>
      %swap3A_607 = arith.constant 3 : i32
      %swap3A_608 = arith.index_cast %swap3A_607 : i32 to index
      %swap3A_609 = arith.index_cast %scan3A_601 : i32 to index
      %swap3A_610 = arith.constant 0 : index
      %swap3A_611 = tpu.vector_load %arg8[%swap3A_608, %swap3A_609, %swap3A_610] {strides = array<i32>} : memref<4x100x128xf32, #tpu.memory_space<vmem>>, vector<1x1x16xf32>,
      %swap3A_612 = vector.shape_cast %swap3A_611 : vector<1x1x16xf32> to vector<16xf32>
      %swap3A_613 = vector.shape_cast %get3A_606 : vector<16xf32> to vector<1x1x16xf32>
      tpu.vector_store %arg8[%swap3A_608, %swap3A_609, %swap3A_610], %swap3A_613 {add = true, strides = array<i32>} : memref<4x100x128xf32, #tpu.memory_space<vmem>>, vector<1x1x16xf32>,
      %add3A_614 = arith.addi %mul3A_229, %scan3A_601 : i32
      %get3A_615 = arith.index_cast %add3A_614 : i32 to index
      %get3A_616 = arith.constant 16 : index
      %get3A_617 = tpu.vector_load %arg7[%get3A_615, %get3A_616] {strides = array<i32>} : memref<200x128xf32, #tpu.memory_space<vmem>>, vector<1x16xf32>,
      %get3A_618 = vector.shape_cast %get3A_617 : vector<1x16xf32> to vector<16xf32>
      %swap3A_619 = arith.constant 3 : i32
      %swap3A_620 = arith.index_cast %swap3A_619 : i32 to index
      %swap3A_621 = arith.index_cast %scan3A_601 : i32 to index
      %swap3A_622 = arith.constant 16 : index
      %swap3A_623 = tpu.vector_load %arg8[%swap3A_620, %swap3A_621, %swap3A_622] {strides = array<i32>} : memref<4x100x128xf32, #tpu.memory_space<vmem>>, vector<1x1x16xf32>,
      %swap3A_624 = vector.shape_cast %swap3A_623 : vector<1x1x16xf32> to vector<16xf32>
      %swap3A_625 = vector.shape_cast %get3A_618 : vector<16xf32> to vector<1x1x16xf32>
      tpu.vector_store %arg8[%swap3A_620, %swap3A_621, %swap3A_622], %swap3A_625 {add = true, strides = array<i32>} : memref<4x100x128xf32, #tpu.memory_space<vmem>>, vector<1x1x16xf32>,
      %add3A_626 = arith.addi %mul3A_229, %scan3A_601 : i32
      %get3A_627 = arith.index_cast %add3A_626 : i32 to index
      %get3A_628 = arith.constant 32 : index
      %get3A_629 = tpu.vector_load %arg7[%get3A_627, %get3A_628] {strides = array<i32>} : memref<200x128xf32, #tpu.memory_space<vmem>>, vector<1x16xf32>,
      %get3A_630 = vector.shape_cast %get3A_629 : vector<1x16xf32> to vector<16xf32>
      %swap3A_631 = arith.constant 3 : i32
      %swap3A_632 = arith.index_cast %swap3A_631 : i32 to index
      %swap3A_633 = arith.index_cast %scan3A_601 : i32 to index
      %swap3A_634 = arith.constant 32 : index
      %swap3A_635 = tpu.vector_load %arg8[%swap3A_632, %swap3A_633, %swap3A_634] {strides = array<i32>} : memref<4x100x128xf32, #tpu.memory_space<vmem>>, vector<1x1x16xf32>,
      %swap3A_636 = vector.shape_cast %swap3A_635 : vector<1x1x16xf32> to vector<16xf32>
      %swap3A_637 = vector.shape_cast %get3A_630 : vector<16xf32> to vector<1x1x16xf32>
      tpu.vector_store %arg8[%swap3A_632, %swap3A_633, %swap3A_634], %swap3A_637 {add = true, strides = array<i32>} : memref<4x100x128xf32, #tpu.memory_space<vmem>>, vector<1x1x16xf32>,
      %add3A_638 = arith.addi %mul3A_229, %scan3A_601 : i32
      %get3A_639 = arith.index_cast %add3A_638 : i32 to index
      %get3A_640 = arith.constant 48 : index
      %get3A_641 = tpu.vector_load %arg7[%get3A_639, %get3A_640] {strides = array<i32>} : memref<200x128xf32, #tpu.memory_space<vmem>>, vector<1x16xf32>,
      %get3A_642 = vector.shape_cast %get3A_641 : vector<1x16xf32> to vector<16xf32>
      %swap3A_643 = arith.constant 3 : i32
      %swap3A_644 = arith.index_cast %swap3A_643 : i32 to index
      %swap3A_645 = arith.index_cast %scan3A_601 : i32 to index
      %swap3A_646 = arith.constant 48 : index
      %swap3A_647 = tpu.vector_load %arg8[%swap3A_644, %swap3A_645, %swap3A_646] {strides = array<i32>} : memref<4x100x128xf32, #tpu.memory_space<vmem>>, vector<1x1x16xf32>,
      %swap3A_648 = vector.shape_cast %swap3A_647 : vector<1x1x16xf32> to vector<16xf32>
      %swap3A_649 = vector.shape_cast %get3A_642 : vector<16xf32> to vector<1x1x16xf32>
      tpu.vector_store %arg8[%swap3A_644, %swap3A_645, %swap3A_646], %swap3A_649 {add = true, strides = array<i32>} : memref<4x100x128xf32, #tpu.memory_space<vmem>>, vector<1x1x16xf32>,
      %add3A_650 = arith.addi %mul3A_229, %scan3A_601 : i32
      %get3A_651 = arith.index_cast %add3A_650 : i32 to index
      %get3A_652 = arith.constant 64 : index
      %get3A_653 = tpu.vector_load %arg7[%get3A_651, %get3A_652] {strides = array<i32>} : memref<200x128xf32, #tpu.memory_space<vmem>>, vector<1x16xf32>,
      %get3A_654 = vector.shape_cast %get3A_653 : vector<1x16xf32> to vector<16xf32>
      %swap3A_655 = arith.constant 3 : i32
      %swap3A_656 = arith.index_cast %swap3A_655 : i32 to index
      %swap3A_657 = arith.index_cast %scan3A_601 : i32 to index
      %swap3A_658 = arith.constant 64 : index
      %swap3A_659 = tpu.vector_load %arg8[%swap3A_656, %swap3A_657, %swap3A_658] {strides = array<i32>} : memref<4x100x128xf32, #tpu.memory_space<vmem>>, vector<1x1x16xf32>,
      %swap3A_660 = vector.shape_cast %swap3A_659 : vector<1x1x16xf32> to vector<16xf32>
      %swap3A_661 = vector.shape_cast %get3A_654 : vector<16xf32> to vector<1x1x16xf32>
      tpu.vector_store %arg8[%swap3A_656, %swap3A_657, %swap3A_658], %swap3A_661 {add = true, strides = array<i32>} : memref<4x100x128xf32, #tpu.memory_space<vmem>>, vector<1x1x16xf32>,
      %add3A_662 = arith.addi %mul3A_229, %scan3A_601 : i32
      %get3A_663 = arith.index_cast %add3A_662 : i32 to index
      %get3A_664 = arith.constant 80 : index
      %get3A_665 = tpu.vector_load %arg7[%get3A_663, %get3A_664] {strides = array<i32>} : memref<200x128xf32, #tpu.memory_space<vmem>>, vector<1x16xf32>,
      %get3A_666 = vector.shape_cast %get3A_665 : vector<1x16xf32> to vector<16xf32>
      %swap3A_667 = arith.constant 3 : i32
      %swap3A_668 = arith.index_cast %swap3A_667 : i32 to index
      %swap3A_669 = arith.index_cast %scan3A_601 : i32 to index
      %swap3A_670 = arith.constant 80 : index
      %swap3A_671 = tpu.vector_load %arg8[%swap3A_668, %swap3A_669, %swap3A_670] {strides = array<i32>} : memref<4x100x128xf32, #tpu.memory_space<vmem>>, vector<1x1x16xf32>,
      %swap3A_672 = vector.shape_cast %swap3A_671 : vector<1x1x16xf32> to vector<16xf32>
      %swap3A_673 = vector.shape_cast %get3A_666 : vector<16xf32> to vector<1x1x16xf32>
      tpu.vector_store %arg8[%swap3A_668, %swap3A_669, %swap3A_670], %swap3A_673 {add = true, strides = array<i32>} : memref<4x100x128xf32, #tpu.memory_space<vmem>>, vector<1x1x16xf32>,
      %add3A_674 = arith.addi %mul3A_229, %scan3A_601 : i32
      %get3A_675 = arith.index_cast %add3A_674 : i32 to index
      %get3A_676 = arith.constant 96 : index
      %get3A_677 = tpu.vector_load %arg7[%get3A_675, %get3A_676] {strides = array<i32>} : memref<200x128xf32, #tpu.memory_space<vmem>>, vector<1x16xf32>,
      %get3A_678 = vector.shape_cast %get3A_677 : vector<1x16xf32> to vector<16xf32>
      %swap3A_679 = arith.constant 3 : i32
      %swap3A_680 = arith.index_cast %swap3A_679 : i32 to index
      %swap3A_681 = arith.index_cast %scan3A_601 : i32 to index
      %swap3A_682 = arith.constant 96 : index
      %swap3A_683 = tpu.vector_load %arg8[%swap3A_680, %swap3A_681, %swap3A_682] {strides = array<i32>} : memref<4x100x128xf32, #tpu.memory_space<vmem>>, vector<1x1x16xf32>,
      %swap3A_684 = vector.shape_cast %swap3A_683 : vector<1x1x16xf32> to vector<16xf32>
      %swap3A_685 = vector.shape_cast %get3A_678 : vector<16xf32> to vector<1x1x16xf32>
      tpu.vector_store %arg8[%swap3A_680, %swap3A_681, %swap3A_682], %swap3A_685 {add = true, strides = array<i32>} : memref<4x100x128xf32, #tpu.memory_space<vmem>>, vector<1x1x16xf32>,
      %add3A_686 = arith.addi %mul3A_229, %scan3A_601 : i32
      %get3A_687 = arith.index_cast %add3A_686 : i32 to index
      %get3A_688 = arith.constant 112 : index
      %get3A_689 = tpu.vector_load %arg7[%get3A_687, %get3A_688] {strides = array<i32>} : memref<200x128xf32, #tpu.memory_space<vmem>>, vector<1x16xf32>,
      %get3A_690 = vector.shape_cast %get3A_689 : vector<1x16xf32> to vector<16xf32>
      %swap3A_691 = arith.constant 3 : i32
      %swap3A_692 = arith.index_cast %swap3A_691 : i32 to index
      %swap3A_693 = arith.index_cast %scan3A_601 : i32 to index
      %swap3A_694 = arith.constant 112 : index
      %swap3A_695 = tpu.vector_load %arg8[%swap3A_692, %swap3A_693, %swap3A_694] {strides = array<i32>} : memref<4x100x128xf32, #tpu.memory_space<vmem>>, vector<1x1x16xf32>,
      %swap3A_696 = vector.shape_cast %swap3A_695 : vector<1x1x16xf32> to vector<16xf32>
      %swap3A_697 = vector.shape_cast %get3A_690 : vector<16xf32> to vector<1x1x16xf32>
      tpu.vector_store %arg8[%swap3A_692, %swap3A_693, %swap3A_694], %swap3A_697 {add = true, strides = array<i32>} : memref<4x100x128xf32, #tpu.memory_space<vmem>>, vector<1x1x16xf32>,
    }
    %scan3A_235 = arith.constant 100 : i32
    %add3A_236 = arith.constant 300 : i32
    %add3A_237 = arith.addi %mul3A_2, %add3A_236 : i32
    %dma_start3A_238 = arith.constant 3 : i32
    %dma_start3A_239 = arith.constant 0 : i32
    %dma_start3A_240 = arith.constant 0 : i32
    %dma_start3A_241 = tpu.memref_slice %arg8[%dma_start3A_238, %dma_start3A_239, %dma_start3A_240] : memref<4x100x128xf32, #tpu.memory_space<vmem>> -> memref<1x100x128xf32, #tpu.memory_space<vmem>>
    %dma_start3A_242 = tpu.memref_squeeze %dma_start3A_241 : memref<1x100x128xf32, #tpu.memory_space<vmem>> -> memref<100x128xf32, #tpu.memory_space<vmem>>
    %dma_start3A_243 = arith.constant 0 : i32
    %dma_start3A_244 = tpu.memref_slice %arg5[%add3A_237, %dma_start3A_243] : memref<204800x128xf32, #tpu.memory_space<hbm>> -> memref<100x128xf32, #tpu.memory_space<hbm>>
    %dma_start3A_245 = arith.constant 0 : i32
    %dma_start3A_246 = tpu.memref_slice %arg5[%add3A_237, %dma_start3A_245] : memref<204800x128xf32, #tpu.memory_space<hbm>> -> memref<100x128xf32, #tpu.memory_space<hbm>>
    %dma_start3A_247 = arith.constant 0 : i32
    %dma_start3A_248 = arith.constant 0 : i32
    %dma_start3A_249 = tpu.memref_slice %arg8[%dma_start3A_238, %dma_start3A_247, %dma_start3A_248] : memref<4x100x128xf32, #tpu.memory_space<vmem>> -> memref<1x100x128xf32, #tpu.memory_space<vmem>>
    %dma_start3A_250 = tpu.memref_squeeze %dma_start3A_249 : memref<1x100x128xf32, #tpu.memory_space<vmem>> -> memref<100x128xf32, #tpu.memory_space<vmem>>
    tpu.enqueue_dma source(%dma_start3A_250 : memref<100x128xf32, #tpu.memory_space<vmem>>) target(%dma_start3A_246 : memref<100x128xf32, #tpu.memory_space<hbm>>) target_semaphore(%arg16 : memref<!tpu.dma_semaphore, #tpu.memory_space<semaphore_mem>>)
    %scan3A_251 = arith.constant 0 : i32
    %scan3A_252 = arith.constant 1 : i32
    %scan3A_253 = arith.constant 15 : i32
    %scan3A_254 = arith.addi %scan3A_252, %scan3A_253 : i32
    %scan3A_255 = arith.constant 1 : i32
    scf.for %scan3A_309 = %scan3A_252 to %scan3A_254 step %scan3A_255  : i32 {
      %mul3A_310 = arith.constant 4 : i32
      %mul3A_311 = arith.muli %scan3A_309, %mul3A_310 : i32
      %add3A_312 = arith.constant 0 : i32
      %add3A_313 = arith.addi %mul3A_311, %add3A_312 : i32
      %add3A_314 = arith.constant 2 : i32
      %add3A_315 = arith.addi %add3A_313, %add3A_314 : i32
      %lt3A = arith.constant 64 : i32
      %lt3A_316 = arith.cmpi slt, %add3A_315, %lt3A : i32
      %convert_element_type3A = arith.extui %lt3A_316 : i1 to i32
      %cond3A = arith.constant 0 : i32
      %cond3A_317 = arith.cmpi ne, %convert_element_type3A, %cond3A : i32
      scf.if %cond3A_317 {
        %dma_wait3A_503 = arith.constant 2 : i32
        %dma_wait3A_504 = arith.constant 0 : i32
        %dma_wait3A_505 = arith.constant 0 : i32
        %dma_wait3A_506 = tpu.memref_slice %arg8[%dma_wait3A_503, %dma_wait3A_504, %dma_wait3A_505] : memref<4x100x128xf32, #tpu.memory_space<vmem>> -> memref<1x100x128xf32, #tpu.memory_space<vmem>>
        %dma_wait3A_507 = tpu.memref_squeeze %dma_wait3A_506 : memref<1x100x128xf32, #tpu.memory_space<vmem>> -> memref<100x128xf32, #tpu.memory_space<vmem>>
        %dma_wait3A_508 = arith.constant 0 : i32
        %dma_wait3A_509 = tpu.memref_slice %arg5[%mul3A_2, %dma_wait3A_508] : memref<204800x128xf32, #tpu.memory_space<hbm>> -> memref<100x128xf32, #tpu.memory_space<hbm>>
        %dma_wait3A_510 = arith.constant 0 : i32
        %dma_wait3A_511 = tpu.memref_slice %arg5[%mul3A_2, %dma_wait3A_510] : memref<204800x128xf32, #tpu.memory_space<hbm>> -> memref<100x128xf32, #tpu.memory_space<hbm>>
        %dma_wait3A_512 = arith.constant 0 : i32
        %dma_wait3A_513 = arith.constant 0 : i32
        %dma_wait3A_514 = tpu.memref_slice %arg8[%dma_wait3A_503, %dma_wait3A_512, %dma_wait3A_513] : memref<4x100x128xf32, #tpu.memory_space<vmem>> -> memref<1x100x128xf32, #tpu.memory_space<vmem>>
        %dma_wait3A_515 = tpu.memref_squeeze %dma_wait3A_514 : memref<1x100x128xf32, #tpu.memory_space<vmem>> -> memref<100x128xf32, #tpu.memory_space<vmem>>
        tpu.wait_dma2 semaphore(%arg15 : memref<!tpu.dma_semaphore, #tpu.memory_space<semaphore_mem>>) src(%dma_wait3A_515 : memref<100x128xf32, #tpu.memory_space<vmem>>) dst(%dma_wait3A_511 : memref<100x128xf32, #tpu.memory_space<hbm>>)
        %dma_start3A_516 = arith.constant 2 : i32
        %dma_start3A_517 = arith.constant 0 : i32
        %dma_start3A_518 = arith.constant 0 : i32
        %dma_start3A_519 = tpu.memref_slice %arg8[%dma_start3A_516, %dma_start3A_517, %dma_start3A_518] : memref<4x100x128xf32, #tpu.memory_space<vmem>> -> memref<1x100x128xf32, #tpu.memory_space<vmem>>
        %dma_start3A_520 = tpu.memref_squeeze %dma_start3A_519 : memref<1x100x128xf32, #tpu.memory_space<vmem>> -> memref<100x128xf32, #tpu.memory_space<vmem>>
        %dma_start3A_521 = arith.constant 0 : i32
        %dma_start3A_522 = tpu.memref_slice %arg6[%add3A_315, %dma_start3A_521] : memref<64x100xi32, #tpu.memory_space<vmem>> -> memref<1x100xi32, #tpu.memory_space<vmem>>
        %dma_start3A_523 = tpu.memref_squeeze %dma_start3A_522 : memref<1x100xi32, #tpu.memory_space<vmem>> -> memref<100xi32, #tpu.memory_space<vmem>>
        %dma_start3A_524 = arith.constant 0 : i32
        %dma_start3A_525 = arith.constant 0 : i32
        %dma_start3A_526 = tpu.memref_slice %arg3[%dma_start3A_524, %dma_start3A_525] : memref<1000000x128xf32, #tpu.memory_space<hbm>> -> memref<1000000x128xf32, #tpu.memory_space<hbm>>
        tpu.enqueue_indirect_dma source(%dma_start3A_526 : memref<1000000x128xf32, #tpu.memory_space<hbm>>) target(%dma_start3A_520 : memref<100x128xf32, #tpu.memory_space<vmem>>) offsets(%dma_start3A_523 : memref<100xi32, #tpu.memory_space<vmem>>) semaphore(%arg11 : memref<!tpu.dma_semaphore, #tpu.memory_space<semaphore_mem>>)
      } else {
      }
      %dma_wait3A_318 = arith.constant 0 : i32
      %dma_wait3A_319 = arith.constant 0 : i32
      %dma_wait3A_320 = arith.constant 0 : i32
      %dma_wait3A_321 = arith.constant 0 : i32
      %dma_wait3A_322 = tpu.memref_slice %arg8[%dma_wait3A_319, %dma_wait3A_320, %dma_wait3A_321] : memref<4x100x128xf32, #tpu.memory_space<vmem>> -> memref<1x100x128xf32, #tpu.memory_space<vmem>>
      %dma_wait3A_323 = tpu.memref_squeeze %dma_wait3A_322 : memref<1x100x128xf32, #tpu.memory_space<vmem>> -> memref<100x128xf32, #tpu.memory_space<vmem>>
      %dma_wait3A_324 = arith.constant 0 : i32
      %dma_wait3A_325 = tpu.memref_slice %arg6[%dma_wait3A_318, %dma_wait3A_324] : memref<64x100xi32, #tpu.memory_space<vmem>> -> memref<1x100xi32, #tpu.memory_space<vmem>>
      %dma_wait3A_326 = tpu.memref_squeeze %dma_wait3A_325 : memref<1x100xi32, #tpu.memory_space<vmem>> -> memref<100xi32, #tpu.memory_space<vmem>>
      %dma_wait3A_327 = arith.constant 0 : i32
      %dma_wait3A_328 = arith.constant 0 : i32
      %dma_wait3A_329 = tpu.memref_slice %arg3[%dma_wait3A_327, %dma_wait3A_328] : memref<1000000x128xf32, #tpu.memory_space<hbm>> -> memref<1000000x128xf32, #tpu.memory_space<hbm>>
      tpu.wait_indirect_dma semaphore(%arg9 : memref<!tpu.dma_semaphore, #tpu.memory_space<semaphore_mem>>) src(%dma_wait3A_329 : memref<1000000x128xf32, #tpu.memory_space<hbm>>) dst(%dma_wait3A_323 : memref<100x128xf32, #tpu.memory_space<vmem>>)
      %rem3A_330 = arith.constant 2 : i32
      %rem3A_331 = arith.remsi %add3A_313, %rem3A_330 : i32
      %mul3A_332 = arith.constant 100 : i32
      %mul3A_333 = arith.muli %rem3A_331, %mul3A_332 : i32
      %scan3A_334 = arith.constant 0 : i32
      %scan3A_335 = arith.constant 0 : i32
      %scan3A_336 = arith.constant 100 : i32
      %scan3A_337 = arith.addi %scan3A_335, %scan3A_336 : i32
      %scan3A_338 = arith.constant 4 : i32
      scf.for %scan3A_503 = %scan3A_335 to %scan3A_337 step %scan3A_338  : i32 {
        %add3A_504 = arith.addi %mul3A_333, %scan3A_503 : i32
        %get3A = arith.index_cast %add3A_504 : i32 to index
        %get3A_505 = arith.constant 0 : index
        %get3A_506 = tpu.vector_load %arg7[%get3A, %get3A_505] {strides = array<i32>} : memref<200x128xf32, #tpu.memory_space<vmem>>, vector<1x16xf32>,
        %get3A_507 = vector.shape_cast %get3A_506 : vector<1x16xf32> to vector<16xf32>
        %swap3A = arith.constant 0 : i32
        %swap3A_508 = arith.index_cast %swap3A : i32 to index
        %swap3A_509 = arith.index_cast %scan3A_503 : i32 to index
        %swap3A_510 = arith.constant 0 : index
        %swap3A_511 = tpu.vector_load %arg8[%swap3A_508, %swap3A_509, %swap3A_510] {strides = array<i32>} : memref<4x100x128xf32, #tpu.memory_space<vmem>>, vector<1x1x16xf32>,
        %swap3A_512 = vector.shape_cast %swap3A_511 : vector<1x1x16xf32> to vector<16xf32>
        %swap3A_513 = vector.shape_cast %get3A_507 : vector<16xf32> to vector<1x1x16xf32>
        tpu.vector_store %arg8[%swap3A_508, %swap3A_509, %swap3A_510], %swap3A_513 {add = true, strides = array<i32>} : memref<4x100x128xf32, #tpu.memory_space<vmem>>, vector<1x1x16xf32>,
        %add3A_514 = arith.addi %mul3A_333, %scan3A_503 : i32
        %get3A_515 = arith.index_cast %add3A_514 : i32 to index
        %get3A_516 = arith.constant 16 : index
        %get3A_517 = tpu.vector_load %arg7[%get3A_515, %get3A_516] {strides = array<i32>} : memref<200x128xf32, #tpu.memory_space<vmem>>, vector<1x16xf32>,
        %get3A_518 = vector.shape_cast %get3A_517 : vector<1x16xf32> to vector<16xf32>
        %swap3A_519 = arith.constant 0 : i32
        %swap3A_520 = arith.index_cast %swap3A_519 : i32 to index
        %swap3A_521 = arith.index_cast %scan3A_503 : i32 to index
        %swap3A_522 = arith.constant 16 : index
        %swap3A_523 = tpu.vector_load %arg8[%swap3A_520, %swap3A_521, %swap3A_522] {strides = array<i32>} : memref<4x100x128xf32, #tpu.memory_space<vmem>>, vector<1x1x16xf32>,
        %swap3A_524 = vector.shape_cast %swap3A_523 : vector<1x1x16xf32> to vector<16xf32>
        %swap3A_525 = vector.shape_cast %get3A_518 : vector<16xf32> to vector<1x1x16xf32>
        tpu.vector_store %arg8[%swap3A_520, %swap3A_521, %swap3A_522], %swap3A_525 {add = true, strides = array<i32>} : memref<4x100x128xf32, #tpu.memory_space<vmem>>, vector<1x1x16xf32>,
        %add3A_526 = arith.addi %mul3A_333, %scan3A_503 : i32
        %get3A_527 = arith.index_cast %add3A_526 : i32 to index
        %get3A_528 = arith.constant 32 : index
        %get3A_529 = tpu.vector_load %arg7[%get3A_527, %get3A_528] {strides = array<i32>} : memref<200x128xf32, #tpu.memory_space<vmem>>, vector<1x16xf32>,
        %get3A_530 = vector.shape_cast %get3A_529 : vector<1x16xf32> to vector<16xf32>
        %swap3A_531 = arith.constant 0 : i32
        %swap3A_532 = arith.index_cast %swap3A_531 : i32 to index
        %swap3A_533 = arith.index_cast %scan3A_503 : i32 to index
        %swap3A_534 = arith.constant 32 : index
        %swap3A_535 = tpu.vector_load %arg8[%swap3A_532, %swap3A_533, %swap3A_534] {strides = array<i32>} : memref<4x100x128xf32, #tpu.memory_space<vmem>>, vector<1x1x16xf32>,
        %swap3A_536 = vector.shape_cast %swap3A_535 : vector<1x1x16xf32> to vector<16xf32>
        %swap3A_537 = vector.shape_cast %get3A_530 : vector<16xf32> to vector<1x1x16xf32>
        tpu.vector_store %arg8[%swap3A_532, %swap3A_533, %swap3A_534], %swap3A_537 {add = true, strides = array<i32>} : memref<4x100x128xf32, #tpu.memory_space<vmem>>, vector<1x1x16xf32>,
        %add3A_538 = arith.addi %mul3A_333, %scan3A_503 : i32
        %get3A_539 = arith.index_cast %add3A_538 : i32 to index
        %get3A_540 = arith.constant 48 : index
        %get3A_541 = tpu.vector_load %arg7[%get3A_539, %get3A_540] {strides = array<i32>} : memref<200x128xf32, #tpu.memory_space<vmem>>, vector<1x16xf32>,
        %get3A_542 = vector.shape_cast %get3A_541 : vector<1x16xf32> to vector<16xf32>
        %swap3A_543 = arith.constant 0 : i32
        %swap3A_544 = arith.index_cast %swap3A_543 : i32 to index
        %swap3A_545 = arith.index_cast %scan3A_503 : i32 to index
        %swap3A_546 = arith.constant 48 : index
        %swap3A_547 = tpu.vector_load %arg8[%swap3A_544, %swap3A_545, %swap3A_546] {strides = array<i32>} : memref<4x100x128xf32, #tpu.memory_space<vmem>>, vector<1x1x16xf32>,
        %swap3A_548 = vector.shape_cast %swap3A_547 : vector<1x1x16xf32> to vector<16xf32>
        %swap3A_549 = vector.shape_cast %get3A_542 : vector<16xf32> to vector<1x1x16xf32>
        tpu.vector_store %arg8[%swap3A_544, %swap3A_545, %swap3A_546], %swap3A_549 {add = true, strides = array<i32>} : memref<4x100x128xf32, #tpu.memory_space<vmem>>, vector<1x1x16xf32>,
        %add3A_550 = arith.addi %mul3A_333, %scan3A_503 : i32
        %get3A_551 = arith.index_cast %add3A_550 : i32 to index
        %get3A_552 = arith.constant 64 : index
        %get3A_553 = tpu.vector_load %arg7[%get3A_551, %get3A_552] {strides = array<i32>} : memref<200x128xf32, #tpu.memory_space<vmem>>, vector<1x16xf32>,
        %get3A_554 = vector.shape_cast %get3A_553 : vector<1x16xf32> to vector<16xf32>
        %swap3A_555 = arith.constant 0 : i32
        %swap3A_556 = arith.index_cast %swap3A_555 : i32 to index
        %swap3A_557 = arith.index_cast %scan3A_503 : i32 to index
        %swap3A_558 = arith.constant 64 : index
        %swap3A_559 = tpu.vector_load %arg8[%swap3A_556, %swap3A_557, %swap3A_558] {strides = array<i32>} : memref<4x100x128xf32, #tpu.memory_space<vmem>>, vector<1x1x16xf32>,
        %swap3A_560 = vector.shape_cast %swap3A_559 : vector<1x1x16xf32> to vector<16xf32>
        %swap3A_561 = vector.shape_cast %get3A_554 : vector<16xf32> to vector<1x1x16xf32>
        tpu.vector_store %arg8[%swap3A_556, %swap3A_557, %swap3A_558], %swap3A_561 {add = true, strides = array<i32>} : memref<4x100x128xf32, #tpu.memory_space<vmem>>, vector<1x1x16xf32>,
        %add3A_562 = arith.addi %mul3A_333, %scan3A_503 : i32
        %get3A_563 = arith.index_cast %add3A_562 : i32 to index
        %get3A_564 = arith.constant 80 : index
        %get3A_565 = tpu.vector_load %arg7[%get3A_563, %get3A_564] {strides = array<i32>} : memref<200x128xf32, #tpu.memory_space<vmem>>, vector<1x16xf32>,
        %get3A_566 = vector.shape_cast %get3A_565 : vector<1x16xf32> to vector<16xf32>
        %swap3A_567 = arith.constant 0 : i32
        %swap3A_568 = arith.index_cast %swap3A_567 : i32 to index
        %swap3A_569 = arith.index_cast %scan3A_503 : i32 to index
        %swap3A_570 = arith.constant 80 : index
        %swap3A_571 = tpu.vector_load %arg8[%swap3A_568, %swap3A_569, %swap3A_570] {strides = array<i32>} : memref<4x100x128xf32, #tpu.memory_space<vmem>>, vector<1x1x16xf32>,
        %swap3A_572 = vector.shape_cast %swap3A_571 : vector<1x1x16xf32> to vector<16xf32>
        %swap3A_573 = vector.shape_cast %get3A_566 : vector<16xf32> to vector<1x1x16xf32>
        tpu.vector_store %arg8[%swap3A_568, %swap3A_569, %swap3A_570], %swap3A_573 {add = true, strides = array<i32>} : memref<4x100x128xf32, #tpu.memory_space<vmem>>, vector<1x1x16xf32>,
        %add3A_574 = arith.addi %mul3A_333, %scan3A_503 : i32
        %get3A_575 = arith.index_cast %add3A_574 : i32 to index
        %get3A_576 = arith.constant 96 : index
        %get3A_577 = tpu.vector_load %arg7[%get3A_575, %get3A_576] {strides = array<i32>} : memref<200x128xf32, #tpu.memory_space<vmem>>, vector<1x16xf32>,
        %get3A_578 = vector.shape_cast %get3A_577 : vector<1x16xf32> to vector<16xf32>
        %swap3A_579 = arith.constant 0 : i32
        %swap3A_580 = arith.index_cast %swap3A_579 : i32 to index
        %swap3A_581 = arith.index_cast %scan3A_503 : i32 to index
        %swap3A_582 = arith.constant 96 : index
        %swap3A_583 = tpu.vector_load %arg8[%swap3A_580, %swap3A_581, %swap3A_582] {strides = array<i32>} : memref<4x100x128xf32, #tpu.memory_space<vmem>>, vector<1x1x16xf32>,
        %swap3A_584 = vector.shape_cast %swap3A_583 : vector<1x1x16xf32> to vector<16xf32>
        %swap3A_585 = vector.shape_cast %get3A_578 : vector<16xf32> to vector<1x1x16xf32>
        tpu.vector_store %arg8[%swap3A_580, %swap3A_581, %swap3A_582], %swap3A_585 {add = true, strides = array<i32>} : memref<4x100x128xf32, #tpu.memory_space<vmem>>, vector<1x1x16xf32>,
        %add3A_586 = arith.addi %mul3A_333, %scan3A_503 : i32
        %get3A_587 = arith.index_cast %add3A_586 : i32 to index
        %get3A_588 = arith.constant 112 : index
        %get3A_589 = tpu.vector_load %arg7[%get3A_587, %get3A_588] {strides = array<i32>} : memref<200x128xf32, #tpu.memory_space<vmem>>, vector<1x16xf32>,
        %get3A_590 = vector.shape_cast %get3A_589 : vector<1x16xf32> to vector<16xf32>
        %swap3A_591 = arith.constant 0 : i32
        %swap3A_592 = arith.index_cast %swap3A_591 : i32 to index
        %swap3A_593 = arith.index_cast %scan3A_503 : i32 to index
        %swap3A_594 = arith.constant 112 : index
        %swap3A_595 = tpu.vector_load %arg8[%swap3A_592, %swap3A_593, %swap3A_594] {strides = array<i32>} : memref<4x100x128xf32, #tpu.memory_space<vmem>>, vector<1x1x16xf32>,
        %swap3A_596 = vector.shape_cast %swap3A_595 : vector<1x1x16xf32> to vector<16xf32>
        %swap3A_597 = vector.shape_cast %get3A_590 : vector<16xf32> to vector<1x1x16xf32>
        tpu.vector_store %arg8[%swap3A_592, %swap3A_593, %swap3A_594], %swap3A_597 {add = true, strides = array<i32>} : memref<4x100x128xf32, #tpu.memory_space<vmem>>, vector<1x1x16xf32>,
        %scan3A_598 = arith.constant 1 : i32
        %scan3A_599 = arith.addi %scan3A_503, %scan3A_598 : i32
        %add3A_600 = arith.addi %mul3A_333, %scan3A_599 : i32
        %get3A_601 = arith.index_cast %add3A_600 : i32 to index
        %get3A_602 = arith.constant 0 : index
        %get3A_603 = tpu.vector_load %arg7[%get3A_601, %get3A_602] {strides = array<i32>} : memref<200x128xf32, #tpu.memory_space<vmem>>, vector<1x16xf32>,
        %get3A_604 = vector.shape_cast %get3A_603 : vector<1x16xf32> to vector<16xf32>
        %swap3A_605 = arith.constant 0 : i32
        %swap3A_606 = arith.index_cast %swap3A_605 : i32 to index
        %swap3A_607 = arith.index_cast %scan3A_599 : i32 to index
        %swap3A_608 = arith.constant 0 : index
        %swap3A_609 = tpu.vector_load %arg8[%swap3A_606, %swap3A_607, %swap3A_608] {strides = array<i32>} : memref<4x100x128xf32, #tpu.memory_space<vmem>>, vector<1x1x16xf32>,
        %swap3A_610 = vector.shape_cast %swap3A_609 : vector<1x1x16xf32> to vector<16xf32>
        %swap3A_611 = vector.shape_cast %get3A_604 : vector<16xf32> to vector<1x1x16xf32>
        tpu.vector_store %arg8[%swap3A_606, %swap3A_607, %swap3A_608], %swap3A_611 {add = true, strides = array<i32>} : memref<4x100x128xf32, #tpu.memory_space<vmem>>, vector<1x1x16xf32>,
        %add3A_612 = arith.addi %mul3A_333, %scan3A_599 : i32
        %get3A_613 = arith.index_cast %add3A_612 : i32 to index
        %get3A_614 = arith.constant 16 : index
        %get3A_615 = tpu.vector_load %arg7[%get3A_613, %get3A_614] {strides = array<i32>} : memref<200x128xf32, #tpu.memory_space<vmem>>, vector<1x16xf32>,
        %get3A_616 = vector.shape_cast %get3A_615 : vector<1x16xf32> to vector<16xf32>
        %swap3A_617 = arith.constant 0 : i32
        %swap3A_618 = arith.index_cast %swap3A_617 : i32 to index
        %swap3A_619 = arith.index_cast %scan3A_599 : i32 to index
        %swap3A_620 = arith.constant 16 : index
        %swap3A_621 = tpu.vector_load %arg8[%swap3A_618, %swap3A_619, %swap3A_620] {strides = array<i32>} : memref<4x100x128xf32, #tpu.memory_space<vmem>>, vector<1x1x16xf32>,
        %swap3A_622 = vector.shape_cast %swap3A_621 : vector<1x1x16xf32> to vector<16xf32>
        %swap3A_623 = vector.shape_cast %get3A_616 : vector<16xf32> to vector<1x1x16xf32>
        tpu.vector_store %arg8[%swap3A_618, %swap3A_619, %swap3A_620], %swap3A_623 {add = true, strides = array<i32>} : memref<4x100x128xf32, #tpu.memory_space<vmem>>, vector<1x1x16xf32>,
        %add3A_624 = arith.addi %mul3A_333, %scan3A_599 : i32
        %get3A_625 = arith.index_cast %add3A_624 : i32 to index
        %get3A_626 = arith.constant 32 : index
        %get3A_627 = tpu.vector_load %arg7[%get3A_625, %get3A_626] {strides = array<i32>} : memref<200x128xf32, #tpu.memory_space<vmem>>, vector<1x16xf32>,
        %get3A_628 = vector.shape_cast %get3A_627 : vector<1x16xf32> to vector<16xf32>
        %swap3A_629 = arith.constant 0 : i32
        %swap3A_630 = arith.index_cast %swap3A_629 : i32 to index
        %swap3A_631 = arith.index_cast %scan3A_599 : i32 to index
        %swap3A_632 = arith.constant 32 : index
        %swap3A_633 = tpu.vector_load %arg8[%swap3A_630, %swap3A_631, %swap3A_632] {strides = array<i32>} : memref<4x100x128xf32, #tpu.memory_space<vmem>>, vector<1x1x16xf32>,
        %swap3A_634 = vector.shape_cast %swap3A_633 : vector<1x1x16xf32> to vector<16xf32>
        %swap3A_635 = vector.shape_cast %get3A_628 : vector<16xf32> to vector<1x1x16xf32>
        tpu.vector_store %arg8[%swap3A_630, %swap3A_631, %swap3A_632], %swap3A_635 {add = true, strides = array<i32>} : memref<4x100x128xf32, #tpu.memory_space<vmem>>, vector<1x1x16xf32>,
        %add3A_636 = arith.addi %mul3A_333, %scan3A_599 : i32
        %get3A_637 = arith.index_cast %add3A_636 : i32 to index
        %get3A_638 = arith.constant 48 : index
        %get3A_639 = tpu.vector_load %arg7[%get3A_637, %get3A_638] {strides = array<i32>} : memref<200x128xf32, #tpu.memory_space<vmem>>, vector<1x16xf32>,
        %get3A_640 = vector.shape_cast %get3A_639 : vector<1x16xf32> to vector<16xf32>
        %swap3A_641 = arith.constant 0 : i32
        %swap3A_642 = arith.index_cast %swap3A_641 : i32 to index
        %swap3A_643 = arith.index_cast %scan3A_599 : i32 to index
        %swap3A_644 = arith.constant 48 : index
        %swap3A_645 = tpu.vector_load %arg8[%swap3A_642, %swap3A_643, %swap3A_644] {strides = array<i32>} : memref<4x100x128xf32, #tpu.memory_space<vmem>>, vector<1x1x16xf32>,
        %swap3A_646 = vector.shape_cast %swap3A_645 : vector<1x1x16xf32> to vector<16xf32>
        %swap3A_647 = vector.shape_cast %get3A_640 : vector<16xf32> to vector<1x1x16xf32>
        tpu.vector_store %arg8[%swap3A_642, %swap3A_643, %swap3A_644], %swap3A_647 {add = true, strides = array<i32>} : memref<4x100x128xf32, #tpu.memory_space<vmem>>, vector<1x1x16xf32>,
        %add3A_648 = arith.addi %mul3A_333, %scan3A_599 : i32
        %get3A_649 = arith.index_cast %add3A_648 : i32 to index
        %get3A_650 = arith.constant 64 : index
        %get3A_651 = tpu.vector_load %arg7[%get3A_649, %get3A_650] {strides = array<i32>} : memref<200x128xf32, #tpu.memory_space<vmem>>, vector<1x16xf32>,
        %get3A_652 = vector.shape_cast %get3A_651 : vector<1x16xf32> to vector<16xf32>
        %swap3A_653 = arith.constant 0 : i32
        %swap3A_654 = arith.index_cast %swap3A_653 : i32 to index
        %swap3A_655 = arith.index_cast %scan3A_599 : i32 to index
        %swap3A_656 = arith.constant 64 : index
        %swap3A_657 = tpu.vector_load %arg8[%swap3A_654, %swap3A_655, %swap3A_656] {strides = array<i32>} : memref<4x100x128xf32, #tpu.memory_space<vmem>>, vector<1x1x16xf32>,
        %swap3A_658 = vector.shape_cast %swap3A_657 : vector<1x1x16xf32> to vector<16xf32>
        %swap3A_659 = vector.shape_cast %get3A_652 : vector<16xf32> to vector<1x1x16xf32>
        tpu.vector_store %arg8[%swap3A_654, %swap3A_655, %swap3A_656], %swap3A_659 {add = true, strides = array<i32>} : memref<4x100x128xf32, #tpu.memory_space<vmem>>, vector<1x1x16xf32>,
        %add3A_660 = arith.addi %mul3A_333, %scan3A_599 : i32
        %get3A_661 = arith.index_cast %add3A_660 : i32 to index
        %get3A_662 = arith.constant 80 : index
        %get3A_663 = tpu.vector_load %arg7[%get3A_661, %get3A_662] {strides = array<i32>} : memref<200x128xf32, #tpu.memory_space<vmem>>, vector<1x16xf32>,
        %get3A_664 = vector.shape_cast %get3A_663 : vector<1x16xf32> to vector<16xf32>
        %swap3A_665 = arith.constant 0 : i32
        %swap3A_666 = arith.index_cast %swap3A_665 : i32 to index
        %swap3A_667 = arith.index_cast %scan3A_599 : i32 to index
        %swap3A_668 = arith.constant 80 : index
        %swap3A_669 = tpu.vector_load %arg8[%swap3A_666, %swap3A_667, %swap3A_668] {strides = array<i32>} : memref<4x100x128xf32, #tpu.memory_space<vmem>>, vector<1x1x16xf32>,
        %swap3A_670 = vector.shape_cast %swap3A_669 : vector<1x1x16xf32> to vector<16xf32>
        %swap3A_671 = vector.shape_cast %get3A_664 : vector<16xf32> to vector<1x1x16xf32>
        tpu.vector_store %arg8[%swap3A_666, %swap3A_667, %swap3A_668], %swap3A_671 {add = true, strides = array<i32>} : memref<4x100x128xf32, #tpu.memory_space<vmem>>, vector<1x1x16xf32>,
        %add3A_672 = arith.addi %mul3A_333, %scan3A_599 : i32
        %get3A_673 = arith.index_cast %add3A_672 : i32 to index
        %get3A_674 = arith.constant 96 : index
        %get3A_675 = tpu.vector_load %arg7[%get3A_673, %get3A_674] {strides = array<i32>} : memref<200x128xf32, #tpu.memory_space<vmem>>, vector<1x16xf32>,
        %get3A_676 = vector.shape_cast %get3A_675 : vector<1x16xf32> to vector<16xf32>
        %swap3A_677 = arith.constant 0 : i32
        %swap3A_678 = arith.index_cast %swap3A_677 : i32 to index
        %swap3A_679 = arith.index_cast %scan3A_599 : i32 to index
        %swap3A_680 = arith.constant 96 : index
        %swap3A_681 = tpu.vector_load %arg8[%swap3A_678, %swap3A_679, %swap3A_680] {strides = array<i32>} : memref<4x100x128xf32, #tpu.memory_space<vmem>>, vector<1x1x16xf32>,
        %swap3A_682 = vector.shape_cast %swap3A_681 : vector<1x1x16xf32> to vector<16xf32>
        %swap3A_683 = vector.shape_cast %get3A_676 : vector<16xf32> to vector<1x1x16xf32>
        tpu.vector_store %arg8[%swap3A_678, %swap3A_679, %swap3A_680], %swap3A_683 {add = true, strides = array<i32>} : memref<4x100x128xf32, #tpu.memory_space<vmem>>, vector<1x1x16xf32>,
        %add3A_684 = arith.addi %mul3A_333, %scan3A_599 : i32
        %get3A_685 = arith.index_cast %add3A_684 : i32 to index
        %get3A_686 = arith.constant 112 : index
        %get3A_687 = tpu.vector_load %arg7[%get3A_685, %get3A_686] {strides = array<i32>} : memref<200x128xf32, #tpu.memory_space<vmem>>, vector<1x16xf32>,
        %get3A_688 = vector.shape_cast %get3A_687 : vector<1x16xf32> to vector<16xf32>
        %swap3A_689 = arith.constant 0 : i32
        %swap3A_690 = arith.index_cast %swap3A_689 : i32 to index
        %swap3A_691 = arith.index_cast %scan3A_599 : i32 to index
        %swap3A_692 = arith.constant 112 : index
        %swap3A_693 = tpu.vector_load %arg8[%swap3A_690, %swap3A_691, %swap3A_692] {strides = array<i32>} : memref<4x100x128xf32, #tpu.memory_space<vmem>>, vector<1x1x16xf32>,
        %swap3A_694 = vector.shape_cast %swap3A_693 : vector<1x1x16xf32> to vector<16xf32>
        %swap3A_695 = vector.shape_cast %get3A_688 : vector<16xf32> to vector<1x1x16xf32>
        tpu.vector_store %arg8[%swap3A_690, %swap3A_691, %swap3A_692], %swap3A_695 {add = true, strides = array<i32>} : memref<4x100x128xf32, #tpu.memory_space<vmem>>, vector<1x1x16xf32>,
        %scan3A_696 = arith.constant 2 : i32
        %scan3A_697 = arith.addi %scan3A_503, %scan3A_696 : i32
        %add3A_698 = arith.addi %mul3A_333, %scan3A_697 : i32
        %get3A_699 = arith.index_cast %add3A_698 : i32 to index
        %get3A_700 = arith.constant 0 : index
        %get3A_701 = tpu.vector_load %arg7[%get3A_699, %get3A_700] {strides = array<i32>} : memref<200x128xf32, #tpu.memory_space<vmem>>, vector<1x16xf32>,
        %get3A_702 = vector.shape_cast %get3A_701 : vector<1x16xf32> to vector<16xf32>
        %swap3A_703 = arith.constant 0 : i32
        %swap3A_704 = arith.index_cast %swap3A_703 : i32 to index
        %swap3A_705 = arith.index_cast %scan3A_697 : i32 to index
        %swap3A_706 = arith.constant 0 : index
        %swap3A_707 = tpu.vector_load %arg8[%swap3A_704, %swap3A_705, %swap3A_706] {strides = array<i32>} : memref<4x100x128xf32, #tpu.memory_space<vmem>>, vector<1x1x16xf32>,
        %swap3A_708 = vector.shape_cast %swap3A_707 : vector<1x1x16xf32> to vector<16xf32>
        %swap3A_709 = vector.shape_cast %get3A_702 : vector<16xf32> to vector<1x1x16xf32>
        tpu.vector_store %arg8[%swap3A_704, %swap3A_705, %swap3A_706], %swap3A_709 {add = true, strides = array<i32>} : memref<4x100x128xf32, #tpu.memory_space<vmem>>, vector<1x1x16xf32>,
        %add3A_710 = arith.addi %mul3A_333, %scan3A_697 : i32
        %get3A_711 = arith.index_cast %add3A_710 : i32 to index
        %get3A_712 = arith.constant 16 : index
        %get3A_713 = tpu.vector_load %arg7[%get3A_711, %get3A_712] {strides = array<i32>} : memref<200x128xf32, #tpu.memory_space<vmem>>, vector<1x16xf32>,
        %get3A_714 = vector.shape_cast %get3A_713 : vector<1x16xf32> to vector<16xf32>
        %swap3A_715 = arith.constant 0 : i32
        %swap3A_716 = arith.index_cast %swap3A_715 : i32 to index
        %swap3A_717 = arith.index_cast %scan3A_697 : i32 to index
        %swap3A_718 = arith.constant 16 : index
        %swap3A_719 = tpu.vector_load %arg8[%swap3A_716, %swap3A_717, %swap3A_718] {strides = array<i32>} : memref<4x100x128xf32, #tpu.memory_space<vmem>>, vector<1x1x16xf32>,
        %swap3A_720 = vector.shape_cast %swap3A_719 : vector<1x1x16xf32> to vector<16xf32>
        %swap3A_721 = vector.shape_cast %get3A_714 : vector<16xf32> to vector<1x1x16xf32>
        tpu.vector_store %arg8[%swap3A_716, %swap3A_717, %swap3A_718], %swap3A_721 {add = true, strides = array<i32>} : memref<4x100x128xf32, #tpu.memory_space<vmem>>, vector<1x1x16xf32>,
        %add3A_722 = arith.addi %mul3A_333, %scan3A_697 : i32
        %get3A_723 = arith.index_cast %add3A_722 : i32 to index
        %get3A_724 = arith.constant 32 : index
        %get3A_725 = tpu.vector_load %arg7[%get3A_723, %get3A_724] {strides = array<i32>} : memref<200x128xf32, #tpu.memory_space<vmem>>, vector<1x16xf32>,
        %get3A_726 = vector.shape_cast %get3A_725 : vector<1x16xf32> to vector<16xf32>
        %swap3A_727 = arith.constant 0 : i32
        %swap3A_728 = arith.index_cast %swap3A_727 : i32 to index
        %swap3A_729 = arith.index_cast %scan3A_697 : i32 to index
        %swap3A_730 = arith.constant 32 : index
        %swap3A_731 = tpu.vector_load %arg8[%swap3A_728, %swap3A_729, %swap3A_730] {strides = array<i32>} : memref<4x100x128xf32, #tpu.memory_space<vmem>>, vector<1x1x16xf32>,
        %swap3A_732 = vector.shape_cast %swap3A_731 : vector<1x1x16xf32> to vector<16xf32>
        %swap3A_733 = vector.shape_cast %get3A_726 : vector<16xf32> to vector<1x1x16xf32>
        tpu.vector_store %arg8[%swap3A_728, %swap3A_729, %swap3A_730], %swap3A_733 {add = true, strides = array<i32>} : memref<4x100x128xf32, #tpu.memory_space<vmem>>, vector<1x1x16xf32>,
        %add3A_734 = arith.addi %mul3A_333, %scan3A_697 : i32
        %get3A_735 = arith.index_cast %add3A_734 : i32 to index
        %get3A_736 = arith.constant 48 : index
        %get3A_737 = tpu.vector_load %arg7[%get3A_735, %get3A_736] {strides = array<i32>} : memref<200x128xf32, #tpu.memory_space<vmem>>, vector<1x16xf32>,
        %get3A_738 = vector.shape_cast %get3A_737 : vector<1x16xf32> to vector<16xf32>
        %swap3A_739 = arith.constant 0 : i32
        %swap3A_740 = arith.index_cast %swap3A_739 : i32 to index
        %swap3A_741 = arith.index_cast %scan3A_697 : i32 to index
        %swap3A_742 = arith.constant 48 : index
        %swap3A_743 = tpu.vector_load %arg8[%swap3A_740, %swap3A_741, %swap3A_742] {strides = array<i32>} : memref<4x100x128xf32, #tpu.memory_space<vmem>>, vector<1x1x16xf32>,
        %swap3A_744 = vector.shape_cast %swap3A_743 : vector<1x1x16xf32> to vector<16xf32>
        %swap3A_745 = vector.shape_cast %get3A_738 : vector<16xf32> to vector<1x1x16xf32>
        tpu.vector_store %arg8[%swap3A_740, %swap3A_741, %swap3A_742], %swap3A_745 {add = true, strides = array<i32>} : memref<4x100x128xf32, #tpu.memory_space<vmem>>, vector<1x1x16xf32>,
        %add3A_746 = arith.addi %mul3A_333, %scan3A_697 : i32
        %get3A_747 = arith.index_cast %add3A_746 : i32 to index
        %get3A_748 = arith.constant 64 : index
        %get3A_749 = tpu.vector_load %arg7[%get3A_747, %get3A_748] {strides = array<i32>} : memref<200x128xf32, #tpu.memory_space<vmem>>, vector<1x16xf32>,
        %get3A_750 = vector.shape_cast %get3A_749 : vector<1x16xf32> to vector<16xf32>
        %swap3A_751 = arith.constant 0 : i32
        %swap3A_752 = arith.index_cast %swap3A_751 : i32 to index
        %swap3A_753 = arith.index_cast %scan3A_697 : i32 to index
        %swap3A_754 = arith.constant 64 : index
        %swap3A_755 = tpu.vector_load %arg8[%swap3A_752, %swap3A_753, %swap3A_754] {strides = array<i32>} : memref<4x100x128xf32, #tpu.memory_space<vmem>>, vector<1x1x16xf32>,
        %swap3A_756 = vector.shape_cast %swap3A_755 : vector<1x1x16xf32> to vector<16xf32>
        %swap3A_757 = vector.shape_cast %get3A_750 : vector<16xf32> to vector<1x1x16xf32>
        tpu.vector_store %arg8[%swap3A_752, %swap3A_753, %swap3A_754], %swap3A_757 {add = true, strides = array<i32>} : memref<4x100x128xf32, #tpu.memory_space<vmem>>, vector<1x1x16xf32>,
        %add3A_758 = arith.addi %mul3A_333, %scan3A_697 : i32
        %get3A_759 = arith.index_cast %add3A_758 : i32 to index
        %get3A_760 = arith.constant 80 : index
        %get3A_761 = tpu.vector_load %arg7[%get3A_759, %get3A_760] {strides = array<i32>} : memref<200x128xf32, #tpu.memory_space<vmem>>, vector<1x16xf32>,
        %get3A_762 = vector.shape_cast %get3A_761 : vector<1x16xf32> to vector<16xf32>
        %swap3A_763 = arith.constant 0 : i32
        %swap3A_764 = arith.index_cast %swap3A_763 : i32 to index
        %swap3A_765 = arith.index_cast %scan3A_697 : i32 to index
        %swap3A_766 = arith.constant 80 : index
        %swap3A_767 = tpu.vector_load %arg8[%swap3A_764, %swap3A_765, %swap3A_766] {strides = array<i32>} : memref<4x100x128xf32, #tpu.memory_space<vmem>>, vector<1x1x16xf32>,
        %swap3A_768 = vector.shape_cast %swap3A_767 : vector<1x1x16xf32> to vector<16xf32>
        %swap3A_769 = vector.shape_cast %get3A_762 : vector<16xf32> to vector<1x1x16xf32>
        tpu.vector_store %arg8[%swap3A_764, %swap3A_765, %swap3A_766], %swap3A_769 {add = true, strides = array<i32>} : memref<4x100x128xf32, #tpu.memory_space<vmem>>, vector<1x1x16xf32>,
        %add3A_770 = arith.addi %mul3A_333, %scan3A_697 : i32
        %get3A_771 = arith.index_cast %add3A_770 : i32 to index
        %get3A_772 = arith.constant 96 : index
        %get3A_773 = tpu.vector_load %arg7[%get3A_771, %get3A_772] {strides = array<i32>} : memref<200x128xf32, #tpu.memory_space<vmem>>, vector<1x16xf32>,
        %get3A_774 = vector.shape_cast %get3A_773 : vector<1x16xf32> to vector<16xf32>
        %swap3A_775 = arith.constant 0 : i32
        %swap3A_776 = arith.index_cast %swap3A_775 : i32 to index
        %swap3A_777 = arith.index_cast %scan3A_697 : i32 to index
        %swap3A_778 = arith.constant 96 : index
        %swap3A_779 = tpu.vector_load %arg8[%swap3A_776, %swap3A_777, %swap3A_778] {strides = array<i32>} : memref<4x100x128xf32, #tpu.memory_space<vmem>>, vector<1x1x16xf32>,
        %swap3A_780 = vector.shape_cast %swap3A_779 : vector<1x1x16xf32> to vector<16xf32>
        %swap3A_781 = vector.shape_cast %get3A_774 : vector<16xf32> to vector<1x1x16xf32>
        tpu.vector_store %arg8[%swap3A_776, %swap3A_777, %swap3A_778], %swap3A_781 {add = true, strides = array<i32>} : memref<4x100x128xf32, #tpu.memory_space<vmem>>, vector<1x1x16xf32>,
        %add3A_782 = arith.addi %mul3A_333, %scan3A_697 : i32
        %get3A_783 = arith.index_cast %add3A_782 : i32 to index
        %get3A_784 = arith.constant 112 : index
        %get3A_785 = tpu.vector_load %arg7[%get3A_783, %get3A_784] {strides = array<i32>} : memref<200x128xf32, #tpu.memory_space<vmem>>, vector<1x16xf32>,
        %get3A_786 = vector.shape_cast %get3A_785 : vector<1x16xf32> to vector<16xf32>
        %swap3A_787 = arith.constant 0 : i32
        %swap3A_788 = arith.index_cast %swap3A_787 : i32 to index
        %swap3A_789 = arith.index_cast %scan3A_697 : i32 to index
        %swap3A_790 = arith.constant 112 : index
        %swap3A_791 = tpu.vector_load %arg8[%swap3A_788, %swap3A_789, %swap3A_790] {strides = array<i32>} : memref<4x100x128xf32, #tpu.memory_space<vmem>>, vector<1x1x16xf32>,
        %swap3A_792 = vector.shape_cast %swap3A_791 : vector<1x1x16xf32> to vector<16xf32>
        %swap3A_793 = vector.shape_cast %get3A_786 : vector<16xf32> to vector<1x1x16xf32>
        tpu.vector_store %arg8[%swap3A_788, %swap3A_789, %swap3A_790], %swap3A_793 {add = true, strides = array<i32>} : memref<4x100x128xf32, #tpu.memory_space<vmem>>, vector<1x1x16xf32>,
        %scan3A_794 = arith.constant 3 : i32
        %scan3A_795 = arith.addi %scan3A_503, %scan3A_794 : i32
        %add3A_796 = arith.addi %mul3A_333, %scan3A_795 : i32
        %get3A_797 = arith.index_cast %add3A_796 : i32 to index
        %get3A_798 = arith.constant 0 : index
        %get3A_799 = tpu.vector_load %arg7[%get3A_797, %get3A_798] {strides = array<i32>} : memref<200x128xf32, #tpu.memory_space<vmem>>, vector<1x16xf32>,
        %get3A_800 = vector.shape_cast %get3A_799 : vector<1x16xf32> to vector<16xf32>
        %swap3A_801 = arith.constant 0 : i32
        %swap3A_802 = arith.index_cast %swap3A_801 : i32 to index
        %swap3A_803 = arith.index_cast %scan3A_795 : i32 to index
        %swap3A_804 = arith.constant 0 : index
        %swap3A_805 = tpu.vector_load %arg8[%swap3A_802, %swap3A_803, %swap3A_804] {strides = array<i32>} : memref<4x100x128xf32, #tpu.memory_space<vmem>>, vector<1x1x16xf32>,
        %swap3A_806 = vector.shape_cast %swap3A_805 : vector<1x1x16xf32> to vector<16xf32>
        %swap3A_807 = vector.shape_cast %get3A_800 : vector<16xf32> to vector<1x1x16xf32>
        tpu.vector_store %arg8[%swap3A_802, %swap3A_803, %swap3A_804], %swap3A_807 {add = true, strides = array<i32>} : memref<4x100x128xf32, #tpu.memory_space<vmem>>, vector<1x1x16xf32>,
        %add3A_808 = arith.addi %mul3A_333, %scan3A_795 : i32
        %get3A_809 = arith.index_cast %add3A_808 : i32 to index
        %get3A_810 = arith.constant 16 : index
        %get3A_811 = tpu.vector_load %arg7[%get3A_809, %get3A_810] {strides = array<i32>} : memref<200x128xf32, #tpu.memory_space<vmem>>, vector<1x16xf32>,
        %get3A_812 = vector.shape_cast %get3A_811 : vector<1x16xf32> to vector<16xf32>
        %swap3A_813 = arith.constant 0 : i32
        %swap3A_814 = arith.index_cast %swap3A_813 : i32 to index
        %swap3A_815 = arith.index_cast %scan3A_795 : i32 to index
        %swap3A_816 = arith.constant 16 : index
        %swap3A_817 = tpu.vector_load %arg8[%swap3A_814, %swap3A_815, %swap3A_816] {strides = array<i32>} : memref<4x100x128xf32, #tpu.memory_space<vmem>>, vector<1x1x16xf32>,
        %swap3A_818 = vector.shape_cast %swap3A_817 : vector<1x1x16xf32> to vector<16xf32>
        %swap3A_819 = vector.shape_cast %get3A_812 : vector<16xf32> to vector<1x1x16xf32>
        tpu.vector_store %arg8[%swap3A_814, %swap3A_815, %swap3A_816], %swap3A_819 {add = true, strides = array<i32>} : memref<4x100x128xf32, #tpu.memory_space<vmem>>, vector<1x1x16xf32>,
        %add3A_820 = arith.addi %mul3A_333, %scan3A_795 : i32
        %get3A_821 = arith.index_cast %add3A_820 : i32 to index
        %get3A_822 = arith.constant 32 : index
        %get3A_823 = tpu.vector_load %arg7[%get3A_821, %get3A_822] {strides = array<i32>} : memref<200x128xf32, #tpu.memory_space<vmem>>, vector<1x16xf32>,
        %get3A_824 = vector.shape_cast %get3A_823 : vector<1x16xf32> to vector<16xf32>
        %swap3A_825 = arith.constant 0 : i32
        %swap3A_826 = arith.index_cast %swap3A_825 : i32 to index
        %swap3A_827 = arith.index_cast %scan3A_795 : i32 to index
        %swap3A_828 = arith.constant 32 : index
        %swap3A_829 = tpu.vector_load %arg8[%swap3A_826, %swap3A_827, %swap3A_828] {strides = array<i32>} : memref<4x100x128xf32, #tpu.memory_space<vmem>>, vector<1x1x16xf32>,
        %swap3A_830 = vector.shape_cast %swap3A_829 : vector<1x1x16xf32> to vector<16xf32>
        %swap3A_831 = vector.shape_cast %get3A_824 : vector<16xf32> to vector<1x1x16xf32>
        tpu.vector_store %arg8[%swap3A_826, %swap3A_827, %swap3A_828], %swap3A_831 {add = true, strides = array<i32>} : memref<4x100x128xf32, #tpu.memory_space<vmem>>, vector<1x1x16xf32>,
        %add3A_832 = arith.addi %mul3A_333, %scan3A_795 : i32
        %get3A_833 = arith.index_cast %add3A_832 : i32 to index
        %get3A_834 = arith.constant 48 : index
        %get3A_835 = tpu.vector_load %arg7[%get3A_833, %get3A_834] {strides = array<i32>} : memref<200x128xf32, #tpu.memory_space<vmem>>, vector<1x16xf32>,
        %get3A_836 = vector.shape_cast %get3A_835 : vector<1x16xf32> to vector<16xf32>
        %swap3A_837 = arith.constant 0 : i32
        %swap3A_838 = arith.index_cast %swap3A_837 : i32 to index
        %swap3A_839 = arith.index_cast %scan3A_795 : i32 to index
        %swap3A_840 = arith.constant 48 : index
        %swap3A_841 = tpu.vector_load %arg8[%swap3A_838, %swap3A_839, %swap3A_840] {strides = array<i32>} : memref<4x100x128xf32, #tpu.memory_space<vmem>>, vector<1x1x16xf32>,
        %swap3A_842 = vector.shape_cast %swap3A_841 : vector<1x1x16xf32> to vector<16xf32>
        %swap3A_843 = vector.shape_cast %get3A_836 : vector<16xf32> to vector<1x1x16xf32>
        tpu.vector_store %arg8[%swap3A_838, %swap3A_839, %swap3A_840], %swap3A_843 {add = true, strides = array<i32>} : memref<4x100x128xf32, #tpu.memory_space<vmem>>, vector<1x1x16xf32>,
        %add3A_844 = arith.addi %mul3A_333, %scan3A_795 : i32
        %get3A_845 = arith.index_cast %add3A_844 : i32 to index
        %get3A_846 = arith.constant 64 : index
        %get3A_847 = tpu.vector_load %arg7[%get3A_845, %get3A_846] {strides = array<i32>} : memref<200x128xf32, #tpu.memory_space<vmem>>, vector<1x16xf32>,
        %get3A_848 = vector.shape_cast %get3A_847 : vector<1x16xf32> to vector<16xf32>
        %swap3A_849 = arith.constant 0 : i32
        %swap3A_850 = arith.index_cast %swap3A_849 : i32 to index
        %swap3A_851 = arith.index_cast %scan3A_795 : i32 to index
        %swap3A_852 = arith.constant 64 : index
        %swap3A_853 = tpu.vector_load %arg8[%swap3A_850, %swap3A_851, %swap3A_852] {strides = array<i32>} : memref<4x100x128xf32, #tpu.memory_space<vmem>>, vector<1x1x16xf32>,
        %swap3A_854 = vector.shape_cast %swap3A_853 : vector<1x1x16xf32> to vector<16xf32>
        %swap3A_855 = vector.shape_cast %get3A_848 : vector<16xf32> to vector<1x1x16xf32>
        tpu.vector_store %arg8[%swap3A_850, %swap3A_851, %swap3A_852], %swap3A_855 {add = true, strides = array<i32>} : memref<4x100x128xf32, #tpu.memory_space<vmem>>, vector<1x1x16xf32>,
        %add3A_856 = arith.addi %mul3A_333, %scan3A_795 : i32
        %get3A_857 = arith.index_cast %add3A_856 : i32 to index
        %get3A_858 = arith.constant 80 : index
        %get3A_859 = tpu.vector_load %arg7[%get3A_857, %get3A_858] {strides = array<i32>} : memref<200x128xf32, #tpu.memory_space<vmem>>, vector<1x16xf32>,
        %get3A_860 = vector.shape_cast %get3A_859 : vector<1x16xf32> to vector<16xf32>
        %swap3A_861 = arith.constant 0 : i32
        %swap3A_862 = arith.index_cast %swap3A_861 : i32 to index
        %swap3A_863 = arith.index_cast %scan3A_795 : i32 to index
        %swap3A_864 = arith.constant 80 : index
        %swap3A_865 = tpu.vector_load %arg8[%swap3A_862, %swap3A_863, %swap3A_864] {strides = array<i32>} : memref<4x100x128xf32, #tpu.memory_space<vmem>>, vector<1x1x16xf32>,
        %swap3A_866 = vector.shape_cast %swap3A_865 : vector<1x1x16xf32> to vector<16xf32>
        %swap3A_867 = vector.shape_cast %get3A_860 : vector<16xf32> to vector<1x1x16xf32>
        tpu.vector_store %arg8[%swap3A_862, %swap3A_863, %swap3A_864], %swap3A_867 {add = true, strides = array<i32>} : memref<4x100x128xf32, #tpu.memory_space<vmem>>, vector<1x1x16xf32>,
        %add3A_868 = arith.addi %mul3A_333, %scan3A_795 : i32
        %get3A_869 = arith.index_cast %add3A_868 : i32 to index
        %get3A_870 = arith.constant 96 : index
        %get3A_871 = tpu.vector_load %arg7[%get3A_869, %get3A_870] {strides = array<i32>} : memref<200x128xf32, #tpu.memory_space<vmem>>, vector<1x16xf32>,
        %get3A_872 = vector.shape_cast %get3A_871 : vector<1x16xf32> to vector<16xf32>
        %swap3A_873 = arith.constant 0 : i32
        %swap3A_874 = arith.index_cast %swap3A_873 : i32 to index
        %swap3A_875 = arith.index_cast %scan3A_795 : i32 to index
        %swap3A_876 = arith.constant 96 : index
        %swap3A_877 = tpu.vector_load %arg8[%swap3A_874, %swap3A_875, %swap3A_876] {strides = array<i32>} : memref<4x100x128xf32, #tpu.memory_space<vmem>>, vector<1x1x16xf32>,
        %swap3A_878 = vector.shape_cast %swap3A_877 : vector<1x1x16xf32> to vector<16xf32>
        %swap3A_879 = vector.shape_cast %get3A_872 : vector<16xf32> to vector<1x1x16xf32>
        tpu.vector_store %arg8[%swap3A_874, %swap3A_875, %swap3A_876], %swap3A_879 {add = true, strides = array<i32>} : memref<4x100x128xf32, #tpu.memory_space<vmem>>, vector<1x1x16xf32>,
        %add3A_880 = arith.addi %mul3A_333, %scan3A_795 : i32
        %get3A_881 = arith.index_cast %add3A_880 : i32 to index
        %get3A_882 = arith.constant 112 : index
        %get3A_883 = tpu.vector_load %arg7[%get3A_881, %get3A_882] {strides = array<i32>} : memref<200x128xf32, #tpu.memory_space<vmem>>, vector<1x16xf32>,
        %get3A_884 = vector.shape_cast %get3A_883 : vector<1x16xf32> to vector<16xf32>
        %swap3A_885 = arith.constant 0 : i32
        %swap3A_886 = arith.index_cast %swap3A_885 : i32 to index
        %swap3A_887 = arith.index_cast %scan3A_795 : i32 to index
        %swap3A_888 = arith.constant 112 : index
        %swap3A_889 = tpu.vector_load %arg8[%swap3A_886, %swap3A_887, %swap3A_888] {strides = array<i32>} : memref<4x100x128xf32, #tpu.memory_space<vmem>>, vector<1x1x16xf32>,
        %swap3A_890 = vector.shape_cast %swap3A_889 : vector<1x1x16xf32> to vector<16xf32>
        %swap3A_891 = vector.shape_cast %get3A_884 : vector<16xf32> to vector<1x1x16xf32>
        tpu.vector_store %arg8[%swap3A_886, %swap3A_887, %swap3A_888], %swap3A_891 {add = true, strides = array<i32>} : memref<4x100x128xf32, #tpu.memory_space<vmem>>, vector<1x1x16xf32>,
      }
      %scan3A_339 = arith.constant 100 : i32
      %mul3A_340 = arith.constant 100 : i32
      %mul3A_341 = arith.muli %add3A_313, %mul3A_340 : i32
      %add3A_342 = arith.addi %mul3A_2, %mul3A_341 : i32
      %dma_start3A_343 = arith.constant 0 : i32
      %dma_start3A_344 = arith.constant 0 : i32
      %dma_start3A_345 = arith.constant 0 : i32
      %dma_start3A_346 = tpu.memref_slice %arg8[%dma_start3A_343, %dma_start3A_344, %dma_start3A_345] : memref<4x100x128xf32, #tpu.memory_space<vmem>> -> memref<1x100x128xf32, #tpu.memory_space<vmem>>
      %dma_start3A_347 = tpu.memref_squeeze %dma_start3A_346 : memref<1x100x128xf32, #tpu.memory_space<vmem>> -> memref<100x128xf32, #tpu.memory_space<vmem>>
      %dma_start3A_348 = arith.constant 0 : i32
      %dma_start3A_349 = tpu.memref_slice %arg5[%add3A_342, %dma_start3A_348] : memref<204800x128xf32, #tpu.memory_space<hbm>> -> memref<100x128xf32, #tpu.memory_space<hbm>>
      %dma_start3A_350 = arith.constant 0 : i32
      %dma_start3A_351 = tpu.memref_slice %arg5[%add3A_342, %dma_start3A_350] : memref<204800x128xf32, #tpu.memory_space<hbm>> -> memref<100x128xf32, #tpu.memory_space<hbm>>
      %dma_start3A_352 = arith.constant 0 : i32
      %dma_start3A_353 = arith.constant 0 : i32
      %dma_start3A_354 = tpu.memref_slice %arg8[%dma_start3A_343, %dma_start3A_352, %dma_start3A_353] : memref<4x100x128xf32, #tpu.memory_space<vmem>> -> memref<1x100x128xf32, #tpu.memory_space<vmem>>
      %dma_start3A_355 = tpu.memref_squeeze %dma_start3A_354 : memref<1x100x128xf32, #tpu.memory_space<vmem>> -> memref<100x128xf32, #tpu.memory_space<vmem>>
      tpu.enqueue_dma source(%dma_start3A_355 : memref<100x128xf32, #tpu.memory_space<vmem>>) target(%dma_start3A_351 : memref<100x128xf32, #tpu.memory_space<hbm>>) target_semaphore(%arg13 : memref<!tpu.dma_semaphore, #tpu.memory_space<semaphore_mem>>)
      %mul3A_356 = arith.constant 4 : i32
      %mul3A_357 = arith.muli %scan3A_309, %mul3A_356 : i32
      %add3A_358 = arith.constant 1 : i32
      %add3A_359 = arith.addi %mul3A_357, %add3A_358 : i32
      %add3A_360 = arith.constant 2 : i32
      %add3A_361 = arith.addi %add3A_359, %add3A_360 : i32
      %lt3A_362 = arith.constant 64 : i32
      %lt3A_363 = arith.cmpi slt, %add3A_361, %lt3A_362 : i32
      %convert_element_type3A_364 = arith.extui %lt3A_363 : i1 to i32
      %cond3A_365 = arith.constant 0 : i32
      %cond3A_366 = arith.cmpi ne, %convert_element_type3A_364, %cond3A_365 : i32
      scf.if %cond3A_366 {
        %dma_wait3A_503 = arith.constant 3 : i32
        %dma_wait3A_504 = arith.constant 0 : i32
        %dma_wait3A_505 = arith.constant 0 : i32
        %dma_wait3A_506 = tpu.memref_slice %arg8[%dma_wait3A_503, %dma_wait3A_504, %dma_wait3A_505] : memref<4x100x128xf32, #tpu.memory_space<vmem>> -> memref<1x100x128xf32, #tpu.memory_space<vmem>>
        %dma_wait3A_507 = tpu.memref_squeeze %dma_wait3A_506 : memref<1x100x128xf32, #tpu.memory_space<vmem>> -> memref<100x128xf32, #tpu.memory_space<vmem>>
        %dma_wait3A_508 = arith.constant 0 : i32
        %dma_wait3A_509 = tpu.memref_slice %arg5[%mul3A_2, %dma_wait3A_508] : memref<204800x128xf32, #tpu.memory_space<hbm>> -> memref<100x128xf32, #tpu.memory_space<hbm>>
        %dma_wait3A_510 = arith.constant 0 : i32
        %dma_wait3A_511 = tpu.memref_slice %arg5[%mul3A_2, %dma_wait3A_510] : memref<204800x128xf32, #tpu.memory_space<hbm>> -> memref<100x128xf32, #tpu.memory_space<hbm>>
        %dma_wait3A_512 = arith.constant 0 : i32
        %dma_wait3A_513 = arith.constant 0 : i32
        %dma_wait3A_514 = tpu.memref_slice %arg8[%dma_wait3A_503, %dma_wait3A_512, %dma_wait3A_513] : memref<4x100x128xf32, #tpu.memory_space<vmem>> -> memref<1x100x128xf32, #tpu.memory_space<vmem>>
        %dma_wait3A_515 = tpu.memref_squeeze %dma_wait3A_514 : memref<1x100x128xf32, #tpu.memory_space<vmem>> -> memref<100x128xf32, #tpu.memory_space<vmem>>
        tpu.wait_dma2 semaphore(%arg16 : memref<!tpu.dma_semaphore, #tpu.memory_space<semaphore_mem>>) src(%dma_wait3A_515 : memref<100x128xf32, #tpu.memory_space<vmem>>) dst(%dma_wait3A_511 : memref<100x128xf32, #tpu.memory_space<hbm>>)
        %dma_start3A_516 = arith.constant 3 : i32
        %dma_start3A_517 = arith.constant 0 : i32
        %dma_start3A_518 = arith.constant 0 : i32
        %dma_start3A_519 = tpu.memref_slice %arg8[%dma_start3A_516, %dma_start3A_517, %dma_start3A_518] : memref<4x100x128xf32, #tpu.memory_space<vmem>> -> memref<1x100x128xf32, #tpu.memory_space<vmem>>
        %dma_start3A_520 = tpu.memref_squeeze %dma_start3A_519 : memref<1x100x128xf32, #tpu.memory_space<vmem>> -> memref<100x128xf32, #tpu.memory_space<vmem>>
        %dma_start3A_521 = arith.constant 0 : i32
        %dma_start3A_522 = tpu.memref_slice %arg6[%add3A_361, %dma_start3A_521] : memref<64x100xi32, #tpu.memory_space<vmem>> -> memref<1x100xi32, #tpu.memory_space<vmem>>
        %dma_start3A_523 = tpu.memref_squeeze %dma_start3A_522 : memref<1x100xi32, #tpu.memory_space<vmem>> -> memref<100xi32, #tpu.memory_space<vmem>>
        %dma_start3A_524 = arith.constant 0 : i32
        %dma_start3A_525 = arith.constant 0 : i32
        %dma_start3A_526 = tpu.memref_slice %arg3[%dma_start3A_524, %dma_start3A_525] : memref<1000000x128xf32, #tpu.memory_space<hbm>> -> memref<1000000x128xf32, #tpu.memory_space<hbm>>
        tpu.enqueue_indirect_dma source(%dma_start3A_526 : memref<1000000x128xf32, #tpu.memory_space<hbm>>) target(%dma_start3A_520 : memref<100x128xf32, #tpu.memory_space<vmem>>) offsets(%dma_start3A_523 : memref<100xi32, #tpu.memory_space<vmem>>) semaphore(%arg12 : memref<!tpu.dma_semaphore, #tpu.memory_space<semaphore_mem>>)
      } else {
      }
      %dma_wait3A_367 = arith.constant 0 : i32
      %dma_wait3A_368 = arith.constant 1 : i32
      %dma_wait3A_369 = arith.constant 0 : i32
      %dma_wait3A_370 = arith.constant 0 : i32
      %dma_wait3A_371 = tpu.memref_slice %arg8[%dma_wait3A_368, %dma_wait3A_369, %dma_wait3A_370] : memref<4x100x128xf32, #tpu.memory_space<vmem>> -> memref<1x100x128xf32, #tpu.memory_space<vmem>>
      %dma_wait3A_372 = tpu.memref_squeeze %dma_wait3A_371 : memref<1x100x128xf32, #tpu.memory_space<vmem>> -> memref<100x128xf32, #tpu.memory_space<vmem>>
      %dma_wait3A_373 = arith.constant 0 : i32
      %dma_wait3A_374 = tpu.memref_slice %arg6[%dma_wait3A_367, %dma_wait3A_373] : memref<64x100xi32, #tpu.memory_space<vmem>> -> memref<1x100xi32, #tpu.memory_space<vmem>>
      %dma_wait3A_375 = tpu.memref_squeeze %dma_wait3A_374 : memref<1x100xi32, #tpu.memory_space<vmem>> -> memref<100xi32, #tpu.memory_space<vmem>>
      %dma_wait3A_376 = arith.constant 0 : i32
      %dma_wait3A_377 = arith.constant 0 : i32
      %dma_wait3A_378 = tpu.memref_slice %arg3[%dma_wait3A_376, %dma_wait3A_377] : memref<1000000x128xf32, #tpu.memory_space<hbm>> -> memref<1000000x128xf32, #tpu.memory_space<hbm>>
      tpu.wait_indirect_dma semaphore(%arg10 : memref<!tpu.dma_semaphore, #tpu.memory_space<semaphore_mem>>) src(%dma_wait3A_378 : memref<1000000x128xf32, #tpu.memory_space<hbm>>) dst(%dma_wait3A_372 : memref<100x128xf32, #tpu.memory_space<vmem>>)
      %rem3A_379 = arith.constant 2 : i32
      %rem3A_380 = arith.remsi %add3A_359, %rem3A_379 : i32
      %mul3A_381 = arith.constant 100 : i32
      %mul3A_382 = arith.muli %rem3A_380, %mul3A_381 : i32
      %scan3A_383 = arith.constant 0 : i32
      %scan3A_384 = arith.constant 0 : i32
      %scan3A_385 = arith.constant 100 : i32
      %scan3A_386 = arith.addi %scan3A_384, %scan3A_385 : i32
      %scan3A_387 = arith.constant 4 : i32
      scf.for %scan3A_503 = %scan3A_384 to %scan3A_386 step %scan3A_387  : i32 {
        %add3A_504 = arith.addi %mul3A_382, %scan3A_503 : i32
        %get3A = arith.index_cast %add3A_504 : i32 to index
        %get3A_505 = arith.constant 0 : index
        %get3A_506 = tpu.vector_load %arg7[%get3A, %get3A_505] {strides = array<i32>} : memref<200x128xf32, #tpu.memory_space<vmem>>, vector<1x16xf32>,
        %get3A_507 = vector.shape_cast %get3A_506 : vector<1x16xf32> to vector<16xf32>
        %swap3A = arith.constant 1 : i32
        %swap3A_508 = arith.index_cast %swap3A : i32 to index
        %swap3A_509 = arith.index_cast %scan3A_503 : i32 to index
        %swap3A_510 = arith.constant 0 : index
        %swap3A_511 = tpu.vector_load %arg8[%swap3A_508, %swap3A_509, %swap3A_510] {strides = array<i32>} : memref<4x100x128xf32, #tpu.memory_space<vmem>>, vector<1x1x16xf32>,
        %swap3A_512 = vector.shape_cast %swap3A_511 : vector<1x1x16xf32> to vector<16xf32>
        %swap3A_513 = vector.shape_cast %get3A_507 : vector<16xf32> to vector<1x1x16xf32>
        tpu.vector_store %arg8[%swap3A_508, %swap3A_509, %swap3A_510], %swap3A_513 {add = true, strides = array<i32>} : memref<4x100x128xf32, #tpu.memory_space<vmem>>, vector<1x1x16xf32>,
        %add3A_514 = arith.addi %mul3A_382, %scan3A_503 : i32
        %get3A_515 = arith.index_cast %add3A_514 : i32 to index
        %get3A_516 = arith.constant 16 : index
        %get3A_517 = tpu.vector_load %arg7[%get3A_515, %get3A_516] {strides = array<i32>} : memref<200x128xf32, #tpu.memory_space<vmem>>, vector<1x16xf32>,
        %get3A_518 = vector.shape_cast %get3A_517 : vector<1x16xf32> to vector<16xf32>
        %swap3A_519 = arith.constant 1 : i32
        %swap3A_520 = arith.index_cast %swap3A_519 : i32 to index
        %swap3A_521 = arith.index_cast %scan3A_503 : i32 to index
        %swap3A_522 = arith.constant 16 : index
        %swap3A_523 = tpu.vector_load %arg8[%swap3A_520, %swap3A_521, %swap3A_522] {strides = array<i32>} : memref<4x100x128xf32, #tpu.memory_space<vmem>>, vector<1x1x16xf32>,
        %swap3A_524 = vector.shape_cast %swap3A_523 : vector<1x1x16xf32> to vector<16xf32>
        %swap3A_525 = vector.shape_cast %get3A_518 : vector<16xf32> to vector<1x1x16xf32>
        tpu.vector_store %arg8[%swap3A_520, %swap3A_521, %swap3A_522], %swap3A_525 {add = true, strides = array<i32>} : memref<4x100x128xf32, #tpu.memory_space<vmem>>, vector<1x1x16xf32>,
        %add3A_526 = arith.addi %mul3A_382, %scan3A_503 : i32
        %get3A_527 = arith.index_cast %add3A_526 : i32 to index
        %get3A_528 = arith.constant 32 : index
        %get3A_529 = tpu.vector_load %arg7[%get3A_527, %get3A_528] {strides = array<i32>} : memref<200x128xf32, #tpu.memory_space<vmem>>, vector<1x16xf32>,
        %get3A_530 = vector.shape_cast %get3A_529 : vector<1x16xf32> to vector<16xf32>
        %swap3A_531 = arith.constant 1 : i32
        %swap3A_532 = arith.index_cast %swap3A_531 : i32 to index
        %swap3A_533 = arith.index_cast %scan3A_503 : i32 to index
        %swap3A_534 = arith.constant 32 : index
        %swap3A_535 = tpu.vector_load %arg8[%swap3A_532, %swap3A_533, %swap3A_534] {strides = array<i32>} : memref<4x100x128xf32, #tpu.memory_space<vmem>>, vector<1x1x16xf32>,
        %swap3A_536 = vector.shape_cast %swap3A_535 : vector<1x1x16xf32> to vector<16xf32>
        %swap3A_537 = vector.shape_cast %get3A_530 : vector<16xf32> to vector<1x1x16xf32>
        tpu.vector_store %arg8[%swap3A_532, %swap3A_533, %swap3A_534], %swap3A_537 {add = true, strides = array<i32>} : memref<4x100x128xf32, #tpu.memory_space<vmem>>, vector<1x1x16xf32>,
        %add3A_538 = arith.addi %mul3A_382, %scan3A_503 : i32
        %get3A_539 = arith.index_cast %add3A_538 : i32 to index
        %get3A_540 = arith.constant 48 : index
        %get3A_541 = tpu.vector_load %arg7[%get3A_539, %get3A_540] {strides = array<i32>} : memref<200x128xf32, #tpu.memory_space<vmem>>, vector<1x16xf32>,
        %get3A_542 = vector.shape_cast %get3A_541 : vector<1x16xf32> to vector<16xf32>
        %swap3A_543 = arith.constant 1 : i32
        %swap3A_544 = arith.index_cast %swap3A_543 : i32 to index
        %swap3A_545 = arith.index_cast %scan3A_503 : i32 to index
        %swap3A_546 = arith.constant 48 : index
        %swap3A_547 = tpu.vector_load %arg8[%swap3A_544, %swap3A_545, %swap3A_546] {strides = array<i32>} : memref<4x100x128xf32, #tpu.memory_space<vmem>>, vector<1x1x16xf32>,
        %swap3A_548 = vector.shape_cast %swap3A_547 : vector<1x1x16xf32> to vector<16xf32>
        %swap3A_549 = vector.shape_cast %get3A_542 : vector<16xf32> to vector<1x1x16xf32>
        tpu.vector_store %arg8[%swap3A_544, %swap3A_545, %swap3A_546], %swap3A_549 {add = true, strides = array<i32>} : memref<4x100x128xf32, #tpu.memory_space<vmem>>, vector<1x1x16xf32>,
        %add3A_550 = arith.addi %mul3A_382, %scan3A_503 : i32
        %get3A_551 = arith.index_cast %add3A_550 : i32 to index
        %get3A_552 = arith.constant 64 : index
        %get3A_553 = tpu.vector_load %arg7[%get3A_551, %get3A_552] {strides = array<i32>} : memref<200x128xf32, #tpu.memory_space<vmem>>, vector<1x16xf32>,
        %get3A_554 = vector.shape_cast %get3A_553 : vector<1x16xf32> to vector<16xf32>
        %swap3A_555 = arith.constant 1 : i32
        %swap3A_556 = arith.index_cast %swap3A_555 : i32 to index
        %swap3A_557 = arith.index_cast %scan3A_503 : i32 to index
        %swap3A_558 = arith.constant 64 : index
        %swap3A_559 = tpu.vector_load %arg8[%swap3A_556, %swap3A_557, %swap3A_558] {strides = array<i32>} : memref<4x100x128xf32, #tpu.memory_space<vmem>>, vector<1x1x16xf32>,
        %swap3A_560 = vector.shape_cast %swap3A_559 : vector<1x1x16xf32> to vector<16xf32>
        %swap3A_561 = vector.shape_cast %get3A_554 : vector<16xf32> to vector<1x1x16xf32>
        tpu.vector_store %arg8[%swap3A_556, %swap3A_557, %swap3A_558], %swap3A_561 {add = true, strides = array<i32>} : memref<4x100x128xf32, #tpu.memory_space<vmem>>, vector<1x1x16xf32>,
        %add3A_562 = arith.addi %mul3A_382, %scan3A_503 : i32
        %get3A_563 = arith.index_cast %add3A_562 : i32 to index
        %get3A_564 = arith.constant 80 : index
        %get3A_565 = tpu.vector_load %arg7[%get3A_563, %get3A_564] {strides = array<i32>} : memref<200x128xf32, #tpu.memory_space<vmem>>, vector<1x16xf32>,
        %get3A_566 = vector.shape_cast %get3A_565 : vector<1x16xf32> to vector<16xf32>
        %swap3A_567 = arith.constant 1 : i32
        %swap3A_568 = arith.index_cast %swap3A_567 : i32 to index
        %swap3A_569 = arith.index_cast %scan3A_503 : i32 to index
        %swap3A_570 = arith.constant 80 : index
        %swap3A_571 = tpu.vector_load %arg8[%swap3A_568, %swap3A_569, %swap3A_570] {strides = array<i32>} : memref<4x100x128xf32, #tpu.memory_space<vmem>>, vector<1x1x16xf32>,
        %swap3A_572 = vector.shape_cast %swap3A_571 : vector<1x1x16xf32> to vector<16xf32>
        %swap3A_573 = vector.shape_cast %get3A_566 : vector<16xf32> to vector<1x1x16xf32>
        tpu.vector_store %arg8[%swap3A_568, %swap3A_569, %swap3A_570], %swap3A_573 {add = true, strides = array<i32>} : memref<4x100x128xf32, #tpu.memory_space<vmem>>, vector<1x1x16xf32>,
        %add3A_574 = arith.addi %mul3A_382, %scan3A_503 : i32
        %get3A_575 = arith.index_cast %add3A_574 : i32 to index
        %get3A_576 = arith.constant 96 : index
        %get3A_577 = tpu.vector_load %arg7[%get3A_575, %get3A_576] {strides = array<i32>} : memref<200x128xf32, #tpu.memory_space<vmem>>, vector<1x16xf32>,
        %get3A_578 = vector.shape_cast %get3A_577 : vector<1x16xf32> to vector<16xf32>
        %swap3A_579 = arith.constant 1 : i32
        %swap3A_580 = arith.index_cast %swap3A_579 : i32 to index
        %swap3A_581 = arith.index_cast %scan3A_503 : i32 to index
        %swap3A_582 = arith.constant 96 : index
        %swap3A_583 = tpu.vector_load %arg8[%swap3A_580, %swap3A_581, %swap3A_582] {strides = array<i32>} : memref<4x100x128xf32, #tpu.memory_space<vmem>>, vector<1x1x16xf32>,
        %swap3A_584 = vector.shape_cast %swap3A_583 : vector<1x1x16xf32> to vector<16xf32>
        %swap3A_585 = vector.shape_cast %get3A_578 : vector<16xf32> to vector<1x1x16xf32>
        tpu.vector_store %arg8[%swap3A_580, %swap3A_581, %swap3A_582], %swap3A_585 {add = true, strides = array<i32>} : memref<4x100x128xf32, #tpu.memory_space<vmem>>, vector<1x1x16xf32>,
        %add3A_586 = arith.addi %mul3A_382, %scan3A_503 : i32
        %get3A_587 = arith.index_cast %add3A_586 : i32 to index
        %get3A_588 = arith.constant 112 : index
        %get3A_589 = tpu.vector_load %arg7[%get3A_587, %get3A_588] {strides = array<i32>} : memref<200x128xf32, #tpu.memory_space<vmem>>, vector<1x16xf32>,
        %get3A_590 = vector.shape_cast %get3A_589 : vector<1x16xf32> to vector<16xf32>
        %swap3A_591 = arith.constant 1 : i32
        %swap3A_592 = arith.index_cast %swap3A_591 : i32 to index
        %swap3A_593 = arith.index_cast %scan3A_503 : i32 to index
        %swap3A_594 = arith.constant 112 : index
        %swap3A_595 = tpu.vector_load %arg8[%swap3A_592, %swap3A_593, %swap3A_594] {strides = array<i32>} : memref<4x100x128xf32, #tpu.memory_space<vmem>>, vector<1x1x16xf32>,
        %swap3A_596 = vector.shape_cast %swap3A_595 : vector<1x1x16xf32> to vector<16xf32>
        %swap3A_597 = vector.shape_cast %get3A_590 : vector<16xf32> to vector<1x1x16xf32>
        tpu.vector_store %arg8[%swap3A_592, %swap3A_593, %swap3A_594], %swap3A_597 {add = true, strides = array<i32>} : memref<4x100x128xf32, #tpu.memory_space<vmem>>, vector<1x1x16xf32>,
        %scan3A_598 = arith.constant 1 : i32
        %scan3A_599 = arith.addi %scan3A_503, %scan3A_598 : i32
        %add3A_600 = arith.addi %mul3A_382, %scan3A_599 : i32
        %get3A_601 = arith.index_cast %add3A_600 : i32 to index
        %get3A_602 = arith.constant 0 : index
        %get3A_603 = tpu.vector_load %arg7[%get3A_601, %get3A_602] {strides = array<i32>} : memref<200x128xf32, #tpu.memory_space<vmem>>, vector<1x16xf32>,
        %get3A_604 = vector.shape_cast %get3A_603 : vector<1x16xf32> to vector<16xf32>
        %swap3A_605 = arith.constant 1 : i32
        %swap3A_606 = arith.index_cast %swap3A_605 : i32 to index
        %swap3A_607 = arith.index_cast %scan3A_599 : i32 to index
        %swap3A_608 = arith.constant 0 : index
        %swap3A_609 = tpu.vector_load %arg8[%swap3A_606, %swap3A_607, %swap3A_608] {strides = array<i32>} : memref<4x100x128xf32, #tpu.memory_space<vmem>>, vector<1x1x16xf32>,
        %swap3A_610 = vector.shape_cast %swap3A_609 : vector<1x1x16xf32> to vector<16xf32>
        %swap3A_611 = vector.shape_cast %get3A_604 : vector<16xf32> to vector<1x1x16xf32>
        tpu.vector_store %arg8[%swap3A_606, %swap3A_607, %swap3A_608], %swap3A_611 {add = true, strides = array<i32>} : memref<4x100x128xf32, #tpu.memory_space<vmem>>, vector<1x1x16xf32>,
        %add3A_612 = arith.addi %mul3A_382, %scan3A_599 : i32
        %get3A_613 = arith.index_cast %add3A_612 : i32 to index
        %get3A_614 = arith.constant 16 : index
        %get3A_615 = tpu.vector_load %arg7[%get3A_613, %get3A_614] {strides = array<i32>} : memref<200x128xf32, #tpu.memory_space<vmem>>, vector<1x16xf32>,
        %get3A_616 = vector.shape_cast %get3A_615 : vector<1x16xf32> to vector<16xf32>
        %swap3A_617 = arith.constant 1 : i32
        %swap3A_618 = arith.index_cast %swap3A_617 : i32 to index
        %swap3A_619 = arith.index_cast %scan3A_599 : i32 to index
        %swap3A_620 = arith.constant 16 : index
        %swap3A_621 = tpu.vector_load %arg8[%swap3A_618, %swap3A_619, %swap3A_620] {strides = array<i32>} : memref<4x100x128xf32, #tpu.memory_space<vmem>>, vector<1x1x16xf32>,
        %swap3A_622 = vector.shape_cast %swap3A_621 : vector<1x1x16xf32> to vector<16xf32>
        %swap3A_623 = vector.shape_cast %get3A_616 : vector<16xf32> to vector<1x1x16xf32>
        tpu.vector_store %arg8[%swap3A_618, %swap3A_619, %swap3A_620], %swap3A_623 {add = true, strides = array<i32>} : memref<4x100x128xf32, #tpu.memory_space<vmem>>, vector<1x1x16xf32>,
        %add3A_624 = arith.addi %mul3A_382, %scan3A_599 : i32
        %get3A_625 = arith.index_cast %add3A_624 : i32 to index
        %get3A_626 = arith.constant 32 : index
        %get3A_627 = tpu.vector_load %arg7[%get3A_625, %get3A_626] {strides = array<i32>} : memref<200x128xf32, #tpu.memory_space<vmem>>, vector<1x16xf32>,
        %get3A_628 = vector.shape_cast %get3A_627 : vector<1x16xf32> to vector<16xf32>
        %swap3A_629 = arith.constant 1 : i32
        %swap3A_630 = arith.index_cast %swap3A_629 : i32 to index
        %swap3A_631 = arith.index_cast %scan3A_599 : i32 to index
        %swap3A_632 = arith.constant 32 : index
        %swap3A_633 = tpu.vector_load %arg8[%swap3A_630, %swap3A_631, %swap3A_632] {strides = array<i32>} : memref<4x100x128xf32, #tpu.memory_space<vmem>>, vector<1x1x16xf32>,
        %swap3A_634 = vector.shape_cast %swap3A_633 : vector<1x1x16xf32> to vector<16xf32>
        %swap3A_635 = vector.shape_cast %get3A_628 : vector<16xf32> to vector<1x1x16xf32>
        tpu.vector_store %arg8[%swap3A_630, %swap3A_631, %swap3A_632], %swap3A_635 {add = true, strides = array<i32>} : memref<4x100x128xf32, #tpu.memory_space<vmem>>, vector<1x1x16xf32>,
        %add3A_636 = arith.addi %mul3A_382, %scan3A_599 : i32
        %get3A_637 = arith.index_cast %add3A_636 : i32 to index
        %get3A_638 = arith.constant 48 : index
        %get3A_639 = tpu.vector_load %arg7[%get3A_637, %get3A_638] {strides = array<i32>} : memref<200x128xf32, #tpu.memory_space<vmem>>, vector<1x16xf32>,
        %get3A_640 = vector.shape_cast %get3A_639 : vector<1x16xf32> to vector<16xf32>
        %swap3A_641 = arith.constant 1 : i32
        %swap3A_642 = arith.index_cast %swap3A_641 : i32 to index
        %swap3A_643 = arith.index_cast %scan3A_599 : i32 to index
        %swap3A_644 = arith.constant 48 : index
        %swap3A_645 = tpu.vector_load %arg8[%swap3A_642, %swap3A_643, %swap3A_644] {strides = array<i32>} : memref<4x100x128xf32, #tpu.memory_space<vmem>>, vector<1x1x16xf32>,
        %swap3A_646 = vector.shape_cast %swap3A_645 : vector<1x1x16xf32> to vector<16xf32>
        %swap3A_647 = vector.shape_cast %get3A_640 : vector<16xf32> to vector<1x1x16xf32>
        tpu.vector_store %arg8[%swap3A_642, %swap3A_643, %swap3A_644], %swap3A_647 {add = true, strides = array<i32>} : memref<4x100x128xf32, #tpu.memory_space<vmem>>, vector<1x1x16xf32>,
        %add3A_648 = arith.addi %mul3A_382, %scan3A_599 : i32
        %get3A_649 = arith.index_cast %add3A_648 : i32 to index
        %get3A_650 = arith.constant 64 : index
        %get3A_651 = tpu.vector_load %arg7[%get3A_649, %get3A_650] {strides = array<i32>} : memref<200x128xf32, #tpu.memory_space<vmem>>, vector<1x16xf32>,
        %get3A_652 = vector.shape_cast %get3A_651 : vector<1x16xf32> to vector<16xf32>
        %swap3A_653 = arith.constant 1 : i32
        %swap3A_654 = arith.index_cast %swap3A_653 : i32 to index
        %swap3A_655 = arith.index_cast %scan3A_599 : i32 to index
        %swap3A_656 = arith.constant 64 : index
        %swap3A_657 = tpu.vector_load %arg8[%swap3A_654, %swap3A_655, %swap3A_656] {strides = array<i32>} : memref<4x100x128xf32, #tpu.memory_space<vmem>>, vector<1x1x16xf32>,
        %swap3A_658 = vector.shape_cast %swap3A_657 : vector<1x1x16xf32> to vector<16xf32>
        %swap3A_659 = vector.shape_cast %get3A_652 : vector<16xf32> to vector<1x1x16xf32>
        tpu.vector_store %arg8[%swap3A_654, %swap3A_655, %swap3A_656], %swap3A_659 {add = true, strides = array<i32>} : memref<4x100x128xf32, #tpu.memory_space<vmem>>, vector<1x1x16xf32>,
        %add3A_660 = arith.addi %mul3A_382, %scan3A_599 : i32
        %get3A_661 = arith.index_cast %add3A_660 : i32 to index
        %get3A_662 = arith.constant 80 : index
        %get3A_663 = tpu.vector_load %arg7[%get3A_661, %get3A_662] {strides = array<i32>} : memref<200x128xf32, #tpu.memory_space<vmem>>, vector<1x16xf32>,
        %get3A_664 = vector.shape_cast %get3A_663 : vector<1x16xf32> to vector<16xf32>
        %swap3A_665 = arith.constant 1 : i32
        %swap3A_666 = arith.index_cast %swap3A_665 : i32 to index
        %swap3A_667 = arith.index_cast %scan3A_599 : i32 to index
        %swap3A_668 = arith.constant 80 : index
        %swap3A_669 = tpu.vector_load %arg8[%swap3A_666, %swap3A_667, %swap3A_668] {strides = array<i32>} : memref<4x100x128xf32, #tpu.memory_space<vmem>>, vector<1x1x16xf32>,
        %swap3A_670 = vector.shape_cast %swap3A_669 : vector<1x1x16xf32> to vector<16xf32>
        %swap3A_671 = vector.shape_cast %get3A_664 : vector<16xf32> to vector<1x1x16xf32>
        tpu.vector_store %arg8[%swap3A_666, %swap3A_667, %swap3A_668], %swap3A_671 {add = true, strides = array<i32>} : memref<4x100x128xf32, #tpu.memory_space<vmem>>, vector<1x1x16xf32>,
        %add3A_672 = arith.addi %mul3A_382, %scan3A_599 : i32
        %get3A_673 = arith.index_cast %add3A_672 : i32 to index
        %get3A_674 = arith.constant 96 : index
        %get3A_675 = tpu.vector_load %arg7[%get3A_673, %get3A_674] {strides = array<i32>} : memref<200x128xf32, #tpu.memory_space<vmem>>, vector<1x16xf32>,
        %get3A_676 = vector.shape_cast %get3A_675 : vector<1x16xf32> to vector<16xf32>
        %swap3A_677 = arith.constant 1 : i32
        %swap3A_678 = arith.index_cast %swap3A_677 : i32 to index
        %swap3A_679 = arith.index_cast %scan3A_599 : i32 to index
        %swap3A_680 = arith.constant 96 : index
        %swap3A_681 = tpu.vector_load %arg8[%swap3A_678, %swap3A_679, %swap3A_680] {strides = array<i32>} : memref<4x100x128xf32, #tpu.memory_space<vmem>>, vector<1x1x16xf32>,
        %swap3A_682 = vector.shape_cast %swap3A_681 : vector<1x1x16xf32> to vector<16xf32>
        %swap3A_683 = vector.shape_cast %get3A_676 : vector<16xf32> to vector<1x1x16xf32>
        tpu.vector_store %arg8[%swap3A_678, %swap3A_679, %swap3A_680], %swap3A_683 {add = true, strides = array<i32>} : memref<4x100x128xf32, #tpu.memory_space<vmem>>, vector<1x1x16xf32>,
        %add3A_684 = arith.addi %mul3A_382, %scan3A_599 : i32
        %get3A_685 = arith.index_cast %add3A_684 : i32 to index
        %get3A_686 = arith.constant 112 : index
        %get3A_687 = tpu.vector_load %arg7[%get3A_685, %get3A_686] {strides = array<i32>} : memref<200x128xf32, #tpu.memory_space<vmem>>, vector<1x16xf32>,
        %get3A_688 = vector.shape_cast %get3A_687 : vector<1x16xf32> to vector<16xf32>
        %swap3A_689 = arith.constant 1 : i32
        %swap3A_690 = arith.index_cast %swap3A_689 : i32 to index
        %swap3A_691 = arith.index_cast %scan3A_599 : i32 to index
        %swap3A_692 = arith.constant 112 : index
        %swap3A_693 = tpu.vector_load %arg8[%swap3A_690, %swap3A_691, %swap3A_692] {strides = array<i32>} : memref<4x100x128xf32, #tpu.memory_space<vmem>>, vector<1x1x16xf32>,
        %swap3A_694 = vector.shape_cast %swap3A_693 : vector<1x1x16xf32> to vector<16xf32>
        %swap3A_695 = vector.shape_cast %get3A_688 : vector<16xf32> to vector<1x1x16xf32>
        tpu.vector_store %arg8[%swap3A_690, %swap3A_691, %swap3A_692], %swap3A_695 {add = true, strides = array<i32>} : memref<4x100x128xf32, #tpu.memory_space<vmem>>, vector<1x1x16xf32>,
        %scan3A_696 = arith.constant 2 : i32
        %scan3A_697 = arith.addi %scan3A_503, %scan3A_696 : i32
        %add3A_698 = arith.addi %mul3A_382, %scan3A_697 : i32
        %get3A_699 = arith.index_cast %add3A_698 : i32 to index
        %get3A_700 = arith.constant 0 : index
        %get3A_701 = tpu.vector_load %arg7[%get3A_699, %get3A_700] {strides = array<i32>} : memref<200x128xf32, #tpu.memory_space<vmem>>, vector<1x16xf32>,
        %get3A_702 = vector.shape_cast %get3A_701 : vector<1x16xf32> to vector<16xf32>
        %swap3A_703 = arith.constant 1 : i32
        %swap3A_704 = arith.index_cast %swap3A_703 : i32 to index
        %swap3A_705 = arith.index_cast %scan3A_697 : i32 to index
        %swap3A_706 = arith.constant 0 : index
        %swap3A_707 = tpu.vector_load %arg8[%swap3A_704, %swap3A_705, %swap3A_706] {strides = array<i32>} : memref<4x100x128xf32, #tpu.memory_space<vmem>>, vector<1x1x16xf32>,
        %swap3A_708 = vector.shape_cast %swap3A_707 : vector<1x1x16xf32> to vector<16xf32>
        %swap3A_709 = vector.shape_cast %get3A_702 : vector<16xf32> to vector<1x1x16xf32>
        tpu.vector_store %arg8[%swap3A_704, %swap3A_705, %swap3A_706], %swap3A_709 {add = true, strides = array<i32>} : memref<4x100x128xf32, #tpu.memory_space<vmem>>, vector<1x1x16xf32>,
        %add3A_710 = arith.addi %mul3A_382, %scan3A_697 : i32
        %get3A_711 = arith.index_cast %add3A_710 : i32 to index
        %get3A_712 = arith.constant 16 : index
        %get3A_713 = tpu.vector_load %arg7[%get3A_711, %get3A_712] {strides = array<i32>} : memref<200x128xf32, #tpu.memory_space<vmem>>, vector<1x16xf32>,
        %get3A_714 = vector.shape_cast %get3A_713 : vector<1x16xf32> to vector<16xf32>
        %swap3A_715 = arith.constant 1 : i32
        %swap3A_716 = arith.index_cast %swap3A_715 : i32 to index
        %swap3A_717 = arith.index_cast %scan3A_697 : i32 to index
        %swap3A_718 = arith.constant 16 : index
        %swap3A_719 = tpu.vector_load %arg8[%swap3A_716, %swap3A_717, %swap3A_718] {strides = array<i32>} : memref<4x100x128xf32, #tpu.memory_space<vmem>>, vector<1x1x16xf32>,
        %swap3A_720 = vector.shape_cast %swap3A_719 : vector<1x1x16xf32> to vector<16xf32>
        %swap3A_721 = vector.shape_cast %get3A_714 : vector<16xf32> to vector<1x1x16xf32>
        tpu.vector_store %arg8[%swap3A_716, %swap3A_717, %swap3A_718], %swap3A_721 {add = true, strides = array<i32>} : memref<4x100x128xf32, #tpu.memory_space<vmem>>, vector<1x1x16xf32>,
        %add3A_722 = arith.addi %mul3A_382, %scan3A_697 : i32
        %get3A_723 = arith.index_cast %add3A_722 : i32 to index
        %get3A_724 = arith.constant 32 : index
        %get3A_725 = tpu.vector_load %arg7[%get3A_723, %get3A_724] {strides = array<i32>} : memref<200x128xf32, #tpu.memory_space<vmem>>, vector<1x16xf32>,
        %get3A_726 = vector.shape_cast %get3A_725 : vector<1x16xf32> to vector<16xf32>
        %swap3A_727 = arith.constant 1 : i32
        %swap3A_728 = arith.index_cast %swap3A_727 : i32 to index
        %swap3A_729 = arith.index_cast %scan3A_697 : i32 to index
        %swap3A_730 = arith.constant 32 : index
        %swap3A_731 = tpu.vector_load %arg8[%swap3A_728, %swap3A_729, %swap3A_730] {strides = array<i32>} : memref<4x100x128xf32, #tpu.memory_space<vmem>>, vector<1x1x16xf32>,
        %swap3A_732 = vector.shape_cast %swap3A_731 : vector<1x1x16xf32> to vector<16xf32>
        %swap3A_733 = vector.shape_cast %get3A_726 : vector<16xf32> to vector<1x1x16xf32>
        tpu.vector_store %arg8[%swap3A_728, %swap3A_729, %swap3A_730], %swap3A_733 {add = true, strides = array<i32>} : memref<4x100x128xf32, #tpu.memory_space<vmem>>, vector<1x1x16xf32>,
        %add3A_734 = arith.addi %mul3A_382, %scan3A_697 : i32
        %get3A_735 = arith.index_cast %add3A_734 : i32 to index
        %get3A_736 = arith.constant 48 : index
        %get3A_737 = tpu.vector_load %arg7[%get3A_735, %get3A_736] {strides = array<i32>} : memref<200x128xf32, #tpu.memory_space<vmem>>, vector<1x16xf32>,
        %get3A_738 = vector.shape_cast %get3A_737 : vector<1x16xf32> to vector<16xf32>
        %swap3A_739 = arith.constant 1 : i32
        %swap3A_740 = arith.index_cast %swap3A_739 : i32 to index
        %swap3A_741 = arith.index_cast %scan3A_697 : i32 to index
        %swap3A_742 = arith.constant 48 : index
        %swap3A_743 = tpu.vector_load %arg8[%swap3A_740, %swap3A_741, %swap3A_742] {strides = array<i32>} : memref<4x100x128xf32, #tpu.memory_space<vmem>>, vector<1x1x16xf32>,
        %swap3A_744 = vector.shape_cast %swap3A_743 : vector<1x1x16xf32> to vector<16xf32>
        %swap3A_745 = vector.shape_cast %get3A_738 : vector<16xf32> to vector<1x1x16xf32>
        tpu.vector_store %arg8[%swap3A_740, %swap3A_741, %swap3A_742], %swap3A_745 {add = true, strides = array<i32>} : memref<4x100x128xf32, #tpu.memory_space<vmem>>, vector<1x1x16xf32>,
        %add3A_746 = arith.addi %mul3A_382, %scan3A_697 : i32
        %get3A_747 = arith.index_cast %add3A_746 : i32 to index
        %get3A_748 = arith.constant 64 : index
        %get3A_749 = tpu.vector_load %arg7[%get3A_747, %get3A_748] {strides = array<i32>} : memref<200x128xf32, #tpu.memory_space<vmem>>, vector<1x16xf32>,
        %get3A_750 = vector.shape_cast %get3A_749 : vector<1x16xf32> to vector<16xf32>
        %swap3A_751 = arith.constant 1 : i32
        %swap3A_752 = arith.index_cast %swap3A_751 : i32 to index
        %swap3A_753 = arith.index_cast %scan3A_697 : i32 to index
        %swap3A_754 = arith.constant 64 : index
        %swap3A_755 = tpu.vector_load %arg8[%swap3A_752, %swap3A_753, %swap3A_754] {strides = array<i32>} : memref<4x100x128xf32, #tpu.memory_space<vmem>>, vector<1x1x16xf32>,
        %swap3A_756 = vector.shape_cast %swap3A_755 : vector<1x1x16xf32> to vector<16xf32>
        %swap3A_757 = vector.shape_cast %get3A_750 : vector<16xf32> to vector<1x1x16xf32>
        tpu.vector_store %arg8[%swap3A_752, %swap3A_753, %swap3A_754], %swap3A_757 {add = true, strides = array<i32>} : memref<4x100x128xf32, #tpu.memory_space<vmem>>, vector<1x1x16xf32>,
        %add3A_758 = arith.addi %mul3A_382, %scan3A_697 : i32
        %get3A_759 = arith.index_cast %add3A_758 : i32 to index
        %get3A_760 = arith.constant 80 : index
        %get3A_761 = tpu.vector_load %arg7[%get3A_759, %get3A_760] {strides = array<i32>} : memref<200x128xf32, #tpu.memory_space<vmem>>, vector<1x16xf32>,
        %get3A_762 = vector.shape_cast %get3A_761 : vector<1x16xf32> to vector<16xf32>
        %swap3A_763 = arith.constant 1 : i32
        %swap3A_764 = arith.index_cast %swap3A_763 : i32 to index
        %swap3A_765 = arith.index_cast %scan3A_697 : i32 to index
        %swap3A_766 = arith.constant 80 : index
        %swap3A_767 = tpu.vector_load %arg8[%swap3A_764, %swap3A_765, %swap3A_766] {strides = array<i32>} : memref<4x100x128xf32, #tpu.memory_space<vmem>>, vector<1x1x16xf32>,
        %swap3A_768 = vector.shape_cast %swap3A_767 : vector<1x1x16xf32> to vector<16xf32>
        %swap3A_769 = vector.shape_cast %get3A_762 : vector<16xf32> to vector<1x1x16xf32>
        tpu.vector_store %arg8[%swap3A_764, %swap3A_765, %swap3A_766], %swap3A_769 {add = true, strides = array<i32>} : memref<4x100x128xf32, #tpu.memory_space<vmem>>, vector<1x1x16xf32>,
        %add3A_770 = arith.addi %mul3A_382, %scan3A_697 : i32
        %get3A_771 = arith.index_cast %add3A_770 : i32 to index
        %get3A_772 = arith.constant 96 : index
        %get3A_773 = tpu.vector_load %arg7[%get3A_771, %get3A_772] {strides = array<i32>} : memref<200x128xf32, #tpu.memory_space<vmem>>, vector<1x16xf32>,
        %get3A_774 = vector.shape_cast %get3A_773 : vector<1x16xf32> to vector<16xf32>
        %swap3A_775 = arith.constant 1 : i32
        %swap3A_776 = arith.index_cast %swap3A_775 : i32 to index
        %swap3A_777 = arith.index_cast %scan3A_697 : i32 to index
        %swap3A_778 = arith.constant 96 : index
        %swap3A_779 = tpu.vector_load %arg8[%swap3A_776, %swap3A_777, %swap3A_778] {strides = array<i32>} : memref<4x100x128xf32, #tpu.memory_space<vmem>>, vector<1x1x16xf32>,
        %swap3A_780 = vector.shape_cast %swap3A_779 : vector<1x1x16xf32> to vector<16xf32>
        %swap3A_781 = vector.shape_cast %get3A_774 : vector<16xf32> to vector<1x1x16xf32>
        tpu.vector_store %arg8[%swap3A_776, %swap3A_777, %swap3A_778], %swap3A_781 {add = true, strides = array<i32>} : memref<4x100x128xf32, #tpu.memory_space<vmem>>, vector<1x1x16xf32>,
        %add3A_782 = arith.addi %mul3A_382, %scan3A_697 : i32
        %get3A_783 = arith.index_cast %add3A_782 : i32 to index
        %get3A_784 = arith.constant 112 : index
        %get3A_785 = tpu.vector_load %arg7[%get3A_783, %get3A_784] {strides = array<i32>} : memref<200x128xf32, #tpu.memory_space<vmem>>, vector<1x16xf32>,
        %get3A_786 = vector.shape_cast %get3A_785 : vector<1x16xf32> to vector<16xf32>
        %swap3A_787 = arith.constant 1 : i32
        %swap3A_788 = arith.index_cast %swap3A_787 : i32 to index
        %swap3A_789 = arith.index_cast %scan3A_697 : i32 to index
        %swap3A_790 = arith.constant 112 : index
        %swap3A_791 = tpu.vector_load %arg8[%swap3A_788, %swap3A_789, %swap3A_790] {strides = array<i32>} : memref<4x100x128xf32, #tpu.memory_space<vmem>>, vector<1x1x16xf32>,
        %swap3A_792 = vector.shape_cast %swap3A_791 : vector<1x1x16xf32> to vector<16xf32>
        %swap3A_793 = vector.shape_cast %get3A_786 : vector<16xf32> to vector<1x1x16xf32>
        tpu.vector_store %arg8[%swap3A_788, %swap3A_789, %swap3A_790], %swap3A_793 {add = true, strides = array<i32>} : memref<4x100x128xf32, #tpu.memory_space<vmem>>, vector<1x1x16xf32>,
        %scan3A_794 = arith.constant 3 : i32
        %scan3A_795 = arith.addi %scan3A_503, %scan3A_794 : i32
        %add3A_796 = arith.addi %mul3A_382, %scan3A_795 : i32
        %get3A_797 = arith.index_cast %add3A_796 : i32 to index
        %get3A_798 = arith.constant 0 : index
        %get3A_799 = tpu.vector_load %arg7[%get3A_797, %get3A_798] {strides = array<i32>} : memref<200x128xf32, #tpu.memory_space<vmem>>, vector<1x16xf32>,
        %get3A_800 = vector.shape_cast %get3A_799 : vector<1x16xf32> to vector<16xf32>
        %swap3A_801 = arith.constant 1 : i32
        %swap3A_802 = arith.index_cast %swap3A_801 : i32 to index
        %swap3A_803 = arith.index_cast %scan3A_795 : i32 to index
        %swap3A_804 = arith.constant 0 : index
        %swap3A_805 = tpu.vector_load %arg8[%swap3A_802, %swap3A_803, %swap3A_804] {strides = array<i32>} : memref<4x100x128xf32, #tpu.memory_space<vmem>>, vector<1x1x16xf32>,
        %swap3A_806 = vector.shape_cast %swap3A_805 : vector<1x1x16xf32> to vector<16xf32>
        %swap3A_807 = vector.shape_cast %get3A_800 : vector<16xf32> to vector<1x1x16xf32>
        tpu.vector_store %arg8[%swap3A_802, %swap3A_803, %swap3A_804], %swap3A_807 {add = true, strides = array<i32>} : memref<4x100x128xf32, #tpu.memory_space<vmem>>, vector<1x1x16xf32>,
        %add3A_808 = arith.addi %mul3A_382, %scan3A_795 : i32
        %get3A_809 = arith.index_cast %add3A_808 : i32 to index
        %get3A_810 = arith.constant 16 : index
        %get3A_811 = tpu.vector_load %arg7[%get3A_809, %get3A_810] {strides = array<i32>} : memref<200x128xf32, #tpu.memory_space<vmem>>, vector<1x16xf32>,
        %get3A_812 = vector.shape_cast %get3A_811 : vector<1x16xf32> to vector<16xf32>
        %swap3A_813 = arith.constant 1 : i32
        %swap3A_814 = arith.index_cast %swap3A_813 : i32 to index
        %swap3A_815 = arith.index_cast %scan3A_795 : i32 to index
        %swap3A_816 = arith.constant 16 : index
        %swap3A_817 = tpu.vector_load %arg8[%swap3A_814, %swap3A_815, %swap3A_816] {strides = array<i32>} : memref<4x100x128xf32, #tpu.memory_space<vmem>>, vector<1x1x16xf32>,
        %swap3A_818 = vector.shape_cast %swap3A_817 : vector<1x1x16xf32> to vector<16xf32>
        %swap3A_819 = vector.shape_cast %get3A_812 : vector<16xf32> to vector<1x1x16xf32>
        tpu.vector_store %arg8[%swap3A_814, %swap3A_815, %swap3A_816], %swap3A_819 {add = true, strides = array<i32>} : memref<4x100x128xf32, #tpu.memory_space<vmem>>, vector<1x1x16xf32>,
        %add3A_820 = arith.addi %mul3A_382, %scan3A_795 : i32
        %get3A_821 = arith.index_cast %add3A_820 : i32 to index
        %get3A_822 = arith.constant 32 : index
        %get3A_823 = tpu.vector_load %arg7[%get3A_821, %get3A_822] {strides = array<i32>} : memref<200x128xf32, #tpu.memory_space<vmem>>, vector<1x16xf32>,
        %get3A_824 = vector.shape_cast %get3A_823 : vector<1x16xf32> to vector<16xf32>
        %swap3A_825 = arith.constant 1 : i32
        %swap3A_826 = arith.index_cast %swap3A_825 : i32 to index
        %swap3A_827 = arith.index_cast %scan3A_795 : i32 to index
        %swap3A_828 = arith.constant 32 : index
        %swap3A_829 = tpu.vector_load %arg8[%swap3A_826, %swap3A_827, %swap3A_828] {strides = array<i32>} : memref<4x100x128xf32, #tpu.memory_space<vmem>>, vector<1x1x16xf32>,
        %swap3A_830 = vector.shape_cast %swap3A_829 : vector<1x1x16xf32> to vector<16xf32>
        %swap3A_831 = vector.shape_cast %get3A_824 : vector<16xf32> to vector<1x1x16xf32>
        tpu.vector_store %arg8[%swap3A_826, %swap3A_827, %swap3A_828], %swap3A_831 {add = true, strides = array<i32>} : memref<4x100x128xf32, #tpu.memory_space<vmem>>, vector<1x1x16xf32>,
        %add3A_832 = arith.addi %mul3A_382, %scan3A_795 : i32
        %get3A_833 = arith.index_cast %add3A_832 : i32 to index
        %get3A_834 = arith.constant 48 : index
        %get3A_835 = tpu.vector_load %arg7[%get3A_833, %get3A_834] {strides = array<i32>} : memref<200x128xf32, #tpu.memory_space<vmem>>, vector<1x16xf32>,
        %get3A_836 = vector.shape_cast %get3A_835 : vector<1x16xf32> to vector<16xf32>
        %swap3A_837 = arith.constant 1 : i32
        %swap3A_838 = arith.index_cast %swap3A_837 : i32 to index
        %swap3A_839 = arith.index_cast %scan3A_795 : i32 to index
        %swap3A_840 = arith.constant 48 : index
        %swap3A_841 = tpu.vector_load %arg8[%swap3A_838, %swap3A_839, %swap3A_840] {strides = array<i32>} : memref<4x100x128xf32, #tpu.memory_space<vmem>>, vector<1x1x16xf32>,
        %swap3A_842 = vector.shape_cast %swap3A_841 : vector<1x1x16xf32> to vector<16xf32>
        %swap3A_843 = vector.shape_cast %get3A_836 : vector<16xf32> to vector<1x1x16xf32>
        tpu.vector_store %arg8[%swap3A_838, %swap3A_839, %swap3A_840], %swap3A_843 {add = true, strides = array<i32>} : memref<4x100x128xf32, #tpu.memory_space<vmem>>, vector<1x1x16xf32>,
        %add3A_844 = arith.addi %mul3A_382, %scan3A_795 : i32
        %get3A_845 = arith.index_cast %add3A_844 : i32 to index
        %get3A_846 = arith.constant 64 : index
        %get3A_847 = tpu.vector_load %arg7[%get3A_845, %get3A_846] {strides = array<i32>} : memref<200x128xf32, #tpu.memory_space<vmem>>, vector<1x16xf32>,
        %get3A_848 = vector.shape_cast %get3A_847 : vector<1x16xf32> to vector<16xf32>
        %swap3A_849 = arith.constant 1 : i32
        %swap3A_850 = arith.index_cast %swap3A_849 : i32 to index
        %swap3A_851 = arith.index_cast %scan3A_795 : i32 to index
        %swap3A_852 = arith.constant 64 : index
        %swap3A_853 = tpu.vector_load %arg8[%swap3A_850, %swap3A_851, %swap3A_852] {strides = array<i32>} : memref<4x100x128xf32, #tpu.memory_space<vmem>>, vector<1x1x16xf32>,
        %swap3A_854 = vector.shape_cast %swap3A_853 : vector<1x1x16xf32> to vector<16xf32>
        %swap3A_855 = vector.shape_cast %get3A_848 : vector<16xf32> to vector<1x1x16xf32>
        tpu.vector_store %arg8[%swap3A_850, %swap3A_851, %swap3A_852], %swap3A_855 {add = true, strides = array<i32>} : memref<4x100x128xf32, #tpu.memory_space<vmem>>, vector<1x1x16xf32>,
        %add3A_856 = arith.addi %mul3A_382, %scan3A_795 : i32
        %get3A_857 = arith.index_cast %add3A_856 : i32 to index
        %get3A_858 = arith.constant 80 : index
        %get3A_859 = tpu.vector_load %arg7[%get3A_857, %get3A_858] {strides = array<i32>} : memref<200x128xf32, #tpu.memory_space<vmem>>, vector<1x16xf32>,
        %get3A_860 = vector.shape_cast %get3A_859 : vector<1x16xf32> to vector<16xf32>
        %swap3A_861 = arith.constant 1 : i32
        %swap3A_862 = arith.index_cast %swap3A_861 : i32 to index
        %swap3A_863 = arith.index_cast %scan3A_795 : i32 to index
        %swap3A_864 = arith.constant 80 : index
        %swap3A_865 = tpu.vector_load %arg8[%swap3A_862, %swap3A_863, %swap3A_864] {strides = array<i32>} : memref<4x100x128xf32, #tpu.memory_space<vmem>>, vector<1x1x16xf32>,
        %swap3A_866 = vector.shape_cast %swap3A_865 : vector<1x1x16xf32> to vector<16xf32>
        %swap3A_867 = vector.shape_cast %get3A_860 : vector<16xf32> to vector<1x1x16xf32>
        tpu.vector_store %arg8[%swap3A_862, %swap3A_863, %swap3A_864], %swap3A_867 {add = true, strides = array<i32>} : memref<4x100x128xf32, #tpu.memory_space<vmem>>, vector<1x1x16xf32>,
        %add3A_868 = arith.addi %mul3A_382, %scan3A_795 : i32
        %get3A_869 = arith.index_cast %add3A_868 : i32 to index
        %get3A_870 = arith.constant 96 : index
        %get3A_871 = tpu.vector_load %arg7[%get3A_869, %get3A_870] {strides = array<i32>} : memref<200x128xf32, #tpu.memory_space<vmem>>, vector<1x16xf32>,
        %get3A_872 = vector.shape_cast %get3A_871 : vector<1x16xf32> to vector<16xf32>
        %swap3A_873 = arith.constant 1 : i32
        %swap3A_874 = arith.index_cast %swap3A_873 : i32 to index
        %swap3A_875 = arith.index_cast %scan3A_795 : i32 to index
        %swap3A_876 = arith.constant 96 : index
        %swap3A_877 = tpu.vector_load %arg8[%swap3A_874, %swap3A_875, %swap3A_876] {strides = array<i32>} : memref<4x100x128xf32, #tpu.memory_space<vmem>>, vector<1x1x16xf32>,
        %swap3A_878 = vector.shape_cast %swap3A_877 : vector<1x1x16xf32> to vector<16xf32>
        %swap3A_879 = vector.shape_cast %get3A_872 : vector<16xf32> to vector<1x1x16xf32>
        tpu.vector_store %arg8[%swap3A_874, %swap3A_875, %swap3A_876], %swap3A_879 {add = true, strides = array<i32>} : memref<4x100x128xf32, #tpu.memory_space<vmem>>, vector<1x1x16xf32>,
        %add3A_880 = arith.addi %mul3A_382, %scan3A_795 : i32
        %get3A_881 = arith.index_cast %add3A_880 : i32 to index
        %get3A_882 = arith.constant 112 : index
        %get3A_883 = tpu.vector_load %arg7[%get3A_881, %get3A_882] {strides = array<i32>} : memref<200x128xf32, #tpu.memory_space<vmem>>, vector<1x16xf32>,
        %get3A_884 = vector.shape_cast %get3A_883 : vector<1x16xf32> to vector<16xf32>
        %swap3A_885 = arith.constant 1 : i32
        %swap3A_886 = arith.index_cast %swap3A_885 : i32 to index
        %swap3A_887 = arith.index_cast %scan3A_795 : i32 to index
        %swap3A_888 = arith.constant 112 : index
        %swap3A_889 = tpu.vector_load %arg8[%swap3A_886, %swap3A_887, %swap3A_888] {strides = array<i32>} : memref<4x100x128xf32, #tpu.memory_space<vmem>>, vector<1x1x16xf32>,
        %swap3A_890 = vector.shape_cast %swap3A_889 : vector<1x1x16xf32> to vector<16xf32>
        %swap3A_891 = vector.shape_cast %get3A_884 : vector<16xf32> to vector<1x1x16xf32>
        tpu.vector_store %arg8[%swap3A_886, %swap3A_887, %swap3A_888], %swap3A_891 {add = true, strides = array<i32>} : memref<4x100x128xf32, #tpu.memory_space<vmem>>, vector<1x1x16xf32>,
      }
      %scan3A_388 = arith.constant 100 : i32
      %mul3A_389 = arith.constant 100 : i32
      %mul3A_390 = arith.muli %add3A_359, %mul3A_389 : i32
      %add3A_391 = arith.addi %mul3A_2, %mul3A_390 : i32
      %dma_start3A_392 = arith.constant 1 : i32
      %dma_start3A_393 = arith.constant 0 : i32
      %dma_start3A_394 = arith.constant 0 : i32
      %dma_start3A_395 = tpu.memref_slice %arg8[%dma_start3A_392, %dma_start3A_393, %dma_start3A_394] : memref<4x100x128xf32, #tpu.memory_space<vmem>> -> memref<1x100x128xf32, #tpu.memory_space<vmem>>
      %dma_start3A_396 = tpu.memref_squeeze %dma_start3A_395 : memref<1x100x128xf32, #tpu.memory_space<vmem>> -> memref<100x128xf32, #tpu.memory_space<vmem>>
      %dma_start3A_397 = arith.constant 0 : i32
      %dma_start3A_398 = tpu.memref_slice %arg5[%add3A_391, %dma_start3A_397] : memref<204800x128xf32, #tpu.memory_space<hbm>> -> memref<100x128xf32, #tpu.memory_space<hbm>>
      %dma_start3A_399 = arith.constant 0 : i32
      %dma_start3A_400 = tpu.memref_slice %arg5[%add3A_391, %dma_start3A_399] : memref<204800x128xf32, #tpu.memory_space<hbm>> -> memref<100x128xf32, #tpu.memory_space<hbm>>
      %dma_start3A_401 = arith.constant 0 : i32
      %dma_start3A_402 = arith.constant 0 : i32
      %dma_start3A_403 = tpu.memref_slice %arg8[%dma_start3A_392, %dma_start3A_401, %dma_start3A_402] : memref<4x100x128xf32, #tpu.memory_space<vmem>> -> memref<1x100x128xf32, #tpu.memory_space<vmem>>
      %dma_start3A_404 = tpu.memref_squeeze %dma_start3A_403 : memref<1x100x128xf32, #tpu.memory_space<vmem>> -> memref<100x128xf32, #tpu.memory_space<vmem>>
      tpu.enqueue_dma source(%dma_start3A_404 : memref<100x128xf32, #tpu.memory_space<vmem>>) target(%dma_start3A_400 : memref<100x128xf32, #tpu.memory_space<hbm>>) target_semaphore(%arg14 : memref<!tpu.dma_semaphore, #tpu.memory_space<semaphore_mem>>)
      %mul3A_405 = arith.constant 4 : i32
      %mul3A_406 = arith.muli %scan3A_309, %mul3A_405 : i32
      %add3A_407 = arith.constant 2 : i32
      %add3A_408 = arith.addi %mul3A_406, %add3A_407 : i32
      %add3A_409 = arith.constant 2 : i32
      %add3A_410 = arith.addi %add3A_408, %add3A_409 : i32
      %lt3A_411 = arith.constant 64 : i32
      %lt3A_412 = arith.cmpi slt, %add3A_410, %lt3A_411 : i32
      %convert_element_type3A_413 = arith.extui %lt3A_412 : i1 to i32
      %cond3A_414 = arith.constant 0 : i32
      %cond3A_415 = arith.cmpi ne, %convert_element_type3A_413, %cond3A_414 : i32
      scf.if %cond3A_415 {
        %dma_wait3A_503 = arith.constant 0 : i32
        %dma_wait3A_504 = arith.constant 0 : i32
        %dma_wait3A_505 = arith.constant 0 : i32
        %dma_wait3A_506 = tpu.memref_slice %arg8[%dma_wait3A_503, %dma_wait3A_504, %dma_wait3A_505] : memref<4x100x128xf32, #tpu.memory_space<vmem>> -> memref<1x100x128xf32, #tpu.memory_space<vmem>>
        %dma_wait3A_507 = tpu.memref_squeeze %dma_wait3A_506 : memref<1x100x128xf32, #tpu.memory_space<vmem>> -> memref<100x128xf32, #tpu.memory_space<vmem>>
        %dma_wait3A_508 = arith.constant 0 : i32
        %dma_wait3A_509 = tpu.memref_slice %arg5[%mul3A_2, %dma_wait3A_508] : memref<204800x128xf32, #tpu.memory_space<hbm>> -> memref<100x128xf32, #tpu.memory_space<hbm>>
        %dma_wait3A_510 = arith.constant 0 : i32
        %dma_wait3A_511 = tpu.memref_slice %arg5[%mul3A_2, %dma_wait3A_510] : memref<204800x128xf32, #tpu.memory_space<hbm>> -> memref<100x128xf32, #tpu.memory_space<hbm>>
        %dma_wait3A_512 = arith.constant 0 : i32
        %dma_wait3A_513 = arith.constant 0 : i32
        %dma_wait3A_514 = tpu.memref_slice %arg8[%dma_wait3A_503, %dma_wait3A_512, %dma_wait3A_513] : memref<4x100x128xf32, #tpu.memory_space<vmem>> -> memref<1x100x128xf32, #tpu.memory_space<vmem>>
        %dma_wait3A_515 = tpu.memref_squeeze %dma_wait3A_514 : memref<1x100x128xf32, #tpu.memory_space<vmem>> -> memref<100x128xf32, #tpu.memory_space<vmem>>
        tpu.wait_dma2 semaphore(%arg13 : memref<!tpu.dma_semaphore, #tpu.memory_space<semaphore_mem>>) src(%dma_wait3A_515 : memref<100x128xf32, #tpu.memory_space<vmem>>) dst(%dma_wait3A_511 : memref<100x128xf32, #tpu.memory_space<hbm>>)
        %dma_start3A_516 = arith.constant 0 : i32
        %dma_start3A_517 = arith.constant 0 : i32
        %dma_start3A_518 = arith.constant 0 : i32
        %dma_start3A_519 = tpu.memref_slice %arg8[%dma_start3A_516, %dma_start3A_517, %dma_start3A_518] : memref<4x100x128xf32, #tpu.memory_space<vmem>> -> memref<1x100x128xf32, #tpu.memory_space<vmem>>
        %dma_start3A_520 = tpu.memref_squeeze %dma_start3A_519 : memref<1x100x128xf32, #tpu.memory_space<vmem>> -> memref<100x128xf32, #tpu.memory_space<vmem>>
        %dma_start3A_521 = arith.constant 0 : i32
        %dma_start3A_522 = tpu.memref_slice %arg6[%add3A_410, %dma_start3A_521] : memref<64x100xi32, #tpu.memory_space<vmem>> -> memref<1x100xi32, #tpu.memory_space<vmem>>
        %dma_start3A_523 = tpu.memref_squeeze %dma_start3A_522 : memref<1x100xi32, #tpu.memory_space<vmem>> -> memref<100xi32, #tpu.memory_space<vmem>>
        %dma_start3A_524 = arith.constant 0 : i32
        %dma_start3A_525 = arith.constant 0 : i32
        %dma_start3A_526 = tpu.memref_slice %arg3[%dma_start3A_524, %dma_start3A_525] : memref<1000000x128xf32, #tpu.memory_space<hbm>> -> memref<1000000x128xf32, #tpu.memory_space<hbm>>
        tpu.enqueue_indirect_dma source(%dma_start3A_526 : memref<1000000x128xf32, #tpu.memory_space<hbm>>) target(%dma_start3A_520 : memref<100x128xf32, #tpu.memory_space<vmem>>) offsets(%dma_start3A_523 : memref<100xi32, #tpu.memory_space<vmem>>) semaphore(%arg9 : memref<!tpu.dma_semaphore, #tpu.memory_space<semaphore_mem>>)
      } else {
      }
      %dma_wait3A_416 = arith.constant 0 : i32
      %dma_wait3A_417 = arith.constant 2 : i32
      %dma_wait3A_418 = arith.constant 0 : i32
      %dma_wait3A_419 = arith.constant 0 : i32
      %dma_wait3A_420 = tpu.memref_slice %arg8[%dma_wait3A_417, %dma_wait3A_418, %dma_wait3A_419] : memref<4x100x128xf32, #tpu.memory_space<vmem>> -> memref<1x100x128xf32, #tpu.memory_space<vmem>>
      %dma_wait3A_421 = tpu.memref_squeeze %dma_wait3A_420 : memref<1x100x128xf32, #tpu.memory_space<vmem>> -> memref<100x128xf32, #tpu.memory_space<vmem>>
      %dma_wait3A_422 = arith.constant 0 : i32
      %dma_wait3A_423 = tpu.memref_slice %arg6[%dma_wait3A_416, %dma_wait3A_422] : memref<64x100xi32, #tpu.memory_space<vmem>> -> memref<1x100xi32, #tpu.memory_space<vmem>>
      %dma_wait3A_424 = tpu.memref_squeeze %dma_wait3A_423 : memref<1x100xi32, #tpu.memory_space<vmem>> -> memref<100xi32, #tpu.memory_space<vmem>>
      %dma_wait3A_425 = arith.constant 0 : i32
      %dma_wait3A_426 = arith.constant 0 : i32
      %dma_wait3A_427 = tpu.memref_slice %arg3[%dma_wait3A_425, %dma_wait3A_426] : memref<1000000x128xf32, #tpu.memory_space<hbm>> -> memref<1000000x128xf32, #tpu.memory_space<hbm>>
      tpu.wait_indirect_dma semaphore(%arg11 : memref<!tpu.dma_semaphore, #tpu.memory_space<semaphore_mem>>) src(%dma_wait3A_427 : memref<1000000x128xf32, #tpu.memory_space<hbm>>) dst(%dma_wait3A_421 : memref<100x128xf32, #tpu.memory_space<vmem>>)
      %rem3A_428 = arith.constant 2 : i32
      %rem3A_429 = arith.remsi %add3A_408, %rem3A_428 : i32
      %mul3A_430 = arith.constant 100 : i32
      %mul3A_431 = arith.muli %rem3A_429, %mul3A_430 : i32
      %scan3A_432 = arith.constant 0 : i32
      %scan3A_433 = arith.constant 0 : i32
      %scan3A_434 = arith.constant 100 : i32
      %scan3A_435 = arith.addi %scan3A_433, %scan3A_434 : i32
      %scan3A_436 = arith.constant 4 : i32
      scf.for %scan3A_503 = %scan3A_433 to %scan3A_435 step %scan3A_436  : i32 {
        %add3A_504 = arith.addi %mul3A_431, %scan3A_503 : i32
        %get3A = arith.index_cast %add3A_504 : i32 to index
        %get3A_505 = arith.constant 0 : index
        %get3A_506 = tpu.vector_load %arg7[%get3A, %get3A_505] {strides = array<i32>} : memref<200x128xf32, #tpu.memory_space<vmem>>, vector<1x16xf32>,
        %get3A_507 = vector.shape_cast %get3A_506 : vector<1x16xf32> to vector<16xf32>
        %swap3A = arith.constant 2 : i32
        %swap3A_508 = arith.index_cast %swap3A : i32 to index
        %swap3A_509 = arith.index_cast %scan3A_503 : i32 to index
        %swap3A_510 = arith.constant 0 : index
        %swap3A_511 = tpu.vector_load %arg8[%swap3A_508, %swap3A_509, %swap3A_510] {strides = array<i32>} : memref<4x100x128xf32, #tpu.memory_space<vmem>>, vector<1x1x16xf32>,
        %swap3A_512 = vector.shape_cast %swap3A_511 : vector<1x1x16xf32> to vector<16xf32>
        %swap3A_513 = vector.shape_cast %get3A_507 : vector<16xf32> to vector<1x1x16xf32>
        tpu.vector_store %arg8[%swap3A_508, %swap3A_509, %swap3A_510], %swap3A_513 {add = true, strides = array<i32>} : memref<4x100x128xf32, #tpu.memory_space<vmem>>, vector<1x1x16xf32>,
        %add3A_514 = arith.addi %mul3A_431, %scan3A_503 : i32
        %get3A_515 = arith.index_cast %add3A_514 : i32 to index
        %get3A_516 = arith.constant 16 : index
        %get3A_517 = tpu.vector_load %arg7[%get3A_515, %get3A_516] {strides = array<i32>} : memref<200x128xf32, #tpu.memory_space<vmem>>, vector<1x16xf32>,
        %get3A_518 = vector.shape_cast %get3A_517 : vector<1x16xf32> to vector<16xf32>
        %swap3A_519 = arith.constant 2 : i32
        %swap3A_520 = arith.index_cast %swap3A_519 : i32 to index
        %swap3A_521 = arith.index_cast %scan3A_503 : i32 to index
        %swap3A_522 = arith.constant 16 : index
        %swap3A_523 = tpu.vector_load %arg8[%swap3A_520, %swap3A_521, %swap3A_522] {strides = array<i32>} : memref<4x100x128xf32, #tpu.memory_space<vmem>>, vector<1x1x16xf32>,
        %swap3A_524 = vector.shape_cast %swap3A_523 : vector<1x1x16xf32> to vector<16xf32>
        %swap3A_525 = vector.shape_cast %get3A_518 : vector<16xf32> to vector<1x1x16xf32>
        tpu.vector_store %arg8[%swap3A_520, %swap3A_521, %swap3A_522], %swap3A_525 {add = true, strides = array<i32>} : memref<4x100x128xf32, #tpu.memory_space<vmem>>, vector<1x1x16xf32>,
        %add3A_526 = arith.addi %mul3A_431, %scan3A_503 : i32
        %get3A_527 = arith.index_cast %add3A_526 : i32 to index
        %get3A_528 = arith.constant 32 : index
        %get3A_529 = tpu.vector_load %arg7[%get3A_527, %get3A_528] {strides = array<i32>} : memref<200x128xf32, #tpu.memory_space<vmem>>, vector<1x16xf32>,
        %get3A_530 = vector.shape_cast %get3A_529 : vector<1x16xf32> to vector<16xf32>
        %swap3A_531 = arith.constant 2 : i32
        %swap3A_532 = arith.index_cast %swap3A_531 : i32 to index
        %swap3A_533 = arith.index_cast %scan3A_503 : i32 to index
        %swap3A_534 = arith.constant 32 : index
        %swap3A_535 = tpu.vector_load %arg8[%swap3A_532, %swap3A_533, %swap3A_534] {strides = array<i32>} : memref<4x100x128xf32, #tpu.memory_space<vmem>>, vector<1x1x16xf32>,
        %swap3A_536 = vector.shape_cast %swap3A_535 : vector<1x1x16xf32> to vector<16xf32>
        %swap3A_537 = vector.shape_cast %get3A_530 : vector<16xf32> to vector<1x1x16xf32>
        tpu.vector_store %arg8[%swap3A_532, %swap3A_533, %swap3A_534], %swap3A_537 {add = true, strides = array<i32>} : memref<4x100x128xf32, #tpu.memory_space<vmem>>, vector<1x1x16xf32>,
        %add3A_538 = arith.addi %mul3A_431, %scan3A_503 : i32
        %get3A_539 = arith.index_cast %add3A_538 : i32 to index
        %get3A_540 = arith.constant 48 : index
        %get3A_541 = tpu.vector_load %arg7[%get3A_539, %get3A_540] {strides = array<i32>} : memref<200x128xf32, #tpu.memory_space<vmem>>, vector<1x16xf32>,
        %get3A_542 = vector.shape_cast %get3A_541 : vector<1x16xf32> to vector<16xf32>
        %swap3A_543 = arith.constant 2 : i32
        %swap3A_544 = arith.index_cast %swap3A_543 : i32 to index
        %swap3A_545 = arith.index_cast %scan3A_503 : i32 to index
        %swap3A_546 = arith.constant 48 : index
        %swap3A_547 = tpu.vector_load %arg8[%swap3A_544, %swap3A_545, %swap3A_546] {strides = array<i32>} : memref<4x100x128xf32, #tpu.memory_space<vmem>>, vector<1x1x16xf32>,
        %swap3A_548 = vector.shape_cast %swap3A_547 : vector<1x1x16xf32> to vector<16xf32>
        %swap3A_549 = vector.shape_cast %get3A_542 : vector<16xf32> to vector<1x1x16xf32>
        tpu.vector_store %arg8[%swap3A_544, %swap3A_545, %swap3A_546], %swap3A_549 {add = true, strides = array<i32>} : memref<4x100x128xf32, #tpu.memory_space<vmem>>, vector<1x1x16xf32>,
        %add3A_550 = arith.addi %mul3A_431, %scan3A_503 : i32
        %get3A_551 = arith.index_cast %add3A_550 : i32 to index
        %get3A_552 = arith.constant 64 : index
        %get3A_553 = tpu.vector_load %arg7[%get3A_551, %get3A_552] {strides = array<i32>} : memref<200x128xf32, #tpu.memory_space<vmem>>, vector<1x16xf32>,
        %get3A_554 = vector.shape_cast %get3A_553 : vector<1x16xf32> to vector<16xf32>
        %swap3A_555 = arith.constant 2 : i32
        %swap3A_556 = arith.index_cast %swap3A_555 : i32 to index
        %swap3A_557 = arith.index_cast %scan3A_503 : i32 to index
        %swap3A_558 = arith.constant 64 : index
        %swap3A_559 = tpu.vector_load %arg8[%swap3A_556, %swap3A_557, %swap3A_558] {strides = array<i32>} : memref<4x100x128xf32, #tpu.memory_space<vmem>>, vector<1x1x16xf32>,
        %swap3A_560 = vector.shape_cast %swap3A_559 : vector<1x1x16xf32> to vector<16xf32>
        %swap3A_561 = vector.shape_cast %get3A_554 : vector<16xf32> to vector<1x1x16xf32>
        tpu.vector_store %arg8[%swap3A_556, %swap3A_557, %swap3A_558], %swap3A_561 {add = true, strides = array<i32>} : memref<4x100x128xf32, #tpu.memory_space<vmem>>, vector<1x1x16xf32>,
        %add3A_562 = arith.addi %mul3A_431, %scan3A_503 : i32
        %get3A_563 = arith.index_cast %add3A_562 : i32 to index
        %get3A_564 = arith.constant 80 : index
        %get3A_565 = tpu.vector_load %arg7[%get3A_563, %get3A_564] {strides = array<i32>} : memref<200x128xf32, #tpu.memory_space<vmem>>, vector<1x16xf32>,
        %get3A_566 = vector.shape_cast %get3A_565 : vector<1x16xf32> to vector<16xf32>
        %swap3A_567 = arith.constant 2 : i32
        %swap3A_568 = arith.index_cast %swap3A_567 : i32 to index
        %swap3A_569 = arith.index_cast %scan3A_503 : i32 to index
        %swap3A_570 = arith.constant 80 : index
        %swap3A_571 = tpu.vector_load %arg8[%swap3A_568, %swap3A_569, %swap3A_570] {strides = array<i32>} : memref<4x100x128xf32, #tpu.memory_space<vmem>>, vector<1x1x16xf32>,
        %swap3A_572 = vector.shape_cast %swap3A_571 : vector<1x1x16xf32> to vector<16xf32>
        %swap3A_573 = vector.shape_cast %get3A_566 : vector<16xf32> to vector<1x1x16xf32>
        tpu.vector_store %arg8[%swap3A_568, %swap3A_569, %swap3A_570], %swap3A_573 {add = true, strides = array<i32>} : memref<4x100x128xf32, #tpu.memory_space<vmem>>, vector<1x1x16xf32>,
        %add3A_574 = arith.addi %mul3A_431, %scan3A_503 : i32
        %get3A_575 = arith.index_cast %add3A_574 : i32 to index
        %get3A_576 = arith.constant 96 : index
        %get3A_577 = tpu.vector_load %arg7[%get3A_575, %get3A_576] {strides = array<i32>} : memref<200x128xf32, #tpu.memory_space<vmem>>, vector<1x16xf32>,
        %get3A_578 = vector.shape_cast %get3A_577 : vector<1x16xf32> to vector<16xf32>
        %swap3A_579 = arith.constant 2 : i32
        %swap3A_580 = arith.index_cast %swap3A_579 : i32 to index
        %swap3A_581 = arith.index_cast %scan3A_503 : i32 to index
        %swap3A_582 = arith.constant 96 : index
        %swap3A_583 = tpu.vector_load %arg8[%swap3A_580, %swap3A_581, %swap3A_582] {strides = array<i32>} : memref<4x100x128xf32, #tpu.memory_space<vmem>>, vector<1x1x16xf32>,
        %swap3A_584 = vector.shape_cast %swap3A_583 : vector<1x1x16xf32> to vector<16xf32>
        %swap3A_585 = vector.shape_cast %get3A_578 : vector<16xf32> to vector<1x1x16xf32>
        tpu.vector_store %arg8[%swap3A_580, %swap3A_581, %swap3A_582], %swap3A_585 {add = true, strides = array<i32>} : memref<4x100x128xf32, #tpu.memory_space<vmem>>, vector<1x1x16xf32>,
        %add3A_586 = arith.addi %mul3A_431, %scan3A_503 : i32
        %get3A_587 = arith.index_cast %add3A_586 : i32 to index
        %get3A_588 = arith.constant 112 : index
        %get3A_589 = tpu.vector_load %arg7[%get3A_587, %get3A_588] {strides = array<i32>} : memref<200x128xf32, #tpu.memory_space<vmem>>, vector<1x16xf32>,
        %get3A_590 = vector.shape_cast %get3A_589 : vector<1x16xf32> to vector<16xf32>
        %swap3A_591 = arith.constant 2 : i32
        %swap3A_592 = arith.index_cast %swap3A_591 : i32 to index
        %swap3A_593 = arith.index_cast %scan3A_503 : i32 to index
        %swap3A_594 = arith.constant 112 : index
        %swap3A_595 = tpu.vector_load %arg8[%swap3A_592, %swap3A_593, %swap3A_594] {strides = array<i32>} : memref<4x100x128xf32, #tpu.memory_space<vmem>>, vector<1x1x16xf32>,
        %swap3A_596 = vector.shape_cast %swap3A_595 : vector<1x1x16xf32> to vector<16xf32>
        %swap3A_597 = vector.shape_cast %get3A_590 : vector<16xf32> to vector<1x1x16xf32>
        tpu.vector_store %arg8[%swap3A_592, %swap3A_593, %swap3A_594], %swap3A_597 {add = true, strides = array<i32>} : memref<4x100x128xf32, #tpu.memory_space<vmem>>, vector<1x1x16xf32>,
        %scan3A_598 = arith.constant 1 : i32
        %scan3A_599 = arith.addi %scan3A_503, %scan3A_598 : i32
        %add3A_600 = arith.addi %mul3A_431, %scan3A_599 : i32
        %get3A_601 = arith.index_cast %add3A_600 : i32 to index
        %get3A_602 = arith.constant 0 : index
        %get3A_603 = tpu.vector_load %arg7[%get3A_601, %get3A_602] {strides = array<i32>} : memref<200x128xf32, #tpu.memory_space<vmem>>, vector<1x16xf32>,
        %get3A_604 = vector.shape_cast %get3A_603 : vector<1x16xf32> to vector<16xf32>
        %swap3A_605 = arith.constant 2 : i32
        %swap3A_606 = arith.index_cast %swap3A_605 : i32 to index
        %swap3A_607 = arith.index_cast %scan3A_599 : i32 to index
        %swap3A_608 = arith.constant 0 : index
        %swap3A_609 = tpu.vector_load %arg8[%swap3A_606, %swap3A_607, %swap3A_608] {strides = array<i32>} : memref<4x100x128xf32, #tpu.memory_space<vmem>>, vector<1x1x16xf32>,
        %swap3A_610 = vector.shape_cast %swap3A_609 : vector<1x1x16xf32> to vector<16xf32>
        %swap3A_611 = vector.shape_cast %get3A_604 : vector<16xf32> to vector<1x1x16xf32>
        tpu.vector_store %arg8[%swap3A_606, %swap3A_607, %swap3A_608], %swap3A_611 {add = true, strides = array<i32>} : memref<4x100x128xf32, #tpu.memory_space<vmem>>, vector<1x1x16xf32>,
        %add3A_612 = arith.addi %mul3A_431, %scan3A_599 : i32
        %get3A_613 = arith.index_cast %add3A_612 : i32 to index
        %get3A_614 = arith.constant 16 : index
        %get3A_615 = tpu.vector_load %arg7[%get3A_613, %get3A_614] {strides = array<i32>} : memref<200x128xf32, #tpu.memory_space<vmem>>, vector<1x16xf32>,
        %get3A_616 = vector.shape_cast %get3A_615 : vector<1x16xf32> to vector<16xf32>
        %swap3A_617 = arith.constant 2 : i32
        %swap3A_618 = arith.index_cast %swap3A_617 : i32 to index
        %swap3A_619 = arith.index_cast %scan3A_599 : i32 to index
        %swap3A_620 = arith.constant 16 : index
        %swap3A_621 = tpu.vector_load %arg8[%swap3A_618, %swap3A_619, %swap3A_620] {strides = array<i32>} : memref<4x100x128xf32, #tpu.memory_space<vmem>>, vector<1x1x16xf32>,
        %swap3A_622 = vector.shape_cast %swap3A_621 : vector<1x1x16xf32> to vector<16xf32>
        %swap3A_623 = vector.shape_cast %get3A_616 : vector<16xf32> to vector<1x1x16xf32>
        tpu.vector_store %arg8[%swap3A_618, %swap3A_619, %swap3A_620], %swap3A_623 {add = true, strides = array<i32>} : memref<4x100x128xf32, #tpu.memory_space<vmem>>, vector<1x1x16xf32>,
        %add3A_624 = arith.addi %mul3A_431, %scan3A_599 : i32
        %get3A_625 = arith.index_cast %add3A_624 : i32 to index
        %get3A_626 = arith.constant 32 : index
        %get3A_627 = tpu.vector_load %arg7[%get3A_625, %get3A_626] {strides = array<i32>} : memref<200x128xf32, #tpu.memory_space<vmem>>, vector<1x16xf32>,
        %get3A_628 = vector.shape_cast %get3A_627 : vector<1x16xf32> to vector<16xf32>
        %swap3A_629 = arith.constant 2 : i32
        %swap3A_630 = arith.index_cast %swap3A_629 : i32 to index
        %swap3A_631 = arith.index_cast %scan3A_599 : i32 to index
        %swap3A_632 = arith.constant 32 : index
        %swap3A_633 = tpu.vector_load %arg8[%swap3A_630, %swap3A_631, %swap3A_632] {strides = array<i32>} : memref<4x100x128xf32, #tpu.memory_space<vmem>>, vector<1x1x16xf32>,
        %swap3A_634 = vector.shape_cast %swap3A_633 : vector<1x1x16xf32> to vector<16xf32>
        %swap3A_635 = vector.shape_cast %get3A_628 : vector<16xf32> to vector<1x1x16xf32>
        tpu.vector_store %arg8[%swap3A_630, %swap3A_631, %swap3A_632], %swap3A_635 {add = true, strides = array<i32>} : memref<4x100x128xf32, #tpu.memory_space<vmem>>, vector<1x1x16xf32>,
        %add3A_636 = arith.addi %mul3A_431, %scan3A_599 : i32
        %get3A_637 = arith.index_cast %add3A_636 : i32 to index
        %get3A_638 = arith.constant 48 : index
        %get3A_639 = tpu.vector_load %arg7[%get3A_637, %get3A_638] {strides = array<i32>} : memref<200x128xf32, #tpu.memory_space<vmem>>, vector<1x16xf32>,
        %get3A_640 = vector.shape_cast %get3A_639 : vector<1x16xf32> to vector<16xf32>
        %swap3A_641 = arith.constant 2 : i32
        %swap3A_642 = arith.index_cast %swap3A_641 : i32 to index
        %swap3A_643 = arith.index_cast %scan3A_599 : i32 to index
        %swap3A_644 = arith.constant 48 : index
        %swap3A_645 = tpu.vector_load %arg8[%swap3A_642, %swap3A_643, %swap3A_644] {strides = array<i32>} : memref<4x100x128xf32, #tpu.memory_space<vmem>>, vector<1x1x16xf32>,
        %swap3A_646 = vector.shape_cast %swap3A_645 : vector<1x1x16xf32> to vector<16xf32>
        %swap3A_647 = vector.shape_cast %get3A_640 : vector<16xf32> to vector<1x1x16xf32>
        tpu.vector_store %arg8[%swap3A_642, %swap3A_643, %swap3A_644], %swap3A_647 {add = true, strides = array<i32>} : memref<4x100x128xf32, #tpu.memory_space<vmem>>, vector<1x1x16xf32>,
        %add3A_648 = arith.addi %mul3A_431, %scan3A_599 : i32
        %get3A_649 = arith.index_cast %add3A_648 : i32 to index
        %get3A_650 = arith.constant 64 : index
        %get3A_651 = tpu.vector_load %arg7[%get3A_649, %get3A_650] {strides = array<i32>} : memref<200x128xf32, #tpu.memory_space<vmem>>, vector<1x16xf32>,
        %get3A_652 = vector.shape_cast %get3A_651 : vector<1x16xf32> to vector<16xf32>
        %swap3A_653 = arith.constant 2 : i32
        %swap3A_654 = arith.index_cast %swap3A_653 : i32 to index
        %swap3A_655 = arith.index_cast %scan3A_599 : i32 to index
        %swap3A_656 = arith.constant 64 : index
        %swap3A_657 = tpu.vector_load %arg8[%swap3A_654, %swap3A_655, %swap3A_656] {strides = array<i32>} : memref<4x100x128xf32, #tpu.memory_space<vmem>>, vector<1x1x16xf32>,
        %swap3A_658 = vector.shape_cast %swap3A_657 : vector<1x1x16xf32> to vector<16xf32>
        %swap3A_659 = vector.shape_cast %get3A_652 : vector<16xf32> to vector<1x1x16xf32>
        tpu.vector_store %arg8[%swap3A_654, %swap3A_655, %swap3A_656], %swap3A_659 {add = true, strides = array<i32>} : memref<4x100x128xf32, #tpu.memory_space<vmem>>, vector<1x1x16xf32>,
        %add3A_660 = arith.addi %mul3A_431, %scan3A_599 : i32
        %get3A_661 = arith.index_cast %add3A_660 : i32 to index
        %get3A_662 = arith.constant 80 : index
        %get3A_663 = tpu.vector_load %arg7[%get3A_661, %get3A_662] {strides = array<i32>} : memref<200x128xf32, #tpu.memory_space<vmem>>, vector<1x16xf32>,
        %get3A_664 = vector.shape_cast %get3A_663 : vector<1x16xf32> to vector<16xf32>
        %swap3A_665 = arith.constant 2 : i32
        %swap3A_666 = arith.index_cast %swap3A_665 : i32 to index
        %swap3A_667 = arith.index_cast %scan3A_599 : i32 to index
        %swap3A_668 = arith.constant 80 : index
        %swap3A_669 = tpu.vector_load %arg8[%swap3A_666, %swap3A_667, %swap3A_668] {strides = array<i32>} : memref<4x100x128xf32, #tpu.memory_space<vmem>>, vector<1x1x16xf32>,
        %swap3A_670 = vector.shape_cast %swap3A_669 : vector<1x1x16xf32> to vector<16xf32>
        %swap3A_671 = vector.shape_cast %get3A_664 : vector<16xf32> to vector<1x1x16xf32>
        tpu.vector_store %arg8[%swap3A_666, %swap3A_667, %swap3A_668], %swap3A_671 {add = true, strides = array<i32>} : memref<4x100x128xf32, #tpu.memory_space<vmem>>, vector<1x1x16xf32>,
        %add3A_672 = arith.addi %mul3A_431, %scan3A_599 : i32
        %get3A_673 = arith.index_cast %add3A_672 : i32 to index
        %get3A_674 = arith.constant 96 : index
        %get3A_675 = tpu.vector_load %arg7[%get3A_673, %get3A_674] {strides = array<i32>} : memref<200x128xf32, #tpu.memory_space<vmem>>, vector<1x16xf32>,
        %get3A_676 = vector.shape_cast %get3A_675 : vector<1x16xf32> to vector<16xf32>
        %swap3A_677 = arith.constant 2 : i32
        %swap3A_678 = arith.index_cast %swap3A_677 : i32 to index
        %swap3A_679 = arith.index_cast %scan3A_599 : i32 to index
        %swap3A_680 = arith.constant 96 : index
        %swap3A_681 = tpu.vector_load %arg8[%swap3A_678, %swap3A_679, %swap3A_680] {strides = array<i32>} : memref<4x100x128xf32, #tpu.memory_space<vmem>>, vector<1x1x16xf32>,
        %swap3A_682 = vector.shape_cast %swap3A_681 : vector<1x1x16xf32> to vector<16xf32>
        %swap3A_683 = vector.shape_cast %get3A_676 : vector<16xf32> to vector<1x1x16xf32>
        tpu.vector_store %arg8[%swap3A_678, %swap3A_679, %swap3A_680], %swap3A_683 {add = true, strides = array<i32>} : memref<4x100x128xf32, #tpu.memory_space<vmem>>, vector<1x1x16xf32>,
        %add3A_684 = arith.addi %mul3A_431, %scan3A_599 : i32
        %get3A_685 = arith.index_cast %add3A_684 : i32 to index
        %get3A_686 = arith.constant 112 : index
        %get3A_687 = tpu.vector_load %arg7[%get3A_685, %get3A_686] {strides = array<i32>} : memref<200x128xf32, #tpu.memory_space<vmem>>, vector<1x16xf32>,
        %get3A_688 = vector.shape_cast %get3A_687 : vector<1x16xf32> to vector<16xf32>
        %swap3A_689 = arith.constant 2 : i32
        %swap3A_690 = arith.index_cast %swap3A_689 : i32 to index
        %swap3A_691 = arith.index_cast %scan3A_599 : i32 to index
        %swap3A_692 = arith.constant 112 : index
        %swap3A_693 = tpu.vector_load %arg8[%swap3A_690, %swap3A_691, %swap3A_692] {strides = array<i32>} : memref<4x100x128xf32, #tpu.memory_space<vmem>>, vector<1x1x16xf32>,
        %swap3A_694 = vector.shape_cast %swap3A_693 : vector<1x1x16xf32> to vector<16xf32>
        %swap3A_695 = vector.shape_cast %get3A_688 : vector<16xf32> to vector<1x1x16xf32>
        tpu.vector_store %arg8[%swap3A_690, %swap3A_691, %swap3A_692], %swap3A_695 {add = true, strides = array<i32>} : memref<4x100x128xf32, #tpu.memory_space<vmem>>, vector<1x1x16xf32>,
        %scan3A_696 = arith.constant 2 : i32
        %scan3A_697 = arith.addi %scan3A_503, %scan3A_696 : i32
        %add3A_698 = arith.addi %mul3A_431, %scan3A_697 : i32
        %get3A_699 = arith.index_cast %add3A_698 : i32 to index
        %get3A_700 = arith.constant 0 : index
        %get3A_701 = tpu.vector_load %arg7[%get3A_699, %get3A_700] {strides = array<i32>} : memref<200x128xf32, #tpu.memory_space<vmem>>, vector<1x16xf32>,
        %get3A_702 = vector.shape_cast %get3A_701 : vector<1x16xf32> to vector<16xf32>
        %swap3A_703 = arith.constant 2 : i32
        %swap3A_704 = arith.index_cast %swap3A_703 : i32 to index
        %swap3A_705 = arith.index_cast %scan3A_697 : i32 to index
        %swap3A_706 = arith.constant 0 : index
        %swap3A_707 = tpu.vector_load %arg8[%swap3A_704, %swap3A_705, %swap3A_706] {strides = array<i32>} : memref<4x100x128xf32, #tpu.memory_space<vmem>>, vector<1x1x16xf32>,
        %swap3A_708 = vector.shape_cast %swap3A_707 : vector<1x1x16xf32> to vector<16xf32>
        %swap3A_709 = vector.shape_cast %get3A_702 : vector<16xf32> to vector<1x1x16xf32>
        tpu.vector_store %arg8[%swap3A_704, %swap3A_705, %swap3A_706], %swap3A_709 {add = true, strides = array<i32>} : memref<4x100x128xf32, #tpu.memory_space<vmem>>, vector<1x1x16xf32>,
        %add3A_710 = arith.addi %mul3A_431, %scan3A_697 : i32
        %get3A_711 = arith.index_cast %add3A_710 : i32 to index
        %get3A_712 = arith.constant 16 : index
        %get3A_713 = tpu.vector_load %arg7[%get3A_711, %get3A_712] {strides = array<i32>} : memref<200x128xf32, #tpu.memory_space<vmem>>, vector<1x16xf32>,
        %get3A_714 = vector.shape_cast %get3A_713 : vector<1x16xf32> to vector<16xf32>
        %swap3A_715 = arith.constant 2 : i32
        %swap3A_716 = arith.index_cast %swap3A_715 : i32 to index
        %swap3A_717 = arith.index_cast %scan3A_697 : i32 to index
        %swap3A_718 = arith.constant 16 : index
        %swap3A_719 = tpu.vector_load %arg8[%swap3A_716, %swap3A_717, %swap3A_718] {strides = array<i32>} : memref<4x100x128xf32, #tpu.memory_space<vmem>>, vector<1x1x16xf32>,
        %swap3A_720 = vector.shape_cast %swap3A_719 : vector<1x1x16xf32> to vector<16xf32>
        %swap3A_721 = vector.shape_cast %get3A_714 : vector<16xf32> to vector<1x1x16xf32>
        tpu.vector_store %arg8[%swap3A_716, %swap3A_717, %swap3A_718], %swap3A_721 {add = true, strides = array<i32>} : memref<4x100x128xf32, #tpu.memory_space<vmem>>, vector<1x1x16xf32>,
        %add3A_722 = arith.addi %mul3A_431, %scan3A_697 : i32
        %get3A_723 = arith.index_cast %add3A_722 : i32 to index
        %get3A_724 = arith.constant 32 : index
        %get3A_725 = tpu.vector_load %arg7[%get3A_723, %get3A_724] {strides = array<i32>} : memref<200x128xf32, #tpu.memory_space<vmem>>, vector<1x16xf32>,
        %get3A_726 = vector.shape_cast %get3A_725 : vector<1x16xf32> to vector<16xf32>
        %swap3A_727 = arith.constant 2 : i32
        %swap3A_728 = arith.index_cast %swap3A_727 : i32 to index
        %swap3A_729 = arith.index_cast %scan3A_697 : i32 to index
        %swap3A_730 = arith.constant 32 : index
        %swap3A_731 = tpu.vector_load %arg8[%swap3A_728, %swap3A_729, %swap3A_730] {strides = array<i32>} : memref<4x100x128xf32, #tpu.memory_space<vmem>>, vector<1x1x16xf32>,
        %swap3A_732 = vector.shape_cast %swap3A_731 : vector<1x1x16xf32> to vector<16xf32>
        %swap3A_733 = vector.shape_cast %get3A_726 : vector<16xf32> to vector<1x1x16xf32>
        tpu.vector_store %arg8[%swap3A_728, %swap3A_729, %swap3A_730], %swap3A_733 {add = true, strides = array<i32>} : memref<4x100x128xf32, #tpu.memory_space<vmem>>, vector<1x1x16xf32>,
        %add3A_734 = arith.addi %mul3A_431, %scan3A_697 : i32
        %get3A_735 = arith.index_cast %add3A_734 : i32 to index
        %get3A_736 = arith.constant 48 : index
        %get3A_737 = tpu.vector_load %arg7[%get3A_735, %get3A_736] {strides = array<i32>} : memref<200x128xf32, #tpu.memory_space<vmem>>, vector<1x16xf32>,
        %get3A_738 = vector.shape_cast %get3A_737 : vector<1x16xf32> to vector<16xf32>
        %swap3A_739 = arith.constant 2 : i32
        %swap3A_740 = arith.index_cast %swap3A_739 : i32 to index
        %swap3A_741 = arith.index_cast %scan3A_697 : i32 to index
        %swap3A_742 = arith.constant 48 : index
        %swap3A_743 = tpu.vector_load %arg8[%swap3A_740, %swap3A_741, %swap3A_742] {strides = array<i32>} : memref<4x100x128xf32, #tpu.memory_space<vmem>>, vector<1x1x16xf32>,
        %swap3A_744 = vector.shape_cast %swap3A_743 : vector<1x1x16xf32> to vector<16xf32>
        %swap3A_745 = vector.shape_cast %get3A_738 : vector<16xf32> to vector<1x1x16xf32>
        tpu.vector_store %arg8[%swap3A_740, %swap3A_741, %swap3A_742], %swap3A_745 {add = true, strides = array<i32>} : memref<4x100x128xf32, #tpu.memory_space<vmem>>, vector<1x1x16xf32>,
        %add3A_746 = arith.addi %mul3A_431, %scan3A_697 : i32
        %get3A_747 = arith.index_cast %add3A_746 : i32 to index
        %get3A_748 = arith.constant 64 : index
        %get3A_749 = tpu.vector_load %arg7[%get3A_747, %get3A_748] {strides = array<i32>} : memref<200x128xf32, #tpu.memory_space<vmem>>, vector<1x16xf32>,
        %get3A_750 = vector.shape_cast %get3A_749 : vector<1x16xf32> to vector<16xf32>
        %swap3A_751 = arith.constant 2 : i32
        %swap3A_752 = arith.index_cast %swap3A_751 : i32 to index
        %swap3A_753 = arith.index_cast %scan3A_697 : i32 to index
        %swap3A_754 = arith.constant 64 : index
        %swap3A_755 = tpu.vector_load %arg8[%swap3A_752, %swap3A_753, %swap3A_754] {strides = array<i32>} : memref<4x100x128xf32, #tpu.memory_space<vmem>>, vector<1x1x16xf32>,
        %swap3A_756 = vector.shape_cast %swap3A_755 : vector<1x1x16xf32> to vector<16xf32>
        %swap3A_757 = vector.shape_cast %get3A_750 : vector<16xf32> to vector<1x1x16xf32>
        tpu.vector_store %arg8[%swap3A_752, %swap3A_753, %swap3A_754], %swap3A_757 {add = true, strides = array<i32>} : memref<4x100x128xf32, #tpu.memory_space<vmem>>, vector<1x1x16xf32>,
        %add3A_758 = arith.addi %mul3A_431, %scan3A_697 : i32
        %get3A_759 = arith.index_cast %add3A_758 : i32 to index
        %get3A_760 = arith.constant 80 : index
        %get3A_761 = tpu.vector_load %arg7[%get3A_759, %get3A_760] {strides = array<i32>} : memref<200x128xf32, #tpu.memory_space<vmem>>, vector<1x16xf32>,
        %get3A_762 = vector.shape_cast %get3A_761 : vector<1x16xf32> to vector<16xf32>
        %swap3A_763 = arith.constant 2 : i32
        %swap3A_764 = arith.index_cast %swap3A_763 : i32 to index
        %swap3A_765 = arith.index_cast %scan3A_697 : i32 to index
        %swap3A_766 = arith.constant 80 : index
        %swap3A_767 = tpu.vector_load %arg8[%swap3A_764, %swap3A_765, %swap3A_766] {strides = array<i32>} : memref<4x100x128xf32, #tpu.memory_space<vmem>>, vector<1x1x16xf32>,
        %swap3A_768 = vector.shape_cast %swap3A_767 : vector<1x1x16xf32> to vector<16xf32>
        %swap3A_769 = vector.shape_cast %get3A_762 : vector<16xf32> to vector<1x1x16xf32>
        tpu.vector_store %arg8[%swap3A_764, %swap3A_765, %swap3A_766], %swap3A_769 {add = true, strides = array<i32>} : memref<4x100x128xf32, #tpu.memory_space<vmem>>, vector<1x1x16xf32>,
        %add3A_770 = arith.addi %mul3A_431, %scan3A_697 : i32
        %get3A_771 = arith.index_cast %add3A_770 : i32 to index
        %get3A_772 = arith.constant 96 : index
        %get3A_773 = tpu.vector_load %arg7[%get3A_771, %get3A_772] {strides = array<i32>} : memref<200x128xf32, #tpu.memory_space<vmem>>, vector<1x16xf32>,
        %get3A_774 = vector.shape_cast %get3A_773 : vector<1x16xf32> to vector<16xf32>
        %swap3A_775 = arith.constant 2 : i32
        %swap3A_776 = arith.index_cast %swap3A_775 : i32 to index
        %swap3A_777 = arith.index_cast %scan3A_697 : i32 to index
        %swap3A_778 = arith.constant 96 : index
        %swap3A_779 = tpu.vector_load %arg8[%swap3A_776, %swap3A_777, %swap3A_778] {strides = array<i32>} : memref<4x100x128xf32, #tpu.memory_space<vmem>>, vector<1x1x16xf32>,
        %swap3A_780 = vector.shape_cast %swap3A_779 : vector<1x1x16xf32> to vector<16xf32>
        %swap3A_781 = vector.shape_cast %get3A_774 : vector<16xf32> to vector<1x1x16xf32>
        tpu.vector_store %arg8[%swap3A_776, %swap3A_777, %swap3A_778], %swap3A_781 {add = true, strides = array<i32>} : memref<4x100x128xf32, #tpu.memory_space<vmem>>, vector<1x1x16xf32>,
        %add3A_782 = arith.addi %mul3A_431, %scan3A_697 : i32
        %get3A_783 = arith.index_cast %add3A_782 : i32 to index
        %get3A_784 = arith.constant 112 : index
        %get3A_785 = tpu.vector_load %arg7[%get3A_783, %get3A_784] {strides = array<i32>} : memref<200x128xf32, #tpu.memory_space<vmem>>, vector<1x16xf32>,
        %get3A_786 = vector.shape_cast %get3A_785 : vector<1x16xf32> to vector<16xf32>
        %swap3A_787 = arith.constant 2 : i32
        %swap3A_788 = arith.index_cast %swap3A_787 : i32 to index
        %swap3A_789 = arith.index_cast %scan3A_697 : i32 to index
        %swap3A_790 = arith.constant 112 : index
        %swap3A_791 = tpu.vector_load %arg8[%swap3A_788, %swap3A_789, %swap3A_790] {strides = array<i32>} : memref<4x100x128xf32, #tpu.memory_space<vmem>>, vector<1x1x16xf32>,
        %swap3A_792 = vector.shape_cast %swap3A_791 : vector<1x1x16xf32> to vector<16xf32>
        %swap3A_793 = vector.shape_cast %get3A_786 : vector<16xf32> to vector<1x1x16xf32>
        tpu.vector_store %arg8[%swap3A_788, %swap3A_789, %swap3A_790], %swap3A_793 {add = true, strides = array<i32>} : memref<4x100x128xf32, #tpu.memory_space<vmem>>, vector<1x1x16xf32>,
        %scan3A_794 = arith.constant 3 : i32
        %scan3A_795 = arith.addi %scan3A_503, %scan3A_794 : i32
        %add3A_796 = arith.addi %mul3A_431, %scan3A_795 : i32
        %get3A_797 = arith.index_cast %add3A_796 : i32 to index
        %get3A_798 = arith.constant 0 : index
        %get3A_799 = tpu.vector_load %arg7[%get3A_797, %get3A_798] {strides = array<i32>} : memref<200x128xf32, #tpu.memory_space<vmem>>, vector<1x16xf32>,
        %get3A_800 = vector.shape_cast %get3A_799 : vector<1x16xf32> to vector<16xf32>
        %swap3A_801 = arith.constant 2 : i32
        %swap3A_802 = arith.index_cast %swap3A_801 : i32 to index
        %swap3A_803 = arith.index_cast %scan3A_795 : i32 to index
        %swap3A_804 = arith.constant 0 : index
        %swap3A_805 = tpu.vector_load %arg8[%swap3A_802, %swap3A_803, %swap3A_804] {strides = array<i32>} : memref<4x100x128xf32, #tpu.memory_space<vmem>>, vector<1x1x16xf32>,
        %swap3A_806 = vector.shape_cast %swap3A_805 : vector<1x1x16xf32> to vector<16xf32>
        %swap3A_807 = vector.shape_cast %get3A_800 : vector<16xf32> to vector<1x1x16xf32>
        tpu.vector_store %arg8[%swap3A_802, %swap3A_803, %swap3A_804], %swap3A_807 {add = true, strides = array<i32>} : memref<4x100x128xf32, #tpu.memory_space<vmem>>, vector<1x1x16xf32>,
        %add3A_808 = arith.addi %mul3A_431, %scan3A_795 : i32
        %get3A_809 = arith.index_cast %add3A_808 : i32 to index
        %get3A_810 = arith.constant 16 : index
        %get3A_811 = tpu.vector_load %arg7[%get3A_809, %get3A_810] {strides = array<i32>} : memref<200x128xf32, #tpu.memory_space<vmem>>, vector<1x16xf32>,
        %get3A_812 = vector.shape_cast %get3A_811 : vector<1x16xf32> to vector<16xf32>
        %swap3A_813 = arith.constant 2 : i32
        %swap3A_814 = arith.index_cast %swap3A_813 : i32 to index
        %swap3A_815 = arith.index_cast %scan3A_795 : i32 to index
        %swap3A_816 = arith.constant 16 : index
        %swap3A_817 = tpu.vector_load %arg8[%swap3A_814, %swap3A_815, %swap3A_816] {strides = array<i32>} : memref<4x100x128xf32, #tpu.memory_space<vmem>>, vector<1x1x16xf32>,
        %swap3A_818 = vector.shape_cast %swap3A_817 : vector<1x1x16xf32> to vector<16xf32>
        %swap3A_819 = vector.shape_cast %get3A_812 : vector<16xf32> to vector<1x1x16xf32>
        tpu.vector_store %arg8[%swap3A_814, %swap3A_815, %swap3A_816], %swap3A_819 {add = true, strides = array<i32>} : memref<4x100x128xf32, #tpu.memory_space<vmem>>, vector<1x1x16xf32>,
        %add3A_820 = arith.addi %mul3A_431, %scan3A_795 : i32
        %get3A_821 = arith.index_cast %add3A_820 : i32 to index
        %get3A_822 = arith.constant 32 : index
        %get3A_823 = tpu.vector_load %arg7[%get3A_821, %get3A_822] {strides = array<i32>} : memref<200x128xf32, #tpu.memory_space<vmem>>, vector<1x16xf32>,
        %get3A_824 = vector.shape_cast %get3A_823 : vector<1x16xf32> to vector<16xf32>
        %swap3A_825 = arith.constant 2 : i32
        %swap3A_826 = arith.index_cast %swap3A_825 : i32 to index
        %swap3A_827 = arith.index_cast %scan3A_795 : i32 to index
        %swap3A_828 = arith.constant 32 : index
        %swap3A_829 = tpu.vector_load %arg8[%swap3A_826, %swap3A_827, %swap3A_828] {strides = array<i32>} : memref<4x100x128xf32, #tpu.memory_space<vmem>>, vector<1x1x16xf32>,
        %swap3A_830 = vector.shape_cast %swap3A_829 : vector<1x1x16xf32> to vector<16xf32>
        %swap3A_831 = vector.shape_cast %get3A_824 : vector<16xf32> to vector<1x1x16xf32>
        tpu.vector_store %arg8[%swap3A_826, %swap3A_827, %swap3A_828], %swap3A_831 {add = true, strides = array<i32>} : memref<4x100x128xf32, #tpu.memory_space<vmem>>, vector<1x1x16xf32>,
        %add3A_832 = arith.addi %mul3A_431, %scan3A_795 : i32
        %get3A_833 = arith.index_cast %add3A_832 : i32 to index
        %get3A_834 = arith.constant 48 : index
        %get3A_835 = tpu.vector_load %arg7[%get3A_833, %get3A_834] {strides = array<i32>} : memref<200x128xf32, #tpu.memory_space<vmem>>, vector<1x16xf32>,
        %get3A_836 = vector.shape_cast %get3A_835 : vector<1x16xf32> to vector<16xf32>
        %swap3A_837 = arith.constant 2 : i32
        %swap3A_838 = arith.index_cast %swap3A_837 : i32 to index
        %swap3A_839 = arith.index_cast %scan3A_795 : i32 to index
        %swap3A_840 = arith.constant 48 : index
        %swap3A_841 = tpu.vector_load %arg8[%swap3A_838, %swap3A_839, %swap3A_840] {strides = array<i32>} : memref<4x100x128xf32, #tpu.memory_space<vmem>>, vector<1x1x16xf32>,
        %swap3A_842 = vector.shape_cast %swap3A_841 : vector<1x1x16xf32> to vector<16xf32>
        %swap3A_843 = vector.shape_cast %get3A_836 : vector<16xf32> to vector<1x1x16xf32>
        tpu.vector_store %arg8[%swap3A_838, %swap3A_839, %swap3A_840], %swap3A_843 {add = true, strides = array<i32>} : memref<4x100x128xf32, #tpu.memory_space<vmem>>, vector<1x1x16xf32>,
        %add3A_844 = arith.addi %mul3A_431, %scan3A_795 : i32
        %get3A_845 = arith.index_cast %add3A_844 : i32 to index
        %get3A_846 = arith.constant 64 : index
        %get3A_847 = tpu.vector_load %arg7[%get3A_845, %get3A_846] {strides = array<i32>} : memref<200x128xf32, #tpu.memory_space<vmem>>, vector<1x16xf32>,
        %get3A_848 = vector.shape_cast %get3A_847 : vector<1x16xf32> to vector<16xf32>
        %swap3A_849 = arith.constant 2 : i32
        %swap3A_850 = arith.index_cast %swap3A_849 : i32 to index
        %swap3A_851 = arith.index_cast %scan3A_795 : i32 to index
        %swap3A_852 = arith.constant 64 : index
        %swap3A_853 = tpu.vector_load %arg8[%swap3A_850, %swap3A_851, %swap3A_852] {strides = array<i32>} : memref<4x100x128xf32, #tpu.memory_space<vmem>>, vector<1x1x16xf32>,
        %swap3A_854 = vector.shape_cast %swap3A_853 : vector<1x1x16xf32> to vector<16xf32>
        %swap3A_855 = vector.shape_cast %get3A_848 : vector<16xf32> to vector<1x1x16xf32>
        tpu.vector_store %arg8[%swap3A_850, %swap3A_851, %swap3A_852], %swap3A_855 {add = true, strides = array<i32>} : memref<4x100x128xf32, #tpu.memory_space<vmem>>, vector<1x1x16xf32>,
        %add3A_856 = arith.addi %mul3A_431, %scan3A_795 : i32
        %get3A_857 = arith.index_cast %add3A_856 : i32 to index
        %get3A_858 = arith.constant 80 : index
        %get3A_859 = tpu.vector_load %arg7[%get3A_857, %get3A_858] {strides = array<i32>} : memref<200x128xf32, #tpu.memory_space<vmem>>, vector<1x16xf32>,
        %get3A_860 = vector.shape_cast %get3A_859 : vector<1x16xf32> to vector<16xf32>
        %swap3A_861 = arith.constant 2 : i32
        %swap3A_862 = arith.index_cast %swap3A_861 : i32 to index
        %swap3A_863 = arith.index_cast %scan3A_795 : i32 to index
        %swap3A_864 = arith.constant 80 : index
        %swap3A_865 = tpu.vector_load %arg8[%swap3A_862, %swap3A_863, %swap3A_864] {strides = array<i32>} : memref<4x100x128xf32, #tpu.memory_space<vmem>>, vector<1x1x16xf32>,
        %swap3A_866 = vector.shape_cast %swap3A_865 : vector<1x1x16xf32> to vector<16xf32>
        %swap3A_867 = vector.shape_cast %get3A_860 : vector<16xf32> to vector<1x1x16xf32>
        tpu.vector_store %arg8[%swap3A_862, %swap3A_863, %swap3A_864], %swap3A_867 {add = true, strides = array<i32>} : memref<4x100x128xf32, #tpu.memory_space<vmem>>, vector<1x1x16xf32>,
        %add3A_868 = arith.addi %mul3A_431, %scan3A_795 : i32
        %get3A_869 = arith.index_cast %add3A_868 : i32 to index
        %get3A_870 = arith.constant 96 : index
        %get3A_871 = tpu.vector_load %arg7[%get3A_869, %get3A_870] {strides = array<i32>} : memref<200x128xf32, #tpu.memory_space<vmem>>, vector<1x16xf32>,
        %get3A_872 = vector.shape_cast %get3A_871 : vector<1x16xf32> to vector<16xf32>
        %swap3A_873 = arith.constant 2 : i32
        %swap3A_874 = arith.index_cast %swap3A_873 : i32 to index
        %swap3A_875 = arith.index_cast %scan3A_795 : i32 to index
        %swap3A_876 = arith.constant 96 : index
        %swap3A_877 = tpu.vector_load %arg8[%swap3A_874, %swap3A_875, %swap3A_876] {strides = array<i32>} : memref<4x100x128xf32, #tpu.memory_space<vmem>>, vector<1x1x16xf32>,
        %swap3A_878 = vector.shape_cast %swap3A_877 : vector<1x1x16xf32> to vector<16xf32>
        %swap3A_879 = vector.shape_cast %get3A_872 : vector<16xf32> to vector<1x1x16xf32>
        tpu.vector_store %arg8[%swap3A_874, %swap3A_875, %swap3A_876], %swap3A_879 {add = true, strides = array<i32>} : memref<4x100x128xf32, #tpu.memory_space<vmem>>, vector<1x1x16xf32>,
        %add3A_880 = arith.addi %mul3A_431, %scan3A_795 : i32
        %get3A_881 = arith.index_cast %add3A_880 : i32 to index
        %get3A_882 = arith.constant 112 : index
        %get3A_883 = tpu.vector_load %arg7[%get3A_881, %get3A_882] {strides = array<i32>} : memref<200x128xf32, #tpu.memory_space<vmem>>, vector<1x16xf32>,
        %get3A_884 = vector.shape_cast %get3A_883 : vector<1x16xf32> to vector<16xf32>
        %swap3A_885 = arith.constant 2 : i32
        %swap3A_886 = arith.index_cast %swap3A_885 : i32 to index
        %swap3A_887 = arith.index_cast %scan3A_795 : i32 to index
        %swap3A_888 = arith.constant 112 : index
        %swap3A_889 = tpu.vector_load %arg8[%swap3A_886, %swap3A_887, %swap3A_888] {strides = array<i32>} : memref<4x100x128xf32, #tpu.memory_space<vmem>>, vector<1x1x16xf32>,
        %swap3A_890 = vector.shape_cast %swap3A_889 : vector<1x1x16xf32> to vector<16xf32>
        %swap3A_891 = vector.shape_cast %get3A_884 : vector<16xf32> to vector<1x1x16xf32>
        tpu.vector_store %arg8[%swap3A_886, %swap3A_887, %swap3A_888], %swap3A_891 {add = true, strides = array<i32>} : memref<4x100x128xf32, #tpu.memory_space<vmem>>, vector<1x1x16xf32>,
      }
      %scan3A_437 = arith.constant 100 : i32
      %mul3A_438 = arith.constant 100 : i32
      %mul3A_439 = arith.muli %add3A_408, %mul3A_438 : i32
      %add3A_440 = arith.addi %mul3A_2, %mul3A_439 : i32
      %dma_start3A_441 = arith.constant 2 : i32
      %dma_start3A_442 = arith.constant 0 : i32
      %dma_start3A_443 = arith.constant 0 : i32
      %dma_start3A_444 = tpu.memref_slice %arg8[%dma_start3A_441, %dma_start3A_442, %dma_start3A_443] : memref<4x100x128xf32, #tpu.memory_space<vmem>> -> memref<1x100x128xf32, #tpu.memory_space<vmem>>
      %dma_start3A_445 = tpu.memref_squeeze %dma_start3A_444 : memref<1x100x128xf32, #tpu.memory_space<vmem>> -> memref<100x128xf32, #tpu.memory_space<vmem>>
      %dma_start3A_446 = arith.constant 0 : i32
      %dma_start3A_447 = tpu.memref_slice %arg5[%add3A_440, %dma_start3A_446] : memref<204800x128xf32, #tpu.memory_space<hbm>> -> memref<100x128xf32, #tpu.memory_space<hbm>>
      %dma_start3A_448 = arith.constant 0 : i32
      %dma_start3A_449 = tpu.memref_slice %arg5[%add3A_440, %dma_start3A_448] : memref<204800x128xf32, #tpu.memory_space<hbm>> -> memref<100x128xf32, #tpu.memory_space<hbm>>
      %dma_start3A_450 = arith.constant 0 : i32
      %dma_start3A_451 = arith.constant 0 : i32
      %dma_start3A_452 = tpu.memref_slice %arg8[%dma_start3A_441, %dma_start3A_450, %dma_start3A_451] : memref<4x100x128xf32, #tpu.memory_space<vmem>> -> memref<1x100x128xf32, #tpu.memory_space<vmem>>
      %dma_start3A_453 = tpu.memref_squeeze %dma_start3A_452 : memref<1x100x128xf32, #tpu.memory_space<vmem>> -> memref<100x128xf32, #tpu.memory_space<vmem>>
      tpu.enqueue_dma source(%dma_start3A_453 : memref<100x128xf32, #tpu.memory_space<vmem>>) target(%dma_start3A_449 : memref<100x128xf32, #tpu.memory_space<hbm>>) target_semaphore(%arg15 : memref<!tpu.dma_semaphore, #tpu.memory_space<semaphore_mem>>)
      %mul3A_454 = arith.constant 4 : i32
      %mul3A_455 = arith.muli %scan3A_309, %mul3A_454 : i32
      %add3A_456 = arith.constant 3 : i32
      %add3A_457 = arith.addi %mul3A_455, %add3A_456 : i32
      %add3A_458 = arith.constant 2 : i32
      %add3A_459 = arith.addi %add3A_457, %add3A_458 : i32
      %lt3A_460 = arith.constant 64 : i32
      %lt3A_461 = arith.cmpi slt, %add3A_459, %lt3A_460 : i32
      %convert_element_type3A_462 = arith.extui %lt3A_461 : i1 to i32
      %cond3A_463 = arith.constant 0 : i32
      %cond3A_464 = arith.cmpi ne, %convert_element_type3A_462, %cond3A_463 : i32
      scf.if %cond3A_464 {
        %dma_wait3A_503 = arith.constant 1 : i32
        %dma_wait3A_504 = arith.constant 0 : i32
        %dma_wait3A_505 = arith.constant 0 : i32
        %dma_wait3A_506 = tpu.memref_slice %arg8[%dma_wait3A_503, %dma_wait3A_504, %dma_wait3A_505] : memref<4x100x128xf32, #tpu.memory_space<vmem>> -> memref<1x100x128xf32, #tpu.memory_space<vmem>>
        %dma_wait3A_507 = tpu.memref_squeeze %dma_wait3A_506 : memref<1x100x128xf32, #tpu.memory_space<vmem>> -> memref<100x128xf32, #tpu.memory_space<vmem>>
        %dma_wait3A_508 = arith.constant 0 : i32
        %dma_wait3A_509 = tpu.memref_slice %arg5[%mul3A_2, %dma_wait3A_508] : memref<204800x128xf32, #tpu.memory_space<hbm>> -> memref<100x128xf32, #tpu.memory_space<hbm>>
        %dma_wait3A_510 = arith.constant 0 : i32
        %dma_wait3A_511 = tpu.memref_slice %arg5[%mul3A_2, %dma_wait3A_510] : memref<204800x128xf32, #tpu.memory_space<hbm>> -> memref<100x128xf32, #tpu.memory_space<hbm>>
        %dma_wait3A_512 = arith.constant 0 : i32
        %dma_wait3A_513 = arith.constant 0 : i32
        %dma_wait3A_514 = tpu.memref_slice %arg8[%dma_wait3A_503, %dma_wait3A_512, %dma_wait3A_513] : memref<4x100x128xf32, #tpu.memory_space<vmem>> -> memref<1x100x128xf32, #tpu.memory_space<vmem>>
        %dma_wait3A_515 = tpu.memref_squeeze %dma_wait3A_514 : memref<1x100x128xf32, #tpu.memory_space<vmem>> -> memref<100x128xf32, #tpu.memory_space<vmem>>
        tpu.wait_dma2 semaphore(%arg14 : memref<!tpu.dma_semaphore, #tpu.memory_space<semaphore_mem>>) src(%dma_wait3A_515 : memref<100x128xf32, #tpu.memory_space<vmem>>) dst(%dma_wait3A_511 : memref<100x128xf32, #tpu.memory_space<hbm>>)
        %dma_start3A_516 = arith.constant 1 : i32
        %dma_start3A_517 = arith.constant 0 : i32
        %dma_start3A_518 = arith.constant 0 : i32
        %dma_start3A_519 = tpu.memref_slice %arg8[%dma_start3A_516, %dma_start3A_517, %dma_start3A_518] : memref<4x100x128xf32, #tpu.memory_space<vmem>> -> memref<1x100x128xf32, #tpu.memory_space<vmem>>
        %dma_start3A_520 = tpu.memref_squeeze %dma_start3A_519 : memref<1x100x128xf32, #tpu.memory_space<vmem>> -> memref<100x128xf32, #tpu.memory_space<vmem>>
        %dma_start3A_521 = arith.constant 0 : i32
        %dma_start3A_522 = tpu.memref_slice %arg6[%add3A_459, %dma_start3A_521] : memref<64x100xi32, #tpu.memory_space<vmem>> -> memref<1x100xi32, #tpu.memory_space<vmem>>
        %dma_start3A_523 = tpu.memref_squeeze %dma_start3A_522 : memref<1x100xi32, #tpu.memory_space<vmem>> -> memref<100xi32, #tpu.memory_space<vmem>>
        %dma_start3A_524 = arith.constant 0 : i32
        %dma_start3A_525 = arith.constant 0 : i32
        %dma_start3A_526 = tpu.memref_slice %arg3[%dma_start3A_524, %dma_start3A_525] : memref<1000000x128xf32, #tpu.memory_space<hbm>> -> memref<1000000x128xf32, #tpu.memory_space<hbm>>
        tpu.enqueue_indirect_dma source(%dma_start3A_526 : memref<1000000x128xf32, #tpu.memory_space<hbm>>) target(%dma_start3A_520 : memref<100x128xf32, #tpu.memory_space<vmem>>) offsets(%dma_start3A_523 : memref<100xi32, #tpu.memory_space<vmem>>) semaphore(%arg10 : memref<!tpu.dma_semaphore, #tpu.memory_space<semaphore_mem>>)
      } else {
      }
      %dma_wait3A_465 = arith.constant 0 : i32
      %dma_wait3A_466 = arith.constant 3 : i32
      %dma_wait3A_467 = arith.constant 0 : i32
      %dma_wait3A_468 = arith.constant 0 : i32
      %dma_wait3A_469 = tpu.memref_slice %arg8[%dma_wait3A_466, %dma_wait3A_467, %dma_wait3A_468] : memref<4x100x128xf32, #tpu.memory_space<vmem>> -> memref<1x100x128xf32, #tpu.memory_space<vmem>>
      %dma_wait3A_470 = tpu.memref_squeeze %dma_wait3A_469 : memref<1x100x128xf32, #tpu.memory_space<vmem>> -> memref<100x128xf32, #tpu.memory_space<vmem>>
      %dma_wait3A_471 = arith.constant 0 : i32
      %dma_wait3A_472 = tpu.memref_slice %arg6[%dma_wait3A_465, %dma_wait3A_471] : memref<64x100xi32, #tpu.memory_space<vmem>> -> memref<1x100xi32, #tpu.memory_space<vmem>>
      %dma_wait3A_473 = tpu.memref_squeeze %dma_wait3A_472 : memref<1x100xi32, #tpu.memory_space<vmem>> -> memref<100xi32, #tpu.memory_space<vmem>>
      %dma_wait3A_474 = arith.constant 0 : i32
      %dma_wait3A_475 = arith.constant 0 : i32
      %dma_wait3A_476 = tpu.memref_slice %arg3[%dma_wait3A_474, %dma_wait3A_475] : memref<1000000x128xf32, #tpu.memory_space<hbm>> -> memref<1000000x128xf32, #tpu.memory_space<hbm>>
      tpu.wait_indirect_dma semaphore(%arg12 : memref<!tpu.dma_semaphore, #tpu.memory_space<semaphore_mem>>) src(%dma_wait3A_476 : memref<1000000x128xf32, #tpu.memory_space<hbm>>) dst(%dma_wait3A_470 : memref<100x128xf32, #tpu.memory_space<vmem>>)
      %rem3A_477 = arith.constant 2 : i32
      %rem3A_478 = arith.remsi %add3A_457, %rem3A_477 : i32
      %mul3A_479 = arith.constant 100 : i32
      %mul3A_480 = arith.muli %rem3A_478, %mul3A_479 : i32
      %scan3A_481 = arith.constant 0 : i32
      %scan3A_482 = arith.constant 0 : i32
      %scan3A_483 = arith.constant 100 : i32
      %scan3A_484 = arith.addi %scan3A_482, %scan3A_483 : i32
      %scan3A_485 = arith.constant 4 : i32
      scf.for %scan3A_503 = %scan3A_482 to %scan3A_484 step %scan3A_485  : i32 {
        %add3A_504 = arith.addi %mul3A_480, %scan3A_503 : i32
        %get3A = arith.index_cast %add3A_504 : i32 to index
        %get3A_505 = arith.constant 0 : index
        %get3A_506 = tpu.vector_load %arg7[%get3A, %get3A_505] {strides = array<i32>} : memref<200x128xf32, #tpu.memory_space<vmem>>, vector<1x16xf32>,
        %get3A_507 = vector.shape_cast %get3A_506 : vector<1x16xf32> to vector<16xf32>
        %swap3A = arith.constant 3 : i32
        %swap3A_508 = arith.index_cast %swap3A : i32 to index
        %swap3A_509 = arith.index_cast %scan3A_503 : i32 to index
        %swap3A_510 = arith.constant 0 : index
        %swap3A_511 = tpu.vector_load %arg8[%swap3A_508, %swap3A_509, %swap3A_510] {strides = array<i32>} : memref<4x100x128xf32, #tpu.memory_space<vmem>>, vector<1x1x16xf32>,
        %swap3A_512 = vector.shape_cast %swap3A_511 : vector<1x1x16xf32> to vector<16xf32>
        %swap3A_513 = vector.shape_cast %get3A_507 : vector<16xf32> to vector<1x1x16xf32>
        tpu.vector_store %arg8[%swap3A_508, %swap3A_509, %swap3A_510], %swap3A_513 {add = true, strides = array<i32>} : memref<4x100x128xf32, #tpu.memory_space<vmem>>, vector<1x1x16xf32>,
        %add3A_514 = arith.addi %mul3A_480, %scan3A_503 : i32
        %get3A_515 = arith.index_cast %add3A_514 : i32 to index
        %get3A_516 = arith.constant 16 : index
        %get3A_517 = tpu.vector_load %arg7[%get3A_515, %get3A_516] {strides = array<i32>} : memref<200x128xf32, #tpu.memory_space<vmem>>, vector<1x16xf32>,
        %get3A_518 = vector.shape_cast %get3A_517 : vector<1x16xf32> to vector<16xf32>
        %swap3A_519 = arith.constant 3 : i32
        %swap3A_520 = arith.index_cast %swap3A_519 : i32 to index
        %swap3A_521 = arith.index_cast %scan3A_503 : i32 to index
        %swap3A_522 = arith.constant 16 : index
        %swap3A_523 = tpu.vector_load %arg8[%swap3A_520, %swap3A_521, %swap3A_522] {strides = array<i32>} : memref<4x100x128xf32, #tpu.memory_space<vmem>>, vector<1x1x16xf32>,
        %swap3A_524 = vector.shape_cast %swap3A_523 : vector<1x1x16xf32> to vector<16xf32>
        %swap3A_525 = vector.shape_cast %get3A_518 : vector<16xf32> to vector<1x1x16xf32>
        tpu.vector_store %arg8[%swap3A_520, %swap3A_521, %swap3A_522], %swap3A_525 {add = true, strides = array<i32>} : memref<4x100x128xf32, #tpu.memory_space<vmem>>, vector<1x1x16xf32>,
        %add3A_526 = arith.addi %mul3A_480, %scan3A_503 : i32
        %get3A_527 = arith.index_cast %add3A_526 : i32 to index
        %get3A_528 = arith.constant 32 : index
        %get3A_529 = tpu.vector_load %arg7[%get3A_527, %get3A_528] {strides = array<i32>} : memref<200x128xf32, #tpu.memory_space<vmem>>, vector<1x16xf32>,
        %get3A_530 = vector.shape_cast %get3A_529 : vector<1x16xf32> to vector<16xf32>
        %swap3A_531 = arith.constant 3 : i32
        %swap3A_532 = arith.index_cast %swap3A_531 : i32 to index
        %swap3A_533 = arith.index_cast %scan3A_503 : i32 to index
        %swap3A_534 = arith.constant 32 : index
        %swap3A_535 = tpu.vector_load %arg8[%swap3A_532, %swap3A_533, %swap3A_534] {strides = array<i32>} : memref<4x100x128xf32, #tpu.memory_space<vmem>>, vector<1x1x16xf32>,
        %swap3A_536 = vector.shape_cast %swap3A_535 : vector<1x1x16xf32> to vector<16xf32>
        %swap3A_537 = vector.shape_cast %get3A_530 : vector<16xf32> to vector<1x1x16xf32>
        tpu.vector_store %arg8[%swap3A_532, %swap3A_533, %swap3A_534], %swap3A_537 {add = true, strides = array<i32>} : memref<4x100x128xf32, #tpu.memory_space<vmem>>, vector<1x1x16xf32>,
        %add3A_538 = arith.addi %mul3A_480, %scan3A_503 : i32
        %get3A_539 = arith.index_cast %add3A_538 : i32 to index
        %get3A_540 = arith.constant 48 : index
        %get3A_541 = tpu.vector_load %arg7[%get3A_539, %get3A_540] {strides = array<i32>} : memref<200x128xf32, #tpu.memory_space<vmem>>, vector<1x16xf32>,
        %get3A_542 = vector.shape_cast %get3A_541 : vector<1x16xf32> to vector<16xf32>
        %swap3A_543 = arith.constant 3 : i32
        %swap3A_544 = arith.index_cast %swap3A_543 : i32 to index
        %swap3A_545 = arith.index_cast %scan3A_503 : i32 to index
        %swap3A_546 = arith.constant 48 : index
        %swap3A_547 = tpu.vector_load %arg8[%swap3A_544, %swap3A_545, %swap3A_546] {strides = array<i32>} : memref<4x100x128xf32, #tpu.memory_space<vmem>>, vector<1x1x16xf32>,
        %swap3A_548 = vector.shape_cast %swap3A_547 : vector<1x1x16xf32> to vector<16xf32>
        %swap3A_549 = vector.shape_cast %get3A_542 : vector<16xf32> to vector<1x1x16xf32>
        tpu.vector_store %arg8[%swap3A_544, %swap3A_545, %swap3A_546], %swap3A_549 {add = true, strides = array<i32>} : memref<4x100x128xf32, #tpu.memory_space<vmem>>, vector<1x1x16xf32>,
        %add3A_550 = arith.addi %mul3A_480, %scan3A_503 : i32
        %get3A_551 = arith.index_cast %add3A_550 : i32 to index
        %get3A_552 = arith.constant 64 : index
        %get3A_553 = tpu.vector_load %arg7[%get3A_551, %get3A_552] {strides = array<i32>} : memref<200x128xf32, #tpu.memory_space<vmem>>, vector<1x16xf32>,
        %get3A_554 = vector.shape_cast %get3A_553 : vector<1x16xf32> to vector<16xf32>
        %swap3A_555 = arith.constant 3 : i32
        %swap3A_556 = arith.index_cast %swap3A_555 : i32 to index
        %swap3A_557 = arith.index_cast %scan3A_503 : i32 to index
        %swap3A_558 = arith.constant 64 : index
        %swap3A_559 = tpu.vector_load %arg8[%swap3A_556, %swap3A_557, %swap3A_558] {strides = array<i32>} : memref<4x100x128xf32, #tpu.memory_space<vmem>>, vector<1x1x16xf32>,
        %swap3A_560 = vector.shape_cast %swap3A_559 : vector<1x1x16xf32> to vector<16xf32>
        %swap3A_561 = vector.shape_cast %get3A_554 : vector<16xf32> to vector<1x1x16xf32>
        tpu.vector_store %arg8[%swap3A_556, %swap3A_557, %swap3A_558], %swap3A_561 {add = true, strides = array<i32>} : memref<4x100x128xf32, #tpu.memory_space<vmem>>, vector<1x1x16xf32>,
        %add3A_562 = arith.addi %mul3A_480, %scan3A_503 : i32
        %get3A_563 = arith.index_cast %add3A_562 : i32 to index
        %get3A_564 = arith.constant 80 : index
        %get3A_565 = tpu.vector_load %arg7[%get3A_563, %get3A_564] {strides = array<i32>} : memref<200x128xf32, #tpu.memory_space<vmem>>, vector<1x16xf32>,
        %get3A_566 = vector.shape_cast %get3A_565 : vector<1x16xf32> to vector<16xf32>
        %swap3A_567 = arith.constant 3 : i32
        %swap3A_568 = arith.index_cast %swap3A_567 : i32 to index
        %swap3A_569 = arith.index_cast %scan3A_503 : i32 to index
        %swap3A_570 = arith.constant 80 : index
        %swap3A_571 = tpu.vector_load %arg8[%swap3A_568, %swap3A_569, %swap3A_570] {strides = array<i32>} : memref<4x100x128xf32, #tpu.memory_space<vmem>>, vector<1x1x16xf32>,
        %swap3A_572 = vector.shape_cast %swap3A_571 : vector<1x1x16xf32> to vector<16xf32>
        %swap3A_573 = vector.shape_cast %get3A_566 : vector<16xf32> to vector<1x1x16xf32>
        tpu.vector_store %arg8[%swap3A_568, %swap3A_569, %swap3A_570], %swap3A_573 {add = true, strides = array<i32>} : memref<4x100x128xf32, #tpu.memory_space<vmem>>, vector<1x1x16xf32>,
        %add3A_574 = arith.addi %mul3A_480, %scan3A_503 : i32
        %get3A_575 = arith.index_cast %add3A_574 : i32 to index
        %get3A_576 = arith.constant 96 : index
        %get3A_577 = tpu.vector_load %arg7[%get3A_575, %get3A_576] {strides = array<i32>} : memref<200x128xf32, #tpu.memory_space<vmem>>, vector<1x16xf32>,
        %get3A_578 = vector.shape_cast %get3A_577 : vector<1x16xf32> to vector<16xf32>
        %swap3A_579 = arith.constant 3 : i32
        %swap3A_580 = arith.index_cast %swap3A_579 : i32 to index
        %swap3A_581 = arith.index_cast %scan3A_503 : i32 to index
        %swap3A_582 = arith.constant 96 : index
        %swap3A_583 = tpu.vector_load %arg8[%swap3A_580, %swap3A_581, %swap3A_582] {strides = array<i32>} : memref<4x100x128xf32, #tpu.memory_space<vmem>>, vector<1x1x16xf32>,
        %swap3A_584 = vector.shape_cast %swap3A_583 : vector<1x1x16xf32> to vector<16xf32>
        %swap3A_585 = vector.shape_cast %get3A_578 : vector<16xf32> to vector<1x1x16xf32>
        tpu.vector_store %arg8[%swap3A_580, %swap3A_581, %swap3A_582], %swap3A_585 {add = true, strides = array<i32>} : memref<4x100x128xf32, #tpu.memory_space<vmem>>, vector<1x1x16xf32>,
        %add3A_586 = arith.addi %mul3A_480, %scan3A_503 : i32
        %get3A_587 = arith.index_cast %add3A_586 : i32 to index
        %get3A_588 = arith.constant 112 : index
        %get3A_589 = tpu.vector_load %arg7[%get3A_587, %get3A_588] {strides = array<i32>} : memref<200x128xf32, #tpu.memory_space<vmem>>, vector<1x16xf32>,
        %get3A_590 = vector.shape_cast %get3A_589 : vector<1x16xf32> to vector<16xf32>
        %swap3A_591 = arith.constant 3 : i32
        %swap3A_592 = arith.index_cast %swap3A_591 : i32 to index
        %swap3A_593 = arith.index_cast %scan3A_503 : i32 to index
        %swap3A_594 = arith.constant 112 : index
        %swap3A_595 = tpu.vector_load %arg8[%swap3A_592, %swap3A_593, %swap3A_594] {strides = array<i32>} : memref<4x100x128xf32, #tpu.memory_space<vmem>>, vector<1x1x16xf32>,
        %swap3A_596 = vector.shape_cast %swap3A_595 : vector<1x1x16xf32> to vector<16xf32>
        %swap3A_597 = vector.shape_cast %get3A_590 : vector<16xf32> to vector<1x1x16xf32>
        tpu.vector_store %arg8[%swap3A_592, %swap3A_593, %swap3A_594], %swap3A_597 {add = true, strides = array<i32>} : memref<4x100x128xf32, #tpu.memory_space<vmem>>, vector<1x1x16xf32>,
        %scan3A_598 = arith.constant 1 : i32
        %scan3A_599 = arith.addi %scan3A_503, %scan3A_598 : i32
        %add3A_600 = arith.addi %mul3A_480, %scan3A_599 : i32
        %get3A_601 = arith.index_cast %add3A_600 : i32 to index
        %get3A_602 = arith.constant 0 : index
        %get3A_603 = tpu.vector_load %arg7[%get3A_601, %get3A_602] {strides = array<i32>} : memref<200x128xf32, #tpu.memory_space<vmem>>, vector<1x16xf32>,
        %get3A_604 = vector.shape_cast %get3A_603 : vector<1x16xf32> to vector<16xf32>
        %swap3A_605 = arith.constant 3 : i32
        %swap3A_606 = arith.index_cast %swap3A_605 : i32 to index
        %swap3A_607 = arith.index_cast %scan3A_599 : i32 to index
        %swap3A_608 = arith.constant 0 : index
        %swap3A_609 = tpu.vector_load %arg8[%swap3A_606, %swap3A_607, %swap3A_608] {strides = array<i32>} : memref<4x100x128xf32, #tpu.memory_space<vmem>>, vector<1x1x16xf32>,
        %swap3A_610 = vector.shape_cast %swap3A_609 : vector<1x1x16xf32> to vector<16xf32>
        %swap3A_611 = vector.shape_cast %get3A_604 : vector<16xf32> to vector<1x1x16xf32>
        tpu.vector_store %arg8[%swap3A_606, %swap3A_607, %swap3A_608], %swap3A_611 {add = true, strides = array<i32>} : memref<4x100x128xf32, #tpu.memory_space<vmem>>, vector<1x1x16xf32>,
        %add3A_612 = arith.addi %mul3A_480, %scan3A_599 : i32
        %get3A_613 = arith.index_cast %add3A_612 : i32 to index
        %get3A_614 = arith.constant 16 : index
        %get3A_615 = tpu.vector_load %arg7[%get3A_613, %get3A_614] {strides = array<i32>} : memref<200x128xf32, #tpu.memory_space<vmem>>, vector<1x16xf32>,
        %get3A_616 = vector.shape_cast %get3A_615 : vector<1x16xf32> to vector<16xf32>
        %swap3A_617 = arith.constant 3 : i32
        %swap3A_618 = arith.index_cast %swap3A_617 : i32 to index
        %swap3A_619 = arith.index_cast %scan3A_599 : i32 to index
        %swap3A_620 = arith.constant 16 : index
        %swap3A_621 = tpu.vector_load %arg8[%swap3A_618, %swap3A_619, %swap3A_620] {strides = array<i32>} : memref<4x100x128xf32, #tpu.memory_space<vmem>>, vector<1x1x16xf32>,
        %swap3A_622 = vector.shape_cast %swap3A_621 : vector<1x1x16xf32> to vector<16xf32>
        %swap3A_623 = vector.shape_cast %get3A_616 : vector<16xf32> to vector<1x1x16xf32>
        tpu.vector_store %arg8[%swap3A_618, %swap3A_619, %swap3A_620], %swap3A_623 {add = true, strides = array<i32>} : memref<4x100x128xf32, #tpu.memory_space<vmem>>, vector<1x1x16xf32>,
        %add3A_624 = arith.addi %mul3A_480, %scan3A_599 : i32
        %get3A_625 = arith.index_cast %add3A_624 : i32 to index
        %get3A_626 = arith.constant 32 : index
        %get3A_627 = tpu.vector_load %arg7[%get3A_625, %get3A_626] {strides = array<i32>} : memref<200x128xf32, #tpu.memory_space<vmem>>, vector<1x16xf32>,
        %get3A_628 = vector.shape_cast %get3A_627 : vector<1x16xf32> to vector<16xf32>
        %swap3A_629 = arith.constant 3 : i32
        %swap3A_630 = arith.index_cast %swap3A_629 : i32 to index
        %swap3A_631 = arith.index_cast %scan3A_599 : i32 to index
        %swap3A_632 = arith.constant 32 : index
        %swap3A_633 = tpu.vector_load %arg8[%swap3A_630, %swap3A_631, %swap3A_632] {strides = array<i32>} : memref<4x100x128xf32, #tpu.memory_space<vmem>>, vector<1x1x16xf32>,
        %swap3A_634 = vector.shape_cast %swap3A_633 : vector<1x1x16xf32> to vector<16xf32>
        %swap3A_635 = vector.shape_cast %get3A_628 : vector<16xf32> to vector<1x1x16xf32>
        tpu.vector_store %arg8[%swap3A_630, %swap3A_631, %swap3A_632], %swap3A_635 {add = true, strides = array<i32>} : memref<4x100x128xf32, #tpu.memory_space<vmem>>, vector<1x1x16xf32>,
        %add3A_636 = arith.addi %mul3A_480, %scan3A_599 : i32
        %get3A_637 = arith.index_cast %add3A_636 : i32 to index
        %get3A_638 = arith.constant 48 : index
        %get3A_639 = tpu.vector_load %arg7[%get3A_637, %get3A_638] {strides = array<i32>} : memref<200x128xf32, #tpu.memory_space<vmem>>, vector<1x16xf32>,
        %get3A_640 = vector.shape_cast %get3A_639 : vector<1x16xf32> to vector<16xf32>
        %swap3A_641 = arith.constant 3 : i32
        %swap3A_642 = arith.index_cast %swap3A_641 : i32 to index
        %swap3A_643 = arith.index_cast %scan3A_599 : i32 to index
        %swap3A_644 = arith.constant 48 : index
        %swap3A_645 = tpu.vector_load %arg8[%swap3A_642, %swap3A_643, %swap3A_644] {strides = array<i32>} : memref<4x100x128xf32, #tpu.memory_space<vmem>>, vector<1x1x16xf32>,
        %swap3A_646 = vector.shape_cast %swap3A_645 : vector<1x1x16xf32> to vector<16xf32>
        %swap3A_647 = vector.shape_cast %get3A_640 : vector<16xf32> to vector<1x1x16xf32>
        tpu.vector_store %arg8[%swap3A_642, %swap3A_643, %swap3A_644], %swap3A_647 {add = true, strides = array<i32>} : memref<4x100x128xf32, #tpu.memory_space<vmem>>, vector<1x1x16xf32>,
        %add3A_648 = arith.addi %mul3A_480, %scan3A_599 : i32
        %get3A_649 = arith.index_cast %add3A_648 : i32 to index
        %get3A_650 = arith.constant 64 : index
        %get3A_651 = tpu.vector_load %arg7[%get3A_649, %get3A_650] {strides = array<i32>} : memref<200x128xf32, #tpu.memory_space<vmem>>, vector<1x16xf32>,
        %get3A_652 = vector.shape_cast %get3A_651 : vector<1x16xf32> to vector<16xf32>
        %swap3A_653 = arith.constant 3 : i32
        %swap3A_654 = arith.index_cast %swap3A_653 : i32 to index
        %swap3A_655 = arith.index_cast %scan3A_599 : i32 to index
        %swap3A_656 = arith.constant 64 : index
        %swap3A_657 = tpu.vector_load %arg8[%swap3A_654, %swap3A_655, %swap3A_656] {strides = array<i32>} : memref<4x100x128xf32, #tpu.memory_space<vmem>>, vector<1x1x16xf32>,
        %swap3A_658 = vector.shape_cast %swap3A_657 : vector<1x1x16xf32> to vector<16xf32>
        %swap3A_659 = vector.shape_cast %get3A_652 : vector<16xf32> to vector<1x1x16xf32>
        tpu.vector_store %arg8[%swap3A_654, %swap3A_655, %swap3A_656], %swap3A_659 {add = true, strides = array<i32>} : memref<4x100x128xf32, #tpu.memory_space<vmem>>, vector<1x1x16xf32>,
        %add3A_660 = arith.addi %mul3A_480, %scan3A_599 : i32
        %get3A_661 = arith.index_cast %add3A_660 : i32 to index
        %get3A_662 = arith.constant 80 : index
        %get3A_663 = tpu.vector_load %arg7[%get3A_661, %get3A_662] {strides = array<i32>} : memref<200x128xf32, #tpu.memory_space<vmem>>, vector<1x16xf32>,
        %get3A_664 = vector.shape_cast %get3A_663 : vector<1x16xf32> to vector<16xf32>
        %swap3A_665 = arith.constant 3 : i32
        %swap3A_666 = arith.index_cast %swap3A_665 : i32 to index
        %swap3A_667 = arith.index_cast %scan3A_599 : i32 to index
        %swap3A_668 = arith.constant 80 : index
        %swap3A_669 = tpu.vector_load %arg8[%swap3A_666, %swap3A_667, %swap3A_668] {strides = array<i32>} : memref<4x100x128xf32, #tpu.memory_space<vmem>>, vector<1x1x16xf32>,
        %swap3A_670 = vector.shape_cast %swap3A_669 : vector<1x1x16xf32> to vector<16xf32>
        %swap3A_671 = vector.shape_cast %get3A_664 : vector<16xf32> to vector<1x1x16xf32>
        tpu.vector_store %arg8[%swap3A_666, %swap3A_667, %swap3A_668], %swap3A_671 {add = true, strides = array<i32>} : memref<4x100x128xf32, #tpu.memory_space<vmem>>, vector<1x1x16xf32>,
        %add3A_672 = arith.addi %mul3A_480, %scan3A_599 : i32
        %get3A_673 = arith.index_cast %add3A_672 : i32 to index
        %get3A_674 = arith.constant 96 : index
        %get3A_675 = tpu.vector_load %arg7[%get3A_673, %get3A_674] {strides = array<i32>} : memref<200x128xf32, #tpu.memory_space<vmem>>, vector<1x16xf32>,
        %get3A_676 = vector.shape_cast %get3A_675 : vector<1x16xf32> to vector<16xf32>
        %swap3A_677 = arith.constant 3 : i32
        %swap3A_678 = arith.index_cast %swap3A_677 : i32 to index
        %swap3A_679 = arith.index_cast %scan3A_599 : i32 to index
        %swap3A_680 = arith.constant 96 : index
        %swap3A_681 = tpu.vector_load %arg8[%swap3A_678, %swap3A_679, %swap3A_680] {strides = array<i32>} : memref<4x100x128xf32, #tpu.memory_space<vmem>>, vector<1x1x16xf32>,
        %swap3A_682 = vector.shape_cast %swap3A_681 : vector<1x1x16xf32> to vector<16xf32>
        %swap3A_683 = vector.shape_cast %get3A_676 : vector<16xf32> to vector<1x1x16xf32>
        tpu.vector_store %arg8[%swap3A_678, %swap3A_679, %swap3A_680], %swap3A_683 {add = true, strides = array<i32>} : memref<4x100x128xf32, #tpu.memory_space<vmem>>, vector<1x1x16xf32>,
        %add3A_684 = arith.addi %mul3A_480, %scan3A_599 : i32
        %get3A_685 = arith.index_cast %add3A_684 : i32 to index
        %get3A_686 = arith.constant 112 : index
        %get3A_687 = tpu.vector_load %arg7[%get3A_685, %get3A_686] {strides = array<i32>} : memref<200x128xf32, #tpu.memory_space<vmem>>, vector<1x16xf32>,
        %get3A_688 = vector.shape_cast %get3A_687 : vector<1x16xf32> to vector<16xf32>
        %swap3A_689 = arith.constant 3 : i32
        %swap3A_690 = arith.index_cast %swap3A_689 : i32 to index
        %swap3A_691 = arith.index_cast %scan3A_599 : i32 to index
        %swap3A_692 = arith.constant 112 : index
        %swap3A_693 = tpu.vector_load %arg8[%swap3A_690, %swap3A_691, %swap3A_692] {strides = array<i32>} : memref<4x100x128xf32, #tpu.memory_space<vmem>>, vector<1x1x16xf32>,
        %swap3A_694 = vector.shape_cast %swap3A_693 : vector<1x1x16xf32> to vector<16xf32>
        %swap3A_695 = vector.shape_cast %get3A_688 : vector<16xf32> to vector<1x1x16xf32>
        tpu.vector_store %arg8[%swap3A_690, %swap3A_691, %swap3A_692], %swap3A_695 {add = true, strides = array<i32>} : memref<4x100x128xf32, #tpu.memory_space<vmem>>, vector<1x1x16xf32>,
        %scan3A_696 = arith.constant 2 : i32
        %scan3A_697 = arith.addi %scan3A_503, %scan3A_696 : i32
        %add3A_698 = arith.addi %mul3A_480, %scan3A_697 : i32
        %get3A_699 = arith.index_cast %add3A_698 : i32 to index
        %get3A_700 = arith.constant 0 : index
        %get3A_701 = tpu.vector_load %arg7[%get3A_699, %get3A_700] {strides = array<i32>} : memref<200x128xf32, #tpu.memory_space<vmem>>, vector<1x16xf32>,
        %get3A_702 = vector.shape_cast %get3A_701 : vector<1x16xf32> to vector<16xf32>
        %swap3A_703 = arith.constant 3 : i32
        %swap3A_704 = arith.index_cast %swap3A_703 : i32 to index
        %swap3A_705 = arith.index_cast %scan3A_697 : i32 to index
        %swap3A_706 = arith.constant 0 : index
        %swap3A_707 = tpu.vector_load %arg8[%swap3A_704, %swap3A_705, %swap3A_706] {strides = array<i32>} : memref<4x100x128xf32, #tpu.memory_space<vmem>>, vector<1x1x16xf32>,
        %swap3A_708 = vector.shape_cast %swap3A_707 : vector<1x1x16xf32> to vector<16xf32>
        %swap3A_709 = vector.shape_cast %get3A_702 : vector<16xf32> to vector<1x1x16xf32>
        tpu.vector_store %arg8[%swap3A_704, %swap3A_705, %swap3A_706], %swap3A_709 {add = true, strides = array<i32>} : memref<4x100x128xf32, #tpu.memory_space<vmem>>, vector<1x1x16xf32>,
        %add3A_710 = arith.addi %mul3A_480, %scan3A_697 : i32
        %get3A_711 = arith.index_cast %add3A_710 : i32 to index
        %get3A_712 = arith.constant 16 : index
        %get3A_713 = tpu.vector_load %arg7[%get3A_711, %get3A_712] {strides = array<i32>} : memref<200x128xf32, #tpu.memory_space<vmem>>, vector<1x16xf32>,
        %get3A_714 = vector.shape_cast %get3A_713 : vector<1x16xf32> to vector<16xf32>
        %swap3A_715 = arith.constant 3 : i32
        %swap3A_716 = arith.index_cast %swap3A_715 : i32 to index
        %swap3A_717 = arith.index_cast %scan3A_697 : i32 to index
        %swap3A_718 = arith.constant 16 : index
        %swap3A_719 = tpu.vector_load %arg8[%swap3A_716, %swap3A_717, %swap3A_718] {strides = array<i32>} : memref<4x100x128xf32, #tpu.memory_space<vmem>>, vector<1x1x16xf32>,
        %swap3A_720 = vector.shape_cast %swap3A_719 : vector<1x1x16xf32> to vector<16xf32>
        %swap3A_721 = vector.shape_cast %get3A_714 : vector<16xf32> to vector<1x1x16xf32>
        tpu.vector_store %arg8[%swap3A_716, %swap3A_717, %swap3A_718], %swap3A_721 {add = true, strides = array<i32>} : memref<4x100x128xf32, #tpu.memory_space<vmem>>, vector<1x1x16xf32>,
        %add3A_722 = arith.addi %mul3A_480, %scan3A_697 : i32
        %get3A_723 = arith.index_cast %add3A_722 : i32 to index
        %get3A_724 = arith.constant 32 : index
        %get3A_725 = tpu.vector_load %arg7[%get3A_723, %get3A_724] {strides = array<i32>} : memref<200x128xf32, #tpu.memory_space<vmem>>, vector<1x16xf32>,
        %get3A_726 = vector.shape_cast %get3A_725 : vector<1x16xf32> to vector<16xf32>
        %swap3A_727 = arith.constant 3 : i32
        %swap3A_728 = arith.index_cast %swap3A_727 : i32 to index
        %swap3A_729 = arith.index_cast %scan3A_697 : i32 to index
        %swap3A_730 = arith.constant 32 : index
        %swap3A_731 = tpu.vector_load %arg8[%swap3A_728, %swap3A_729, %swap3A_730] {strides = array<i32>} : memref<4x100x128xf32, #tpu.memory_space<vmem>>, vector<1x1x16xf32>,
        %swap3A_732 = vector.shape_cast %swap3A_731 : vector<1x1x16xf32> to vector<16xf32>
        %swap3A_733 = vector.shape_cast %get3A_726 : vector<16xf32> to vector<1x1x16xf32>
        tpu.vector_store %arg8[%swap3A_728, %swap3A_729, %swap3A_730], %swap3A_733 {add = true, strides = array<i32>} : memref<4x100x128xf32, #tpu.memory_space<vmem>>, vector<1x1x16xf32>,
        %add3A_734 = arith.addi %mul3A_480, %scan3A_697 : i32
        %get3A_735 = arith.index_cast %add3A_734 : i32 to index
        %get3A_736 = arith.constant 48 : index
        %get3A_737 = tpu.vector_load %arg7[%get3A_735, %get3A_736] {strides = array<i32>} : memref<200x128xf32, #tpu.memory_space<vmem>>, vector<1x16xf32>,
        %get3A_738 = vector.shape_cast %get3A_737 : vector<1x16xf32> to vector<16xf32>
        %swap3A_739 = arith.constant 3 : i32
        %swap3A_740 = arith.index_cast %swap3A_739 : i32 to index
        %swap3A_741 = arith.index_cast %scan3A_697 : i32 to index
        %swap3A_742 = arith.constant 48 : index
        %swap3A_743 = tpu.vector_load %arg8[%swap3A_740, %swap3A_741, %swap3A_742] {strides = array<i32>} : memref<4x100x128xf32, #tpu.memory_space<vmem>>, vector<1x1x16xf32>,
        %swap3A_744 = vector.shape_cast %swap3A_743 : vector<1x1x16xf32> to vector<16xf32>
        %swap3A_745 = vector.shape_cast %get3A_738 : vector<16xf32> to vector<1x1x16xf32>
        tpu.vector_store %arg8[%swap3A_740, %swap3A_741, %swap3A_742], %swap3A_745 {add = true, strides = array<i32>} : memref<4x100x128xf32, #tpu.memory_space<vmem>>, vector<1x1x16xf32>,
        %add3A_746 = arith.addi %mul3A_480, %scan3A_697 : i32
        %get3A_747 = arith.index_cast %add3A_746 : i32 to index
        %get3A_748 = arith.constant 64 : index
        %get3A_749 = tpu.vector_load %arg7[%get3A_747, %get3A_748] {strides = array<i32>} : memref<200x128xf32, #tpu.memory_space<vmem>>, vector<1x16xf32>,
        %get3A_750 = vector.shape_cast %get3A_749 : vector<1x16xf32> to vector<16xf32>
        %swap3A_751 = arith.constant 3 : i32
        %swap3A_752 = arith.index_cast %swap3A_751 : i32 to index
        %swap3A_753 = arith.index_cast %scan3A_697 : i32 to index
        %swap3A_754 = arith.constant 64 : index
        %swap3A_755 = tpu.vector_load %arg8[%swap3A_752, %swap3A_753, %swap3A_754] {strides = array<i32>} : memref<4x100x128xf32, #tpu.memory_space<vmem>>, vector<1x1x16xf32>,
        %swap3A_756 = vector.shape_cast %swap3A_755 : vector<1x1x16xf32> to vector<16xf32>
        %swap3A_757 = vector.shape_cast %get3A_750 : vector<16xf32> to vector<1x1x16xf32>
        tpu.vector_store %arg8[%swap3A_752, %swap3A_753, %swap3A_754], %swap3A_757 {add = true, strides = array<i32>} : memref<4x100x128xf32, #tpu.memory_space<vmem>>, vector<1x1x16xf32>,
        %add3A_758 = arith.addi %mul3A_480, %scan3A_697 : i32
        %get3A_759 = arith.index_cast %add3A_758 : i32 to index
        %get3A_760 = arith.constant 80 : index
        %get3A_761 = tpu.vector_load %arg7[%get3A_759, %get3A_760] {strides = array<i32>} : memref<200x128xf32, #tpu.memory_space<vmem>>, vector<1x16xf32>,
        %get3A_762 = vector.shape_cast %get3A_761 : vector<1x16xf32> to vector<16xf32>
        %swap3A_763 = arith.constant 3 : i32
        %swap3A_764 = arith.index_cast %swap3A_763 : i32 to index
        %swap3A_765 = arith.index_cast %scan3A_697 : i32 to index
        %swap3A_766 = arith.constant 80 : index
        %swap3A_767 = tpu.vector_load %arg8[%swap3A_764, %swap3A_765, %swap3A_766] {strides = array<i32>} : memref<4x100x128xf32, #tpu.memory_space<vmem>>, vector<1x1x16xf32>,
        %swap3A_768 = vector.shape_cast %swap3A_767 : vector<1x1x16xf32> to vector<16xf32>
        %swap3A_769 = vector.shape_cast %get3A_762 : vector<16xf32> to vector<1x1x16xf32>
        tpu.vector_store %arg8[%swap3A_764, %swap3A_765, %swap3A_766], %swap3A_769 {add = true, strides = array<i32>} : memref<4x100x128xf32, #tpu.memory_space<vmem>>, vector<1x1x16xf32>,
        %add3A_770 = arith.addi %mul3A_480, %scan3A_697 : i32
        %get3A_771 = arith.index_cast %add3A_770 : i32 to index
        %get3A_772 = arith.constant 96 : index
        %get3A_773 = tpu.vector_load %arg7[%get3A_771, %get3A_772] {strides = array<i32>} : memref<200x128xf32, #tpu.memory_space<vmem>>, vector<1x16xf32>,
        %get3A_774 = vector.shape_cast %get3A_773 : vector<1x16xf32> to vector<16xf32>
        %swap3A_775 = arith.constant 3 : i32
        %swap3A_776 = arith.index_cast %swap3A_775 : i32 to index
        %swap3A_777 = arith.index_cast %scan3A_697 : i32 to index
        %swap3A_778 = arith.constant 96 : index
        %swap3A_779 = tpu.vector_load %arg8[%swap3A_776, %swap3A_777, %swap3A_778] {strides = array<i32>} : memref<4x100x128xf32, #tpu.memory_space<vmem>>, vector<1x1x16xf32>,
        %swap3A_780 = vector.shape_cast %swap3A_779 : vector<1x1x16xf32> to vector<16xf32>
        %swap3A_781 = vector.shape_cast %get3A_774 : vector<16xf32> to vector<1x1x16xf32>
        tpu.vector_store %arg8[%swap3A_776, %swap3A_777, %swap3A_778], %swap3A_781 {add = true, strides = array<i32>} : memref<4x100x128xf32, #tpu.memory_space<vmem>>, vector<1x1x16xf32>,
        %add3A_782 = arith.addi %mul3A_480, %scan3A_697 : i32
        %get3A_783 = arith.index_cast %add3A_782 : i32 to index
        %get3A_784 = arith.constant 112 : index
        %get3A_785 = tpu.vector_load %arg7[%get3A_783, %get3A_784] {strides = array<i32>} : memref<200x128xf32, #tpu.memory_space<vmem>>, vector<1x16xf32>,
        %get3A_786 = vector.shape_cast %get3A_785 : vector<1x16xf32> to vector<16xf32>
        %swap3A_787 = arith.constant 3 : i32
        %swap3A_788 = arith.index_cast %swap3A_787 : i32 to index
        %swap3A_789 = arith.index_cast %scan3A_697 : i32 to index
        %swap3A_790 = arith.constant 112 : index
        %swap3A_791 = tpu.vector_load %arg8[%swap3A_788, %swap3A_789, %swap3A_790] {strides = array<i32>} : memref<4x100x128xf32, #tpu.memory_space<vmem>>, vector<1x1x16xf32>,
        %swap3A_792 = vector.shape_cast %swap3A_791 : vector<1x1x16xf32> to vector<16xf32>
        %swap3A_793 = vector.shape_cast %get3A_786 : vector<16xf32> to vector<1x1x16xf32>
        tpu.vector_store %arg8[%swap3A_788, %swap3A_789, %swap3A_790], %swap3A_793 {add = true, strides = array<i32>} : memref<4x100x128xf32, #tpu.memory_space<vmem>>, vector<1x1x16xf32>,
        %scan3A_794 = arith.constant 3 : i32
        %scan3A_795 = arith.addi %scan3A_503, %scan3A_794 : i32
        %add3A_796 = arith.addi %mul3A_480, %scan3A_795 : i32
        %get3A_797 = arith.index_cast %add3A_796 : i32 to index
        %get3A_798 = arith.constant 0 : index
        %get3A_799 = tpu.vector_load %arg7[%get3A_797, %get3A_798] {strides = array<i32>} : memref<200x128xf32, #tpu.memory_space<vmem>>, vector<1x16xf32>,
        %get3A_800 = vector.shape_cast %get3A_799 : vector<1x16xf32> to vector<16xf32>
        %swap3A_801 = arith.constant 3 : i32
        %swap3A_802 = arith.index_cast %swap3A_801 : i32 to index
        %swap3A_803 = arith.index_cast %scan3A_795 : i32 to index
        %swap3A_804 = arith.constant 0 : index
        %swap3A_805 = tpu.vector_load %arg8[%swap3A_802, %swap3A_803, %swap3A_804] {strides = array<i32>} : memref<4x100x128xf32, #tpu.memory_space<vmem>>, vector<1x1x16xf32>,
        %swap3A_806 = vector.shape_cast %swap3A_805 : vector<1x1x16xf32> to vector<16xf32>
        %swap3A_807 = vector.shape_cast %get3A_800 : vector<16xf32> to vector<1x1x16xf32>
        tpu.vector_store %arg8[%swap3A_802, %swap3A_803, %swap3A_804], %swap3A_807 {add = true, strides = array<i32>} : memref<4x100x128xf32, #tpu.memory_space<vmem>>, vector<1x1x16xf32>,
        %add3A_808 = arith.addi %mul3A_480, %scan3A_795 : i32
        %get3A_809 = arith.index_cast %add3A_808 : i32 to index
        %get3A_810 = arith.constant 16 : index
        %get3A_811 = tpu.vector_load %arg7[%get3A_809, %get3A_810] {strides = array<i32>} : memref<200x128xf32, #tpu.memory_space<vmem>>, vector<1x16xf32>,
        %get3A_812 = vector.shape_cast %get3A_811 : vector<1x16xf32> to vector<16xf32>
        %swap3A_813 = arith.constant 3 : i32
        %swap3A_814 = arith.index_cast %swap3A_813 : i32 to index
        %swap3A_815 = arith.index_cast %scan3A_795 : i32 to index
        %swap3A_816 = arith.constant 16 : index
        %swap3A_817 = tpu.vector_load %arg8[%swap3A_814, %swap3A_815, %swap3A_816] {strides = array<i32>} : memref<4x100x128xf32, #tpu.memory_space<vmem>>, vector<1x1x16xf32>,
        %swap3A_818 = vector.shape_cast %swap3A_817 : vector<1x1x16xf32> to vector<16xf32>
        %swap3A_819 = vector.shape_cast %get3A_812 : vector<16xf32> to vector<1x1x16xf32>
        tpu.vector_store %arg8[%swap3A_814, %swap3A_815, %swap3A_816], %swap3A_819 {add = true, strides = array<i32>} : memref<4x100x128xf32, #tpu.memory_space<vmem>>, vector<1x1x16xf32>,
        %add3A_820 = arith.addi %mul3A_480, %scan3A_795 : i32
        %get3A_821 = arith.index_cast %add3A_820 : i32 to index
        %get3A_822 = arith.constant 32 : index
        %get3A_823 = tpu.vector_load %arg7[%get3A_821, %get3A_822] {strides = array<i32>} : memref<200x128xf32, #tpu.memory_space<vmem>>, vector<1x16xf32>,
        %get3A_824 = vector.shape_cast %get3A_823 : vector<1x16xf32> to vector<16xf32>
        %swap3A_825 = arith.constant 3 : i32
        %swap3A_826 = arith.index_cast %swap3A_825 : i32 to index
        %swap3A_827 = arith.index_cast %scan3A_795 : i32 to index
        %swap3A_828 = arith.constant 32 : index
        %swap3A_829 = tpu.vector_load %arg8[%swap3A_826, %swap3A_827, %swap3A_828] {strides = array<i32>} : memref<4x100x128xf32, #tpu.memory_space<vmem>>, vector<1x1x16xf32>,
        %swap3A_830 = vector.shape_cast %swap3A_829 : vector<1x1x16xf32> to vector<16xf32>
        %swap3A_831 = vector.shape_cast %get3A_824 : vector<16xf32> to vector<1x1x16xf32>
        tpu.vector_store %arg8[%swap3A_826, %swap3A_827, %swap3A_828], %swap3A_831 {add = true, strides = array<i32>} : memref<4x100x128xf32, #tpu.memory_space<vmem>>, vector<1x1x16xf32>,
        %add3A_832 = arith.addi %mul3A_480, %scan3A_795 : i32
        %get3A_833 = arith.index_cast %add3A_832 : i32 to index
        %get3A_834 = arith.constant 48 : index
        %get3A_835 = tpu.vector_load %arg7[%get3A_833, %get3A_834] {strides = array<i32>} : memref<200x128xf32, #tpu.memory_space<vmem>>, vector<1x16xf32>,
        %get3A_836 = vector.shape_cast %get3A_835 : vector<1x16xf32> to vector<16xf32>
        %swap3A_837 = arith.constant 3 : i32
        %swap3A_838 = arith.index_cast %swap3A_837 : i32 to index
        %swap3A_839 = arith.index_cast %scan3A_795 : i32 to index
        %swap3A_840 = arith.constant 48 : index
        %swap3A_841 = tpu.vector_load %arg8[%swap3A_838, %swap3A_839, %swap3A_840] {strides = array<i32>} : memref<4x100x128xf32, #tpu.memory_space<vmem>>, vector<1x1x16xf32>,
        %swap3A_842 = vector.shape_cast %swap3A_841 : vector<1x1x16xf32> to vector<16xf32>
        %swap3A_843 = vector.shape_cast %get3A_836 : vector<16xf32> to vector<1x1x16xf32>
        tpu.vector_store %arg8[%swap3A_838, %swap3A_839, %swap3A_840], %swap3A_843 {add = true, strides = array<i32>} : memref<4x100x128xf32, #tpu.memory_space<vmem>>, vector<1x1x16xf32>,
        %add3A_844 = arith.addi %mul3A_480, %scan3A_795 : i32
        %get3A_845 = arith.index_cast %add3A_844 : i32 to index
        %get3A_846 = arith.constant 64 : index
        %get3A_847 = tpu.vector_load %arg7[%get3A_845, %get3A_846] {strides = array<i32>} : memref<200x128xf32, #tpu.memory_space<vmem>>, vector<1x16xf32>,
        %get3A_848 = vector.shape_cast %get3A_847 : vector<1x16xf32> to vector<16xf32>
        %swap3A_849 = arith.constant 3 : i32
        %swap3A_850 = arith.index_cast %swap3A_849 : i32 to index
        %swap3A_851 = arith.index_cast %scan3A_795 : i32 to index
        %swap3A_852 = arith.constant 64 : index
        %swap3A_853 = tpu.vector_load %arg8[%swap3A_850, %swap3A_851, %swap3A_852] {strides = array<i32>} : memref<4x100x128xf32, #tpu.memory_space<vmem>>, vector<1x1x16xf32>,
        %swap3A_854 = vector.shape_cast %swap3A_853 : vector<1x1x16xf32> to vector<16xf32>
        %swap3A_855 = vector.shape_cast %get3A_848 : vector<16xf32> to vector<1x1x16xf32>
        tpu.vector_store %arg8[%swap3A_850, %swap3A_851, %swap3A_852], %swap3A_855 {add = true, strides = array<i32>} : memref<4x100x128xf32, #tpu.memory_space<vmem>>, vector<1x1x16xf32>,
        %add3A_856 = arith.addi %mul3A_480, %scan3A_795 : i32
        %get3A_857 = arith.index_cast %add3A_856 : i32 to index
        %get3A_858 = arith.constant 80 : index
        %get3A_859 = tpu.vector_load %arg7[%get3A_857, %get3A_858] {strides = array<i32>} : memref<200x128xf32, #tpu.memory_space<vmem>>, vector<1x16xf32>,
        %get3A_860 = vector.shape_cast %get3A_859 : vector<1x16xf32> to vector<16xf32>
        %swap3A_861 = arith.constant 3 : i32
        %swap3A_862 = arith.index_cast %swap3A_861 : i32 to index
        %swap3A_863 = arith.index_cast %scan3A_795 : i32 to index
        %swap3A_864 = arith.constant 80 : index
        %swap3A_865 = tpu.vector_load %arg8[%swap3A_862, %swap3A_863, %swap3A_864] {strides = array<i32>} : memref<4x100x128xf32, #tpu.memory_space<vmem>>, vector<1x1x16xf32>,
        %swap3A_866 = vector.shape_cast %swap3A_865 : vector<1x1x16xf32> to vector<16xf32>
        %swap3A_867 = vector.shape_cast %get3A_860 : vector<16xf32> to vector<1x1x16xf32>
        tpu.vector_store %arg8[%swap3A_862, %swap3A_863, %swap3A_864], %swap3A_867 {add = true, strides = array<i32>} : memref<4x100x128xf32, #tpu.memory_space<vmem>>, vector<1x1x16xf32>,
        %add3A_868 = arith.addi %mul3A_480, %scan3A_795 : i32
        %get3A_869 = arith.index_cast %add3A_868 : i32 to index
        %get3A_870 = arith.constant 96 : index
        %get3A_871 = tpu.vector_load %arg7[%get3A_869, %get3A_870] {strides = array<i32>} : memref<200x128xf32, #tpu.memory_space<vmem>>, vector<1x16xf32>,
        %get3A_872 = vector.shape_cast %get3A_871 : vector<1x16xf32> to vector<16xf32>
        %swap3A_873 = arith.constant 3 : i32
        %swap3A_874 = arith.index_cast %swap3A_873 : i32 to index
        %swap3A_875 = arith.index_cast %scan3A_795 : i32 to index
        %swap3A_876 = arith.constant 96 : index
        %swap3A_877 = tpu.vector_load %arg8[%swap3A_874, %swap3A_875, %swap3A_876] {strides = array<i32>} : memref<4x100x128xf32, #tpu.memory_space<vmem>>, vector<1x1x16xf32>,
        %swap3A_878 = vector.shape_cast %swap3A_877 : vector<1x1x16xf32> to vector<16xf32>
        %swap3A_879 = vector.shape_cast %get3A_872 : vector<16xf32> to vector<1x1x16xf32>
        tpu.vector_store %arg8[%swap3A_874, %swap3A_875, %swap3A_876], %swap3A_879 {add = true, strides = array<i32>} : memref<4x100x128xf32, #tpu.memory_space<vmem>>, vector<1x1x16xf32>,
        %add3A_880 = arith.addi %mul3A_480, %scan3A_795 : i32
        %get3A_881 = arith.index_cast %add3A_880 : i32 to index
        %get3A_882 = arith.constant 112 : index
        %get3A_883 = tpu.vector_load %arg7[%get3A_881, %get3A_882] {strides = array<i32>} : memref<200x128xf32, #tpu.memory_space<vmem>>, vector<1x16xf32>,
        %get3A_884 = vector.shape_cast %get3A_883 : vector<1x16xf32> to vector<16xf32>
        %swap3A_885 = arith.constant 3 : i32
        %swap3A_886 = arith.index_cast %swap3A_885 : i32 to index
        %swap3A_887 = arith.index_cast %scan3A_795 : i32 to index
        %swap3A_888 = arith.constant 112 : index
        %swap3A_889 = tpu.vector_load %arg8[%swap3A_886, %swap3A_887, %swap3A_888] {strides = array<i32>} : memref<4x100x128xf32, #tpu.memory_space<vmem>>, vector<1x1x16xf32>,
        %swap3A_890 = vector.shape_cast %swap3A_889 : vector<1x1x16xf32> to vector<16xf32>
        %swap3A_891 = vector.shape_cast %get3A_884 : vector<16xf32> to vector<1x1x16xf32>
        tpu.vector_store %arg8[%swap3A_886, %swap3A_887, %swap3A_888], %swap3A_891 {add = true, strides = array<i32>} : memref<4x100x128xf32, #tpu.memory_space<vmem>>, vector<1x1x16xf32>,
      }
      %scan3A_486 = arith.constant 100 : i32
      %mul3A_487 = arith.constant 100 : i32
      %mul3A_488 = arith.muli %add3A_457, %mul3A_487 : i32
      %add3A_489 = arith.addi %mul3A_2, %mul3A_488 : i32
      %dma_start3A_490 = arith.constant 3 : i32
      %dma_start3A_491 = arith.constant 0 : i32
      %dma_start3A_492 = arith.constant 0 : i32
      %dma_start3A_493 = tpu.memref_slice %arg8[%dma_start3A_490, %dma_start3A_491, %dma_start3A_492] : memref<4x100x128xf32, #tpu.memory_space<vmem>> -> memref<1x100x128xf32, #tpu.memory_space<vmem>>
      %dma_start3A_494 = tpu.memref_squeeze %dma_start3A_493 : memref<1x100x128xf32, #tpu.memory_space<vmem>> -> memref<100x128xf32, #tpu.memory_space<vmem>>
      %dma_start3A_495 = arith.constant 0 : i32
      %dma_start3A_496 = tpu.memref_slice %arg5[%add3A_489, %dma_start3A_495] : memref<204800x128xf32, #tpu.memory_space<hbm>> -> memref<100x128xf32, #tpu.memory_space<hbm>>
      %dma_start3A_497 = arith.constant 0 : i32
      %dma_start3A_498 = tpu.memref_slice %arg5[%add3A_489, %dma_start3A_497] : memref<204800x128xf32, #tpu.memory_space<hbm>> -> memref<100x128xf32, #tpu.memory_space<hbm>>
      %dma_start3A_499 = arith.constant 0 : i32
      %dma_start3A_500 = arith.constant 0 : i32
      %dma_start3A_501 = tpu.memref_slice %arg8[%dma_start3A_490, %dma_start3A_499, %dma_start3A_500] : memref<4x100x128xf32, #tpu.memory_space<vmem>> -> memref<1x100x128xf32, #tpu.memory_space<vmem>>
      %dma_start3A_502 = tpu.memref_squeeze %dma_start3A_501 : memref<1x100x128xf32, #tpu.memory_space<vmem>> -> memref<100x128xf32, #tpu.memory_space<vmem>>
      tpu.enqueue_dma source(%dma_start3A_502 : memref<100x128xf32, #tpu.memory_space<vmem>>) target(%dma_start3A_498 : memref<100x128xf32, #tpu.memory_space<hbm>>) target_semaphore(%arg16 : memref<!tpu.dma_semaphore, #tpu.memory_space<semaphore_mem>>)
    }
    %scan3A_256 = arith.constant 15 : i32
    %dma_wait3A_257 = arith.constant 0 : i32
    %dma_wait3A_258 = arith.constant 0 : i32
    %dma_wait3A_259 = arith.constant 0 : i32
    %dma_wait3A_260 = tpu.memref_slice %arg8[%dma_wait3A_257, %dma_wait3A_258, %dma_wait3A_259] : memref<4x100x128xf32, #tpu.memory_space<vmem>> -> memref<1x100x128xf32, #tpu.memory_space<vmem>>
    %dma_wait3A_261 = tpu.memref_squeeze %dma_wait3A_260 : memref<1x100x128xf32, #tpu.memory_space<vmem>> -> memref<100x128xf32, #tpu.memory_space<vmem>>
    %dma_wait3A_262 = arith.constant 0 : i32
    %dma_wait3A_263 = tpu.memref_slice %arg5[%mul3A_2, %dma_wait3A_262] : memref<204800x128xf32, #tpu.memory_space<hbm>> -> memref<100x128xf32, #tpu.memory_space<hbm>>
    %dma_wait3A_264 = arith.constant 0 : i32
    %dma_wait3A_265 = tpu.memref_slice %arg5[%mul3A_2, %dma_wait3A_264] : memref<204800x128xf32, #tpu.memory_space<hbm>> -> memref<100x128xf32, #tpu.memory_space<hbm>>
    %dma_wait3A_266 = arith.constant 0 : i32
    %dma_wait3A_267 = arith.constant 0 : i32
    %dma_wait3A_268 = tpu.memref_slice %arg8[%dma_wait3A_257, %dma_wait3A_266, %dma_wait3A_267] : memref<4x100x128xf32, #tpu.memory_space<vmem>> -> memref<1x100x128xf32, #tpu.memory_space<vmem>>
    %dma_wait3A_269 = tpu.memref_squeeze %dma_wait3A_268 : memref<1x100x128xf32, #tpu.memory_space<vmem>> -> memref<100x128xf32, #tpu.memory_space<vmem>>
    tpu.wait_dma2 semaphore(%arg13 : memref<!tpu.dma_semaphore, #tpu.memory_space<semaphore_mem>>) src(%dma_wait3A_269 : memref<100x128xf32, #tpu.memory_space<vmem>>) dst(%dma_wait3A_265 : memref<100x128xf32, #tpu.memory_space<hbm>>)
    %dma_wait3A_270 = arith.constant 1 : i32
    %dma_wait3A_271 = arith.constant 0 : i32
    %dma_wait3A_272 = arith.constant 0 : i32
    %dma_wait3A_273 = tpu.memref_slice %arg8[%dma_wait3A_270, %dma_wait3A_271, %dma_wait3A_272] : memref<4x100x128xf32, #tpu.memory_space<vmem>> -> memref<1x100x128xf32, #tpu.memory_space<vmem>>
    %dma_wait3A_274 = tpu.memref_squeeze %dma_wait3A_273 : memref<1x100x128xf32, #tpu.memory_space<vmem>> -> memref<100x128xf32, #tpu.memory_space<vmem>>
    %dma_wait3A_275 = arith.constant 0 : i32
    %dma_wait3A_276 = tpu.memref_slice %arg5[%mul3A_2, %dma_wait3A_275] : memref<204800x128xf32, #tpu.memory_space<hbm>> -> memref<100x128xf32, #tpu.memory_space<hbm>>
    %dma_wait3A_277 = arith.constant 0 : i32
    %dma_wait3A_278 = tpu.memref_slice %arg5[%mul3A_2, %dma_wait3A_277] : memref<204800x128xf32, #tpu.memory_space<hbm>> -> memref<100x128xf32, #tpu.memory_space<hbm>>
    %dma_wait3A_279 = arith.constant 0 : i32
    %dma_wait3A_280 = arith.constant 0 : i32
    %dma_wait3A_281 = tpu.memref_slice %arg8[%dma_wait3A_270, %dma_wait3A_279, %dma_wait3A_280] : memref<4x100x128xf32, #tpu.memory_space<vmem>> -> memref<1x100x128xf32, #tpu.memory_space<vmem>>
    %dma_wait3A_282 = tpu.memref_squeeze %dma_wait3A_281 : memref<1x100x128xf32, #tpu.memory_space<vmem>> -> memref<100x128xf32, #tpu.memory_space<vmem>>
    tpu.wait_dma2 semaphore(%arg14 : memref<!tpu.dma_semaphore, #tpu.memory_space<semaphore_mem>>) src(%dma_wait3A_282 : memref<100x128xf32, #tpu.memory_space<vmem>>) dst(%dma_wait3A_278 : memref<100x128xf32, #tpu.memory_space<hbm>>)
    %dma_wait3A_283 = arith.constant 2 : i32
    %dma_wait3A_284 = arith.constant 0 : i32
    %dma_wait3A_285 = arith.constant 0 : i32
    %dma_wait3A_286 = tpu.memref_slice %arg8[%dma_wait3A_283, %dma_wait3A_284, %dma_wait3A_285] : memref<4x100x128xf32, #tpu.memory_space<vmem>> -> memref<1x100x128xf32, #tpu.memory_space<vmem>>
    %dma_wait3A_287 = tpu.memref_squeeze %dma_wait3A_286 : memref<1x100x128xf32, #tpu.memory_space<vmem>> -> memref<100x128xf32, #tpu.memory_space<vmem>>
    %dma_wait3A_288 = arith.constant 0 : i32
    %dma_wait3A_289 = tpu.memref_slice %arg5[%mul3A_2, %dma_wait3A_288] : memref<204800x128xf32, #tpu.memory_space<hbm>> -> memref<100x128xf32, #tpu.memory_space<hbm>>
    %dma_wait3A_290 = arith.constant 0 : i32
    %dma_wait3A_291 = tpu.memref_slice %arg5[%mul3A_2, %dma_wait3A_290] : memref<204800x128xf32, #tpu.memory_space<hbm>> -> memref<100x128xf32, #tpu.memory_space<hbm>>
    %dma_wait3A_292 = arith.constant 0 : i32
    %dma_wait3A_293 = arith.constant 0 : i32
    %dma_wait3A_294 = tpu.memref_slice %arg8[%dma_wait3A_283, %dma_wait3A_292, %dma_wait3A_293] : memref<4x100x128xf32, #tpu.memory_space<vmem>> -> memref<1x100x128xf32, #tpu.memory_space<vmem>>
    %dma_wait3A_295 = tpu.memref_squeeze %dma_wait3A_294 : memref<1x100x128xf32, #tpu.memory_space<vmem>> -> memref<100x128xf32, #tpu.memory_space<vmem>>
    tpu.wait_dma2 semaphore(%arg15 : memref<!tpu.dma_semaphore, #tpu.memory_space<semaphore_mem>>) src(%dma_wait3A_295 : memref<100x128xf32, #tpu.memory_space<vmem>>) dst(%dma_wait3A_291 : memref<100x128xf32, #tpu.memory_space<hbm>>)
    %dma_wait3A_296 = arith.constant 3 : i32
    %dma_wait3A_297 = arith.constant 0 : i32
    %dma_wait3A_298 = arith.constant 0 : i32
    %dma_wait3A_299 = tpu.memref_slice %arg8[%dma_wait3A_296, %dma_wait3A_297, %dma_wait3A_298] : memref<4x100x128xf32, #tpu.memory_space<vmem>> -> memref<1x100x128xf32, #tpu.memory_space<vmem>>
    %dma_wait3A_300 = tpu.memref_squeeze %dma_wait3A_299 : memref<1x100x128xf32, #tpu.memory_space<vmem>> -> memref<100x128xf32, #tpu.memory_space<vmem>>
    %dma_wait3A_301 = arith.constant 0 : i32
    %dma_wait3A_302 = tpu.memref_slice %arg5[%mul3A_2, %dma_wait3A_301] : memref<204800x128xf32, #tpu.memory_space<hbm>> -> memref<100x128xf32, #tpu.memory_space<hbm>>
    %dma_wait3A_303 = arith.constant 0 : i32
    %dma_wait3A_304 = tpu.memref_slice %arg5[%mul3A_2, %dma_wait3A_303] : memref<204800x128xf32, #tpu.memory_space<hbm>> -> memref<100x128xf32, #tpu.memory_space<hbm>>
    %dma_wait3A_305 = arith.constant 0 : i32
    %dma_wait3A_306 = arith.constant 0 : i32
    %dma_wait3A_307 = tpu.memref_slice %arg8[%dma_wait3A_296, %dma_wait3A_305, %dma_wait3A_306] : memref<4x100x128xf32, #tpu.memory_space<vmem>> -> memref<1x100x128xf32, #tpu.memory_space<vmem>>
    %dma_wait3A_308 = tpu.memref_squeeze %dma_wait3A_307 : memref<1x100x128xf32, #tpu.memory_space<vmem>> -> memref<100x128xf32, #tpu.memory_space<vmem>>
    tpu.wait_dma2 semaphore(%arg16 : memref<!tpu.dma_semaphore, #tpu.memory_space<semaphore_mem>>) src(%dma_wait3A_308 : memref<100x128xf32, #tpu.memory_space<vmem>>) dst(%dma_wait3A_304 : memref<100x128xf32, #tpu.memory_space<hbm>>)
    return
  }
}

</mosaic_0001>

<sc_bundles>
// kernel: _emb.3.cloned.1.call-start
scs
__scs_entry_jumppad:
0x0: {  	(pc) =	sbr.rel $0x88, $3  }
0x1: {  	(tag) =	ssettag $0x0;
	lr =	simm.s32 $0x1  }
0x2: {  	[smem:$0x3F9F] =	sst lr;
	_ =	strace $0xD0000000  }
0x3: {  	_ = 	snop  }
0x4: {  	_ = 	snop  }
0x5: {  	_ = 	snop  }
0x6: {  	_ = 	snop  }
0x7: {  	_ = 	snop  }
__scs_overlays_trampoline_lowered:
0x8: {  	[smem:$0x3FAE] =	sst s0  }
0x9: {  	[smem:$0x3FAF] =	sst s1  }
0xa: {  	[smem:$0x3FB0] =	sst s2  }
0xb: {  	[smem:$0x3FB1] =	sst s3  }
0xc: {  	[smem:$0x3FB2] =	sst s4  }
0xd: {  	[smem:$0x3FB3] =	sst s5  }
0xe: {  	[smem:$0x3FB4] =	sst s6  }
0xf: {  	[smem:$0x3FB5] =	sst s7  }
0x10: {  	[smem:$0x3FB6] =	sst s8  }
0x11: {  	[smem:$0x3FB7] =	sst s9;
	s0 =	simm.s32 @!p0 $0x0  }
0x12: {  	s1 =	sld [smem:$0x3F9D];
	s0 =	simm.s32 @p0 $0x1  }
0x13: {  	[smem:$0x3FB8] =	sst s0;
	s0 =	simm.s32 @!p1 $0x0  }
0x14: {  	s2 =	sld [smem:$0x3F9C];
	s0 =	simm.s32 @p1 $0x1  }
0x15: {  	[smem:$0x3FB9] =	sst s0;
	s0 =	simm.s32 @!p2 $0x0  }
0x16: {  	s3 =	sld [smem:$0x3FDB];
	s0 =	simm.s32 @p2 $0x1  }
0x17: {  	s4 =	simm.s32 $0x1BF5;
	[smem:$0x3FBB] =	sst s0  }
0x18: {  	s0 =	sld [smem:$0x3F9E];
	_ =	swait.ge [sflag:s4], $0x0  }
0x19: {  	s7 =	sld [smem:$0x3F9F]  }
0x1a: {  	s8 =	sadd.s32 $0xFFFFE003, lr  }
0x1b: {  	s9 =	sadd.s32 $0xFFFFFEF7, lr;
	s5 =	simm.s32 $0xFFFFFFFF;
	p2 =	slt.u32 s8, $0xFFFFF086  }
0x1c: {  	p1 =	slt.u32 s9, $0xF7A;
	s5 =	simm.s32 @!p2 $0x0  }
0x1d: {  	s5 =	simm.s32 @p1 $0x1;
	p0 =	seq.s32 s7, s2  }
0x1e: {  	s7 =	smul.u32 @!p0 $0xF7A, s2;
	p2 =	seq.s32 @!p0 s5, $0x0  }
0x1f: {  	s9 =	smul.u32 $0xF7A, s1;
	s8 =	simm.s32 @!p0 $0x1BF5;
	p2 =	por !p2, p0  }
0x20: {  	[sflag:s8] =	ssyncset.s32 @!p0 $0xFFFFF086;
	s6 =	sadd.s32 @!p0 s3, s7;
	s7 =	simm.s32 @!p0 $0x108  }
0x21: {  	s3 =	sadd.s32 s3, s9;
	s6 =	sadd.s32 @!p0 $0x88, s6;
	s7 =	simm.s32 @p2 $0x1082  }
0x22: {  	[simem:s7], [sflag:s8] =	dma.local @!p0 [hbm:s6], $0xF7A  }
0x23: {  	s9 =	sor.u32 $0xD0000000, s2;
	s6 =	simm.s32 $0x108;
	_ =	swait.ge @!p0 [sflag:s8], $0x0  }
0x24: {  	s3 =	sadd.s32 $0x88, s3;
	s6 =	simm.s32 @!p1 $0x1082;
	[sflag:s4] =	ssyncset.s32 $0xFFFFF086  }
0x25: {  	[simem:s6], [sflag:s4] =	dma.local [hbm:s3], $0xF7A  }
0x26: {  	[smem:$0x3F9F] =	sst s1;
	(tag) =	ssettag s2;
	_ =	strace s9  }
0x27: {  	s1 =	sld [smem:$0x3FAF]  }
0x28: {  	s2 =	sld [smem:$0x3FB0]  }
0x29: {  	s4 =	sld [smem:$0x3FB2]  }
0x2a: {  	p0 =	seq.s32 s5, $0x0;
	s5 =	sld [smem:$0x3FB3]  }
0x2b: {  	s6 =	sld [smem:$0x3FB4]  }
0x2c: {  	s7 =	sld [smem:$0x3FB5]  }
0x2d: {  	s3 =	simm.s32 $0x108;
	s8 =	sld [smem:$0x3FB6]  }
0x2e: {  	s3 =	simm.s32 @!p0 $0x1082;
	s9 =	sld [smem:$0x3FB7]  }
0x2f: {  	lr =	sadd.s32 s0, s3;
	s0 =	sld [smem:$0x3FAE]  }
0x30: {  	s3 =	sld [smem:$0x3FB1]  }
0x31: {  	[smem:$0x3FBA] =	sst s10  }
0x32: {  	s10 =	sld [smem:$0x3FB8];
	_ =	sdelay $0x3  }
0x33: {  	p0 =	seq.s32 s10, $0x1;
	s10 =	sld [smem:$0x3FBA];
	_ =	sdelay $0x3  }
0x34: {  	[smem:$0x3FBA] =	sst s10  }
0x35: {  	s10 =	sld [smem:$0x3FB9];
	_ =	sdelay $0x3  }
0x36: {  	p1 =	seq.s32 s10, $0x1;
	s10 =	sld [smem:$0x3FBA];
	_ =	sdelay $0x3  }
0x37: {  	[smem:$0x3FBA] =	sst s10  }
0x38: {  	s10 =	sld [smem:$0x3FBB]  }
0x39: {  	_ = 	snop;
	(pc) =	sbr.ind lr, $3  }
0x3a: {  	_ = 	snop  }
0x3b: {  	_ = 	snop  }
0x3c: {  	p2 =	seq.s32 s10, $0x1;
	s10 =	sld [smem:$0x3FBA]  }
0x3d: {  	_ =	shalt  }
0x3e: {  	_ =	shalt  }
0x3f: {  	_ =	shalt  }
0x40: {  	_ =	shalt  }
0x41: {  	_ =	shalt  }
0x42: {  	_ =	shalt  }
0x43: {  	_ =	shalt  }
0x44: {  	_ =	shalt  }
0x45: {  	_ =	shalt  }
0x46: {  	_ =	shalt  }
0x47: {  	_ =	shalt  }
0x48: {  	_ =	shalt  }
0x49: {  	_ =	shalt  }
0x4a: {  	_ =	shalt  }
0x4b: {  	_ =	shalt  }
0x4c: {  	_ =	shalt  }
0x4d: {  	_ =	shalt  }
0x4e: {  	_ =	shalt  }
0x4f: {  	_ =	shalt  }
0x50: {  	_ =	shalt  }
0x51: {  	_ =	shalt  }
0x52: {  	_ =	shalt  }
0x53: {  	_ =	shalt  }
0x54: {  	_ =	shalt  }
0x55: {  	_ =	shalt  }
0x56: {  	_ =	shalt  }
0x57: {  	_ =	shalt  }
0x58: {  	_ =	shalt  }
0x59: {  	_ =	shalt  }
0x5a: {  	_ =	shalt  }
0x5b: {  	_ =	shalt  }
0x5c: {  	_ =	shalt  }
0x5d: {  	_ =	shalt  }
0x5e: {  	_ =	shalt  }
0x5f: {  	_ =	shalt  }
0x60: {  	_ =	shalt  }
0x61: {  	_ =	shalt  }
0x62: {  	_ =	shalt  }
0x63: {  	_ =	shalt  }
0x64: {  	_ =	shalt  }
0x65: {  	_ =	shalt  }
0x66: {  	_ =	shalt  }
0x67: {  	_ =	shalt  }
0x68: {  	_ =	shalt  }
0x69: {  	_ =	shalt  }
0x6a: {  	_ =	shalt  }
0x6b: {  	_ =	shalt  }
0x6c: {  	_ =	shalt  }
0x6d: {  	_ =	shalt  }
0x6e: {  	_ =	shalt  }
0x6f: {  	_ =	shalt  }
0x70: {  	_ =	shalt  }
0x71: {  	_ =	shalt  }
0x72: {  	_ =	shalt  }
0x73: {  	_ =	shalt  }
0x74: {  	_ =	shalt  }
0x75: {  	_ =	shalt  }
0x76: {  	_ =	shalt  }
0x77: {  	_ =	shalt  }
0x78: {  	_ =	shalt  }
0x79: {  	_ =	shalt  }
0x7a: {  	_ =	shalt  }
0x7b: {  	_ =	shalt  }
0x7c: {  	_ =	shalt  }
0x7d: {  	_ =	shalt  }
0x7e: {  	_ =	shalt  }
0x7f: {  	_ =	shalt  }
0x80: {  	_ =	shalt  }
0x81: {  	_ =	shalt  }
0x82: {  	_ =	shalt  }
0x83: {  	_ =	shalt  }
0x84: {  	_ =	shalt  }
0x85: {  	_ =	shalt  }
0x86: {  	_ =	shalt  }
0x87: {  	_ =	shalt  }
.Lfunc_end0:
.L_simem_size_0:
called_computation_lowered:
.L_overlay_start_0:
0x88: {  	s2 =	sld [smem:$0x3FD9]  }
0x89: {  	s3 =	sld [smem:$0x3FFE];
	_ =	sdelay $0x1  }
0x8a: {  	s1 =	srdreg.scid  }
0x8b: {  	s0 =	sand.u32 $0x1, s1  }
0x8c: {  	s17 =	sshll.u32 s0, $0xA;
	s2 =	sadd.s32 s3, s2  }
0x8d: {  	s2 =	sadd.s32 s2, s17  }
0x8e: {  	[smem:$0x3FC6] =	sst s2  }
0x8f: {  	_ = 	snop  }
0x90: {  	s2 =	sld [smem:$0x3FC8]  }
0x91: {  	s18 =	sld [smem:$0x3FD0];
	(tm) =	ssettm $0x1  }
0x92: {  	s4 =	sld [smem:$0x3FFB];
	_ =	sdelay $0x3  }
0x93: {  	_ =	strace s4  }
0x94: {  	s4 =	sld [smem:$0x3FFC];
	_ =	sdelay $0x3  }
0x95: {  	_ =	strace s4  }
0x96: {  	s4 =	sld [smem:$0x3FFD];
	_ =	sdelay $0x3  }
0x97: {  	_ =	strace s4  }
0x98: {  	_ =	strace $0x8FFFFFFF  }
0x99: {  	s19 =	sld [smem:$0x3FDB];
	_ =	sdelay $0x1  }
0x9a: {  	s5 =	simm.s32 $_scs_section_size  }
0x9b: {  	s6 =	simm.s32 $_size__tile_overlayer_lowered;
	s7 =	simm.s32 $_tile_overlayer_lowered  }
0x9c: {  	s22 =	simm.s32 $0x1BFF;
	s21 =	sshll.u32 s7, $0x1;
	s4 =	sadd.s32 s5, s19  }
0x9d: {  	s8 =	simm.s32 $0x0;
	s20 =	sshll.u32 s6, $0x1;
	s6 =	sadd.s32 s21, s4  }
0x9e: {  	[timem:s8], [sflag:s22] =	dma.local [hbm:s6], s20  }
0x9f: {  	_ =	swait.ge [sflag:s22], s20  }
0xa0: {  	s5 =	ssub.s32 $0x0, s20;
	[sflag:s22] =	ssyncset.done $0x0  }
0xa1: {  	[sflag:s22] =	ssyncadd.s32 s5;
	_ =	sdelay $0x1  }
0xa2: {  	s23 =	simm.s32 $0x1B8B  }
0xa3: {  	_ =	swait.ge [sflag:s23], $0x1  }
0xa4: {  	[sflag:s23] =	ssyncset.done $0x0  }
0xa5: {  	s25 =	simm.s32 $0x1B8E;
	s24 =	sld [smem:$0x3FFE];
	[sflag:s23] =	ssyncadd.s32 $0xFFFFFFFF  }
0xa6: {  	s26 =	simm.s32 $execute0_lowered;
	[smem:$0x3FD2] =	sst s25  }
0xa7: {  	s6 =	sshll.u32 s26, $0x1;
	_ =	strace $0x80000046;
	[dreg:$0x1] =	wrdreg $0xFFFFFFFF  }
0xa8: {  	s28 =	simm.s32 $_size_execute0_lowered;
	s4 =	sadd.s32 s4, s6;
	[dreg:$0x0] =	wrdreg $0x0  }
0xa9: {  	s6 =	sshll.u32 s28, $0x1;
	[dreg:$0x2] =	wrdreg s4  }
0xaa: {  	[dreg:$0x3] =	wrdreg s6  }
0xab: {  	[dreg:$0x4] =	wrdreg $0xC0  }
0xac: {  	_ =	task [dreg:s8], $0x5FFFF  }
0xad: {  	[dreg:$0x1] =	wrdreg $0xFFFFFFFF  }
0xae: {  	[dreg:$0x0] =	wrdreg $0x60  }
0xaf: {  	[dreg:$0x2] =	wrdreg s24  }
0xb0: {  	[dreg:$0x3] =	wrdreg s2  }
0xb1: {  	[dreg:$0x4] =	wrdreg s18  }
0xb2: {  	[dreg:$0x5] =	wrdreg $0x9  }
0xb3: {  	_ =	task.clear_ibuf [dreg:s8], $0x6FFFF;
	_ =	strace $0x90000046  }
0xb4: {  	s29 =	simm.s32 $0x9;
	_ =	strace $0x80000048  }
0xb5: {  	_ =	swait.ge [sflag:s29], $0x1  }
0xb6: {  	[sflag:s29] =	ssyncadd.s32 $0xFFFFFFFF  }
0xb7: {  	_ =	strace $0x90000048  }
0xb8: {  	_ =	sfence  }
0xb9: {  	s30 =	sld [smem:$0x0];
	_ =	sdelay $0x2  }
0xba: {  	s31 =	sshll.u32 s1, $0xD;
	s1 =	sshrl.u32 s1, $0x2  }
0xbb: {  	s3 =	sand.u32 $0x4000, s31;
	s1 =	sadd.s32 s1, s30  }
0xbc: {  	s0 =	sor.u32 s3, s0;
	s1 =	sshll.u32 s1, $0x11  }
0xbd: {  	s0 =	sor.u32 s1, s0  }
0xbe: {  	s0 =	sadd.s32 $0x8F2B, s0  }
0xbf: {  	[sflag:s0] =	ssyncadd.remote.s32 $0x1  }
0xc0: {  	_ =	sfence.sel $0xFFFF  }
0xc1: {  	[dreg:$0x0] =	wrdreg $0xFFFFFFFF;
	(pc) =	sbr.abs _section_cstart, $3  }
0xc2: {  	[dreg:$0x1] =	wrdreg $0xFFFFFFFF  }
0xc3: {  	_ =	task.clear_ibuf [dreg:s8], $0x2FFFF;
	_ =	strace $0x9FFFFFFF  }
0xc4: {  	(tm) =	ssettm $0x7FFFFFFF  }
0xc5: {  	_ =	shalt  }
tec
execute0_lowered:
.L_overlay_start_1:
0x0: {  	(tag) =	ssettag $0x1  }
0x1: {  	s0 =	rddreg [dreg:$0x0]  }
0x2: {  	s2 =	rddreg [dreg:$0x1];
	s1 =	srdreg.scid  }
0x3: {  	s4 =	stileid.u32;
	s3 =	rddreg [dreg:$0x2]  }
0x4: {  	s14 =	simm.s32 $0x9;
	s15 =	simm.s32 $0x64;
	s16 =	simm.s32 $0x7E00  }
0x5: {  	s18 =	simm.s32 $0xB000;
	s21 =	simm.s32 $0xE200;
	s22 =	simm.s32 $0x1  }
0x6: {  	s29 =	simm.s32 $0x3;
	s1 =	sand.u32 $0x1, s1;
	s5 =	sshll.u32 s4, $0x1  }
0x7: {  	s30 =	simm.s32 $0x6;
	s17 =	simm.s32 $0x8;
	s5 =	sor.u32 s1, s5  }
0x8: {  	s19 =	simm.s32 $0x0;
	s4 =	simm.s32 $0x0;
	s6 =	smul.u32 $0x340, s5  }
0x9: {  	[smem:$0x7FF] =	sst s4;
	s1 =	ssub.s32 $0x2, s1;
	s7 =	smul.u32 $0x19000, s5  }
0xa: {  	_ =	strace $0x80000047;
	s24 =	sshrl.u32 s1, $0x1;
	s9 =	smul.u32 $0xC8000, s5  }
0xb: {  	s25 =	ssub.s32 s1, s24;
	s24 =	simm.s32 $0x11400;
	s8 =	sadd.s32 s6, s0  }
0xc: {  	s0 =	sadd.s32 $0x6C00, s0;
	s6 =	smul.u32 $0x1900, s5;
	s28 =	sshrl.u32 s9, $0x3  }
0xd: {  	s13 =	smax.u32 s25, $0x1;
	s25 =	simm.s32 $0x2;
	[dreg:$0x4] =	wrdreg s0  }
0xe: {  	s26 =	sadd.s32 $0x400, s8;
	s8 =	sadd.s32 s3, s7;
	s1 =	sadd.s32 s3, s28  }
0xf: {  	s0 =	simm.s32 $0x7;
	[dreg:$0x5] =	wrdreg s26;
	s31 =	sadd.s32 $0x640, s8  }
0x10: {  	s10 =	sadd.s32 $0xC80, s8;
	s11 =	sadd.s32 $0x12C0, s1;
	s12 =	sor.u32 $0x64, s6  }
0x11: {  	s26 =	simm.s32 $0x5;
	s1 =	simm.s32 $0x4;
	[dreg:$0x6] =	wrdreg s31  }
.LBB2_1:
0x12: {  	s5 =	rddreg [dreg:$0x5]  }
0x13: {  	[tilespmem:s4], [sflag:$0x9] =	stream.linear.gather [hbm4b:s5+s4], $0x1A00, $0x38;
	[tilespmem:$0x14600] =	vst v63  }
0x14: {  	_ =	swait.ge [sflag:s14], $0x1A00  }
0x15: {  	[sflag:s14] =	ssyncset.done $0x0  }
0x16: {  	[sflag:s14] =	ssyncadd.s32 $0xFFFFE600  }
0x17: {  	[tilespmem:s16], [sflag:$0x1] =	stream.indirect.gather [hbm4b:s2+s15], $0x80, s4, s15, $0xb8;
	[tilespmem:$0x14600] =	vst v63  }
0x18: {  	s23 =	simm.s32 $0x68  }
0x19: {  	[tilespmem:s18], [sflag:$0x2] =	stream.indirect.gather [hbm4b:s2+s15], $0x80, s23, s15, $0xb8;
	[tilespmem:$0x14600] =	vst v63  }
0x1a: {  	s7 =	simm.s32 $0x1A00;
	s28 =	rddreg [dreg:$0x4]  }
0x1b: {  	[tilespmem:s7], [sflag:$0x9] =	stream.linear.gather [hbm4b:s28+s4], $0x6400, $0x38;
	[tilespmem:$0x14600] =	vst v63  }
0x1c: {  	_ =	swait.ge [sflag:s14], $0x6400  }
0x1d: {  	[sflag:s14] =	ssyncset.done $0x0  }
0x1e: {  	s31 =	simm.s32 $0xD0;
	[sflag:s14] =	ssyncadd.s32 $0xFFFF9C00  }
0x1f: {  	[tilespmem:s21], [sflag:$0x3] =	stream.indirect.gather [hbm4b:s2+s15], $0x80, s31, s15, $0xb8;
	[tilespmem:$0x14600] =	vst v63  }
0x20: {  	_ =	swait.ge [sflag:s22], $0x3200  }
0x21: {  	[sflag:s22] =	ssyncset.done $0x0  }
0x22: {  	s5 =	simm.s32 $0x0;
	[sflag:s22] =	ssyncadd.s32 $0xFFFFCE00  }
0x23: {  	v0 =	vld [tilespmem:s5+$0x1BF0]  }
0x24: {  	v1 =	vld [tilespmem:s5+$0x1A00]  }
0x25: {  	v2 =	vld [tilespmem:s5+$0x1A10]  }
0x26: {  	v3 =	vld [tilespmem:s5+$0x1A20]  }
0x27: {  	v4 =	vld [tilespmem:s5+$0x1A30]  }
0x28: {  	v5 =	vld [tilespmem:s5+$0x1A40]  }
0x29: {  	v6 =	vld [tilespmem:s5+$0x1A50]  }
0x2a: {  	v7 =	vld [tilespmem:s5+$0x1A60]  }
0x2b: {  	v8 =	vld [tilespmem:s5+$0x1A70]  }
0x2c: {  	v9 =	vld [tilespmem:s5+$0x1A80]  }
0x2d: {  	v10 =	vld [tilespmem:s5+$0x1A90]  }
0x2e: {  	v11 =	vld [tilespmem:s5+$0x1AA0]  }
0x2f: {  	v12 =	vld [tilespmem:s5+$0x1AB0]  }
0x30: {  	v13 =	vld [tilespmem:s5+$0x1AC0]  }
0x31: {  	v14 =	vld [tilespmem:s5+$0x1AD0]  }
0x32: {  	v15 =	vld [tilespmem:s5+$0x1AE0]  }
0x33: {  	v16 =	vld [tilespmem:s5+$0x1AF0]  }
0x34: {  	v17 =	vld [tilespmem:s5+$0x1B00]  }
0x35: {  	v18 =	vld [tilespmem:s5+$0x1B10]  }
0x36: {  	v19 =	vld [tilespmem:s5+$0x1B20]  }
0x37: {  	v20 =	vld [tilespmem:s5+$0x1B30]  }
0x38: {  	v21 =	vld [tilespmem:s5+$0x1B40]  }
0x39: {  	v22 =	vld [tilespmem:s5+$0x1B50]  }
0x3a: {  	v23 =	vld [tilespmem:s5+$0x1B60]  }
0x3b: {  	v24 =	vld [tilespmem:s5+$0x1B70]  }
0x3c: {  	v25 =	vld [tilespmem:s5+$0x1B80]  }
0x3d: {  	v26 =	vld [tilespmem:s5+$0x1B90]  }
0x3e: {  	v27 =	vld [tilespmem:s5+$0x1BA0]  }
0x3f: {  	v28 =	vld [tilespmem:s5+$0x1BB0]  }
0x40: {  	v29 =	vld [tilespmem:s5+$0x1BC0]  }
0x41: {  	v30 =	vld [tilespmem:s5+$0x1BD0]  }
0x42: {  	[tilespmem:s5+$0x7FF0] =	vst.add.f32.msk $0xffff, v0  }
0x43: {  	v0 =	vld [tilespmem:s5+$0x1BE0]  }
0x44: {  	[tilespmem:s5+$0x7E00] =	vst.add.f32.msk $0xffff, v1  }
0x45: {  	[tilespmem:s5+$0x7E10] =	vst.add.f32.msk $0xffff, v2  }
0x46: {  	[tilespmem:s5+$0x7E20] =	vst.add.f32.msk $0xffff, v3  }
0x47: {  	[tilespmem:s5+$0x7E30] =	vst.add.f32.msk $0xffff, v4  }
0x48: {  	[tilespmem:s5+$0x7E40] =	vst.add.f32.msk $0xffff, v5  }
0x49: {  	[tilespmem:s5+$0x7E50] =	vst.add.f32.msk $0xffff, v6  }
0x4a: {  	[tilespmem:s5+$0x7E60] =	vst.add.f32.msk $0xffff, v7  }
0x4b: {  	[tilespmem:s5+$0x7E70] =	vst.add.f32.msk $0xffff, v8  }
0x4c: {  	[tilespmem:s5+$0x7E80] =	vst.add.f32.msk $0xffff, v9  }
0x4d: {  	[tilespmem:s5+$0x7E90] =	vst.add.f32.msk $0xffff, v10  }
0x4e: {  	[tilespmem:s5+$0x7EA0] =	vst.add.f32.msk $0xffff, v11  }
0x4f: {  	[tilespmem:s5+$0x7EB0] =	vst.add.f32.msk $0xffff, v12  }
0x50: {  	[tilespmem:s5+$0x7EC0] =	vst.add.f32.msk $0xffff, v13  }
0x51: {  	[tilespmem:s5+$0x7ED0] =	vst.add.f32.msk $0xffff, v14  }
0x52: {  	[tilespmem:s5+$0x7EE0] =	vst.add.f32.msk $0xffff, v15  }
0x53: {  	[tilespmem:s5+$0x7EF0] =	vst.add.f32.msk $0xffff, v16  }
0x54: {  	[tilespmem:s5+$0x7F00] =	vst.add.f32.msk $0xffff, v17  }
0x55: {  	[tilespmem:s5+$0x7F10] =	vst.add.f32.msk $0xffff, v18  }
0x56: {  	[tilespmem:s5+$0x7F20] =	vst.add.f32.msk $0xffff, v19  }
0x57: {  	[tilespmem:s5+$0x7F30] =	vst.add.f32.msk $0xffff, v20  }
0x58: {  	[tilespmem:s5+$0x7F40] =	vst.add.f32.msk $0xffff, v21  }
0x59: {  	[tilespmem:s5+$0x7F50] =	vst.add.f32.msk $0xffff, v22  }
0x5a: {  	[tilespmem:s5+$0x7F60] =	vst.add.f32.msk $0xffff, v23  }
0x5b: {  	[tilespmem:s5+$0x7F70] =	vst.add.f32.msk $0xffff, v24  }
0x5c: {  	[tilespmem:s5+$0x7F80] =	vst.add.f32.msk $0xffff, v25  }
0x5d: {  	[tilespmem:s5+$0x7F90] =	vst.add.f32.msk $0xffff, v26  }
0x5e: {  	[tilespmem:s5+$0x7FA0] =	vst.add.f32.msk $0xffff, v27  }
0x5f: {  	[tilespmem:s5+$0x7FB0] =	vst.add.f32.msk $0xffff, v28  }
0x60: {  	[tilespmem:s5+$0x7FC0] =	vst.add.f32.msk $0xffff, v29  }
0x61: {  	s20 =	simm.s32 $0x0;
	s7 =	simm.s32 $0x800;
	[tilespmem:s5+$0x7FD0] =	vst.add.f32.msk $0xffff, v30  }
.LBB2_2:
0x62: {  	s20 =	sadd.s32 $0x4, s20;
	[tilespmem:s5+$0x7FE0] =	vst.add.f32.msk $0xffff, v0;
	s5 =	sshra.s32 s7, $0x2  }
0x63: {  	v0 =	vld [tilespmem:s5+$0x1BF0];
	p0 =	slt.u32 s20, $0x60  }
0x64: {  	v1 =	vld [tilespmem:s5+$0x1A00]  }
0x65: {  	v2 =	vld [tilespmem:s5+$0x1A10]  }
0x66: {  	v3 =	vld [tilespmem:s5+$0x1A20]  }
0x67: {  	v4 =	vld [tilespmem:s5+$0x1A30]  }
0x68: {  	[tilespmem:s5+$0x7FF0] =	vst.add.f32.msk $0xffff, v0  }
0x69: {  	v5 =	vld [tilespmem:s5+$0x1A40]  }
0x6a: {  	v6 =	vld [tilespmem:s5+$0x1A50]  }
0x6b: {  	v7 =	vld [tilespmem:s5+$0x1A60]  }
0x6c: {  	v8 =	vld [tilespmem:s5+$0x1A70]  }
0x6d: {  	v9 =	vld [tilespmem:s5+$0x1A80]  }
0x6e: {  	v10 =	vld [tilespmem:s5+$0x1A90]  }
0x6f: {  	v11 =	vld [tilespmem:s5+$0x1AA0]  }
0x70: {  	v12 =	vld [tilespmem:s5+$0x1AB0]  }
0x71: {  	v13 =	vld [tilespmem:s5+$0x1AC0]  }
0x72: {  	v14 =	vld [tilespmem:s5+$0x1AD0]  }
0x73: {  	v15 =	vld [tilespmem:s5+$0x1AE0]  }
0x74: {  	v16 =	vld [tilespmem:s5+$0x1AF0]  }
0x75: {  	v17 =	vld [tilespmem:s5+$0x1B00]  }
0x76: {  	v18 =	vld [tilespmem:s5+$0x1B10]  }
0x77: {  	v19 =	vld [tilespmem:s5+$0x1B20]  }
0x78: {  	v20 =	vld [tilespmem:s5+$0x1B30]  }
0x79: {  	v21 =	vld [tilespmem:s5+$0x1B40]  }
0x7a: {  	v22 =	vld [tilespmem:s5+$0x1B50]  }
0x7b: {  	v23 =	vld [tilespmem:s5+$0x1B60]  }
0x7c: {  	v24 =	vld [tilespmem:s5+$0x1B70]  }
0x7d: {  	v25 =	vld [tilespmem:s5+$0x1B80]  }
0x7e: {  	v26 =	vld [tilespmem:s5+$0x1B90]  }
0x7f: {  	v27 =	vld [tilespmem:s5+$0x1BA0]  }
0x80: {  	v28 =	vld [tilespmem:s5+$0x1BB0]  }
0x81: {  	v29 =	vld [tilespmem:s5+$0x1BC0]  }
0x82: {  	v30 =	vld [tilespmem:s5+$0x1BD0]  }
0x83: {  	v0 =	vld [tilespmem:s5+$0x1BE0]  }
0x84: {  	[tilespmem:s5+$0x7E00] =	vst.add.f32.msk $0xffff, v1  }
0x85: {  	[tilespmem:s5+$0x7E10] =	vst.add.f32.msk $0xffff, v2  }
0x86: {  	[tilespmem:s5+$0x7E20] =	vst.add.f32.msk $0xffff, v3  }
0x87: {  	[tilespmem:s5+$0x7E30] =	vst.add.f32.msk $0xffff, v4  }
0x88: {  	[tilespmem:s5+$0x7E40] =	vst.add.f32.msk $0xffff, v5  }
0x89: {  	[tilespmem:s5+$0x7E50] =	vst.add.f32.msk $0xffff, v6  }
0x8a: {  	[tilespmem:s5+$0x7E60] =	vst.add.f32.msk $0xffff, v7  }
0x8b: {  	[tilespmem:s5+$0x7E70] =	vst.add.f32.msk $0xffff, v8  }
0x8c: {  	[tilespmem:s5+$0x7E80] =	vst.add.f32.msk $0xffff, v9  }
0x8d: {  	[tilespmem:s5+$0x7E90] =	vst.add.f32.msk $0xffff, v10  }
0x8e: {  	[tilespmem:s5+$0x7EA0] =	vst.add.f32.msk $0xffff, v11  }
0x8f: {  	[tilespmem:s5+$0x7EB0] =	vst.add.f32.msk $0xffff, v12  }
0x90: {  	[tilespmem:s5+$0x7EC0] =	vst.add.f32.msk $0xffff, v13  }
0x91: {  	[tilespmem:s5+$0x7ED0] =	vst.add.f32.msk $0xffff, v14  }
0x92: {  	[tilespmem:s5+$0x7EE0] =	vst.add.f32.msk $0xffff, v15  }
0x93: {  	[tilespmem:s5+$0x7EF0] =	vst.add.f32.msk $0xffff, v16  }
0x94: {  	[tilespmem:s5+$0x7F00] =	vst.add.f32.msk $0xffff, v17  }
0x95: {  	[tilespmem:s5+$0x7F10] =	vst.add.f32.msk $0xffff, v18  }
0x96: {  	[tilespmem:s5+$0x7F20] =	vst.add.f32.msk $0xffff, v19  }
0x97: {  	[tilespmem:s5+$0x7F30] =	vst.add.f32.msk $0xffff, v20  }
0x98: {  	[tilespmem:s5+$0x7F40] =	vst.add.f32.msk $0xffff, v21  }
0x99: {  	[tilespmem:s5+$0x7F50] =	vst.add.f32.msk $0xffff, v22  }
0x9a: {  	[tilespmem:s5+$0x7F60] =	vst.add.f32.msk $0xffff, v23  }
0x9b: {  	[tilespmem:s5+$0x7F70] =	vst.add.f32.msk $0xffff, v24  }
0x9c: {  	[tilespmem:s5+$0x7F80] =	vst.add.f32.msk $0xffff, v25  }
.Ltmp0:
0x9d: {  	[tilespmem:s5+$0x7F90] =	vst.add.f32.msk $0xffff, v26;
	(pc) =	sbr.rel @p0 .LBB2_2-.Ltmp0, $4  }
0x9e: {  	[tilespmem:s5+$0x7FA0] =	vst.add.f32.msk $0xffff, v27  }
0x9f: {  	[tilespmem:s5+$0x7FB0] =	vst.add.f32.msk $0xffff, v28  }
0xa0: {  	[tilespmem:s5+$0x7FC0] =	vst.add.f32.msk $0xffff, v29  }
0xa1: {  	s7 =	sadd.s32 $0x800, s7;
	[tilespmem:s5+$0x7FD0] =	vst.add.f32.msk $0xffff, v30  }
0xa2: {  	[tilespmem:s5+$0x7FE0] =	vst.add.f32.msk $0xffff, v0;
	s28 =	simm.s32 $0x0  }
0xa3: {  	[hbm4b:s8+s28] =	stream.linear.scatter [tilespmem:s16], [sflag:$0x5], $0x3200, $0x38;
	[tilespmem:$0x14600] =	vst v63  }
0xa4: {  	s31 =	simm.s32 $0x138  }
0xa5: {  	[tilespmem:s24], [sflag:$0x4] =	stream.indirect.gather [hbm4b:s2+s15], $0x80, s31, s15, $0xb8;
	[tilespmem:$0x14600] =	vst v63  }
0xa6: {  	_ =	swait.ge [sflag:s25], $0x3200  }
0xa7: {  	[sflag:s25] =	ssyncset.done $0x0  }
0xa8: {  	s5 =	simm.s32 $0x0;
	[sflag:s25] =	ssyncadd.s32 $0xFFFFCE00  }
0xa9: {  	v0 =	vld [tilespmem:s5+$0x4DF0]  }
0xaa: {  	v1 =	vld [tilespmem:s5+$0x4C00]  }
0xab: {  	v2 =	vld [tilespmem:s5+$0x4C10]  }
0xac: {  	v3 =	vld [tilespmem:s5+$0x4C20]  }
0xad: {  	v4 =	vld [tilespmem:s5+$0x4C30]  }
0xae: {  	v5 =	vld [tilespmem:s5+$0x4C40]  }
0xaf: {  	v6 =	vld [tilespmem:s5+$0x4C50]  }
0xb0: {  	v7 =	vld [tilespmem:s5+$0x4C60]  }
0xb1: {  	v8 =	vld [tilespmem:s5+$0x4C70]  }
0xb2: {  	v9 =	vld [tilespmem:s5+$0x4C80]  }
0xb3: {  	v10 =	vld [tilespmem:s5+$0x4C90]  }
0xb4: {  	v11 =	vld [tilespmem:s5+$0x4CA0]  }
0xb5: {  	v12 =	vld [tilespmem:s5+$0x4CB0]  }
0xb6: {  	v13 =	vld [tilespmem:s5+$0x4CC0]  }
0xb7: {  	v14 =	vld [tilespmem:s5+$0x4CD0]  }
0xb8: {  	v15 =	vld [tilespmem:s5+$0x4CE0]  }
0xb9: {  	v16 =	vld [tilespmem:s5+$0x4CF0]  }
0xba: {  	v17 =	vld [tilespmem:s5+$0x4D00]  }
0xbb: {  	v18 =	vld [tilespmem:s5+$0x4D10]  }
0xbc: {  	v19 =	vld [tilespmem:s5+$0x4D20]  }
0xbd: {  	v20 =	vld [tilespmem:s5+$0x4D30]  }
0xbe: {  	v21 =	vld [tilespmem:s5+$0x4D40]  }
0xbf: {  	v22 =	vld [tilespmem:s5+$0x4D50]  }
0xc0: {  	v23 =	vld [tilespmem:s5+$0x4D60]  }
0xc1: {  	v24 =	vld [tilespmem:s5+$0x4D70]  }
0xc2: {  	v25 =	vld [tilespmem:s5+$0x4D80]  }
0xc3: {  	v26 =	vld [tilespmem:s5+$0x4D90]  }
0xc4: {  	v27 =	vld [tilespmem:s5+$0x4DA0]  }
0xc5: {  	v28 =	vld [tilespmem:s5+$0x4DB0]  }
0xc6: {  	v29 =	vld [tilespmem:s5+$0x4DC0]  }
0xc7: {  	v30 =	vld [tilespmem:s5+$0x4DD0]  }
0xc8: {  	[tilespmem:s5+$0xB1F0] =	vst.add.f32.msk $0xffff, v0  }
0xc9: {  	v0 =	vld [tilespmem:s5+$0x4DE0]  }
0xca: {  	[tilespmem:s5+$0xB000] =	vst.add.f32.msk $0xffff, v1  }
0xcb: {  	[tilespmem:s5+$0xB010] =	vst.add.f32.msk $0xffff, v2  }
0xcc: {  	[tilespmem:s5+$0xB020] =	vst.add.f32.msk $0xffff, v3  }
0xcd: {  	[tilespmem:s5+$0xB030] =	vst.add.f32.msk $0xffff, v4  }
0xce: {  	[tilespmem:s5+$0xB040] =	vst.add.f32.msk $0xffff, v5  }
0xcf: {  	[tilespmem:s5+$0xB050] =	vst.add.f32.msk $0xffff, v6  }
0xd0: {  	[tilespmem:s5+$0xB060] =	vst.add.f32.msk $0xffff, v7  }
0xd1: {  	[tilespmem:s5+$0xB070] =	vst.add.f32.msk $0xffff, v8  }
0xd2: {  	[tilespmem:s5+$0xB080] =	vst.add.f32.msk $0xffff, v9  }
0xd3: {  	[tilespmem:s5+$0xB090] =	vst.add.f32.msk $0xffff, v10  }
0xd4: {  	[tilespmem:s5+$0xB0A0] =	vst.add.f32.msk $0xffff, v11  }
0xd5: {  	[tilespmem:s5+$0xB0B0] =	vst.add.f32.msk $0xffff, v12  }
0xd6: {  	[tilespmem:s5+$0xB0C0] =	vst.add.f32.msk $0xffff, v13  }
0xd7: {  	[tilespmem:s5+$0xB0D0] =	vst.add.f32.msk $0xffff, v14  }
0xd8: {  	[tilespmem:s5+$0xB0E0] =	vst.add.f32.msk $0xffff, v15  }
0xd9: {  	[tilespmem:s5+$0xB0F0] =	vst.add.f32.msk $0xffff, v16  }
0xda: {  	[tilespmem:s5+$0xB100] =	vst.add.f32.msk $0xffff, v17  }
0xdb: {  	[tilespmem:s5+$0xB110] =	vst.add.f32.msk $0xffff, v18  }
0xdc: {  	[tilespmem:s5+$0xB120] =	vst.add.f32.msk $0xffff, v19  }
0xdd: {  	[tilespmem:s5+$0xB130] =	vst.add.f32.msk $0xffff, v20  }
0xde: {  	[tilespmem:s5+$0xB140] =	vst.add.f32.msk $0xffff, v21  }
0xdf: {  	[tilespmem:s5+$0xB150] =	vst.add.f32.msk $0xffff, v22  }
0xe0: {  	[tilespmem:s5+$0xB160] =	vst.add.f32.msk $0xffff, v23  }
0xe1: {  	[tilespmem:s5+$0xB170] =	vst.add.f32.msk $0xffff, v24  }
0xe2: {  	[tilespmem:s5+$0xB180] =	vst.add.f32.msk $0xffff, v25  }
0xe3: {  	[tilespmem:s5+$0xB190] =	vst.add.f32.msk $0xffff, v26  }
0xe4: {  	[tilespmem:s5+$0xB1A0] =	vst.add.f32.msk $0xffff, v27  }
0xe5: {  	[tilespmem:s5+$0xB1B0] =	vst.add.f32.msk $0xffff, v28  }
0xe6: {  	[tilespmem:s5+$0xB1C0] =	vst.add.f32.msk $0xffff, v29  }
0xe7: {  	s20 =	simm.s32 $0x0;
	s7 =	simm.s32 $0x800;
	[tilespmem:s5+$0xB1D0] =	vst.add.f32.msk $0xffff, v30  }
.LBB2_4:
0xe8: {  	s20 =	sadd.s32 $0x4, s20;
	[tilespmem:s5+$0xB1E0] =	vst.add.f32.msk $0xffff, v0;
	s5 =	sshra.s32 s7, $0x2  }
0xe9: {  	v0 =	vld [tilespmem:s5+$0x4DF0];
	p0 =	slt.u32 s20, $0x60  }
0xea: {  	v1 =	vld [tilespmem:s5+$0x4C00]  }
0xeb: {  	v2 =	vld [tilespmem:s5+$0x4C10]  }
0xec: {  	v3 =	vld [tilespmem:s5+$0x4C20]  }
0xed: {  	v4 =	vld [tilespmem:s5+$0x4C30]  }
0xee: {  	[tilespmem:s5+$0xB1F0] =	vst.add.f32.msk $0xffff, v0  }
0xef: {  	v5 =	vld [tilespmem:s5+$0x4C40]  }
0xf0: {  	v6 =	vld [tilespmem:s5+$0x4C50]  }
0xf1: {  	v7 =	vld [tilespmem:s5+$0x4C60]  }
0xf2: {  	v8 =	vld [tilespmem:s5+$0x4C70]  }
0xf3: {  	v9 =	vld [tilespmem:s5+$0x4C80]  }
0xf4: {  	v10 =	vld [tilespmem:s5+$0x4C90]  }
0xf5: {  	v11 =	vld [tilespmem:s5+$0x4CA0]  }
0xf6: {  	v12 =	vld [tilespmem:s5+$0x4CB0]  }
0xf7: {  	v13 =	vld [tilespmem:s5+$0x4CC0]  }
0xf8: {  	v14 =	vld [tilespmem:s5+$0x4CD0]  }
0xf9: {  	v15 =	vld [tilespmem:s5+$0x4CE0]  }
0xfa: {  	v16 =	vld [tilespmem:s5+$0x4CF0]  }
0xfb: {  	v17 =	vld [tilespmem:s5+$0x4D00]  }
0xfc: {  	v18 =	vld [tilespmem:s5+$0x4D10]  }
0xfd: {  	v19 =	vld [tilespmem:s5+$0x4D20]  }
0xfe: {  	v20 =	vld [tilespmem:s5+$0x4D30]  }
0xff: {  	v21 =	vld [tilespmem:s5+$0x4D40]  }
0x100: {  	v22 =	vld [tilespmem:s5+$0x4D50]  }
0x101: {  	v23 =	vld [tilespmem:s5+$0x4D60]  }
0x102: {  	v24 =	vld [tilespmem:s5+$0x4D70]  }
0x103: {  	v25 =	vld [tilespmem:s5+$0x4D80]  }
0x104: {  	v26 =	vld [tilespmem:s5+$0x4D90]  }
0x105: {  	v27 =	vld [tilespmem:s5+$0x4DA0]  }
0x106: {  	v28 =	vld [tilespmem:s5+$0x4DB0]  }
0x107: {  	v29 =	vld [tilespmem:s5+$0x4DC0]  }
0x108: {  	v30 =	vld [tilespmem:s5+$0x4DD0]  }
0x109: {  	v0 =	vld [tilespmem:s5+$0x4DE0]  }
0x10a: {  	[tilespmem:s5+$0xB000] =	vst.add.f32.msk $0xffff, v1  }
0x10b: {  	[tilespmem:s5+$0xB010] =	vst.add.f32.msk $0xffff, v2  }
0x10c: {  	[tilespmem:s5+$0xB020] =	vst.add.f32.msk $0xffff, v3  }
0x10d: {  	[tilespmem:s5+$0xB030] =	vst.add.f32.msk $0xffff, v4  }
0x10e: {  	[tilespmem:s5+$0xB040] =	vst.add.f32.msk $0xffff, v5  }
0x10f: {  	[tilespmem:s5+$0xB050] =	vst.add.f32.msk $0xffff, v6  }
0x110: {  	[tilespmem:s5+$0xB060] =	vst.add.f32.msk $0xffff, v7  }
0x111: {  	[tilespmem:s5+$0xB070] =	vst.add.f32.msk $0xffff, v8  }
0x112: {  	[tilespmem:s5+$0xB080] =	vst.add.f32.msk $0xffff, v9  }
0x113: {  	[tilespmem:s5+$0xB090] =	vst.add.f32.msk $0xffff, v10  }
0x114: {  	[tilespmem:s5+$0xB0A0] =	vst.add.f32.msk $0xffff, v11  }
0x115: {  	[tilespmem:s5+$0xB0B0] =	vst.add.f32.msk $0xffff, v12  }
0x116: {  	[tilespmem:s5+$0xB0C0] =	vst.add.f32.msk $0xffff, v13  }
0x117: {  	[tilespmem:s5+$0xB0D0] =	vst.add.f32.msk $0xffff, v14  }
0x118: {  	[tilespmem:s5+$0xB0E0] =	vst.add.f32.msk $0xffff, v15  }
0x119: {  	[tilespmem:s5+$0xB0F0] =	vst.add.f32.msk $0xffff, v16  }
0x11a: {  	[tilespmem:s5+$0xB100] =	vst.add.f32.msk $0xffff, v17  }
0x11b: {  	[tilespmem:s5+$0xB110] =	vst.add.f32.msk $0xffff, v18  }
0x11c: {  	[tilespmem:s5+$0xB120] =	vst.add.f32.msk $0xffff, v19  }
0x11d: {  	[tilespmem:s5+$0xB130] =	vst.add.f32.msk $0xffff, v20  }
0x11e: {  	[tilespmem:s5+$0xB140] =	vst.add.f32.msk $0xffff, v21  }
0x11f: {  	[tilespmem:s5+$0xB150] =	vst.add.f32.msk $0xffff, v22  }
0x120: {  	[tilespmem:s5+$0xB160] =	vst.add.f32.msk $0xffff, v23  }
0x121: {  	[tilespmem:s5+$0xB170] =	vst.add.f32.msk $0xffff, v24  }
0x122: {  	[tilespmem:s5+$0xB180] =	vst.add.f32.msk $0xffff, v25  }
.Ltmp1:
0x123: {  	[tilespmem:s5+$0xB190] =	vst.add.f32.msk $0xffff, v26;
	(pc) =	sbr.rel @p0 .LBB2_4-.Ltmp1, $4  }
0x124: {  	[tilespmem:s5+$0xB1A0] =	vst.add.f32.msk $0xffff, v27  }
0x125: {  	[tilespmem:s5+$0xB1B0] =	vst.add.f32.msk $0xffff, v28  }
0x126: {  	[tilespmem:s5+$0xB1C0] =	vst.add.f32.msk $0xffff, v29  }
0x127: {  	s7 =	sadd.s32 $0x800, s7;
	[tilespmem:s5+$0xB1D0] =	vst.add.f32.msk $0xffff, v30  }
0x128: {  	[tilespmem:s5+$0xB1E0] =	vst.add.f32.msk $0xffff, v0;
	s28 =	simm.s32 $0x0;
	s7 =	rddreg [dreg:$0x6]  }
0x129: {  	[hbm4b:s7+s28] =	stream.linear.scatter [tilespmem:s18], [sflag:$0x6], $0x3200, $0x38;
	[tilespmem:$0x14600] =	vst v63  }
0x12a: {  	_ =	swait.ge [sflag:s26], $0x3200  }
0x12b: {  	[sflag:s26] =	ssyncset.done $0x0  }
0x12c: {  	s31 =	simm.s32 $0x1A0;
	[sflag:s26] =	ssyncadd.s32 $0xFFFFCE00  }
0x12d: {  	[tilespmem:s16], [sflag:$0x1] =	stream.indirect.gather [hbm4b:s2+s15], $0x80, s31, s15, $0xb8;
	[tilespmem:$0x14600] =	vst v63  }
0x12e: {  	_ =	swait.ge [sflag:s29], $0x3200  }
0x12f: {  	[sflag:s29] =	ssyncset.done $0x0  }
0x130: {  	s5 =	simm.s32 $0x0;
	[sflag:s29] =	ssyncadd.s32 $0xFFFFCE00  }
0x131: {  	v0 =	vld [tilespmem:s5+$0x1BF0]  }
0x132: {  	v1 =	vld [tilespmem:s5+$0x1A00]  }
0x133: {  	v2 =	vld [tilespmem:s5+$0x1A10]  }
0x134: {  	v3 =	vld [tilespmem:s5+$0x1A20]  }
0x135: {  	v4 =	vld [tilespmem:s5+$0x1A30]  }
0x136: {  	v5 =	vld [tilespmem:s5+$0x1A40]  }
0x137: {  	v6 =	vld [tilespmem:s5+$0x1A50]  }
0x138: {  	v7 =	vld [tilespmem:s5+$0x1A60]  }
0x139: {  	v8 =	vld [tilespmem:s5+$0x1A70]  }
0x13a: {  	v9 =	vld [tilespmem:s5+$0x1A80]  }
0x13b: {  	v10 =	vld [tilespmem:s5+$0x1A90]  }
0x13c: {  	v11 =	vld [tilespmem:s5+$0x1AA0]  }
0x13d: {  	v12 =	vld [tilespmem:s5+$0x1AB0]  }
0x13e: {  	v13 =	vld [tilespmem:s5+$0x1AC0]  }
0x13f: {  	v14 =	vld [tilespmem:s5+$0x1AD0]  }
0x140: {  	v15 =	vld [tilespmem:s5+$0x1AE0]  }
0x141: {  	v16 =	vld [tilespmem:s5+$0x1AF0]  }
0x142: {  	v17 =	vld [tilespmem:s5+$0x1B00]  }
0x143: {  	v18 =	vld [tilespmem:s5+$0x1B10]  }
0x144: {  	v19 =	vld [tilespmem:s5+$0x1B20]  }
0x145: {  	v20 =	vld [tilespmem:s5+$0x1B30]  }
0x146: {  	v21 =	vld [tilespmem:s5+$0x1B40]  }
0x147: {  	v22 =	vld [tilespmem:s5+$0x1B50]  }
0x148: {  	v23 =	vld [tilespmem:s5+$0x1B60]  }
0x149: {  	v24 =	vld [tilespmem:s5+$0x1B70]  }
0x14a: {  	v25 =	vld [tilespmem:s5+$0x1B80]  }
0x14b: {  	v26 =	vld [tilespmem:s5+$0x1B90]  }
0x14c: {  	v27 =	vld [tilespmem:s5+$0x1BA0]  }
0x14d: {  	v28 =	vld [tilespmem:s5+$0x1BB0]  }
0x14e: {  	v29 =	vld [tilespmem:s5+$0x1BC0]  }
0x14f: {  	v30 =	vld [tilespmem:s5+$0x1BD0]  }
0x150: {  	[tilespmem:s5+$0xE3F0] =	vst.add.f32.msk $0xffff, v0  }
0x151: {  	v0 =	vld [tilespmem:s5+$0x1BE0]  }
0x152: {  	[tilespmem:s5+$0xE200] =	vst.add.f32.msk $0xffff, v1  }
0x153: {  	[tilespmem:s5+$0xE210] =	vst.add.f32.msk $0xffff, v2  }
0x154: {  	[tilespmem:s5+$0xE220] =	vst.add.f32.msk $0xffff, v3  }
0x155: {  	[tilespmem:s5+$0xE230] =	vst.add.f32.msk $0xffff, v4  }
0x156: {  	[tilespmem:s5+$0xE240] =	vst.add.f32.msk $0xffff, v5  }
0x157: {  	[tilespmem:s5+$0xE250] =	vst.add.f32.msk $0xffff, v6  }
0x158: {  	[tilespmem:s5+$0xE260] =	vst.add.f32.msk $0xffff, v7  }
0x159: {  	[tilespmem:s5+$0xE270] =	vst.add.f32.msk $0xffff, v8  }
0x15a: {  	[tilespmem:s5+$0xE280] =	vst.add.f32.msk $0xffff, v9  }
0x15b: {  	[tilespmem:s5+$0xE290] =	vst.add.f32.msk $0xffff, v10  }
0x15c: {  	[tilespmem:s5+$0xE2A0] =	vst.add.f32.msk $0xffff, v11  }
0x15d: {  	[tilespmem:s5+$0xE2B0] =	vst.add.f32.msk $0xffff, v12  }
0x15e: {  	[tilespmem:s5+$0xE2C0] =	vst.add.f32.msk $0xffff, v13  }
0x15f: {  	[tilespmem:s5+$0xE2D0] =	vst.add.f32.msk $0xffff, v14  }
0x160: {  	[tilespmem:s5+$0xE2E0] =	vst.add.f32.msk $0xffff, v15  }
0x161: {  	[tilespmem:s5+$0xE2F0] =	vst.add.f32.msk $0xffff, v16  }
0x162: {  	[tilespmem:s5+$0xE300] =	vst.add.f32.msk $0xffff, v17  }
0x163: {  	[tilespmem:s5+$0xE310] =	vst.add.f32.msk $0xffff, v18  }
0x164: {  	[tilespmem:s5+$0xE320] =	vst.add.f32.msk $0xffff, v19  }
0x165: {  	[tilespmem:s5+$0xE330] =	vst.add.f32.msk $0xffff, v20  }
0x166: {  	[tilespmem:s5+$0xE340] =	vst.add.f32.msk $0xffff, v21  }
0x167: {  	[tilespmem:s5+$0xE350] =	vst.add.f32.msk $0xffff, v22  }
0x168: {  	[tilespmem:s5+$0xE360] =	vst.add.f32.msk $0xffff, v23  }
0x169: {  	[tilespmem:s5+$0xE370] =	vst.add.f32.msk $0xffff, v24  }
0x16a: {  	[tilespmem:s5+$0xE380] =	vst.add.f32.msk $0xffff, v25  }
0x16b: {  	[tilespmem:s5+$0xE390] =	vst.add.f32.msk $0xffff, v26  }
0x16c: {  	[tilespmem:s5+$0xE3A0] =	vst.add.f32.msk $0xffff, v27  }
0x16d: {  	[tilespmem:s5+$0xE3B0] =	vst.add.f32.msk $0xffff, v28  }
0x16e: {  	[tilespmem:s5+$0xE3C0] =	vst.add.f32.msk $0xffff, v29  }
0x16f: {  	s20 =	simm.s32 $0x0;
	s7 =	simm.s32 $0x800;
	[tilespmem:s5+$0xE3D0] =	vst.add.f32.msk $0xffff, v30  }
.LBB2_6:
0x170: {  	s20 =	sadd.s32 $0x4, s20;
	[tilespmem:s5+$0xE3E0] =	vst.add.f32.msk $0xffff, v0;
	s5 =	sshra.s32 s7, $0x2  }
0x171: {  	v0 =	vld [tilespmem:s5+$0x1BF0];
	p0 =	slt.u32 s20, $0x60  }
0x172: {  	v1 =	vld [tilespmem:s5+$0x1A00]  }
0x173: {  	v2 =	vld [tilespmem:s5+$0x1A10]  }
0x174: {  	v3 =	vld [tilespmem:s5+$0x1A20]  }
0x175: {  	v4 =	vld [tilespmem:s5+$0x1A30]  }
0x176: {  	[tilespmem:s5+$0xE3F0] =	vst.add.f32.msk $0xffff, v0  }
0x177: {  	v5 =	vld [tilespmem:s5+$0x1A40]  }
0x178: {  	v6 =	vld [tilespmem:s5+$0x1A50]  }
0x179: {  	v7 =	vld [tilespmem:s5+$0x1A60]  }
0x17a: {  	v8 =	vld [tilespmem:s5+$0x1A70]  }
0x17b: {  	v9 =	vld [tilespmem:s5+$0x1A80]  }
0x17c: {  	v10 =	vld [tilespmem:s5+$0x1A90]  }
0x17d: {  	v11 =	vld [tilespmem:s5+$0x1AA0]  }
0x17e: {  	v12 =	vld [tilespmem:s5+$0x1AB0]  }
0x17f: {  	v13 =	vld [tilespmem:s5+$0x1AC0]  }
0x180: {  	v14 =	vld [tilespmem:s5+$0x1AD0]  }
0x181: {  	v15 =	vld [tilespmem:s5+$0x1AE0]  }
0x182: {  	v16 =	vld [tilespmem:s5+$0x1AF0]  }
0x183: {  	v17 =	vld [tilespmem:s5+$0x1B00]  }
0x184: {  	v18 =	vld [tilespmem:s5+$0x1B10]  }
0x185: {  	v19 =	vld [tilespmem:s5+$0x1B20]  }
0x186: {  	v20 =	vld [tilespmem:s5+$0x1B30]  }
0x187: {  	v21 =	vld [tilespmem:s5+$0x1B40]  }
0x188: {  	v22 =	vld [tilespmem:s5+$0x1B50]  }
0x189: {  	v23 =	vld [tilespmem:s5+$0x1B60]  }
0x18a: {  	v24 =	vld [tilespmem:s5+$0x1B70]  }
0x18b: {  	v25 =	vld [tilespmem:s5+$0x1B80]  }
0x18c: {  	v26 =	vld [tilespmem:s5+$0x1B90]  }
0x18d: {  	v27 =	vld [tilespmem:s5+$0x1BA0]  }
0x18e: {  	v28 =	vld [tilespmem:s5+$0x1BB0]  }
0x18f: {  	v29 =	vld [tilespmem:s5+$0x1BC0]  }
0x190: {  	v30 =	vld [tilespmem:s5+$0x1BD0]  }
0x191: {  	v0 =	vld [tilespmem:s5+$0x1BE0]  }
0x192: {  	[tilespmem:s5+$0xE200] =	vst.add.f32.msk $0xffff, v1  }
0x193: {  	[tilespmem:s5+$0xE210] =	vst.add.f32.msk $0xffff, v2  }
0x194: {  	[tilespmem:s5+$0xE220] =	vst.add.f32.msk $0xffff, v3  }
0x195: {  	[tilespmem:s5+$0xE230] =	vst.add.f32.msk $0xffff, v4  }
0x196: {  	[tilespmem:s5+$0xE240] =	vst.add.f32.msk $0xffff, v5  }
0x197: {  	[tilespmem:s5+$0xE250] =	vst.add.f32.msk $0xffff, v6  }
0x198: {  	[tilespmem:s5+$0xE260] =	vst.add.f32.msk $0xffff, v7  }
0x199: {  	[tilespmem:s5+$0xE270] =	vst.add.f32.msk $0xffff, v8  }
0x19a: {  	[tilespmem:s5+$0xE280] =	vst.add.f32.msk $0xffff, v9  }
0x19b: {  	[tilespmem:s5+$0xE290] =	vst.add.f32.msk $0xffff, v10  }
0x19c: {  	[tilespmem:s5+$0xE2A0] =	vst.add.f32.msk $0xffff, v11  }
0x19d: {  	[tilespmem:s5+$0xE2B0] =	vst.add.f32.msk $0xffff, v12  }
0x19e: {  	[tilespmem:s5+$0xE2C0] =	vst.add.f32.msk $0xffff, v13  }
0x19f: {  	[tilespmem:s5+$0xE2D0] =	vst.add.f32.msk $0xffff, v14  }
0x1a0: {  	[tilespmem:s5+$0xE2E0] =	vst.add.f32.msk $0xffff, v15  }
0x1a1: {  	[tilespmem:s5+$0xE2F0] =	vst.add.f32.msk $0xffff, v16  }
0x1a2: {  	[tilespmem:s5+$0xE300] =	vst.add.f32.msk $0xffff, v17  }
0x1a3: {  	[tilespmem:s5+$0xE310] =	vst.add.f32.msk $0xffff, v18  }
0x1a4: {  	[tilespmem:s5+$0xE320] =	vst.add.f32.msk $0xffff, v19  }
0x1a5: {  	[tilespmem:s5+$0xE330] =	vst.add.f32.msk $0xffff, v20  }
0x1a6: {  	[tilespmem:s5+$0xE340] =	vst.add.f32.msk $0xffff, v21  }
0x1a7: {  	[tilespmem:s5+$0xE350] =	vst.add.f32.msk $0xffff, v22  }
0x1a8: {  	[tilespmem:s5+$0xE360] =	vst.add.f32.msk $0xffff, v23  }
0x1a9: {  	[tilespmem:s5+$0xE370] =	vst.add.f32.msk $0xffff, v24  }
0x1aa: {  	[tilespmem:s5+$0xE380] =	vst.add.f32.msk $0xffff, v25  }
.Ltmp2:
0x1ab: {  	[tilespmem:s5+$0xE390] =	vst.add.f32.msk $0xffff, v26;
	(pc) =	sbr.rel @p0 .LBB2_6-.Ltmp2, $4  }
0x1ac: {  	[tilespmem:s5+$0xE3A0] =	vst.add.f32.msk $0xffff, v27  }
0x1ad: {  	[tilespmem:s5+$0xE3B0] =	vst.add.f32.msk $0xffff, v28  }
0x1ae: {  	[tilespmem:s5+$0xE3C0] =	vst.add.f32.msk $0xffff, v29  }
0x1af: {  	s7 =	sadd.s32 $0x800, s7;
	[tilespmem:s5+$0xE3D0] =	vst.add.f32.msk $0xffff, v30  }
0x1b0: {  	[tilespmem:s5+$0xE3E0] =	vst.add.f32.msk $0xffff, v0;
	s28 =	simm.s32 $0x0  }
0x1b1: {  	[hbm4b:s10+s28] =	stream.linear.scatter [tilespmem:s21], [sflag:$0x7], $0x3200, $0x38;
	[tilespmem:$0x14600] =	vst v63  }
0x1b2: {  	_ =	swait.ge [sflag:s30], $0x3200  }
0x1b3: {  	[sflag:s30] =	ssyncset.done $0x0  }
0x1b4: {  	s31 =	simm.s32 $0x208;
	[sflag:s30] =	ssyncadd.s32 $0xFFFFCE00  }
0x1b5: {  	[tilespmem:s18], [sflag:$0x2] =	stream.indirect.gather [hbm4b:s2+s15], $0x80, s31, s15, $0xb8;
	[tilespmem:$0x14600] =	vst v63  }
0x1b6: {  	_ =	swait.ge [sflag:s1], $0x3200  }
0x1b7: {  	[sflag:s1] =	ssyncset.done $0x0  }
0x1b8: {  	s5 =	simm.s32 $0x0;
	[sflag:s1] =	ssyncadd.s32 $0xFFFFCE00  }
0x1b9: {  	v0 =	vld [tilespmem:s5+$0x4DF0]  }
0x1ba: {  	v1 =	vld [tilespmem:s5+$0x4C00]  }
0x1bb: {  	v2 =	vld [tilespmem:s5+$0x4C10]  }
0x1bc: {  	v3 =	vld [tilespmem:s5+$0x4C20]  }
0x1bd: {  	v4 =	vld [tilespmem:s5+$0x4C30]  }
0x1be: {  	v5 =	vld [tilespmem:s5+$0x4C40]  }
0x1bf: {  	v6 =	vld [tilespmem:s5+$0x4C50]  }
0x1c0: {  	v7 =	vld [tilespmem:s5+$0x4C60]  }
0x1c1: {  	v8 =	vld [tilespmem:s5+$0x4C70]  }
0x1c2: {  	v9 =	vld [tilespmem:s5+$0x4C80]  }
0x1c3: {  	v10 =	vld [tilespmem:s5+$0x4C90]  }
0x1c4: {  	v11 =	vld [tilespmem:s5+$0x4CA0]  }
0x1c5: {  	v12 =	vld [tilespmem:s5+$0x4CB0]  }
0x1c6: {  	v13 =	vld [tilespmem:s5+$0x4CC0]  }
0x1c7: {  	v14 =	vld [tilespmem:s5+$0x4CD0]  }
0x1c8: {  	v15 =	vld [tilespmem:s5+$0x4CE0]  }
0x1c9: {  	v16 =	vld [tilespmem:s5+$0x4CF0]  }
0x1ca: {  	v17 =	vld [tilespmem:s5+$0x4D00]  }
0x1cb: {  	v18 =	vld [tilespmem:s5+$0x4D10]  }
0x1cc: {  	v19 =	vld [tilespmem:s5+$0x4D20]  }
0x1cd: {  	v20 =	vld [tilespmem:s5+$0x4D30]  }
0x1ce: {  	v21 =	vld [tilespmem:s5+$0x4D40]  }
0x1cf: {  	v22 =	vld [tilespmem:s5+$0x4D50]  }
0x1d0: {  	v23 =	vld [tilespmem:s5+$0x4D60]  }
0x1d1: {  	v24 =	vld [tilespmem:s5+$0x4D70]  }
0x1d2: {  	v25 =	vld [tilespmem:s5+$0x4D80]  }
0x1d3: {  	v26 =	vld [tilespmem:s5+$0x4D90]  }
0x1d4: {  	v27 =	vld [tilespmem:s5+$0x4DA0]  }
0x1d5: {  	v28 =	vld [tilespmem:s5+$0x4DB0]  }
0x1d6: {  	v29 =	vld [tilespmem:s5+$0x4DC0]  }
0x1d7: {  	v30 =	vld [tilespmem:s5+$0x4DD0]  }
0x1d8: {  	[tilespmem:s5+$0x115F0] =	vst.add.f32.msk $0xffff, v0  }
0x1d9: {  	v0 =	vld [tilespmem:s5+$0x4DE0]  }
0x1da: {  	[tilespmem:s5+$0x11400] =	vst.add.f32.msk $0xffff, v1  }
0x1db: {  	[tilespmem:s5+$0x11410] =	vst.add.f32.msk $0xffff, v2  }
0x1dc: {  	[tilespmem:s5+$0x11420] =	vst.add.f32.msk $0xffff, v3  }
0x1dd: {  	[tilespmem:s5+$0x11430] =	vst.add.f32.msk $0xffff, v4  }
0x1de: {  	[tilespmem:s5+$0x11440] =	vst.add.f32.msk $0xffff, v5  }
0x1df: {  	[tilespmem:s5+$0x11450] =	vst.add.f32.msk $0xffff, v6  }
0x1e0: {  	[tilespmem:s5+$0x11460] =	vst.add.f32.msk $0xffff, v7  }
0x1e1: {  	[tilespmem:s5+$0x11470] =	vst.add.f32.msk $0xffff, v8  }
0x1e2: {  	[tilespmem:s5+$0x11480] =	vst.add.f32.msk $0xffff, v9  }
0x1e3: {  	[tilespmem:s5+$0x11490] =	vst.add.f32.msk $0xffff, v10  }
0x1e4: {  	[tilespmem:s5+$0x114A0] =	vst.add.f32.msk $0xffff, v11  }
0x1e5: {  	[tilespmem:s5+$0x114B0] =	vst.add.f32.msk $0xffff, v12  }
0x1e6: {  	[tilespmem:s5+$0x114C0] =	vst.add.f32.msk $0xffff, v13  }
0x1e7: {  	[tilespmem:s5+$0x114D0] =	vst.add.f32.msk $0xffff, v14  }
0x1e8: {  	[tilespmem:s5+$0x114E0] =	vst.add.f32.msk $0xffff, v15  }
0x1e9: {  	[tilespmem:s5+$0x114F0] =	vst.add.f32.msk $0xffff, v16  }
0x1ea: {  	[tilespmem:s5+$0x11500] =	vst.add.f32.msk $0xffff, v17  }
0x1eb: {  	[tilespmem:s5+$0x11510] =	vst.add.f32.msk $0xffff, v18  }
0x1ec: {  	[tilespmem:s5+$0x11520] =	vst.add.f32.msk $0xffff, v19  }
0x1ed: {  	[tilespmem:s5+$0x11530] =	vst.add.f32.msk $0xffff, v20  }
0x1ee: {  	[tilespmem:s5+$0x11540] =	vst.add.f32.msk $0xffff, v21  }
0x1ef: {  	[tilespmem:s5+$0x11550] =	vst.add.f32.msk $0xffff, v22  }
0x1f0: {  	[tilespmem:s5+$0x11560] =	vst.add.f32.msk $0xffff, v23  }
0x1f1: {  	[tilespmem:s5+$0x11570] =	vst.add.f32.msk $0xffff, v24  }
0x1f2: {  	[tilespmem:s5+$0x11580] =	vst.add.f32.msk $0xffff, v25  }
0x1f3: {  	[tilespmem:s5+$0x11590] =	vst.add.f32.msk $0xffff, v26  }
0x1f4: {  	[tilespmem:s5+$0x115A0] =	vst.add.f32.msk $0xffff, v27  }
0x1f5: {  	[tilespmem:s5+$0x115B0] =	vst.add.f32.msk $0xffff, v28  }
0x1f6: {  	[tilespmem:s5+$0x115C0] =	vst.add.f32.msk $0xffff, v29  }
0x1f7: {  	s20 =	simm.s32 $0x0;
	s7 =	simm.s32 $0x800;
	[tilespmem:s5+$0x115D0] =	vst.add.f32.msk $0xffff, v30  }
.LBB2_8:
0x1f8: {  	s20 =	sadd.s32 $0x4, s20;
	[tilespmem:s5+$0x115E0] =	vst.add.f32.msk $0xffff, v0;
	s5 =	sshra.s32 s7, $0x2  }
0x1f9: {  	v0 =	vld [tilespmem:s5+$0x4DF0];
	p0 =	slt.u32 s20, $0x60  }
0x1fa: {  	v1 =	vld [tilespmem:s5+$0x4C00]  }
0x1fb: {  	v2 =	vld [tilespmem:s5+$0x4C10]  }
0x1fc: {  	v3 =	vld [tilespmem:s5+$0x4C20]  }
0x1fd: {  	v4 =	vld [tilespmem:s5+$0x4C30]  }
0x1fe: {  	[tilespmem:s5+$0x115F0] =	vst.add.f32.msk $0xffff, v0  }
0x1ff: {  	v5 =	vld [tilespmem:s5+$0x4C40]  }
0x200: {  	v6 =	vld [tilespmem:s5+$0x4C50]  }
0x201: {  	v7 =	vld [tilespmem:s5+$0x4C60]  }
0x202: {  	v8 =	vld [tilespmem:s5+$0x4C70]  }
0x203: {  	v9 =	vld [tilespmem:s5+$0x4C80]  }
0x204: {  	v10 =	vld [tilespmem:s5+$0x4C90]  }
0x205: {  	v11 =	vld [tilespmem:s5+$0x4CA0]  }
0x206: {  	v12 =	vld [tilespmem:s5+$0x4CB0]  }
0x207: {  	v13 =	vld [tilespmem:s5+$0x4CC0]  }
0x208: {  	v14 =	vld [tilespmem:s5+$0x4CD0]  }
0x209: {  	v15 =	vld [tilespmem:s5+$0x4CE0]  }
0x20a: {  	v16 =	vld [tilespmem:s5+$0x4CF0]  }
0x20b: {  	v17 =	vld [tilespmem:s5+$0x4D00]  }
0x20c: {  	v18 =	vld [tilespmem:s5+$0x4D10]  }
0x20d: {  	v19 =	vld [tilespmem:s5+$0x4D20]  }
0x20e: {  	v20 =	vld [tilespmem:s5+$0x4D30]  }
0x20f: {  	v21 =	vld [tilespmem:s5+$0x4D40]  }
0x210: {  	v22 =	vld [tilespmem:s5+$0x4D50]  }
0x211: {  	v23 =	vld [tilespmem:s5+$0x4D60]  }
0x212: {  	v24 =	vld [tilespmem:s5+$0x4D70]  }
0x213: {  	v25 =	vld [tilespmem:s5+$0x4D80]  }
0x214: {  	v26 =	vld [tilespmem:s5+$0x4D90]  }
0x215: {  	v27 =	vld [tilespmem:s5+$0x4DA0]  }
0x216: {  	v28 =	vld [tilespmem:s5+$0x4DB0]  }
0x217: {  	v29 =	vld [tilespmem:s5+$0x4DC0]  }
0x218: {  	v30 =	vld [tilespmem:s5+$0x4DD0]  }
0x219: {  	v0 =	vld [tilespmem:s5+$0x4DE0]  }
0x21a: {  	[tilespmem:s5+$0x11400] =	vst.add.f32.msk $0xffff, v1  }
0x21b: {  	[tilespmem:s5+$0x11410] =	vst.add.f32.msk $0xffff, v2  }
0x21c: {  	[tilespmem:s5+$0x11420] =	vst.add.f32.msk $0xffff, v3  }
0x21d: {  	[tilespmem:s5+$0x11430] =	vst.add.f32.msk $0xffff, v4  }
0x21e: {  	[tilespmem:s5+$0x11440] =	vst.add.f32.msk $0xffff, v5  }
0x21f: {  	[tilespmem:s5+$0x11450] =	vst.add.f32.msk $0xffff, v6  }
0x220: {  	[tilespmem:s5+$0x11460] =	vst.add.f32.msk $0xffff, v7  }
0x221: {  	[tilespmem:s5+$0x11470] =	vst.add.f32.msk $0xffff, v8  }
0x222: {  	[tilespmem:s5+$0x11480] =	vst.add.f32.msk $0xffff, v9  }
0x223: {  	[tilespmem:s5+$0x11490] =	vst.add.f32.msk $0xffff, v10  }
0x224: {  	[tilespmem:s5+$0x114A0] =	vst.add.f32.msk $0xffff, v11  }
0x225: {  	[tilespmem:s5+$0x114B0] =	vst.add.f32.msk $0xffff, v12  }
0x226: {  	[tilespmem:s5+$0x114C0] =	vst.add.f32.msk $0xffff, v13  }
0x227: {  	[tilespmem:s5+$0x114D0] =	vst.add.f32.msk $0xffff, v14  }
0x228: {  	[tilespmem:s5+$0x114E0] =	vst.add.f32.msk $0xffff, v15  }
0x229: {  	[tilespmem:s5+$0x114F0] =	vst.add.f32.msk $0xffff, v16  }
0x22a: {  	[tilespmem:s5+$0x11500] =	vst.add.f32.msk $0xffff, v17  }
0x22b: {  	[tilespmem:s5+$0x11510] =	vst.add.f32.msk $0xffff, v18  }
0x22c: {  	[tilespmem:s5+$0x11520] =	vst.add.f32.msk $0xffff, v19  }
0x22d: {  	[tilespmem:s5+$0x11530] =	vst.add.f32.msk $0xffff, v20  }
0x22e: {  	[tilespmem:s5+$0x11540] =	vst.add.f32.msk $0xffff, v21  }
0x22f: {  	[tilespmem:s5+$0x11550] =	vst.add.f32.msk $0xffff, v22  }
0x230: {  	[tilespmem:s5+$0x11560] =	vst.add.f32.msk $0xffff, v23  }
0x231: {  	[tilespmem:s5+$0x11570] =	vst.add.f32.msk $0xffff, v24  }
0x232: {  	[tilespmem:s5+$0x11580] =	vst.add.f32.msk $0xffff, v25  }
.Ltmp3:
0x233: {  	[tilespmem:s5+$0x11590] =	vst.add.f32.msk $0xffff, v26;
	(pc) =	sbr.rel @p0 .LBB2_8-.Ltmp3, $4  }
0x234: {  	[tilespmem:s5+$0x115A0] =	vst.add.f32.msk $0xffff, v27  }
0x235: {  	[tilespmem:s5+$0x115B0] =	vst.add.f32.msk $0xffff, v28  }
0x236: {  	[tilespmem:s5+$0x115C0] =	vst.add.f32.msk $0xffff, v29  }
0x237: {  	s7 =	sadd.s32 $0x800, s7;
	[tilespmem:s5+$0x115D0] =	vst.add.f32.msk $0xffff, v30  }
0x238: {  	[tilespmem:s5+$0x115E0] =	vst.add.f32.msk $0xffff, v0;
	s20 =	simm.s32 $0x1  }
0x239: {  	[hbm4b:s11+s4] =	stream.linear.scatter [tilespmem:s24], [sflag:$0x8], $0x3200, $0x38;
	[tilespmem:$0x14600] =	vst v63  }
.LBB2_10:
0x23a: {  	s28 =	sshll.u32 s20, $0x2  }
0x23b: {  	s23 =	sor.u32 $0x2, s28  }
0x23c: {  	_ =	swait.ge [sflag:s0], $0x3200;
	s5 =	smul.u32 $0x1A0, s23  }
0x23d: {  	[sflag:s0] =	ssyncset.done $0x0  }
0x23e: {  	[sflag:s0] =	ssyncadd.s32 $0xFFFFCE00;
	s5 =	sshra.s32 s5, $0x2  }
0x23f: {  	[tilespmem:s21], [sflag:$0x3] =	stream.indirect.gather [hbm4b:s2+s15], $0x80, s5, s15, $0xb8;
	[tilespmem:$0x14600] =	vst v63  }
0x240: {  	_ =	swait.ge [sflag:s22], $0x3200  }
0x241: {  	[sflag:s22] =	ssyncset.done $0x0  }
0x242: {  	s5 =	simm.s32 $0x0;
	[sflag:s22] =	ssyncadd.s32 $0xFFFFCE00  }
0x243: {  	v0 =	vld [tilespmem:s5+$0x1BF0]  }
0x244: {  	v1 =	vld [tilespmem:s5+$0x1A00]  }
0x245: {  	v2 =	vld [tilespmem:s5+$0x1A10]  }
0x246: {  	v3 =	vld [tilespmem:s5+$0x1A20]  }
0x247: {  	v4 =	vld [tilespmem:s5+$0x1A30]  }
0x248: {  	v5 =	vld [tilespmem:s5+$0x1A40]  }
0x249: {  	v6 =	vld [tilespmem:s5+$0x1A50]  }
0x24a: {  	v7 =	vld [tilespmem:s5+$0x1A60]  }
0x24b: {  	v8 =	vld [tilespmem:s5+$0x1A70]  }
0x24c: {  	v9 =	vld [tilespmem:s5+$0x1A80]  }
0x24d: {  	v10 =	vld [tilespmem:s5+$0x1A90]  }
0x24e: {  	v11 =	vld [tilespmem:s5+$0x1AA0]  }
0x24f: {  	v12 =	vld [tilespmem:s5+$0x1AB0]  }
0x250: {  	v13 =	vld [tilespmem:s5+$0x1AC0]  }
0x251: {  	v14 =	vld [tilespmem:s5+$0x1AD0]  }
0x252: {  	v15 =	vld [tilespmem:s5+$0x1AE0]  }
0x253: {  	v16 =	vld [tilespmem:s5+$0x1AF0]  }
0x254: {  	v17 =	vld [tilespmem:s5+$0x1B00]  }
0x255: {  	v18 =	vld [tilespmem:s5+$0x1B10]  }
0x256: {  	v19 =	vld [tilespmem:s5+$0x1B20]  }
0x257: {  	v20 =	vld [tilespmem:s5+$0x1B30]  }
0x258: {  	v21 =	vld [tilespmem:s5+$0x1B40]  }
0x259: {  	v22 =	vld [tilespmem:s5+$0x1B50]  }
0x25a: {  	v23 =	vld [tilespmem:s5+$0x1B60]  }
0x25b: {  	v24 =	vld [tilespmem:s5+$0x1B70]  }
0x25c: {  	v25 =	vld [tilespmem:s5+$0x1B80]  }
0x25d: {  	v26 =	vld [tilespmem:s5+$0x1B90]  }
0x25e: {  	v27 =	vld [tilespmem:s5+$0x1BA0]  }
0x25f: {  	v28 =	vld [tilespmem:s5+$0x1BB0]  }
0x260: {  	v29 =	vld [tilespmem:s5+$0x1BC0]  }
0x261: {  	v30 =	vld [tilespmem:s5+$0x1BD0]  }
0x262: {  	[tilespmem:s5+$0x7FF0] =	vst.add.f32.msk $0xffff, v0  }
0x263: {  	v0 =	vld [tilespmem:s5+$0x1BE0]  }
0x264: {  	[tilespmem:s5+$0x7E00] =	vst.add.f32.msk $0xffff, v1  }
0x265: {  	[tilespmem:s5+$0x7E10] =	vst.add.f32.msk $0xffff, v2  }
0x266: {  	[tilespmem:s5+$0x7E20] =	vst.add.f32.msk $0xffff, v3  }
0x267: {  	[tilespmem:s5+$0x7E30] =	vst.add.f32.msk $0xffff, v4  }
0x268: {  	[tilespmem:s5+$0x7E40] =	vst.add.f32.msk $0xffff, v5  }
0x269: {  	[tilespmem:s5+$0x7E50] =	vst.add.f32.msk $0xffff, v6  }
0x26a: {  	[tilespmem:s5+$0x7E60] =	vst.add.f32.msk $0xffff, v7  }
0x26b: {  	[tilespmem:s5+$0x7E70] =	vst.add.f32.msk $0xffff, v8  }
0x26c: {  	[tilespmem:s5+$0x7E80] =	vst.add.f32.msk $0xffff, v9  }
0x26d: {  	[tilespmem:s5+$0x7E90] =	vst.add.f32.msk $0xffff, v10  }
0x26e: {  	[tilespmem:s5+$0x7EA0] =	vst.add.f32.msk $0xffff, v11  }
0x26f: {  	[tilespmem:s5+$0x7EB0] =	vst.add.f32.msk $0xffff, v12  }
0x270: {  	[tilespmem:s5+$0x7EC0] =	vst.add.f32.msk $0xffff, v13  }
0x271: {  	[tilespmem:s5+$0x7ED0] =	vst.add.f32.msk $0xffff, v14  }
0x272: {  	[tilespmem:s5+$0x7EE0] =	vst.add.f32.msk $0xffff, v15  }
0x273: {  	[tilespmem:s5+$0x7EF0] =	vst.add.f32.msk $0xffff, v16  }
0x274: {  	[tilespmem:s5+$0x7F00] =	vst.add.f32.msk $0xffff, v17  }
0x275: {  	[tilespmem:s5+$0x7F10] =	vst.add.f32.msk $0xffff, v18  }
0x276: {  	[tilespmem:s5+$0x7F20] =	vst.add.f32.msk $0xffff, v19  }
0x277: {  	[tilespmem:s5+$0x7F30] =	vst.add.f32.msk $0xffff, v20  }
0x278: {  	[tilespmem:s5+$0x7F40] =	vst.add.f32.msk $0xffff, v21  }
0x279: {  	[tilespmem:s5+$0x7F50] =	vst.add.f32.msk $0xffff, v22  }
0x27a: {  	[tilespmem:s5+$0x7F60] =	vst.add.f32.msk $0xffff, v23  }
0x27b: {  	[tilespmem:s5+$0x7F70] =	vst.add.f32.msk $0xffff, v24  }
0x27c: {  	[tilespmem:s5+$0x7F80] =	vst.add.f32.msk $0xffff, v25  }
0x27d: {  	[tilespmem:s5+$0x7F90] =	vst.add.f32.msk $0xffff, v26  }
0x27e: {  	[tilespmem:s5+$0x7FA0] =	vst.add.f32.msk $0xffff, v27  }
0x27f: {  	[tilespmem:s5+$0x7FB0] =	vst.add.f32.msk $0xffff, v28  }
0x280: {  	[tilespmem:s5+$0x7FC0] =	vst.add.f32.msk $0xffff, v29  }
0x281: {  	s31 =	simm.s32 $0x0;
	s7 =	simm.s32 $0x800;
	[tilespmem:s5+$0x7FD0] =	vst.add.f32.msk $0xffff, v30  }
.LBB2_11:
0x282: {  	s31 =	sadd.s32 $0x4, s31;
	[tilespmem:s5+$0x7FE0] =	vst.add.f32.msk $0xffff, v0;
	s5 =	sshra.s32 s7, $0x2  }
0x283: {  	v0 =	vld [tilespmem:s5+$0x1BF0];
	p0 =	slt.u32 s31, $0x60  }
0x284: {  	v1 =	vld [tilespmem:s5+$0x1A00]  }
0x285: {  	v2 =	vld [tilespmem:s5+$0x1A10]  }
0x286: {  	v3 =	vld [tilespmem:s5+$0x1A20]  }
0x287: {  	v4 =	vld [tilespmem:s5+$0x1A30]  }
0x288: {  	[tilespmem:s5+$0x7FF0] =	vst.add.f32.msk $0xffff, v0  }
0x289: {  	v5 =	vld [tilespmem:s5+$0x1A40]  }
0x28a: {  	v6 =	vld [tilespmem:s5+$0x1A50]  }
0x28b: {  	v7 =	vld [tilespmem:s5+$0x1A60]  }
0x28c: {  	v8 =	vld [tilespmem:s5+$0x1A70]  }
0x28d: {  	v9 =	vld [tilespmem:s5+$0x1A80]  }
0x28e: {  	v10 =	vld [tilespmem:s5+$0x1A90]  }
0x28f: {  	v11 =	vld [tilespmem:s5+$0x1AA0]  }
0x290: {  	v12 =	vld [tilespmem:s5+$0x1AB0]  }
0x291: {  	v13 =	vld [tilespmem:s5+$0x1AC0]  }
0x292: {  	v14 =	vld [tilespmem:s5+$0x1AD0]  }
0x293: {  	v15 =	vld [tilespmem:s5+$0x1AE0]  }
0x294: {  	v16 =	vld [tilespmem:s5+$0x1AF0]  }
0x295: {  	v17 =	vld [tilespmem:s5+$0x1B00]  }
0x296: {  	v18 =	vld [tilespmem:s5+$0x1B10]  }
0x297: {  	v19 =	vld [tilespmem:s5+$0x1B20]  }
0x298: {  	v20 =	vld [tilespmem:s5+$0x1B30]  }
0x299: {  	v21 =	vld [tilespmem:s5+$0x1B40]  }
0x29a: {  	v22 =	vld [tilespmem:s5+$0x1B50]  }
0x29b: {  	v23 =	vld [tilespmem:s5+$0x1B60]  }
0x29c: {  	v24 =	vld [tilespmem:s5+$0x1B70]  }
0x29d: {  	v25 =	vld [tilespmem:s5+$0x1B80]  }
0x29e: {  	v26 =	vld [tilespmem:s5+$0x1B90]  }
0x29f: {  	v27 =	vld [tilespmem:s5+$0x1BA0]  }
0x2a0: {  	v28 =	vld [tilespmem:s5+$0x1BB0]  }
0x2a1: {  	v29 =	vld [tilespmem:s5+$0x1BC0]  }
0x2a2: {  	v30 =	vld [tilespmem:s5+$0x1BD0]  }
0x2a3: {  	v0 =	vld [tilespmem:s5+$0x1BE0]  }
0x2a4: {  	[tilespmem:s5+$0x7E00] =	vst.add.f32.msk $0xffff, v1  }
0x2a5: {  	[tilespmem:s5+$0x7E10] =	vst.add.f32.msk $0xffff, v2  }
0x2a6: {  	[tilespmem:s5+$0x7E20] =	vst.add.f32.msk $0xffff, v3  }
0x2a7: {  	[tilespmem:s5+$0x7E30] =	vst.add.f32.msk $0xffff, v4  }
0x2a8: {  	[tilespmem:s5+$0x7E40] =	vst.add.f32.msk $0xffff, v5  }
0x2a9: {  	[tilespmem:s5+$0x7E50] =	vst.add.f32.msk $0xffff, v6  }
0x2aa: {  	[tilespmem:s5+$0x7E60] =	vst.add.f32.msk $0xffff, v7  }
0x2ab: {  	[tilespmem:s5+$0x7E70] =	vst.add.f32.msk $0xffff, v8  }
0x2ac: {  	[tilespmem:s5+$0x7E80] =	vst.add.f32.msk $0xffff, v9  }
0x2ad: {  	[tilespmem:s5+$0x7E90] =	vst.add.f32.msk $0xffff, v10  }
0x2ae: {  	[tilespmem:s5+$0x7EA0] =	vst.add.f32.msk $0xffff, v11  }
0x2af: {  	[tilespmem:s5+$0x7EB0] =	vst.add.f32.msk $0xffff, v12  }
0x2b0: {  	[tilespmem:s5+$0x7EC0] =	vst.add.f32.msk $0xffff, v13  }
0x2b1: {  	[tilespmem:s5+$0x7ED0] =	vst.add.f32.msk $0xffff, v14  }
0x2b2: {  	[tilespmem:s5+$0x7EE0] =	vst.add.f32.msk $0xffff, v15  }
0x2b3: {  	[tilespmem:s5+$0x7EF0] =	vst.add.f32.msk $0xffff, v16  }
0x2b4: {  	[tilespmem:s5+$0x7F00] =	vst.add.f32.msk $0xffff, v17  }
0x2b5: {  	[tilespmem:s5+$0x7F10] =	vst.add.f32.msk $0xffff, v18  }
0x2b6: {  	[tilespmem:s5+$0x7F20] =	vst.add.f32.msk $0xffff, v19  }
0x2b7: {  	[tilespmem:s5+$0x7F30] =	vst.add.f32.msk $0xffff, v20  }
0x2b8: {  	[tilespmem:s5+$0x7F40] =	vst.add.f32.msk $0xffff, v21  }
0x2b9: {  	[tilespmem:s5+$0x7F50] =	vst.add.f32.msk $0xffff, v22  }
0x2ba: {  	[tilespmem:s5+$0x7F60] =	vst.add.f32.msk $0xffff, v23  }
0x2bb: {  	[tilespmem:s5+$0x7F70] =	vst.add.f32.msk $0xffff, v24  }
0x2bc: {  	[tilespmem:s5+$0x7F80] =	vst.add.f32.msk $0xffff, v25  }
.Ltmp4:
0x2bd: {  	[tilespmem:s5+$0x7F90] =	vst.add.f32.msk $0xffff, v26;
	(pc) =	sbr.rel @p0 .LBB2_11-.Ltmp4, $4  }
0x2be: {  	[tilespmem:s5+$0x7FA0] =	vst.add.f32.msk $0xffff, v27  }
0x2bf: {  	[tilespmem:s5+$0x7FB0] =	vst.add.f32.msk $0xffff, v28  }
0x2c0: {  	[tilespmem:s5+$0x7FC0] =	vst.add.f32.msk $0xffff, v29  }
0x2c1: {  	s7 =	sadd.s32 $0x800, s7;
	[tilespmem:s5+$0x7FD0] =	vst.add.f32.msk $0xffff, v30  }
0x2c2: {  	s31 =	smul.u32 $0x190, s20;
	_ =	sdelay $0x1  }
0x2c3: {  	s7 =	sadd.s32 s6, s31  }
0x2c4: {  	s7 =	sshll.u32 s7, $0x4  }
0x2c5: {  	s7 =	sand.u32 $0x1FFFFF00, s7  }
0x2c6: {  	[tilespmem:s5+$0x7FE0] =	vst.add.f32.msk $0xffff, v0;
	s9 =	simm.s32 $0x0;
	s28 =	sor.u32 $0x3, s28;
	s7 =	sadd.s32 s3, s7  }
0x2c7: {  	[hbm4b:s7+s9] =	stream.linear.scatter [tilespmem:s16], [sflag:$0x5], $0x3200, $0x38;
	[tilespmem:$0x14600] =	vst v63  }
0x2c8: {  	s9 =	smul.u32 $0x1A0, s28;
	_ =	swait.ge [sflag:s17], $0x3200  }
0x2c9: {  	[sflag:s17] =	ssyncset.done $0x0  }
0x2ca: {  	s5 =	sshra.s32 s9, $0x2;
	[sflag:s17] =	ssyncadd.s32 $0xFFFFCE00  }
0x2cb: {  	[tilespmem:s24], [sflag:$0x4] =	stream.indirect.gather [hbm4b:s2+s15], $0x80, s5, s15, $0xb8;
	[tilespmem:$0x14600] =	vst v63  }
0x2cc: {  	_ =	swait.ge [sflag:s25], $0x3200  }
0x2cd: {  	[sflag:s25] =	ssyncset.done $0x0  }
0x2ce: {  	s5 =	simm.s32 $0x0;
	[sflag:s25] =	ssyncadd.s32 $0xFFFFCE00  }
0x2cf: {  	v0 =	vld [tilespmem:s5+$0x4DF0]  }
0x2d0: {  	v1 =	vld [tilespmem:s5+$0x4C00]  }
0x2d1: {  	v2 =	vld [tilespmem:s5+$0x4C10]  }
0x2d2: {  	v3 =	vld [tilespmem:s5+$0x4C20]  }
0x2d3: {  	v4 =	vld [tilespmem:s5+$0x4C30]  }
0x2d4: {  	v5 =	vld [tilespmem:s5+$0x4C40]  }
0x2d5: {  	v6 =	vld [tilespmem:s5+$0x4C50]  }
0x2d6: {  	v7 =	vld [tilespmem:s5+$0x4C60]  }
0x2d7: {  	v8 =	vld [tilespmem:s5+$0x4C70]  }
0x2d8: {  	v9 =	vld [tilespmem:s5+$0x4C80]  }
0x2d9: {  	v10 =	vld [tilespmem:s5+$0x4C90]  }
0x2da: {  	v11 =	vld [tilespmem:s5+$0x4CA0]  }
0x2db: {  	v12 =	vld [tilespmem:s5+$0x4CB0]  }
0x2dc: {  	v13 =	vld [tilespmem:s5+$0x4CC0]  }
0x2dd: {  	v14 =	vld [tilespmem:s5+$0x4CD0]  }
0x2de: {  	v15 =	vld [tilespmem:s5+$0x4CE0]  }
0x2df: {  	v16 =	vld [tilespmem:s5+$0x4CF0]  }
0x2e0: {  	v17 =	vld [tilespmem:s5+$0x4D00]  }
0x2e1: {  	v18 =	vld [tilespmem:s5+$0x4D10]  }
0x2e2: {  	v19 =	vld [tilespmem:s5+$0x4D20]  }
0x2e3: {  	v20 =	vld [tilespmem:s5+$0x4D30]  }
0x2e4: {  	v21 =	vld [tilespmem:s5+$0x4D40]  }
0x2e5: {  	v22 =	vld [tilespmem:s5+$0x4D50]  }
0x2e6: {  	v23 =	vld [tilespmem:s5+$0x4D60]  }
0x2e7: {  	v24 =	vld [tilespmem:s5+$0x4D70]  }
0x2e8: {  	v25 =	vld [tilespmem:s5+$0x4D80]  }
0x2e9: {  	v26 =	vld [tilespmem:s5+$0x4D90]  }
0x2ea: {  	v27 =	vld [tilespmem:s5+$0x4DA0]  }
0x2eb: {  	v28 =	vld [tilespmem:s5+$0x4DB0]  }
0x2ec: {  	v29 =	vld [tilespmem:s5+$0x4DC0]  }
0x2ed: {  	v30 =	vld [tilespmem:s5+$0x4DD0]  }
0x2ee: {  	[tilespmem:s5+$0xB1F0] =	vst.add.f32.msk $0xffff, v0  }
0x2ef: {  	v0 =	vld [tilespmem:s5+$0x4DE0]  }
0x2f0: {  	[tilespmem:s5+$0xB000] =	vst.add.f32.msk $0xffff, v1  }
0x2f1: {  	[tilespmem:s5+$0xB010] =	vst.add.f32.msk $0xffff, v2  }
0x2f2: {  	[tilespmem:s5+$0xB020] =	vst.add.f32.msk $0xffff, v3  }
0x2f3: {  	[tilespmem:s5+$0xB030] =	vst.add.f32.msk $0xffff, v4  }
0x2f4: {  	[tilespmem:s5+$0xB040] =	vst.add.f32.msk $0xffff, v5  }
0x2f5: {  	[tilespmem:s5+$0xB050] =	vst.add.f32.msk $0xffff, v6  }
0x2f6: {  	[tilespmem:s5+$0xB060] =	vst.add.f32.msk $0xffff, v7  }
0x2f7: {  	[tilespmem:s5+$0xB070] =	vst.add.f32.msk $0xffff, v8  }
0x2f8: {  	[tilespmem:s5+$0xB080] =	vst.add.f32.msk $0xffff, v9  }
0x2f9: {  	[tilespmem:s5+$0xB090] =	vst.add.f32.msk $0xffff, v10  }
0x2fa: {  	[tilespmem:s5+$0xB0A0] =	vst.add.f32.msk $0xffff, v11  }
0x2fb: {  	[tilespmem:s5+$0xB0B0] =	vst.add.f32.msk $0xffff, v12  }
0x2fc: {  	[tilespmem:s5+$0xB0C0] =	vst.add.f32.msk $0xffff, v13  }
0x2fd: {  	[tilespmem:s5+$0xB0D0] =	vst.add.f32.msk $0xffff, v14  }
0x2fe: {  	[tilespmem:s5+$0xB0E0] =	vst.add.f32.msk $0xffff, v15  }
0x2ff: {  	[tilespmem:s5+$0xB0F0] =	vst.add.f32.msk $0xffff, v16  }
0x300: {  	[tilespmem:s5+$0xB100] =	vst.add.f32.msk $0xffff, v17  }
0x301: {  	[tilespmem:s5+$0xB110] =	vst.add.f32.msk $0xffff, v18  }
0x302: {  	[tilespmem:s5+$0xB120] =	vst.add.f32.msk $0xffff, v19  }
0x303: {  	[tilespmem:s5+$0xB130] =	vst.add.f32.msk $0xffff, v20  }
0x304: {  	[tilespmem:s5+$0xB140] =	vst.add.f32.msk $0xffff, v21  }
0x305: {  	[tilespmem:s5+$0xB150] =	vst.add.f32.msk $0xffff, v22  }
0x306: {  	[tilespmem:s5+$0xB160] =	vst.add.f32.msk $0xffff, v23  }
0x307: {  	[tilespmem:s5+$0xB170] =	vst.add.f32.msk $0xffff, v24  }
0x308: {  	[tilespmem:s5+$0xB180] =	vst.add.f32.msk $0xffff, v25  }
0x309: {  	[tilespmem:s5+$0xB190] =	vst.add.f32.msk $0xffff, v26  }
0x30a: {  	[tilespmem:s5+$0xB1A0] =	vst.add.f32.msk $0xffff, v27  }
0x30b: {  	[tilespmem:s5+$0xB1B0] =	vst.add.f32.msk $0xffff, v28  }
0x30c: {  	[tilespmem:s5+$0xB1C0] =	vst.add.f32.msk $0xffff, v29  }
0x30d: {  	s7 =	simm.s32 $0x0;
	s9 =	simm.s32 $0x800;
	[tilespmem:s5+$0xB1D0] =	vst.add.f32.msk $0xffff, v30  }
.LBB2_13:
0x30e: {  	s7 =	sadd.s32 $0x4, s7;
	[tilespmem:s5+$0xB1E0] =	vst.add.f32.msk $0xffff, v0;
	s5 =	sshra.s32 s9, $0x2  }
0x30f: {  	v0 =	vld [tilespmem:s5+$0x4DF0];
	p0 =	slt.u32 s7, $0x60  }
0x310: {  	v1 =	vld [tilespmem:s5+$0x4C00]  }
0x311: {  	v2 =	vld [tilespmem:s5+$0x4C10]  }
0x312: {  	v3 =	vld [tilespmem:s5+$0x4C20]  }
0x313: {  	v4 =	vld [tilespmem:s5+$0x4C30]  }
0x314: {  	[tilespmem:s5+$0xB1F0] =	vst.add.f32.msk $0xffff, v0  }
0x315: {  	v5 =	vld [tilespmem:s5+$0x4C40]  }
0x316: {  	v6 =	vld [tilespmem:s5+$0x4C50]  }
0x317: {  	v7 =	vld [tilespmem:s5+$0x4C60]  }
0x318: {  	v8 =	vld [tilespmem:s5+$0x4C70]  }
0x319: {  	v9 =	vld [tilespmem:s5+$0x4C80]  }
0x31a: {  	v10 =	vld [tilespmem:s5+$0x4C90]  }
0x31b: {  	v11 =	vld [tilespmem:s5+$0x4CA0]  }
0x31c: {  	v12 =	vld [tilespmem:s5+$0x4CB0]  }
0x31d: {  	v13 =	vld [tilespmem:s5+$0x4CC0]  }
0x31e: {  	v14 =	vld [tilespmem:s5+$0x4CD0]  }
0x31f: {  	v15 =	vld [tilespmem:s5+$0x4CE0]  }
0x320: {  	v16 =	vld [tilespmem:s5+$0x4CF0]  }
0x321: {  	v17 =	vld [tilespmem:s5+$0x4D00]  }
0x322: {  	v18 =	vld [tilespmem:s5+$0x4D10]  }
0x323: {  	v19 =	vld [tilespmem:s5+$0x4D20]  }
0x324: {  	v20 =	vld [tilespmem:s5+$0x4D30]  }
0x325: {  	v21 =	vld [tilespmem:s5+$0x4D40]  }
0x326: {  	v22 =	vld [tilespmem:s5+$0x4D50]  }
0x327: {  	v23 =	vld [tilespmem:s5+$0x4D60]  }
0x328: {  	v24 =	vld [tilespmem:s5+$0x4D70]  }
0x329: {  	v25 =	vld [tilespmem:s5+$0x4D80]  }
0x32a: {  	v26 =	vld [tilespmem:s5+$0x4D90]  }
0x32b: {  	v27 =	vld [tilespmem:s5+$0x4DA0]  }
0x32c: {  	v28 =	vld [tilespmem:s5+$0x4DB0]  }
0x32d: {  	v29 =	vld [tilespmem:s5+$0x4DC0]  }
0x32e: {  	v30 =	vld [tilespmem:s5+$0x4DD0]  }
0x32f: {  	v0 =	vld [tilespmem:s5+$0x4DE0]  }
0x330: {  	[tilespmem:s5+$0xB000] =	vst.add.f32.msk $0xffff, v1  }
0x331: {  	[tilespmem:s5+$0xB010] =	vst.add.f32.msk $0xffff, v2  }
0x332: {  	[tilespmem:s5+$0xB020] =	vst.add.f32.msk $0xffff, v3  }
0x333: {  	[tilespmem:s5+$0xB030] =	vst.add.f32.msk $0xffff, v4  }
0x334: {  	[tilespmem:s5+$0xB040] =	vst.add.f32.msk $0xffff, v5  }
0x335: {  	[tilespmem:s5+$0xB050] =	vst.add.f32.msk $0xffff, v6  }
0x336: {  	[tilespmem:s5+$0xB060] =	vst.add.f32.msk $0xffff, v7  }
0x337: {  	[tilespmem:s5+$0xB070] =	vst.add.f32.msk $0xffff, v8  }
0x338: {  	[tilespmem:s5+$0xB080] =	vst.add.f32.msk $0xffff, v9  }
0x339: {  	[tilespmem:s5+$0xB090] =	vst.add.f32.msk $0xffff, v10  }
0x33a: {  	[tilespmem:s5+$0xB0A0] =	vst.add.f32.msk $0xffff, v11  }
0x33b: {  	[tilespmem:s5+$0xB0B0] =	vst.add.f32.msk $0xffff, v12  }
0x33c: {  	[tilespmem:s5+$0xB0C0] =	vst.add.f32.msk $0xffff, v13  }
0x33d: {  	[tilespmem:s5+$0xB0D0] =	vst.add.f32.msk $0xffff, v14  }
0x33e: {  	[tilespmem:s5+$0xB0E0] =	vst.add.f32.msk $0xffff, v15  }
0x33f: {  	[tilespmem:s5+$0xB0F0] =	vst.add.f32.msk $0xffff, v16  }
0x340: {  	[tilespmem:s5+$0xB100] =	vst.add.f32.msk $0xffff, v17  }
0x341: {  	[tilespmem:s5+$0xB110] =	vst.add.f32.msk $0xffff, v18  }
0x342: {  	[tilespmem:s5+$0xB120] =	vst.add.f32.msk $0xffff, v19  }
0x343: {  	[tilespmem:s5+$0xB130] =	vst.add.f32.msk $0xffff, v20  }
0x344: {  	[tilespmem:s5+$0xB140] =	vst.add.f32.msk $0xffff, v21  }
0x345: {  	[tilespmem:s5+$0xB150] =	vst.add.f32.msk $0xffff, v22  }
0x346: {  	[tilespmem:s5+$0xB160] =	vst.add.f32.msk $0xffff, v23  }
0x347: {  	[tilespmem:s5+$0xB170] =	vst.add.f32.msk $0xffff, v24  }
0x348: {  	[tilespmem:s5+$0xB180] =	vst.add.f32.msk $0xffff, v25  }
.Ltmp5:
0x349: {  	[tilespmem:s5+$0xB190] =	vst.add.f32.msk $0xffff, v26;
	(pc) =	sbr.rel @p0 .LBB2_13-.Ltmp5, $4  }
0x34a: {  	[tilespmem:s5+$0xB1A0] =	vst.add.f32.msk $0xffff, v27  }
0x34b: {  	[tilespmem:s5+$0xB1B0] =	vst.add.f32.msk $0xffff, v28  }
0x34c: {  	[tilespmem:s5+$0xB1C0] =	vst.add.f32.msk $0xffff, v29  }
0x34d: {  	s9 =	sadd.s32 $0x800, s9;
	[tilespmem:s5+$0xB1D0] =	vst.add.f32.msk $0xffff, v30  }
0x34e: {  	s7 =	sadd.s32 s31, s12  }
0x34f: {  	s7 =	sshll.u32 s7, $0x4  }
0x350: {  	p0 =	seq.s32 s20, $0xF;
	s7 =	sand.u32 $0x1FFFFF40, s7  }
0x351: {  	[tilespmem:s5+$0xB1E0] =	vst.add.f32.msk $0xffff, v0;
	s5 =	simm.s32 @!p0 $0x5;
	s9 =	sadd.s32 s3, s7;
	s7 =	smul.u32 @!p0 $0x680, s20  }
0x352: {  	[hbm4b:s9+s4] =	stream.linear.scatter [tilespmem:s18], [sflag:$0x6], $0x3200, $0x38;
	[tilespmem:$0x14600] =	vst v63  }
0x353: {  	_ =	swait.ge @!p0 [sflag:s5], $0x3200  }
0x354: {  	s9 =	simm.s32 @!p0 $0x7E00;
	s31 =	sshra.s32 @!p0 s7, $0x2;
	[sflag:s5] =	ssyncset.done @!p0 $0x0  }
0x355: {  	s7 =	simm.s32 @!p0 $0x64;
	[sflag:s5] =	ssyncadd.s32 @!p0 $0xFFFFCE00;
	s5 =	sadd.s32 @!p0 $0x1A0, s31  }
0x356: {  	[tilespmem:s9], [sflag:$0x1] =	stream.indirect.gather @!p0 [hbm4b:s2+s7], $0x80, s5, s7, $0xb8;
	[tilespmem:$0x14600] =	vst v63  }
0x357: {  	_ =	swait.ge [sflag:s29], $0x3200  }
0x358: {  	[sflag:s29] =	ssyncset.done $0x0  }
0x359: {  	s5 =	simm.s32 $0x0;
	[sflag:s29] =	ssyncadd.s32 $0xFFFFCE00  }
0x35a: {  	v0 =	vld [tilespmem:s5+$0x1BF0]  }
0x35b: {  	v1 =	vld [tilespmem:s5+$0x1A00]  }
0x35c: {  	v2 =	vld [tilespmem:s5+$0x1A10]  }
0x35d: {  	v3 =	vld [tilespmem:s5+$0x1A20]  }
0x35e: {  	v4 =	vld [tilespmem:s5+$0x1A30]  }
0x35f: {  	v5 =	vld [tilespmem:s5+$0x1A40]  }
0x360: {  	v6 =	vld [tilespmem:s5+$0x1A50]  }
0x361: {  	v7 =	vld [tilespmem:s5+$0x1A60]  }
0x362: {  	v8 =	vld [tilespmem:s5+$0x1A70]  }
0x363: {  	v9 =	vld [tilespmem:s5+$0x1A80]  }
0x364: {  	v10 =	vld [tilespmem:s5+$0x1A90]  }
0x365: {  	v11 =	vld [tilespmem:s5+$0x1AA0]  }
0x366: {  	v12 =	vld [tilespmem:s5+$0x1AB0]  }
0x367: {  	v13 =	vld [tilespmem:s5+$0x1AC0]  }
0x368: {  	v14 =	vld [tilespmem:s5+$0x1AD0]  }
0x369: {  	v15 =	vld [tilespmem:s5+$0x1AE0]  }
0x36a: {  	v16 =	vld [tilespmem:s5+$0x1AF0]  }
0x36b: {  	v17 =	vld [tilespmem:s5+$0x1B00]  }
0x36c: {  	v18 =	vld [tilespmem:s5+$0x1B10]  }
0x36d: {  	v19 =	vld [tilespmem:s5+$0x1B20]  }
0x36e: {  	v20 =	vld [tilespmem:s5+$0x1B30]  }
0x36f: {  	v21 =	vld [tilespmem:s5+$0x1B40]  }
0x370: {  	v22 =	vld [tilespmem:s5+$0x1B50]  }
0x371: {  	v23 =	vld [tilespmem:s5+$0x1B60]  }
0x372: {  	v24 =	vld [tilespmem:s5+$0x1B70]  }
0x373: {  	v25 =	vld [tilespmem:s5+$0x1B80]  }
0x374: {  	v26 =	vld [tilespmem:s5+$0x1B90]  }
0x375: {  	v27 =	vld [tilespmem:s5+$0x1BA0]  }
0x376: {  	v28 =	vld [tilespmem:s5+$0x1BB0]  }
0x377: {  	v29 =	vld [tilespmem:s5+$0x1BC0]  }
0x378: {  	v30 =	vld [tilespmem:s5+$0x1BD0]  }
0x379: {  	[tilespmem:s5+$0xE3F0] =	vst.add.f32.msk $0xffff, v0  }
0x37a: {  	v0 =	vld [tilespmem:s5+$0x1BE0]  }
0x37b: {  	[tilespmem:s5+$0xE200] =	vst.add.f32.msk $0xffff, v1  }
0x37c: {  	[tilespmem:s5+$0xE210] =	vst.add.f32.msk $0xffff, v2  }
0x37d: {  	[tilespmem:s5+$0xE220] =	vst.add.f32.msk $0xffff, v3  }
0x37e: {  	[tilespmem:s5+$0xE230] =	vst.add.f32.msk $0xffff, v4  }
0x37f: {  	[tilespmem:s5+$0xE240] =	vst.add.f32.msk $0xffff, v5  }
0x380: {  	[tilespmem:s5+$0xE250] =	vst.add.f32.msk $0xffff, v6  }
0x381: {  	[tilespmem:s5+$0xE260] =	vst.add.f32.msk $0xffff, v7  }
0x382: {  	[tilespmem:s5+$0xE270] =	vst.add.f32.msk $0xffff, v8  }
0x383: {  	[tilespmem:s5+$0xE280] =	vst.add.f32.msk $0xffff, v9  }
0x384: {  	[tilespmem:s5+$0xE290] =	vst.add.f32.msk $0xffff, v10  }
0x385: {  	[tilespmem:s5+$0xE2A0] =	vst.add.f32.msk $0xffff, v11  }
0x386: {  	[tilespmem:s5+$0xE2B0] =	vst.add.f32.msk $0xffff, v12  }
0x387: {  	[tilespmem:s5+$0xE2C0] =	vst.add.f32.msk $0xffff, v13  }
0x388: {  	[tilespmem:s5+$0xE2D0] =	vst.add.f32.msk $0xffff, v14  }
0x389: {  	[tilespmem:s5+$0xE2E0] =	vst.add.f32.msk $0xffff, v15  }
0x38a: {  	[tilespmem:s5+$0xE2F0] =	vst.add.f32.msk $0xffff, v16  }
0x38b: {  	[tilespmem:s5+$0xE300] =	vst.add.f32.msk $0xffff, v17  }
0x38c: {  	[tilespmem:s5+$0xE310] =	vst.add.f32.msk $0xffff, v18  }
0x38d: {  	[tilespmem:s5+$0xE320] =	vst.add.f32.msk $0xffff, v19  }
0x38e: {  	[tilespmem:s5+$0xE330] =	vst.add.f32.msk $0xffff, v20  }
0x38f: {  	[tilespmem:s5+$0xE340] =	vst.add.f32.msk $0xffff, v21  }
0x390: {  	[tilespmem:s5+$0xE350] =	vst.add.f32.msk $0xffff, v22  }
0x391: {  	[tilespmem:s5+$0xE360] =	vst.add.f32.msk $0xffff, v23  }
0x392: {  	[tilespmem:s5+$0xE370] =	vst.add.f32.msk $0xffff, v24  }
0x393: {  	[tilespmem:s5+$0xE380] =	vst.add.f32.msk $0xffff, v25  }
0x394: {  	[tilespmem:s5+$0xE390] =	vst.add.f32.msk $0xffff, v26  }
0x395: {  	[tilespmem:s5+$0xE3A0] =	vst.add.f32.msk $0xffff, v27  }
0x396: {  	[tilespmem:s5+$0xE3B0] =	vst.add.f32.msk $0xffff, v28  }
0x397: {  	[tilespmem:s5+$0xE3C0] =	vst.add.f32.msk $0xffff, v29  }
0x398: {  	s7 =	simm.s32 $0x0;
	s9 =	simm.s32 $0x800;
	[tilespmem:s5+$0xE3D0] =	vst.add.f32.msk $0xffff, v30  }
.LBB2_15:
0x399: {  	s7 =	sadd.s32 $0x4, s7;
	[tilespmem:s5+$0xE3E0] =	vst.add.f32.msk $0xffff, v0;
	s5 =	sshra.s32 s9, $0x2  }
0x39a: {  	v0 =	vld [tilespmem:s5+$0x1BF0];
	p1 =	slt.u32 s7, $0x60  }
0x39b: {  	v1 =	vld [tilespmem:s5+$0x1A00]  }
0x39c: {  	v2 =	vld [tilespmem:s5+$0x1A10]  }
0x39d: {  	v3 =	vld [tilespmem:s5+$0x1A20]  }
0x39e: {  	v4 =	vld [tilespmem:s5+$0x1A30]  }
0x39f: {  	[tilespmem:s5+$0xE3F0] =	vst.add.f32.msk $0xffff, v0  }
0x3a0: {  	v5 =	vld [tilespmem:s5+$0x1A40]  }
0x3a1: {  	v6 =	vld [tilespmem:s5+$0x1A50]  }
0x3a2: {  	v7 =	vld [tilespmem:s5+$0x1A60]  }
0x3a3: {  	v8 =	vld [tilespmem:s5+$0x1A70]  }
0x3a4: {  	v9 =	vld [tilespmem:s5+$0x1A80]  }
0x3a5: {  	v10 =	vld [tilespmem:s5+$0x1A90]  }
0x3a6: {  	v11 =	vld [tilespmem:s5+$0x1AA0]  }
0x3a7: {  	v12 =	vld [tilespmem:s5+$0x1AB0]  }
0x3a8: {  	v13 =	vld [tilespmem:s5+$0x1AC0]  }
0x3a9: {  	v14 =	vld [tilespmem:s5+$0x1AD0]  }
0x3aa: {  	v15 =	vld [tilespmem:s5+$0x1AE0]  }
0x3ab: {  	v16 =	vld [tilespmem:s5+$0x1AF0]  }
0x3ac: {  	v17 =	vld [tilespmem:s5+$0x1B00]  }
0x3ad: {  	v18 =	vld [tilespmem:s5+$0x1B10]  }
0x3ae: {  	v19 =	vld [tilespmem:s5+$0x1B20]  }
0x3af: {  	v20 =	vld [tilespmem:s5+$0x1B30]  }
0x3b0: {  	v21 =	vld [tilespmem:s5+$0x1B40]  }
0x3b1: {  	v22 =	vld [tilespmem:s5+$0x1B50]  }
0x3b2: {  	v23 =	vld [tilespmem:s5+$0x1B60]  }
0x3b3: {  	v24 =	vld [tilespmem:s5+$0x1B70]  }
0x3b4: {  	v25 =	vld [tilespmem:s5+$0x1B80]  }
0x3b5: {  	v26 =	vld [tilespmem:s5+$0x1B90]  }
0x3b6: {  	v27 =	vld [tilespmem:s5+$0x1BA0]  }
0x3b7: {  	v28 =	vld [tilespmem:s5+$0x1BB0]  }
0x3b8: {  	v29 =	vld [tilespmem:s5+$0x1BC0]  }
0x3b9: {  	v30 =	vld [tilespmem:s5+$0x1BD0]  }
0x3ba: {  	v0 =	vld [tilespmem:s5+$0x1BE0]  }
0x3bb: {  	[tilespmem:s5+$0xE200] =	vst.add.f32.msk $0xffff, v1  }
0x3bc: {  	[tilespmem:s5+$0xE210] =	vst.add.f32.msk $0xffff, v2  }
0x3bd: {  	[tilespmem:s5+$0xE220] =	vst.add.f32.msk $0xffff, v3  }
0x3be: {  	[tilespmem:s5+$0xE230] =	vst.add.f32.msk $0xffff, v4  }
0x3bf: {  	[tilespmem:s5+$0xE240] =	vst.add.f32.msk $0xffff, v5  }
0x3c0: {  	[tilespmem:s5+$0xE250] =	vst.add.f32.msk $0xffff, v6  }
0x3c1: {  	[tilespmem:s5+$0xE260] =	vst.add.f32.msk $0xffff, v7  }
0x3c2: {  	[tilespmem:s5+$0xE270] =	vst.add.f32.msk $0xffff, v8  }
0x3c3: {  	[tilespmem:s5+$0xE280] =	vst.add.f32.msk $0xffff, v9  }
0x3c4: {  	[tilespmem:s5+$0xE290] =	vst.add.f32.msk $0xffff, v10  }
0x3c5: {  	[tilespmem:s5+$0xE2A0] =	vst.add.f32.msk $0xffff, v11  }
0x3c6: {  	[tilespmem:s5+$0xE2B0] =	vst.add.f32.msk $0xffff, v12  }
0x3c7: {  	[tilespmem:s5+$0xE2C0] =	vst.add.f32.msk $0xffff, v13  }
0x3c8: {  	[tilespmem:s5+$0xE2D0] =	vst.add.f32.msk $0xffff, v14  }
0x3c9: {  	[tilespmem:s5+$0xE2E0] =	vst.add.f32.msk $0xffff, v15  }
0x3ca: {  	[tilespmem:s5+$0xE2F0] =	vst.add.f32.msk $0xffff, v16  }
0x3cb: {  	[tilespmem:s5+$0xE300] =	vst.add.f32.msk $0xffff, v17  }
0x3cc: {  	[tilespmem:s5+$0xE310] =	vst.add.f32.msk $0xffff, v18  }
0x3cd: {  	[tilespmem:s5+$0xE320] =	vst.add.f32.msk $0xffff, v19  }
0x3ce: {  	[tilespmem:s5+$0xE330] =	vst.add.f32.msk $0xffff, v20  }
0x3cf: {  	[tilespmem:s5+$0xE340] =	vst.add.f32.msk $0xffff, v21  }
0x3d0: {  	[tilespmem:s5+$0xE350] =	vst.add.f32.msk $0xffff, v22  }
0x3d1: {  	[tilespmem:s5+$0xE360] =	vst.add.f32.msk $0xffff, v23  }
0x3d2: {  	[tilespmem:s5+$0xE370] =	vst.add.f32.msk $0xffff, v24  }
0x3d3: {  	[tilespmem:s5+$0xE380] =	vst.add.f32.msk $0xffff, v25  }
.Ltmp6:
0x3d4: {  	[tilespmem:s5+$0xE390] =	vst.add.f32.msk $0xffff, v26;
	(pc) =	sbr.rel @p1 .LBB2_15-.Ltmp6, $4  }
0x3d5: {  	[tilespmem:s5+$0xE3A0] =	vst.add.f32.msk $0xffff, v27  }
0x3d6: {  	[tilespmem:s5+$0xE3B0] =	vst.add.f32.msk $0xffff, v28  }
0x3d7: {  	[tilespmem:s5+$0xE3C0] =	vst.add.f32.msk $0xffff, v29  }
0x3d8: {  	s9 =	sadd.s32 $0x800, s9;
	[tilespmem:s5+$0xE3D0] =	vst.add.f32.msk $0xffff, v30  }
0x3d9: {  	s7 =	smul.u32 $0x64, s23;
	_ =	sdelay $0x1  }
0x3da: {  	s7 =	sadd.s32 s6, s7  }
0x3db: {  	s7 =	sshll.u32 s7, $0x4  }
0x3dc: {  	s7 =	sand.u32 $0x1FFFFF80, s7  }
0x3dd: {  	[tilespmem:s5+$0xE3E0] =	vst.add.f32.msk $0xffff, v0;
	s5 =	simm.s32 @!p0 $0x6;
	s23 =	sadd.s32 s3, s7  }
0x3de: {  	[hbm4b:s23+s4] =	stream.linear.scatter [tilespmem:s21], [sflag:$0x7], $0x3200, $0x38;
	[tilespmem:$0x14600] =	vst v63  }
0x3df: {  	_ =	swait.ge @!p0 [sflag:s5], $0x3200  }
0x3e0: {  	s9 =	simm.s32 @!p0 $0xB000;
	[sflag:s5] =	ssyncset.done @!p0 $0x0  }
0x3e1: {  	s7 =	simm.s32 @!p0 $0x64;
	[sflag:s5] =	ssyncadd.s32 @!p0 $0xFFFFCE00;
	s5 =	sadd.s32 @!p0 $0x208, s31  }
0x3e2: {  	[tilespmem:s9], [sflag:$0x2] =	stream.indirect.gather @!p0 [hbm4b:s2+s7], $0x80, s5, s7, $0xb8;
	[tilespmem:$0x14600] =	vst v63  }
0x3e3: {  	_ =	swait.ge [sflag:s1], $0x3200  }
0x3e4: {  	[sflag:s1] =	ssyncset.done $0x0  }
0x3e5: {  	s5 =	simm.s32 $0x0;
	[sflag:s1] =	ssyncadd.s32 $0xFFFFCE00  }
0x3e6: {  	v0 =	vld [tilespmem:s5+$0x4DF0]  }
0x3e7: {  	v1 =	vld [tilespmem:s5+$0x4C00]  }
0x3e8: {  	v2 =	vld [tilespmem:s5+$0x4C10]  }
0x3e9: {  	v3 =	vld [tilespmem:s5+$0x4C20]  }
0x3ea: {  	v4 =	vld [tilespmem:s5+$0x4C30]  }
0x3eb: {  	v5 =	vld [tilespmem:s5+$0x4C40]  }
0x3ec: {  	v6 =	vld [tilespmem:s5+$0x4C50]  }
0x3ed: {  	v7 =	vld [tilespmem:s5+$0x4C60]  }
0x3ee: {  	v8 =	vld [tilespmem:s5+$0x4C70]  }
0x3ef: {  	v9 =	vld [tilespmem:s5+$0x4C80]  }
0x3f0: {  	v10 =	vld [tilespmem:s5+$0x4C90]  }
0x3f1: {  	v11 =	vld [tilespmem:s5+$0x4CA0]  }
0x3f2: {  	v12 =	vld [tilespmem:s5+$0x4CB0]  }
0x3f3: {  	v13 =	vld [tilespmem:s5+$0x4CC0]  }
0x3f4: {  	v14 =	vld [tilespmem:s5+$0x4CD0]  }
0x3f5: {  	v15 =	vld [tilespmem:s5+$0x4CE0]  }
0x3f6: {  	v16 =	vld [tilespmem:s5+$0x4CF0]  }
0x3f7: {  	v17 =	vld [tilespmem:s5+$0x4D00]  }
0x3f8: {  	v18 =	vld [tilespmem:s5+$0x4D10]  }
0x3f9: {  	v19 =	vld [tilespmem:s5+$0x4D20]  }
0x3fa: {  	v20 =	vld [tilespmem:s5+$0x4D30]  }
0x3fb: {  	v21 =	vld [tilespmem:s5+$0x4D40]  }
0x3fc: {  	v22 =	vld [tilespmem:s5+$0x4D50]  }
0x3fd: {  	v23 =	vld [tilespmem:s5+$0x4D60]  }
0x3fe: {  	v24 =	vld [tilespmem:s5+$0x4D70]  }
0x3ff: {  	v25 =	vld [tilespmem:s5+$0x4D80]  }
0x400: {  	v26 =	vld [tilespmem:s5+$0x4D90]  }
0x401: {  	v27 =	vld [tilespmem:s5+$0x4DA0]  }
0x402: {  	v28 =	vld [tilespmem:s5+$0x4DB0]  }
0x403: {  	v29 =	vld [tilespmem:s5+$0x4DC0]  }
0x404: {  	v30 =	vld [tilespmem:s5+$0x4DD0]  }
0x405: {  	[tilespmem:s5+$0x115F0] =	vst.add.f32.msk $0xffff, v0  }
0x406: {  	v0 =	vld [tilespmem:s5+$0x4DE0]  }
0x407: {  	[tilespmem:s5+$0x11400] =	vst.add.f32.msk $0xffff, v1  }
0x408: {  	[tilespmem:s5+$0x11410] =	vst.add.f32.msk $0xffff, v2  }
0x409: {  	[tilespmem:s5+$0x11420] =	vst.add.f32.msk $0xffff, v3  }
0x40a: {  	[tilespmem:s5+$0x11430] =	vst.add.f32.msk $0xffff, v4  }
0x40b: {  	[tilespmem:s5+$0x11440] =	vst.add.f32.msk $0xffff, v5  }
0x40c: {  	[tilespmem:s5+$0x11450] =	vst.add.f32.msk $0xffff, v6  }
0x40d: {  	[tilespmem:s5+$0x11460] =	vst.add.f32.msk $0xffff, v7  }
0x40e: {  	[tilespmem:s5+$0x11470] =	vst.add.f32.msk $0xffff, v8  }
0x40f: {  	[tilespmem:s5+$0x11480] =	vst.add.f32.msk $0xffff, v9  }
0x410: {  	[tilespmem:s5+$0x11490] =	vst.add.f32.msk $0xffff, v10  }
0x411: {  	[tilespmem:s5+$0x114A0] =	vst.add.f32.msk $0xffff, v11  }
0x412: {  	[tilespmem:s5+$0x114B0] =	vst.add.f32.msk $0xffff, v12  }
0x413: {  	[tilespmem:s5+$0x114C0] =	vst.add.f32.msk $0xffff, v13  }
0x414: {  	[tilespmem:s5+$0x114D0] =	vst.add.f32.msk $0xffff, v14  }
0x415: {  	[tilespmem:s5+$0x114E0] =	vst.add.f32.msk $0xffff, v15  }
0x416: {  	[tilespmem:s5+$0x114F0] =	vst.add.f32.msk $0xffff, v16  }
0x417: {  	[tilespmem:s5+$0x11500] =	vst.add.f32.msk $0xffff, v17  }
0x418: {  	[tilespmem:s5+$0x11510] =	vst.add.f32.msk $0xffff, v18  }
0x419: {  	[tilespmem:s5+$0x11520] =	vst.add.f32.msk $0xffff, v19  }
0x41a: {  	[tilespmem:s5+$0x11530] =	vst.add.f32.msk $0xffff, v20  }
0x41b: {  	[tilespmem:s5+$0x11540] =	vst.add.f32.msk $0xffff, v21  }
0x41c: {  	[tilespmem:s5+$0x11550] =	vst.add.f32.msk $0xffff, v22  }
0x41d: {  	[tilespmem:s5+$0x11560] =	vst.add.f32.msk $0xffff, v23  }
0x41e: {  	[tilespmem:s5+$0x11570] =	vst.add.f32.msk $0xffff, v24  }
0x41f: {  	[tilespmem:s5+$0x11580] =	vst.add.f32.msk $0xffff, v25  }
0x420: {  	[tilespmem:s5+$0x11590] =	vst.add.f32.msk $0xffff, v26  }
0x421: {  	[tilespmem:s5+$0x115A0] =	vst.add.f32.msk $0xffff, v27  }
0x422: {  	[tilespmem:s5+$0x115B0] =	vst.add.f32.msk $0xffff, v28  }
0x423: {  	[tilespmem:s5+$0x115C0] =	vst.add.f32.msk $0xffff, v29  }
0x424: {  	s7 =	simm.s32 $0x0;
	s9 =	simm.s32 $0x800;
	[tilespmem:s5+$0x115D0] =	vst.add.f32.msk $0xffff, v30  }
.LBB2_17:
0x425: {  	s7 =	sadd.s32 $0x4, s7;
	[tilespmem:s5+$0x115E0] =	vst.add.f32.msk $0xffff, v0;
	s5 =	sshra.s32 s9, $0x2  }
0x426: {  	v0 =	vld [tilespmem:s5+$0x4DF0];
	p0 =	slt.u32 s7, $0x60  }
0x427: {  	v1 =	vld [tilespmem:s5+$0x4C00]  }
0x428: {  	v2 =	vld [tilespmem:s5+$0x4C10]  }
0x429: {  	v3 =	vld [tilespmem:s5+$0x4C20]  }
0x42a: {  	v4 =	vld [tilespmem:s5+$0x4C30]  }
0x42b: {  	[tilespmem:s5+$0x115F0] =	vst.add.f32.msk $0xffff, v0  }
0x42c: {  	v5 =	vld [tilespmem:s5+$0x4C40]  }
0x42d: {  	v6 =	vld [tilespmem:s5+$0x4C50]  }
0x42e: {  	v7 =	vld [tilespmem:s5+$0x4C60]  }
0x42f: {  	v8 =	vld [tilespmem:s5+$0x4C70]  }
0x430: {  	v9 =	vld [tilespmem:s5+$0x4C80]  }
0x431: {  	v10 =	vld [tilespmem:s5+$0x4C90]  }
0x432: {  	v11 =	vld [tilespmem:s5+$0x4CA0]  }
0x433: {  	v12 =	vld [tilespmem:s5+$0x4CB0]  }
0x434: {  	v13 =	vld [tilespmem:s5+$0x4CC0]  }
0x435: {  	v14 =	vld [tilespmem:s5+$0x4CD0]  }
0x436: {  	v15 =	vld [tilespmem:s5+$0x4CE0]  }
0x437: {  	v16 =	vld [tilespmem:s5+$0x4CF0]  }
0x438: {  	v17 =	vld [tilespmem:s5+$0x4D00]  }
0x439: {  	v18 =	vld [tilespmem:s5+$0x4D10]  }
0x43a: {  	v19 =	vld [tilespmem:s5+$0x4D20]  }
0x43b: {  	v20 =	vld [tilespmem:s5+$0x4D30]  }
0x43c: {  	v21 =	vld [tilespmem:s5+$0x4D40]  }
0x43d: {  	v22 =	vld [tilespmem:s5+$0x4D50]  }
0x43e: {  	v23 =	vld [tilespmem:s5+$0x4D60]  }
0x43f: {  	v24 =	vld [tilespmem:s5+$0x4D70]  }
0x440: {  	v25 =	vld [tilespmem:s5+$0x4D80]  }
0x441: {  	v26 =	vld [tilespmem:s5+$0x4D90]  }
0x442: {  	v27 =	vld [tilespmem:s5+$0x4DA0]  }
0x443: {  	v28 =	vld [tilespmem:s5+$0x4DB0]  }
0x444: {  	v29 =	vld [tilespmem:s5+$0x4DC0]  }
0x445: {  	v30 =	vld [tilespmem:s5+$0x4DD0]  }
0x446: {  	v0 =	vld [tilespmem:s5+$0x4DE0]  }
0x447: {  	[tilespmem:s5+$0x11400] =	vst.add.f32.msk $0xffff, v1  }
0x448: {  	[tilespmem:s5+$0x11410] =	vst.add.f32.msk $0xffff, v2  }
0x449: {  	[tilespmem:s5+$0x11420] =	vst.add.f32.msk $0xffff, v3  }
0x44a: {  	[tilespmem:s5+$0x11430] =	vst.add.f32.msk $0xffff, v4  }
0x44b: {  	[tilespmem:s5+$0x11440] =	vst.add.f32.msk $0xffff, v5  }
0x44c: {  	[tilespmem:s5+$0x11450] =	vst.add.f32.msk $0xffff, v6  }
0x44d: {  	[tilespmem:s5+$0x11460] =	vst.add.f32.msk $0xffff, v7  }
0x44e: {  	[tilespmem:s5+$0x11470] =	vst.add.f32.msk $0xffff, v8  }
0x44f: {  	[tilespmem:s5+$0x11480] =	vst.add.f32.msk $0xffff, v9  }
0x450: {  	[tilespmem:s5+$0x11490] =	vst.add.f32.msk $0xffff, v10  }
0x451: {  	[tilespmem:s5+$0x114A0] =	vst.add.f32.msk $0xffff, v11  }
0x452: {  	[tilespmem:s5+$0x114B0] =	vst.add.f32.msk $0xffff, v12  }
0x453: {  	[tilespmem:s5+$0x114C0] =	vst.add.f32.msk $0xffff, v13  }
0x454: {  	[tilespmem:s5+$0x114D0] =	vst.add.f32.msk $0xffff, v14  }
0x455: {  	[tilespmem:s5+$0x114E0] =	vst.add.f32.msk $0xffff, v15  }
0x456: {  	[tilespmem:s5+$0x114F0] =	vst.add.f32.msk $0xffff, v16  }
0x457: {  	[tilespmem:s5+$0x11500] =	vst.add.f32.msk $0xffff, v17  }
0x458: {  	[tilespmem:s5+$0x11510] =	vst.add.f32.msk $0xffff, v18  }
0x459: {  	[tilespmem:s5+$0x11520] =	vst.add.f32.msk $0xffff, v19  }
0x45a: {  	[tilespmem:s5+$0x11530] =	vst.add.f32.msk $0xffff, v20  }
0x45b: {  	[tilespmem:s5+$0x11540] =	vst.add.f32.msk $0xffff, v21  }
0x45c: {  	[tilespmem:s5+$0x11550] =	vst.add.f32.msk $0xffff, v22  }
0x45d: {  	[tilespmem:s5+$0x11560] =	vst.add.f32.msk $0xffff, v23  }
0x45e: {  	[tilespmem:s5+$0x11570] =	vst.add.f32.msk $0xffff, v24  }
0x45f: {  	[tilespmem:s5+$0x11580] =	vst.add.f32.msk $0xffff, v25  }
.Ltmp7:
0x460: {  	[tilespmem:s5+$0x11590] =	vst.add.f32.msk $0xffff, v26;
	(pc) =	sbr.rel @p0 .LBB2_17-.Ltmp7, $4  }
0x461: {  	[tilespmem:s5+$0x115A0] =	vst.add.f32.msk $0xffff, v27  }
0x462: {  	[tilespmem:s5+$0x115B0] =	vst.add.f32.msk $0xffff, v28  }
0x463: {  	[tilespmem:s5+$0x115C0] =	vst.add.f32.msk $0xffff, v29  }
0x464: {  	s9 =	sadd.s32 $0x800, s9;
	[tilespmem:s5+$0x115D0] =	vst.add.f32.msk $0xffff, v30  }
0x465: {  	s7 =	smul.u32 $0x64, s28;
	s20 =	sadd.s32 $0x1, s20  }
0x466: {  	p0 =	sne.s32 s20, $0x10  }
.Ltmp8:
0x467: {  	s7 =	sadd.s32 s6, s7;
	(pc) =	sbr.rel @p0 .LBB2_10-.Ltmp8, $4  }
0x468: {  	s7 =	sshll.u32 s7, $0x4  }
0x469: {  	s7 =	sand.u32 $0x1FFFFFC0, s7  }
0x46a: {  	[tilespmem:s5+$0x115E0] =	vst.add.f32.msk $0xffff, v0;
	s31 =	sadd.s32 s3, s7  }
0x46b: {  	[hbm4b:s31+s4] =	stream.linear.scatter [tilespmem:s24], [sflag:$0x8], $0x3200, $0x38;
	[tilespmem:$0x14600] =	vst v63  }
0x46c: {  	_ =	swait.ge [sflag:s26], $0x3200  }
0x46d: {  	[sflag:s26] =	ssyncset.done $0x0  }
0x46e: {  	[sflag:s26] =	ssyncadd.s32 $0xFFFFCE00  }
0x46f: {  	_ =	swait.ge [sflag:s30], $0x3200  }
0x470: {  	[sflag:s30] =	ssyncset.done $0x0  }
0x471: {  	s19 =	sadd.s32 $0x1, s19;
	[sflag:s30] =	ssyncadd.s32 $0xFFFFCE00  }
0x472: {  	p0 =	sne.s32 s19, s13;
	_ =	swait.ge [sflag:s0], $0x3200  }
.Ltmp9:
0x473: {  	[sflag:s0] =	ssyncset.done $0x0;
	(pc) =	sbr.rel @p0 .LBB2_1-.Ltmp9, $4  }
0x474: {  	[sflag:s0] =	ssyncadd.s32 $0xFFFFCE00  }
0x475: {  	_ =	swait.ge [sflag:s17], $0x3200  }
0x476: {  	[sflag:s17] =	ssyncset.done $0x0  }
0x477: {  	[sflag:s17] =	ssyncadd.s32 $0xFFFFCE00  }
0x478: {  	_ =	sfence.sel $0x180000  }
0x479: {  	[bflag:$0x0] =	sbarrier.arrive $0xFFFF  }
0x47a: {  	_ =	strace $0x90000047  }
0x47b: {  	s0 =	stileid.u32;
	[bflag:$0x2] =	sbarrier.arrive $0xFFFF  }
0x47c: {  	p0 =	sne.s32 s0, $0x0;
	s0 =	rddreg [dreg:$0x3]  }
0x47d: {  	s0 =	sadd.s32 @!p0 $0x100000, s0  }
0x47e: {  	[sflag:s0] =	ssyncadd.tile.s32 @!p0 $0x1;
	_ =	shalt  }
.Lfunc_end2:
_tile_overlayer_lowered:
.L_overlay_start_2:
0x47f: {  	(tag) =	ssettag $0x2  }
0x480: {  	s0 =	rddreg [dreg:$0x0];
	s2 =	stileid.u32  }
0x481: {  	s1 =	rddreg [dreg:$0x1];
	p0 =	sne.s32 s2, $0x0  }
0x482: {  	s3 =	rddreg [dreg:$0x2];
	[bflag:$0x3] =	sbarrier.arrive $0xFFFF;
	s2 =	simm.s32 @!p0 $0x1C09  }
0x483: {  	[timem:s3], [sflag:s2] =	dma.local @!p0 [hbm:s0], s1  }
0x484: {  	s0 =	simm.s32 @!p0 $0x9  }
0x485: {  	_ =	swait.ge @!p0 [sflag:s0], s1  }
0x486: {  	s1 =	ssub.s32 @!p0 $0x0, s1;
	[sflag:s0] =	ssyncset.done @!p0 $0x0  }
0x487: {  	[sflag:s0] =	ssyncadd.s32 @!p0 s1  }
0x488: {  	[bflag:$0x3] =	sbarrier.arrive $0xFFFF  }
0x489: {  	_ =	shalt  }

</sc_bundles>
